<compile_context>
chip_gen: v7x
topology: tpu7x:2x2x1
jax: 0.10.2.dev20260603
libtpu: 0.0.44.dev20260713+nightly
codegen_flags: <defaults>
</compile_context>

<pallas_src>
import functools

import jax
import jax.numpy as jnp
from jax import lax
from jax.experimental import pallas as pl
from jax.experimental.pallas import tpu as pltpu
from jax.experimental.pallas import tpu_sc as plsc

B = 16384
D = 16
V = 100000
KP1 = 65
ROWS = KP1 * B
NW = 32
RPW = ROWS // NW
CHUNK = 128
CPG = 4
GROUP_ROWS = CPG * CHUNK
NG = RPW // GROUP_ROWS
SLAB = V // NW
NGRP_Y = B // 16
MOM = 0.5


def _rsqrt16(x):
    i = lax.bitcast_convert_type(x, jnp.int32)
    i = jnp.int32(0x5F3759DF) - lax.shift_right_logical(i, 1)
    y = lax.bitcast_convert_type(i, jnp.float32)
    for _ in range(3):
        y = y * (1.5 - 0.5 * x * y * y)
    return y


def _sc_gather_body(idx_hbm, m2_hbm, g_hbm,
                    idx_v0, idx_v1, rows_v0, rows_v1,
                    semI0, semI1, semG, semO):
    cid = lax.axis_index("c")
    sid = lax.axis_index("s")
    wid = sid * 2 + cid
    base = wid * RPW

    def fire_idx(grp, buf, sem):
        pltpu.async_copy(idx_hbm.at[pl.ds(base + grp * GROUP_ROWS, GROUP_ROWS)],
                         buf, sem)

    def wait_idx(buf, sem):
        pltpu.make_async_copy(idx_hbm.at[pl.ds(0, GROUP_ROWS)], buf, sem).wait()

    def drain_outs(rows_buf):
        pltpu.make_async_copy(g_hbm.at[0, pl.ds(0, GROUP_ROWS)], rows_buf,
                              semO).wait()

    def gather_group(idx_buf, rows_buf):
        hs = []
        for ci in range(CPG):
            hs.append(pltpu.async_copy(
                m2_hbm.at[idx_buf.at[pl.ds(ci * CHUNK, CHUNK)]],
                rows_buf.at[pl.ds(ci * CHUNK, CHUNK)], semG))
        return hs

    def out_group(grp, rows_buf):
        for ci in range(CPG):
            r0 = base + grp * GROUP_ROWS + ci * CHUNK
            pltpu.async_copy(rows_buf.at[pl.ds(ci * CHUNK, CHUNK)],
                             g_hbm.at[r0 // B, pl.ds(r0 % B, CHUNK)], semO)

    def half(t, grp, idx_buf, rows_buf, sem_this, nxt):
        wait_idx(idx_buf, sem_this)

        @pl.when(t >= 1)
        def _():
            drain_outs(rows_buf)
        hs = gather_group(idx_buf, rows_buf)
        nxt()
        for h in hs:
            h.wait()
        out_group(grp, rows_buf)

    fire_idx(0, idx_v0, semI0)

    def pair(t, carry):
        half(t, 2 * t, idx_v0, rows_v0, semI0,
             lambda: fire_idx(2 * t + 1, idx_v1, semI1))
        half(t, 2 * t + 1, idx_v1, rows_v1, semI1,
             lambda: fire_idx(2 * t + 2, idx_v0, semI0))
        return carry

    lax.fori_loop(0, NG // 2, pair, 0)
    wait_idx(idx_v0, semI0)
    drain_outs(rows_v0)
    hs = gather_group(idx_v0, rows_v0)
    for h in hs:
        h.wait()
    drain_outs(rows_v1)
    out_group(NG - 1, rows_v0)
    drain_outs(rows_v0)


_sc_gather = functools.partial(
    pl.kernel,
    out_type=jax.ShapeDtypeStruct((KP1, B, D), jnp.float32),
    mesh=plsc.VectorSubcoreMesh(core_axis_name="c", subcore_axis_name="s"),
    compiler_params=pltpu.CompilerParams(use_tc_tiling_on_sc=False,
                                         needs_layout_passes=False),
    scratch_types=[
        pltpu.VMEM((GROUP_ROWS,), jnp.int32),
        pltpu.VMEM((GROUP_ROWS,), jnp.int32),
        pltpu.VMEM((GROUP_ROWS, D), jnp.float32),
        pltpu.VMEM((GROUP_ROWS, D), jnp.float32),
        pltpu.SemaphoreType.DMA,
        pltpu.SemaphoreType.DMA,
        pltpu.SemaphoreType.DMA,
        pltpu.SemaphoreType.DMA,
    ],
)(_sc_gather_body)


def _sc_update_body(y_hbm, v1_hbm, v2_hbm, m1_hbm, m2_hbm,
                    nm1_hbm, nm2_hbm,
                    y_v, ids_v, yvals_v, slab_v, vrows_v, mrows_v, urows_v,
                    semC):
    cid = lax.axis_index("c")
    sid = lax.axis_index("s")
    wid = sid * 2 + cid
    iota16 = lax.iota(jnp.int32, 16)
    lo = wid * SLAB

    pltpu.sync_copy(y_hbm, y_v)

    def memset_body(j, c):
        z = jnp.zeros((16,), jnp.int32)
        ids_v[pl.ds(j * 16, 16)] = z
        yvals_v[pl.ds(j * 16, 16)] = z
        return c

    lax.fori_loop(0, (B + 128) // 16, memset_body, 0)

    def scan_body(j, count):
        yv = y_v[pl.ds(j * 16, 16)]
        lov = jnp.full((16,), lo, jnp.int32)
        hiv = jnp.full((16,), lo + SLAB, jnp.int32)
        m = (yv >= lov) & (yv < hiv)
        mi = jnp.where(m, jnp.ones((16,), jnp.int32), jnp.zeros((16,), jnp.int32))
        pos = jnp.full((16,), count - 1, jnp.int32) + plsc.cumsum(mi)
        plsc.store_scatter(ids_v, [pos],
                           jnp.full((16,), j * 16, jnp.int32) + iota16, mask=m)
        plsc.store_scatter(yvals_v, [pos], yv, mask=m)
        return count + jnp.sum(mi)

    count = lax.fori_loop(0, NGRP_Y, scan_body, 0)
    nchunks = (count + CHUNK - 1) // CHUNK

    def do_bank(mem_hbm, v_hbm, nm_hbm):
        pltpu.sync_copy(mem_hbm.at[pl.ds(lo, SLAB)], slab_v)

        def chunk_body(c, carry):
            c0 = c * CHUNK
            pltpu.async_copy(v_hbm.at[ids_v.at[pl.ds(c0, CHUNK)]],
                             vrows_v, semC).wait()
            pltpu.async_copy(mem_hbm.at[yvals_v.at[pl.ds(c0, CHUNK)]],
                             mrows_v, semC).wait()

            def sub_body(s, c2):
                rowid = s * 16 + iota16
                comps = []
                acc = jnp.zeros((16,), jnp.float32)
                for jc in range(D):
                    jv = jnp.full((16,), jc, jnp.int32)
                    vj = plsc.load_gather(vrows_v, [rowid, jv])
                    mj = plsc.load_gather(mrows_v, [rowid, jv])
                    bj = MOM * mj + (1.0 - MOM) * vj
                    comps.append(bj)
                    acc = acc + bj * bj
                rinv = _rsqrt16(acc)
                for jc in range(D):
                    jv = jnp.full((16,), jc, jnp.int32)
                    plsc.store_scatter(urows_v, [rowid, jv], comps[jc] * rinv)
                return c2

            lax.fori_loop(0, CHUNK // 16, sub_body, 0)
            rem = jnp.minimum(CHUNK, count - c0)

            def st_body(q, c2):
                yq = yvals_v[pl.ds(c0 + q, 16)][0]
                locv = jnp.full((16,), yq - lo, jnp.int32)
                qv = jnp.full((16,), q, jnp.int32)
                row = plsc.load_gather(urows_v, [qv, iota16])
                plsc.store_scatter(slab_v, [locv, iota16], row)
                return c2

            lax.fori_loop(0, rem, st_body, 0)
            return carry

        lax.fori_loop(0, nchunks, chunk_body, 0)
        pltpu.sync_copy(slab_v, nm_hbm.at[pl.ds(lo, SLAB)])

    do_bank(m1_hbm, v1_hbm, nm1_hbm)
    do_bank(m2_hbm, v2_hbm, nm2_hbm)


_sc_update = functools.partial(
    pl.kernel,
    out_type=[
        jax.ShapeDtypeStruct((V, D), jnp.float32),
        jax.ShapeDtypeStruct((V, D), jnp.float32),
    ],
    mesh=plsc.VectorSubcoreMesh(core_axis_name="c", subcore_axis_name="s"),
    compiler_params=pltpu.CompilerParams(use_tc_tiling_on_sc=False,
                                         needs_layout_passes=False),
    scratch_types=[
        pltpu.VMEM((B,), jnp.int32),
        pltpu.VMEM((B + 128,), jnp.int32),
        pltpu.VMEM((B + 128,), jnp.int32),
        pltpu.VMEM((SLAB, D), jnp.float32),
        pltpu.VMEM((CHUNK, D), jnp.float32),
        pltpu.VMEM((CHUNK, D), jnp.float32),
        pltpu.VMEM((CHUNK, D), jnp.float32),
        pltpu.SemaphoreType.DMA,
    ],
)(_sc_update_body)


BT = 16384


def _tc_body(g_ref, v1_ref, v2_ref,
             Ws2_ref, Wt2_ref, Ws1_ref, Wt1_ref, Wsv_ref, Wtv_ref,
             cs_ref, ct_ref, bsv_ref, btv_ref,
             outt_ref, outs_ref, s1T, t1T):
    k = pl.program_id(1)

    def dotT(W, x):
        return lax.dot_general(W, x, (((1,), (0,)), ((), ())),
                               precision=lax.Precision.DEFAULT,
                               preferred_element_type=jnp.float32)

    @pl.when(k == 0)
    def _():
        s1T[...] = dotT(Ws1_ref[...], v1_ref[...]) + cs_ref[...]
        t1T[...] = dotT(Wt1_ref[...], v2_ref[...]) + ct_ref[...]

    g = g_ref[0]
    rs = jnp.maximum(s1T[...] - dotT(Ws2_ref[...], g), 0.0)
    outs_ref[0] = dotT(Wsv_ref[...], rs) + bsv_ref[...]
    rt = jnp.maximum(t1T[...] - dotT(Wt2_ref[...], g), 0.0)
    outt_ref[0] = dotT(Wtv_ref[...], rt) + btv_ref[...]


def _tc_call(gT, v1T, v2T, Ws2, Wt2, Ws1, Wt1, Wsv, Wtv, cs, ct, bsv, btv):
    wspec = pl.BlockSpec((D, D), lambda i, k: (0, 0))
    bspec = pl.BlockSpec((D, 1), lambda i, k: (0, 0))
    return pl.pallas_call(
        _tc_body,
        grid=(B // BT, KP1),
        in_specs=[
            pl.BlockSpec((1, D, BT), lambda i, k: (k, 0, i)),
            pl.BlockSpec((D, BT), lambda i, k: (0, i)),
            pl.BlockSpec((D, BT), lambda i, k: (0, i)),
            wspec, wspec, wspec, wspec, wspec, wspec,
            bspec, bspec, bspec, bspec,
        ],
        out_specs=[
            pl.BlockSpec((1, D, BT), lambda i, k: (k, 0, i)),
            pl.BlockSpec((1, D, BT), lambda i, k: (k, 0, i)),
        ],
        out_shape=[
            jax.ShapeDtypeStruct((KP1, D, B), jnp.float32),
            jax.ShapeDtypeStruct((KP1, D, B), jnp.float32),
        ],
        scratch_shapes=[
            pltpu.VMEM((D, BT), jnp.float32),
            pltpu.VMEM((D, BT), jnp.float32),
        ],
    )(gT, v1T, v2T, Ws2, Wt2, Ws1, Wt1, Wsv, Wtv, cs, ct, bsv, btv)


def kernel(v1, v2, y, idx, memory_v1, memory_v2,
           w_s_v1_W, w_s_v1_b, w_s_v2_W, w_s_v2_b, w_s_v_W, w_s_v_b,
           w_t_v1_W, w_t_v1_b, w_t_v2_W, w_t_v2_b, w_t_v_W, w_t_v_b):
    idx_t = idx.T.reshape(-1)
    g3 = _sc_gather(idx_t, memory_v2)
    nm1, nm2 = _sc_update(y, v1, v2, memory_v1, memory_v2)
    gT = g3.transpose(0, 2, 1)
    cs = (w_s_v1_b - w_s_v2_b).reshape(D, 1)
    ct = (w_t_v1_b - w_t_v2_b).reshape(D, 1)
    outtT, outsT = _tc_call(gT, v1.T, v2.T, w_s_v2_W, w_t_v2_W, w_s_v1_W,
                            w_t_v1_W, w_s_v_W, w_t_v_W, cs, ct,
                            w_s_v_b.reshape(D, 1), w_t_v_b.reshape(D, 1))
    return (outtT.transpose(0, 2, 1), outsT.transpose(0, 2, 1), nm1, nm2)

# --- scband reference (transcript-rebuilt; emitter-appended) ---
"""Pipeline reference for scband-relation-memory-21801253995012 (READ-ONLY COPY).

The authoritative reference and input builder live on the scoring server;
editing this copy changes nothing except your own understanding.
"""

import jax, jax.numpy as jnp
import numpy as np

B = 16384
D = 16
OUT_SIZE = 100000
K = 64
MOMENTUM = 0.5


def _linear_params(key, fan_in, fan_out):
    k1, k2 = jax.random.split(key)
    bound = 1.0 / np.sqrt(fan_in)
    W = jax.random.uniform(k1, (fan_out, fan_in), minval=-bound, maxval=bound, dtype=jnp.float32)
    b = jax.random.uniform(k2, (fan_out,), minval=-bound, maxval=bound, dtype=jnp.float32)
    return W, b


def setup_inputs(seed: int = 0):
    key = jax.random.key(seed)
    ks = jax.random.split(key, 12)
    v1 = jax.random.normal(ks[0], (B, D), dtype=jnp.float32)
    v2 = jax.random.normal(ks[1], (B, D), dtype=jnp.float32)
    y = jax.random.randint(ks[2], (B,), 0, OUT_SIZE, dtype=jnp.int32)
    idx = jax.random.randint(ks[3], (B, K + 1), 0, OUT_SIZE, dtype=jnp.int32)
    stdv = 1.0 / np.sqrt(D / 3)
    memory_v1 = jax.random.uniform(ks[4], (OUT_SIZE, D), minval=-stdv, maxval=stdv, dtype=jnp.float32)
    memory_v2 = jax.random.uniform(ks[5], (OUT_SIZE, D), minval=-stdv, maxval=stdv, dtype=jnp.float32)
    w_s_v1_W, w_s_v1_b = _linear_params(ks[6], D, D)
    w_s_v2_W, w_s_v2_b = _linear_params(ks[7], D, D)
    w_s_v_W, w_s_v_b = _linear_params(ks[8], D, D)
    w_t_v1_W, w_t_v1_b = _linear_params(ks[9], D, D)
    w_t_v2_W, w_t_v2_b = _linear_params(ks[10], D, D)
    w_t_v_W, w_t_v_b = _linear_params(ks[11], D, D)
    return {
        'v1': v1, 'v2': v2, 'y': y, 'idx': idx,
        'memory_v1': memory_v1, 'memory_v2': memory_v2,
        'w_s_v1_W': w_s_v1_W, 'w_s_v1_b': w_s_v1_b,
        'w_s_v2_W': w_s_v2_W, 'w_s_v2_b': w_s_v2_b,
        'w_s_v_W': w_s_v_W, 'w_s_v_b': w_s_v_b,
        'w_t_v1_W': w_t_v1_W, 'w_t_v1_b': w_t_v1_b,
        'w_t_v2_W': w_t_v2_W, 'w_t_v2_b': w_t_v2_b,
        'w_t_v_W': w_t_v_W, 'w_t_v_b': w_t_v_b,
    }


def reference(v1, v2, y, idx, memory_v1, memory_v2,
              w_s_v1_W, w_s_v1_b, w_s_v2_W, w_s_v2_b, w_s_v_W, w_s_v_b,
              w_t_v1_W, w_t_v1_b, w_t_v2_W, w_t_v2_b, w_t_v_W, w_t_v_b):
    lin = lambda x, W, b: x @ W.T + b
    batchSize = v1.shape[0]
    inputSize = memory_v1.shape[1]
    Kp1 = idx.shape[1]
    # gather negatives from memory bank v2 (detached in original)
    weight_v2 = jnp.take(memory_v2, idx.reshape(-1), axis=0)
    weight_v2 = weight_v2.reshape(batchSize, Kp1, inputSize).transpose(1, 0, 2)  # [K+1, B, d]
    # s-branch: w_s_v(relu(w_s_v1(v1) - w_s_v2(w_v2)))
    s1 = lin(v1, w_s_v1_W, w_s_v1_b)                    # [B, d]
    s2 = lin(weight_v2, w_s_v2_W, w_s_v2_b)             # [K+1, B, d]
    outs_m_t_s = lin(jax.nn.relu(s1[None, :, :] - s2), w_s_v_W, w_s_v_b)
    # t-branch: w_t_v(relu(w_t_v1(v2) - w_t_v2(w_v2)))
    t1 = lin(v2, w_t_v1_W, w_t_v1_b)
    t2 = lin(weight_v2, w_t_v2_W, w_t_v2_b)
    outs_m_t = lin(jax.nn.relu(t1[None, :, :] - t2), w_t_v_W, w_t_v_b)
    # no-grad momentum update of both memory banks (scatter-overwrite)
    l_pos = jnp.take(memory_v1, y, axis=0) * MOMENTUM + v1 * (1.0 - MOMENTUM)
    l_norm = jnp.power(jnp.sum(jnp.power(l_pos, 2), axis=1, keepdims=True), 0.5)
    updated_v1 = l_pos / l_norm
    new_memory_v1 = memory_v1.at[y].set(updated_v1)
    ab_pos = jnp.take(memory_v2, y, axis=0) * MOMENTUM + v2 * (1.0 - MOMENTUM)
    ab_norm = jnp.power(jnp.sum(jnp.power(ab_pos, 2), axis=1, keepdims=True), 0.5)
    updated_v2 = ab_pos / ab_norm
    new_memory_v2 = memory_v2.at[y].set(updated_v2)
    return outs_m_t, outs_m_t_s, new_memory_v1, new_memory_v2

if __name__ == "__main__":
    import jax
    _d = setup_inputs()
    print(jax.jit(kernel)(*tuple(_d.values())))

</pallas_src>

<mosaic_0001>
#map = affine_map<(d0, d1) -> (0)>
#map1 = affine_map<(d0, d1) -> (0, 0)>
#map2 = affine_map<(d0, d1) -> (0, 0, 0)>
module attributes {stable_mosaic.version = 14 : i64} {
  func.func @_sc_gather_body(%arg0: i32, %arg1: i32, %arg2: memref<1064960xi32, #tpu.memory_space<hbm>>, %arg3: memref<100000x16xf32, #tpu.memory_space<hbm>>, %arg4: memref<65x16384x16xf32, #tpu.memory_space<hbm>>, %arg5: memref<512xi32, #tpu.memory_space<vmem>>, %arg6: memref<512xi32, #tpu.memory_space<vmem>>, %arg7: memref<512x16xf32, #tpu.memory_space<vmem>>, %arg8: memref<512x16xf32, #tpu.memory_space<vmem>>, %arg9: memref<!tpu.dma_semaphore, #tpu.memory_space<semaphore_mem>>, %arg10: memref<!tpu.dma_semaphore, #tpu.memory_space<semaphore_mem>>, %arg11: memref<!tpu.dma_semaphore, #tpu.memory_space<semaphore_mem>>, %arg12: memref<!tpu.dma_semaphore, #tpu.memory_space<semaphore_mem>>) attributes {dimension_semantics = [#tpu.dimension_semantics<core_parallel>, #tpu.dimension_semantics<subcore_parallel>], iteration_bounds = array<i64: 2, 16>, scalar_prefetch = 0 : i64, scratch_operands = 8 : i64, tpu.core_type = #tpu.core_type<sc_vector_subcore>, window_params = [{transform_indices = #map}, {transform_indices = #map1}, {transform_indices = #map2}]} {
    %mul3A = arith.constant 2 : i32
    %mul3A_0 = arith.muli %arg1, %mul3A : i32
    %add3A = arith.addi %mul3A_0, %arg0 : i32
    %mul3A_1 = arith.constant 33280 : i32
    %mul3A_2 = arith.muli %add3A, %mul3A_1 : i32
    %add3A_3 = arith.constant 0 : i32
    %add3A_4 = arith.addi %mul3A_2, %add3A_3 : i32
    %dma_start3A = tpu.memref_slice %arg2[%add3A_4] : memref<1064960xi32, #tpu.memory_space<hbm>> -> memref<512xi32, #tpu.memory_space<hbm>>
    %dma_start3A_5 = tpu.memref_slice %arg2[%add3A_4] : memref<1064960xi32, #tpu.memory_space<hbm>> -> memref<512xi32, #tpu.memory_space<hbm>>
    tpu.enqueue_dma source(%dma_start3A_5 : memref<512xi32, #tpu.memory_space<hbm>>) target(%arg5 : memref<512xi32, #tpu.memory_space<vmem>>) target_semaphore(%arg9 : memref<!tpu.dma_semaphore, #tpu.memory_space<semaphore_mem>>)
    %scan3A = arith.constant 0 : i32
    %scan3A_6 = arith.constant 0 : i32
    %scan3A_7 = arith.constant 32 : i32
    %scan3A_8 = arith.addi %scan3A_6, %scan3A_7 : i32
    %scan3A_9 = arith.constant 1 : i32
    scf.for %scan3A_319 = %scan3A_6 to %scan3A_8 step %scan3A_9  : i32 {
      %mul3A_320 = arith.constant 2 : i32
      %mul3A_321 = arith.muli %mul3A_320, %scan3A_319 : i32
      %dma_wait3A_322 = arith.constant 0 : i32
      %dma_wait3A_323 = tpu.memref_slice %arg2[%dma_wait3A_322] : memref<1064960xi32, #tpu.memory_space<hbm>> -> memref<512xi32, #tpu.memory_space<hbm>>
      %dma_wait3A_324 = arith.constant 0 : i32
      %dma_wait3A_325 = tpu.memref_slice %arg2[%dma_wait3A_324] : memref<1064960xi32, #tpu.memory_space<hbm>> -> memref<512xi32, #tpu.memory_space<hbm>>
      tpu.wait_dma2 semaphore(%arg9 : memref<!tpu.dma_semaphore, #tpu.memory_space<semaphore_mem>>) src(%dma_wait3A_325 : memref<512xi32, #tpu.memory_space<hbm>>) dst(%arg5 : memref<512xi32, #tpu.memory_space<vmem>>)
      %ge3A = arith.constant 1 : i32
      %ge3A_326 = arith.cmpi sge, %scan3A_319, %ge3A : i32
      %convert_element_type3A = arith.extui %ge3A_326 : i1 to i32
      %cond3A = arith.constant 0 : i32
      %cond3A_327 = arith.cmpi ne, %convert_element_type3A, %cond3A : i32
      scf.if %cond3A_327 {
        %dma_wait3A_943 = arith.constant 0 : i32
        %dma_wait3A_944 = arith.constant 0 : i32
        %dma_wait3A_945 = arith.constant 0 : i32
        %dma_wait3A_946 = tpu.memref_slice %arg4[%dma_wait3A_943, %dma_wait3A_944, %dma_wait3A_945] : memref<65x16384x16xf32, #tpu.memory_space<hbm>> -> memref<1x512x16xf32, #tpu.memory_space<hbm>>
        %dma_wait3A_947 = tpu.memref_squeeze %dma_wait3A_946 : memref<1x512x16xf32, #tpu.memory_space<hbm>> -> memref<512x16xf32, #tpu.memory_space<hbm>>
        %dma_wait3A_948 = arith.constant 0 : i32
        %dma_wait3A_949 = arith.constant 0 : i32
        %dma_wait3A_950 = tpu.memref_slice %arg4[%dma_wait3A_943, %dma_wait3A_948, %dma_wait3A_949] : memref<65x16384x16xf32, #tpu.memory_space<hbm>> -> memref<1x512x16xf32, #tpu.memory_space<hbm>>
        %dma_wait3A_951 = tpu.memref_squeeze %dma_wait3A_950 : memref<1x512x16xf32, #tpu.memory_space<hbm>> -> memref<512x16xf32, #tpu.memory_space<hbm>>
        tpu.wait_dma2 semaphore(%arg12 : memref<!tpu.dma_semaphore, #tpu.memory_space<semaphore_mem>>) src(%dma_wait3A_951 : memref<512x16xf32, #tpu.memory_space<hbm>>) dst(%arg7 : memref<512x16xf32, #tpu.memory_space<vmem>>)
      } else {
      }
      %dma_start3A_328 = arith.constant 0 : i32
      %dma_start3A_329 = arith.constant 0 : i32
      %dma_start3A_330 = tpu.memref_slice %arg7[%dma_start3A_328, %dma_start3A_329] : memref<512x16xf32, #tpu.memory_space<vmem>> -> memref<128x16xf32, #tpu.memory_space<vmem>>
      %dma_start3A_331 = arith.constant 0 : i32
      %dma_start3A_332 = tpu.memref_slice %arg5[%dma_start3A_331] : memref<512xi32, #tpu.memory_space<vmem>> -> memref<128xi32, #tpu.memory_space<vmem>>
      %dma_start3A_333 = arith.constant 0 : i32
      %dma_start3A_334 = arith.constant 0 : i32
      %dma_start3A_335 = tpu.memref_slice %arg3[%dma_start3A_333, %dma_start3A_334] : memref<100000x16xf32, #tpu.memory_space<hbm>> -> memref<100000x16xf32, #tpu.memory_space<hbm>>
      tpu.enqueue_indirect_dma source(%dma_start3A_335 : memref<100000x16xf32, #tpu.memory_space<hbm>>) target(%dma_start3A_330 : memref<128x16xf32, #tpu.memory_space<vmem>>) offsets(%dma_start3A_332 : memref<128xi32, #tpu.memory_space<vmem>>) semaphore(%arg11 : memref<!tpu.dma_semaphore, #tpu.memory_space<semaphore_mem>>)
      %dma_start3A_336 = arith.constant 128 : i32
      %dma_start3A_337 = arith.constant 0 : i32
      %dma_start3A_338 = tpu.memref_slice %arg7[%dma_start3A_336, %dma_start3A_337] : memref<512x16xf32, #tpu.memory_space<vmem>> -> memref<128x16xf32, #tpu.memory_space<vmem>>
      %dma_start3A_339 = arith.constant 128 : i32
      %dma_start3A_340 = tpu.memref_slice %arg5[%dma_start3A_339] : memref<512xi32, #tpu.memory_space<vmem>> -> memref<128xi32, #tpu.memory_space<vmem>>
      %dma_start3A_341 = arith.constant 0 : i32
      %dma_start3A_342 = arith.constant 0 : i32
      %dma_start3A_343 = tpu.memref_slice %arg3[%dma_start3A_341, %dma_start3A_342] : memref<100000x16xf32, #tpu.memory_space<hbm>> -> memref<100000x16xf32, #tpu.memory_space<hbm>>
      tpu.enqueue_indirect_dma source(%dma_start3A_343 : memref<100000x16xf32, #tpu.memory_space<hbm>>) target(%dma_start3A_338 : memref<128x16xf32, #tpu.memory_space<vmem>>) offsets(%dma_start3A_340 : memref<128xi32, #tpu.memory_space<vmem>>) semaphore(%arg11 : memref<!tpu.dma_semaphore, #tpu.memory_space<semaphore_mem>>)
      %dma_start3A_344 = arith.constant 256 : i32
      %dma_start3A_345 = arith.constant 0 : i32
      %dma_start3A_346 = tpu.memref_slice %arg7[%dma_start3A_344, %dma_start3A_345] : memref<512x16xf32, #tpu.memory_space<vmem>> -> memref<128x16xf32, #tpu.memory_space<vmem>>
      %dma_start3A_347 = arith.constant 256 : i32
      %dma_start3A_348 = tpu.memref_slice %arg5[%dma_start3A_347] : memref<512xi32, #tpu.memory_space<vmem>> -> memref<128xi32, #tpu.memory_space<vmem>>
      %dma_start3A_349 = arith.constant 0 : i32
      %dma_start3A_350 = arith.constant 0 : i32
      %dma_start3A_351 = tpu.memref_slice %arg3[%dma_start3A_349, %dma_start3A_350] : memref<100000x16xf32, #tpu.memory_space<hbm>> -> memref<100000x16xf32, #tpu.memory_space<hbm>>
      tpu.enqueue_indirect_dma source(%dma_start3A_351 : memref<100000x16xf32, #tpu.memory_space<hbm>>) target(%dma_start3A_346 : memref<128x16xf32, #tpu.memory_space<vmem>>) offsets(%dma_start3A_348 : memref<128xi32, #tpu.memory_space<vmem>>) semaphore(%arg11 : memref<!tpu.dma_semaphore, #tpu.memory_space<semaphore_mem>>)
      %dma_start3A_352 = arith.constant 384 : i32
      %dma_start3A_353 = arith.constant 0 : i32
      %dma_start3A_354 = tpu.memref_slice %arg7[%dma_start3A_352, %dma_start3A_353] : memref<512x16xf32, #tpu.memory_space<vmem>> -> memref<128x16xf32, #tpu.memory_space<vmem>>
      %dma_start3A_355 = arith.constant 384 : i32
      %dma_start3A_356 = tpu.memref_slice %arg5[%dma_start3A_355] : memref<512xi32, #tpu.memory_space<vmem>> -> memref<128xi32, #tpu.memory_space<vmem>>
      %dma_start3A_357 = arith.constant 0 : i32
      %dma_start3A_358 = arith.constant 0 : i32
      %dma_start3A_359 = tpu.memref_slice %arg3[%dma_start3A_357, %dma_start3A_358] : memref<100000x16xf32, #tpu.memory_space<hbm>> -> memref<100000x16xf32, #tpu.memory_space<hbm>>
      tpu.enqueue_indirect_dma source(%dma_start3A_359 : memref<100000x16xf32, #tpu.memory_space<hbm>>) target(%dma_start3A_354 : memref<128x16xf32, #tpu.memory_space<vmem>>) offsets(%dma_start3A_356 : memref<128xi32, #tpu.memory_space<vmem>>) semaphore(%arg11 : memref<!tpu.dma_semaphore, #tpu.memory_space<semaphore_mem>>)
      %mul3A_360 = arith.constant 2 : i32
      %mul3A_361 = arith.muli %mul3A_360, %scan3A_319 : i32
      %add3A_362 = arith.constant 1 : i32
      %add3A_363 = arith.addi %mul3A_361, %add3A_362 : i32
      %mul3A_364 = arith.constant 512 : i32
      %mul3A_365 = arith.muli %add3A_363, %mul3A_364 : i32
      %add3A_366 = arith.addi %mul3A_2, %mul3A_365 : i32
      %dma_start3A_367 = tpu.memref_slice %arg2[%add3A_366] : memref<1064960xi32, #tpu.memory_space<hbm>> -> memref<512xi32, #tpu.memory_space<hbm>>
      %dma_start3A_368 = tpu.memref_slice %arg2[%add3A_366] : memref<1064960xi32, #tpu.memory_space<hbm>> -> memref<512xi32, #tpu.memory_space<hbm>>
      tpu.enqueue_dma source(%dma_start3A_368 : memref<512xi32, #tpu.memory_space<hbm>>) target(%arg6 : memref<512xi32, #tpu.memory_space<vmem>>) target_semaphore(%arg10 : memref<!tpu.dma_semaphore, #tpu.memory_space<semaphore_mem>>)
      %dma_wait3A_369 = arith.constant 0 : i32
      %dma_wait3A_370 = arith.constant 0 : i32
      %dma_wait3A_371 = tpu.memref_slice %arg7[%dma_wait3A_369, %dma_wait3A_370] : memref<512x16xf32, #tpu.memory_space<vmem>> -> memref<128x16xf32, #tpu.memory_space<vmem>>
      %dma_wait3A_372 = arith.constant 0 : i32
      %dma_wait3A_373 = tpu.memref_slice %arg5[%dma_wait3A_372] : memref<512xi32, #tpu.memory_space<vmem>> -> memref<128xi32, #tpu.memory_space<vmem>>
      %dma_wait3A_374 = arith.constant 0 : i32
      %dma_wait3A_375 = arith.constant 0 : i32
      %dma_wait3A_376 = tpu.memref_slice %arg3[%dma_wait3A_374, %dma_wait3A_375] : memref<100000x16xf32, #tpu.memory_space<hbm>> -> memref<100000x16xf32, #tpu.memory_space<hbm>>
      tpu.wait_indirect_dma semaphore(%arg11 : memref<!tpu.dma_semaphore, #tpu.memory_space<semaphore_mem>>) src(%dma_wait3A_376 : memref<100000x16xf32, #tpu.memory_space<hbm>>) dst(%dma_wait3A_371 : memref<128x16xf32, #tpu.memory_space<vmem>>)
      %dma_wait3A_377 = arith.constant 128 : i32
      %dma_wait3A_378 = arith.constant 0 : i32
      %dma_wait3A_379 = tpu.memref_slice %arg7[%dma_wait3A_377, %dma_wait3A_378] : memref<512x16xf32, #tpu.memory_space<vmem>> -> memref<128x16xf32, #tpu.memory_space<vmem>>
      %dma_wait3A_380 = arith.constant 128 : i32
      %dma_wait3A_381 = tpu.memref_slice %arg5[%dma_wait3A_380] : memref<512xi32, #tpu.memory_space<vmem>> -> memref<128xi32, #tpu.memory_space<vmem>>
      %dma_wait3A_382 = arith.constant 0 : i32
      %dma_wait3A_383 = arith.constant 0 : i32
      %dma_wait3A_384 = tpu.memref_slice %arg3[%dma_wait3A_382, %dma_wait3A_383] : memref<100000x16xf32, #tpu.memory_space<hbm>> -> memref<100000x16xf32, #tpu.memory_space<hbm>>
      tpu.wait_indirect_dma semaphore(%arg11 : memref<!tpu.dma_semaphore, #tpu.memory_space<semaphore_mem>>) src(%dma_wait3A_384 : memref<100000x16xf32, #tpu.memory_space<hbm>>) dst(%dma_wait3A_379 : memref<128x16xf32, #tpu.memory_space<vmem>>)
      %dma_wait3A_385 = arith.constant 256 : i32
      %dma_wait3A_386 = arith.constant 0 : i32
      %dma_wait3A_387 = tpu.memref_slice %arg7[%dma_wait3A_385, %dma_wait3A_386] : memref<512x16xf32, #tpu.memory_space<vmem>> -> memref<128x16xf32, #tpu.memory_space<vmem>>
      %dma_wait3A_388 = arith.constant 256 : i32
      %dma_wait3A_389 = tpu.memref_slice %arg5[%dma_wait3A_388] : memref<512xi32, #tpu.memory_space<vmem>> -> memref<128xi32, #tpu.memory_space<vmem>>
      %dma_wait3A_390 = arith.constant 0 : i32
      %dma_wait3A_391 = arith.constant 0 : i32
      %dma_wait3A_392 = tpu.memref_slice %arg3[%dma_wait3A_390, %dma_wait3A_391] : memref<100000x16xf32, #tpu.memory_space<hbm>> -> memref<100000x16xf32, #tpu.memory_space<hbm>>
      tpu.wait_indirect_dma semaphore(%arg11 : memref<!tpu.dma_semaphore, #tpu.memory_space<semaphore_mem>>) src(%dma_wait3A_392 : memref<100000x16xf32, #tpu.memory_space<hbm>>) dst(%dma_wait3A_387 : memref<128x16xf32, #tpu.memory_space<vmem>>)
      %dma_wait3A_393 = arith.constant 384 : i32
      %dma_wait3A_394 = arith.constant 0 : i32
      %dma_wait3A_395 = tpu.memref_slice %arg7[%dma_wait3A_393, %dma_wait3A_394] : memref<512x16xf32, #tpu.memory_space<vmem>> -> memref<128x16xf32, #tpu.memory_space<vmem>>
      %dma_wait3A_396 = arith.constant 384 : i32
      %dma_wait3A_397 = tpu.memref_slice %arg5[%dma_wait3A_396] : memref<512xi32, #tpu.memory_space<vmem>> -> memref<128xi32, #tpu.memory_space<vmem>>
      %dma_wait3A_398 = arith.constant 0 : i32
      %dma_wait3A_399 = arith.constant 0 : i32
      %dma_wait3A_400 = tpu.memref_slice %arg3[%dma_wait3A_398, %dma_wait3A_399] : memref<100000x16xf32, #tpu.memory_space<hbm>> -> memref<100000x16xf32, #tpu.memory_space<hbm>>
      tpu.wait_indirect_dma semaphore(%arg11 : memref<!tpu.dma_semaphore, #tpu.memory_space<semaphore_mem>>) src(%dma_wait3A_400 : memref<100000x16xf32, #tpu.memory_space<hbm>>) dst(%dma_wait3A_395 : memref<128x16xf32, #tpu.memory_space<vmem>>)
      %mul3A_401 = arith.constant 512 : i32
      %mul3A_402 = arith.muli %mul3A_321, %mul3A_401 : i32
      %add3A_403 = arith.addi %mul3A_2, %mul3A_402 : i32
      %add3A_404 = arith.constant 0 : i32
      %add3A_405 = arith.addi %add3A_403, %add3A_404 : i32
      %jit3A_406 = arith.constant 16384 : i32
      %div3A_407 = arith.divsi %add3A_405, %jit3A_406 : i32
      %sign3A_408 = arith.constant 0 : i32
      %sign3A_409 = arith.cmpi sgt, %add3A_405, %sign3A_408 : i32
      %sign3A_410 = arith.extui %sign3A_409 : i1 to i32
      %sign3A_411 = arith.constant 0 : i32
      %sign3A_412 = arith.cmpi slt, %add3A_405, %sign3A_411 : i32
      %sign3A_413 = arith.extui %sign3A_412 : i1 to i32
      %sign3A_414 = arith.subi %sign3A_410, %sign3A_413 : i32
      %sign3A_415 = arith.constant 0 : i32
      %sign3A_416 = arith.cmpi sgt, %jit3A_406, %sign3A_415 : i32
      %sign3A_417 = arith.extui %sign3A_416 : i1 to i32
      %sign3A_418 = arith.constant 0 : i32
      %sign3A_419 = arith.cmpi slt, %jit3A_406, %sign3A_418 : i32
      %sign3A_420 = arith.extui %sign3A_419 : i1 to i32
      %sign3A_421 = arith.subi %sign3A_417, %sign3A_420 : i32
      %ne3A_422 = arith.cmpi ne, %sign3A_414, %sign3A_421 : i32
      %rem3A_423 = arith.remsi %add3A_405, %jit3A_406 : i32
      %ne3A_424 = arith.constant 0 : i32
      %ne3A_425 = arith.cmpi ne, %rem3A_423, %ne3A_424 : i32
      %and3A_426 = arith.andi %ne3A_422, %ne3A_425 : i1
      %sub3A_427 = arith.constant 1 : i32
      %sub3A_428 = arith.subi %div3A_407, %sub3A_427 : i32
      %select_n3A_429 = arith.select %and3A_426, %sub3A_428, %div3A_407 : i32
      %jit3A_430 = arith.constant 16384 : i32
      %eq3A_431 = arith.constant 0 : i32
      %eq3A_432 = arith.cmpi eq, %jit3A_430, %eq3A_431 : i32
      %jit3A_433 = arith.constant 1 : i32
      %select_n3A_434 = arith.select %eq3A_432, %jit3A_433, %jit3A_430 : i32
      %rem3A_435 = arith.remsi %add3A_405, %select_n3A_434 : i32
      %ne3A_436 = arith.constant 0 : i32
      %ne3A_437 = arith.cmpi ne, %rem3A_435, %ne3A_436 : i32
      %lt3A_438 = arith.constant 0 : i32
      %lt3A_439 = arith.cmpi slt, %rem3A_435, %lt3A_438 : i32
      %lt3A_440 = arith.constant 0 : i32
      %lt3A_441 = arith.cmpi slt, %select_n3A_434, %lt3A_440 : i32
      %ne3A_442 = arith.xori %lt3A_439, %lt3A_441 : i1
      %and3A_443 = arith.andi %ne3A_442, %ne3A_437 : i1
      %add3A_444 = arith.addi %rem3A_435, %select_n3A_434 : i32
      %select_n3A_445 = arith.select %and3A_443, %add3A_444, %rem3A_435 : i32
      %dma_start3A_446 = arith.constant 0 : i32
      %dma_start3A_447 = arith.constant 0 : i32
      %dma_start3A_448 = tpu.memref_slice %arg7[%dma_start3A_446, %dma_start3A_447] : memref<512x16xf32, #tpu.memory_space<vmem>> -> memref<128x16xf32, #tpu.memory_space<vmem>>
      %dma_start3A_449 = arith.constant 0 : i32
      %dma_start3A_450 = tpu.memref_slice %arg4[%select_n3A_429, %select_n3A_445, %dma_start3A_449] : memref<65x16384x16xf32, #tpu.memory_space<hbm>> -> memref<1x128x16xf32, #tpu.memory_space<hbm>>
      %dma_start3A_451 = tpu.memref_squeeze %dma_start3A_450 : memref<1x128x16xf32, #tpu.memory_space<hbm>> -> memref<128x16xf32, #tpu.memory_space<hbm>>
      %dma_start3A_452 = arith.constant 0 : i32
      %dma_start3A_453 = tpu.memref_slice %arg4[%select_n3A_429, %select_n3A_445, %dma_start3A_452] : memref<65x16384x16xf32, #tpu.memory_space<hbm>> -> memref<1x128x16xf32, #tpu.memory_space<hbm>>
      %dma_start3A_454 = tpu.memref_squeeze %dma_start3A_453 : memref<1x128x16xf32, #tpu.memory_space<hbm>> -> memref<128x16xf32, #tpu.memory_space<hbm>>
      %dma_start3A_455 = arith.constant 0 : i32
      %dma_start3A_456 = arith.constant 0 : i32
      %dma_start3A_457 = tpu.memref_slice %arg7[%dma_start3A_455, %dma_start3A_456] : memref<512x16xf32, #tpu.memory_space<vmem>> -> memref<128x16xf32, #tpu.memory_space<vmem>>
      tpu.enqueue_dma source(%dma_start3A_457 : memref<128x16xf32, #tpu.memory_space<vmem>>) target(%dma_start3A_454 : memref<128x16xf32, #tpu.memory_space<hbm>>) target_semaphore(%arg12 : memref<!tpu.dma_semaphore, #tpu.memory_space<semaphore_mem>>)
      %mul3A_458 = arith.constant 512 : i32
      %mul3A_459 = arith.muli %mul3A_321, %mul3A_458 : i32
      %add3A_460 = arith.addi %mul3A_2, %mul3A_459 : i32
      %add3A_461 = arith.constant 128 : i32
      %add3A_462 = arith.addi %add3A_460, %add3A_461 : i32
      %jit3A_463 = arith.constant 16384 : i32
      %div3A_464 = arith.divsi %add3A_462, %jit3A_463 : i32
      %sign3A_465 = arith.constant 0 : i32
      %sign3A_466 = arith.cmpi sgt, %add3A_462, %sign3A_465 : i32
      %sign3A_467 = arith.extui %sign3A_466 : i1 to i32
      %sign3A_468 = arith.constant 0 : i32
      %sign3A_469 = arith.cmpi slt, %add3A_462, %sign3A_468 : i32
      %sign3A_470 = arith.extui %sign3A_469 : i1 to i32
      %sign3A_471 = arith.subi %sign3A_467, %sign3A_470 : i32
      %sign3A_472 = arith.constant 0 : i32
      %sign3A_473 = arith.cmpi sgt, %jit3A_463, %sign3A_472 : i32
      %sign3A_474 = arith.extui %sign3A_473 : i1 to i32
      %sign3A_475 = arith.constant 0 : i32
      %sign3A_476 = arith.cmpi slt, %jit3A_463, %sign3A_475 : i32
      %sign3A_477 = arith.extui %sign3A_476 : i1 to i32
      %sign3A_478 = arith.subi %sign3A_474, %sign3A_477 : i32
      %ne3A_479 = arith.cmpi ne, %sign3A_471, %sign3A_478 : i32
      %rem3A_480 = arith.remsi %add3A_462, %jit3A_463 : i32
      %ne3A_481 = arith.constant 0 : i32
      %ne3A_482 = arith.cmpi ne, %rem3A_480, %ne3A_481 : i32
      %and3A_483 = arith.andi %ne3A_479, %ne3A_482 : i1
      %sub3A_484 = arith.constant 1 : i32
      %sub3A_485 = arith.subi %div3A_464, %sub3A_484 : i32
      %select_n3A_486 = arith.select %and3A_483, %sub3A_485, %div3A_464 : i32
      %jit3A_487 = arith.constant 16384 : i32
      %eq3A_488 = arith.constant 0 : i32
      %eq3A_489 = arith.cmpi eq, %jit3A_487, %eq3A_488 : i32
      %jit3A_490 = arith.constant 1 : i32
      %select_n3A_491 = arith.select %eq3A_489, %jit3A_490, %jit3A_487 : i32
      %rem3A_492 = arith.remsi %add3A_462, %select_n3A_491 : i32
      %ne3A_493 = arith.constant 0 : i32
      %ne3A_494 = arith.cmpi ne, %rem3A_492, %ne3A_493 : i32
      %lt3A_495 = arith.constant 0 : i32
      %lt3A_496 = arith.cmpi slt, %rem3A_492, %lt3A_495 : i32
      %lt3A_497 = arith.constant 0 : i32
      %lt3A_498 = arith.cmpi slt, %select_n3A_491, %lt3A_497 : i32
      %ne3A_499 = arith.xori %lt3A_496, %lt3A_498 : i1
      %and3A_500 = arith.andi %ne3A_499, %ne3A_494 : i1
      %add3A_501 = arith.addi %rem3A_492, %select_n3A_491 : i32
      %select_n3A_502 = arith.select %and3A_500, %add3A_501, %rem3A_492 : i32
      %dma_start3A_503 = arith.constant 128 : i32
      %dma_start3A_504 = arith.constant 0 : i32
      %dma_start3A_505 = tpu.memref_slice %arg7[%dma_start3A_503, %dma_start3A_504] : memref<512x16xf32, #tpu.memory_space<vmem>> -> memref<128x16xf32, #tpu.memory_space<vmem>>
      %dma_start3A_506 = arith.constant 0 : i32
      %dma_start3A_507 = tpu.memref_slice %arg4[%select_n3A_486, %select_n3A_502, %dma_start3A_506] : memref<65x16384x16xf32, #tpu.memory_space<hbm>> -> memref<1x128x16xf32, #tpu.memory_space<hbm>>
      %dma_start3A_508 = tpu.memref_squeeze %dma_start3A_507 : memref<1x128x16xf32, #tpu.memory_space<hbm>> -> memref<128x16xf32, #tpu.memory_space<hbm>>
      %dma_start3A_509 = arith.constant 0 : i32
      %dma_start3A_510 = tpu.memref_slice %arg4[%select_n3A_486, %select_n3A_502, %dma_start3A_509] : memref<65x16384x16xf32, #tpu.memory_space<hbm>> -> memref<1x128x16xf32, #tpu.memory_space<hbm>>
      %dma_start3A_511 = tpu.memref_squeeze %dma_start3A_510 : memref<1x128x16xf32, #tpu.memory_space<hbm>> -> memref<128x16xf32, #tpu.memory_space<hbm>>
      %dma_start3A_512 = arith.constant 128 : i32
      %dma_start3A_513 = arith.constant 0 : i32
      %dma_start3A_514 = tpu.memref_slice %arg7[%dma_start3A_512, %dma_start3A_513] : memref<512x16xf32, #tpu.memory_space<vmem>> -> memref<128x16xf32, #tpu.memory_space<vmem>>
      tpu.enqueue_dma source(%dma_start3A_514 : memref<128x16xf32, #tpu.memory_space<vmem>>) target(%dma_start3A_511 : memref<128x16xf32, #tpu.memory_space<hbm>>) target_semaphore(%arg12 : memref<!tpu.dma_semaphore, #tpu.memory_space<semaphore_mem>>)
      %mul3A_515 = arith.constant 512 : i32
      %mul3A_516 = arith.muli %mul3A_321, %mul3A_515 : i32
      %add3A_517 = arith.addi %mul3A_2, %mul3A_516 : i32
      %add3A_518 = arith.constant 256 : i32
      %add3A_519 = arith.addi %add3A_517, %add3A_518 : i32
      %jit3A_520 = arith.constant 16384 : i32
      %div3A_521 = arith.divsi %add3A_519, %jit3A_520 : i32
      %sign3A_522 = arith.constant 0 : i32
      %sign3A_523 = arith.cmpi sgt, %add3A_519, %sign3A_522 : i32
      %sign3A_524 = arith.extui %sign3A_523 : i1 to i32
      %sign3A_525 = arith.constant 0 : i32
      %sign3A_526 = arith.cmpi slt, %add3A_519, %sign3A_525 : i32
      %sign3A_527 = arith.extui %sign3A_526 : i1 to i32
      %sign3A_528 = arith.subi %sign3A_524, %sign3A_527 : i32
      %sign3A_529 = arith.constant 0 : i32
      %sign3A_530 = arith.cmpi sgt, %jit3A_520, %sign3A_529 : i32
      %sign3A_531 = arith.extui %sign3A_530 : i1 to i32
      %sign3A_532 = arith.constant 0 : i32
      %sign3A_533 = arith.cmpi slt, %jit3A_520, %sign3A_532 : i32
      %sign3A_534 = arith.extui %sign3A_533 : i1 to i32
      %sign3A_535 = arith.subi %sign3A_531, %sign3A_534 : i32
      %ne3A_536 = arith.cmpi ne, %sign3A_528, %sign3A_535 : i32
      %rem3A_537 = arith.remsi %add3A_519, %jit3A_520 : i32
      %ne3A_538 = arith.constant 0 : i32
      %ne3A_539 = arith.cmpi ne, %rem3A_537, %ne3A_538 : i32
      %and3A_540 = arith.andi %ne3A_536, %ne3A_539 : i1
      %sub3A_541 = arith.constant 1 : i32
      %sub3A_542 = arith.subi %div3A_521, %sub3A_541 : i32
      %select_n3A_543 = arith.select %and3A_540, %sub3A_542, %div3A_521 : i32
      %jit3A_544 = arith.constant 16384 : i32
      %eq3A_545 = arith.constant 0 : i32
      %eq3A_546 = arith.cmpi eq, %jit3A_544, %eq3A_545 : i32
      %jit3A_547 = arith.constant 1 : i32
      %select_n3A_548 = arith.select %eq3A_546, %jit3A_547, %jit3A_544 : i32
      %rem3A_549 = arith.remsi %add3A_519, %select_n3A_548 : i32
      %ne3A_550 = arith.constant 0 : i32
      %ne3A_551 = arith.cmpi ne, %rem3A_549, %ne3A_550 : i32
      %lt3A_552 = arith.constant 0 : i32
      %lt3A_553 = arith.cmpi slt, %rem3A_549, %lt3A_552 : i32
      %lt3A_554 = arith.constant 0 : i32
      %lt3A_555 = arith.cmpi slt, %select_n3A_548, %lt3A_554 : i32
      %ne3A_556 = arith.xori %lt3A_553, %lt3A_555 : i1
      %and3A_557 = arith.andi %ne3A_556, %ne3A_551 : i1
      %add3A_558 = arith.addi %rem3A_549, %select_n3A_548 : i32
      %select_n3A_559 = arith.select %and3A_557, %add3A_558, %rem3A_549 : i32
      %dma_start3A_560 = arith.constant 256 : i32
      %dma_start3A_561 = arith.constant 0 : i32
      %dma_start3A_562 = tpu.memref_slice %arg7[%dma_start3A_560, %dma_start3A_561] : memref<512x16xf32, #tpu.memory_space<vmem>> -> memref<128x16xf32, #tpu.memory_space<vmem>>
      %dma_start3A_563 = arith.constant 0 : i32
      %dma_start3A_564 = tpu.memref_slice %arg4[%select_n3A_543, %select_n3A_559, %dma_start3A_563] : memref<65x16384x16xf32, #tpu.memory_space<hbm>> -> memref<1x128x16xf32, #tpu.memory_space<hbm>>
      %dma_start3A_565 = tpu.memref_squeeze %dma_start3A_564 : memref<1x128x16xf32, #tpu.memory_space<hbm>> -> memref<128x16xf32, #tpu.memory_space<hbm>>
      %dma_start3A_566 = arith.constant 0 : i32
      %dma_start3A_567 = tpu.memref_slice %arg4[%select_n3A_543, %select_n3A_559, %dma_start3A_566] : memref<65x16384x16xf32, #tpu.memory_space<hbm>> -> memref<1x128x16xf32, #tpu.memory_space<hbm>>
      %dma_start3A_568 = tpu.memref_squeeze %dma_start3A_567 : memref<1x128x16xf32, #tpu.memory_space<hbm>> -> memref<128x16xf32, #tpu.memory_space<hbm>>
      %dma_start3A_569 = arith.constant 256 : i32
      %dma_start3A_570 = arith.constant 0 : i32
      %dma_start3A_571 = tpu.memref_slice %arg7[%dma_start3A_569, %dma_start3A_570] : memref<512x16xf32, #tpu.memory_space<vmem>> -> memref<128x16xf32, #tpu.memory_space<vmem>>
      tpu.enqueue_dma source(%dma_start3A_571 : memref<128x16xf32, #tpu.memory_space<vmem>>) target(%dma_start3A_568 : memref<128x16xf32, #tpu.memory_space<hbm>>) target_semaphore(%arg12 : memref<!tpu.dma_semaphore, #tpu.memory_space<semaphore_mem>>)
      %mul3A_572 = arith.constant 512 : i32
      %mul3A_573 = arith.muli %mul3A_321, %mul3A_572 : i32
      %add3A_574 = arith.addi %mul3A_2, %mul3A_573 : i32
      %add3A_575 = arith.constant 384 : i32
      %add3A_576 = arith.addi %add3A_574, %add3A_575 : i32
      %jit3A_577 = arith.constant 16384 : i32
      %div3A_578 = arith.divsi %add3A_576, %jit3A_577 : i32
      %sign3A_579 = arith.constant 0 : i32
      %sign3A_580 = arith.cmpi sgt, %add3A_576, %sign3A_579 : i32
      %sign3A_581 = arith.extui %sign3A_580 : i1 to i32
      %sign3A_582 = arith.constant 0 : i32
      %sign3A_583 = arith.cmpi slt, %add3A_576, %sign3A_582 : i32
      %sign3A_584 = arith.extui %sign3A_583 : i1 to i32
      %sign3A_585 = arith.subi %sign3A_581, %sign3A_584 : i32
      %sign3A_586 = arith.constant 0 : i32
      %sign3A_587 = arith.cmpi sgt, %jit3A_577, %sign3A_586 : i32
      %sign3A_588 = arith.extui %sign3A_587 : i1 to i32
      %sign3A_589 = arith.constant 0 : i32
      %sign3A_590 = arith.cmpi slt, %jit3A_577, %sign3A_589 : i32
      %sign3A_591 = arith.extui %sign3A_590 : i1 to i32
      %sign3A_592 = arith.subi %sign3A_588, %sign3A_591 : i32
      %ne3A_593 = arith.cmpi ne, %sign3A_585, %sign3A_592 : i32
      %rem3A_594 = arith.remsi %add3A_576, %jit3A_577 : i32
      %ne3A_595 = arith.constant 0 : i32
      %ne3A_596 = arith.cmpi ne, %rem3A_594, %ne3A_595 : i32
      %and3A_597 = arith.andi %ne3A_593, %ne3A_596 : i1
      %sub3A_598 = arith.constant 1 : i32
      %sub3A_599 = arith.subi %div3A_578, %sub3A_598 : i32
      %select_n3A_600 = arith.select %and3A_597, %sub3A_599, %div3A_578 : i32
      %jit3A_601 = arith.constant 16384 : i32
      %eq3A_602 = arith.constant 0 : i32
      %eq3A_603 = arith.cmpi eq, %jit3A_601, %eq3A_602 : i32
      %jit3A_604 = arith.constant 1 : i32
      %select_n3A_605 = arith.select %eq3A_603, %jit3A_604, %jit3A_601 : i32
      %rem3A_606 = arith.remsi %add3A_576, %select_n3A_605 : i32
      %ne3A_607 = arith.constant 0 : i32
      %ne3A_608 = arith.cmpi ne, %rem3A_606, %ne3A_607 : i32
      %lt3A_609 = arith.constant 0 : i32
      %lt3A_610 = arith.cmpi slt, %rem3A_606, %lt3A_609 : i32
      %lt3A_611 = arith.constant 0 : i32
      %lt3A_612 = arith.cmpi slt, %select_n3A_605, %lt3A_611 : i32
      %ne3A_613 = arith.xori %lt3A_610, %lt3A_612 : i1
      %and3A_614 = arith.andi %ne3A_613, %ne3A_608 : i1
      %add3A_615 = arith.addi %rem3A_606, %select_n3A_605 : i32
      %select_n3A_616 = arith.select %and3A_614, %add3A_615, %rem3A_606 : i32
      %dma_start3A_617 = arith.constant 384 : i32
      %dma_start3A_618 = arith.constant 0 : i32
      %dma_start3A_619 = tpu.memref_slice %arg7[%dma_start3A_617, %dma_start3A_618] : memref<512x16xf32, #tpu.memory_space<vmem>> -> memref<128x16xf32, #tpu.memory_space<vmem>>
      %dma_start3A_620 = arith.constant 0 : i32
      %dma_start3A_621 = tpu.memref_slice %arg4[%select_n3A_600, %select_n3A_616, %dma_start3A_620] : memref<65x16384x16xf32, #tpu.memory_space<hbm>> -> memref<1x128x16xf32, #tpu.memory_space<hbm>>
      %dma_start3A_622 = tpu.memref_squeeze %dma_start3A_621 : memref<1x128x16xf32, #tpu.memory_space<hbm>> -> memref<128x16xf32, #tpu.memory_space<hbm>>
      %dma_start3A_623 = arith.constant 0 : i32
      %dma_start3A_624 = tpu.memref_slice %arg4[%select_n3A_600, %select_n3A_616, %dma_start3A_623] : memref<65x16384x16xf32, #tpu.memory_space<hbm>> -> memref<1x128x16xf32, #tpu.memory_space<hbm>>
      %dma_start3A_625 = tpu.memref_squeeze %dma_start3A_624 : memref<1x128x16xf32, #tpu.memory_space<hbm>> -> memref<128x16xf32, #tpu.memory_space<hbm>>
      %dma_start3A_626 = arith.constant 384 : i32
      %dma_start3A_627 = arith.constant 0 : i32
      %dma_start3A_628 = tpu.memref_slice %arg7[%dma_start3A_626, %dma_start3A_627] : memref<512x16xf32, #tpu.memory_space<vmem>> -> memref<128x16xf32, #tpu.memory_space<vmem>>
      tpu.enqueue_dma source(%dma_start3A_628 : memref<128x16xf32, #tpu.memory_space<vmem>>) target(%dma_start3A_625 : memref<128x16xf32, #tpu.memory_space<hbm>>) target_semaphore(%arg12 : memref<!tpu.dma_semaphore, #tpu.memory_space<semaphore_mem>>)
      %mul3A_629 = arith.constant 2 : i32
      %mul3A_630 = arith.muli %mul3A_629, %scan3A_319 : i32
      %add3A_631 = arith.constant 1 : i32
      %add3A_632 = arith.addi %mul3A_630, %add3A_631 : i32
      %dma_wait3A_633 = arith.constant 0 : i32
      %dma_wait3A_634 = tpu.memref_slice %arg2[%dma_wait3A_633] : memref<1064960xi32, #tpu.memory_space<hbm>> -> memref<512xi32, #tpu.memory_space<hbm>>
      %dma_wait3A_635 = arith.constant 0 : i32
      %dma_wait3A_636 = tpu.memref_slice %arg2[%dma_wait3A_635] : memref<1064960xi32, #tpu.memory_space<hbm>> -> memref<512xi32, #tpu.memory_space<hbm>>
      tpu.wait_dma2 semaphore(%arg10 : memref<!tpu.dma_semaphore, #tpu.memory_space<semaphore_mem>>) src(%dma_wait3A_636 : memref<512xi32, #tpu.memory_space<hbm>>) dst(%arg6 : memref<512xi32, #tpu.memory_space<vmem>>)
      %ge3A_637 = arith.constant 1 : i32
      %ge3A_638 = arith.cmpi sge, %scan3A_319, %ge3A_637 : i32
      %convert_element_type3A_639 = arith.extui %ge3A_638 : i1 to i32
      %cond3A_640 = arith.constant 0 : i32
      %cond3A_641 = arith.cmpi ne, %convert_element_type3A_639, %cond3A_640 : i32
      scf.if %cond3A_641 {
        %dma_wait3A_943 = arith.constant 0 : i32
        %dma_wait3A_944 = arith.constant 0 : i32
        %dma_wait3A_945 = arith.constant 0 : i32
        %dma_wait3A_946 = tpu.memref_slice %arg4[%dma_wait3A_943, %dma_wait3A_944, %dma_wait3A_945] : memref<65x16384x16xf32, #tpu.memory_space<hbm>> -> memref<1x512x16xf32, #tpu.memory_space<hbm>>
        %dma_wait3A_947 = tpu.memref_squeeze %dma_wait3A_946 : memref<1x512x16xf32, #tpu.memory_space<hbm>> -> memref<512x16xf32, #tpu.memory_space<hbm>>
        %dma_wait3A_948 = arith.constant 0 : i32
        %dma_wait3A_949 = arith.constant 0 : i32
        %dma_wait3A_950 = tpu.memref_slice %arg4[%dma_wait3A_943, %dma_wait3A_948, %dma_wait3A_949] : memref<65x16384x16xf32, #tpu.memory_space<hbm>> -> memref<1x512x16xf32, #tpu.memory_space<hbm>>
        %dma_wait3A_951 = tpu.memref_squeeze %dma_wait3A_950 : memref<1x512x16xf32, #tpu.memory_space<hbm>> -> memref<512x16xf32, #tpu.memory_space<hbm>>
        tpu.wait_dma2 semaphore(%arg12 : memref<!tpu.dma_semaphore, #tpu.memory_space<semaphore_mem>>) src(%dma_wait3A_951 : memref<512x16xf32, #tpu.memory_space<hbm>>) dst(%arg8 : memref<512x16xf32, #tpu.memory_space<vmem>>)
      } else {
      }
      %dma_start3A_642 = arith.constant 0 : i32
      %dma_start3A_643 = arith.constant 0 : i32
      %dma_start3A_644 = tpu.memref_slice %arg8[%dma_start3A_642, %dma_start3A_643] : memref<512x16xf32, #tpu.memory_space<vmem>> -> memref<128x16xf32, #tpu.memory_space<vmem>>
      %dma_start3A_645 = arith.constant 0 : i32
      %dma_start3A_646 = tpu.memref_slice %arg6[%dma_start3A_645] : memref<512xi32, #tpu.memory_space<vmem>> -> memref<128xi32, #tpu.memory_space<vmem>>
      %dma_start3A_647 = arith.constant 0 : i32
      %dma_start3A_648 = arith.constant 0 : i32
      %dma_start3A_649 = tpu.memref_slice %arg3[%dma_start3A_647, %dma_start3A_648] : memref<100000x16xf32, #tpu.memory_space<hbm>> -> memref<100000x16xf32, #tpu.memory_space<hbm>>
      tpu.enqueue_indirect_dma source(%dma_start3A_649 : memref<100000x16xf32, #tpu.memory_space<hbm>>) target(%dma_start3A_644 : memref<128x16xf32, #tpu.memory_space<vmem>>) offsets(%dma_start3A_646 : memref<128xi32, #tpu.memory_space<vmem>>) semaphore(%arg11 : memref<!tpu.dma_semaphore, #tpu.memory_space<semaphore_mem>>)
      %dma_start3A_650 = arith.constant 128 : i32
      %dma_start3A_651 = arith.constant 0 : i32
      %dma_start3A_652 = tpu.memref_slice %arg8[%dma_start3A_650, %dma_start3A_651] : memref<512x16xf32, #tpu.memory_space<vmem>> -> memref<128x16xf32, #tpu.memory_space<vmem>>
      %dma_start3A_653 = arith.constant 128 : i32
      %dma_start3A_654 = tpu.memref_slice %arg6[%dma_start3A_653] : memref<512xi32, #tpu.memory_space<vmem>> -> memref<128xi32, #tpu.memory_space<vmem>>
      %dma_start3A_655 = arith.constant 0 : i32
      %dma_start3A_656 = arith.constant 0 : i32
      %dma_start3A_657 = tpu.memref_slice %arg3[%dma_start3A_655, %dma_start3A_656] : memref<100000x16xf32, #tpu.memory_space<hbm>> -> memref<100000x16xf32, #tpu.memory_space<hbm>>
      tpu.enqueue_indirect_dma source(%dma_start3A_657 : memref<100000x16xf32, #tpu.memory_space<hbm>>) target(%dma_start3A_652 : memref<128x16xf32, #tpu.memory_space<vmem>>) offsets(%dma_start3A_654 : memref<128xi32, #tpu.memory_space<vmem>>) semaphore(%arg11 : memref<!tpu.dma_semaphore, #tpu.memory_space<semaphore_mem>>)
      %dma_start3A_658 = arith.constant 256 : i32
      %dma_start3A_659 = arith.constant 0 : i32
      %dma_start3A_660 = tpu.memref_slice %arg8[%dma_start3A_658, %dma_start3A_659] : memref<512x16xf32, #tpu.memory_space<vmem>> -> memref<128x16xf32, #tpu.memory_space<vmem>>
      %dma_start3A_661 = arith.constant 256 : i32
      %dma_start3A_662 = tpu.memref_slice %arg6[%dma_start3A_661] : memref<512xi32, #tpu.memory_space<vmem>> -> memref<128xi32, #tpu.memory_space<vmem>>
      %dma_start3A_663 = arith.constant 0 : i32
      %dma_start3A_664 = arith.constant 0 : i32
      %dma_start3A_665 = tpu.memref_slice %arg3[%dma_start3A_663, %dma_start3A_664] : memref<100000x16xf32, #tpu.memory_space<hbm>> -> memref<100000x16xf32, #tpu.memory_space<hbm>>
      tpu.enqueue_indirect_dma source(%dma_start3A_665 : memref<100000x16xf32, #tpu.memory_space<hbm>>) target(%dma_start3A_660 : memref<128x16xf32, #tpu.memory_space<vmem>>) offsets(%dma_start3A_662 : memref<128xi32, #tpu.memory_space<vmem>>) semaphore(%arg11 : memref<!tpu.dma_semaphore, #tpu.memory_space<semaphore_mem>>)
      %dma_start3A_666 = arith.constant 384 : i32
      %dma_start3A_667 = arith.constant 0 : i32
      %dma_start3A_668 = tpu.memref_slice %arg8[%dma_start3A_666, %dma_start3A_667] : memref<512x16xf32, #tpu.memory_space<vmem>> -> memref<128x16xf32, #tpu.memory_space<vmem>>
      %dma_start3A_669 = arith.constant 384 : i32
      %dma_start3A_670 = tpu.memref_slice %arg6[%dma_start3A_669] : memref<512xi32, #tpu.memory_space<vmem>> -> memref<128xi32, #tpu.memory_space<vmem>>
      %dma_start3A_671 = arith.constant 0 : i32
      %dma_start3A_672 = arith.constant 0 : i32
      %dma_start3A_673 = tpu.memref_slice %arg3[%dma_start3A_671, %dma_start3A_672] : memref<100000x16xf32, #tpu.memory_space<hbm>> -> memref<100000x16xf32, #tpu.memory_space<hbm>>
      tpu.enqueue_indirect_dma source(%dma_start3A_673 : memref<100000x16xf32, #tpu.memory_space<hbm>>) target(%dma_start3A_668 : memref<128x16xf32, #tpu.memory_space<vmem>>) offsets(%dma_start3A_670 : memref<128xi32, #tpu.memory_space<vmem>>) semaphore(%arg11 : memref<!tpu.dma_semaphore, #tpu.memory_space<semaphore_mem>>)
      %mul3A_674 = arith.constant 2 : i32
      %mul3A_675 = arith.muli %mul3A_674, %scan3A_319 : i32
      %add3A_676 = arith.constant 2 : i32
      %add3A_677 = arith.addi %mul3A_675, %add3A_676 : i32
      %mul3A_678 = arith.constant 512 : i32
      %mul3A_679 = arith.muli %add3A_677, %mul3A_678 : i32
      %add3A_680 = arith.addi %mul3A_2, %mul3A_679 : i32
      %dma_start3A_681 = tpu.memref_slice %arg2[%add3A_680] : memref<1064960xi32, #tpu.memory_space<hbm>> -> memref<512xi32, #tpu.memory_space<hbm>>
      %dma_start3A_682 = tpu.memref_slice %arg2[%add3A_680] : memref<1064960xi32, #tpu.memory_space<hbm>> -> memref<512xi32, #tpu.memory_space<hbm>>
      tpu.enqueue_dma source(%dma_start3A_682 : memref<512xi32, #tpu.memory_space<hbm>>) target(%arg5 : memref<512xi32, #tpu.memory_space<vmem>>) target_semaphore(%arg9 : memref<!tpu.dma_semaphore, #tpu.memory_space<semaphore_mem>>)
      %dma_wait3A_683 = arith.constant 0 : i32
      %dma_wait3A_684 = arith.constant 0 : i32
      %dma_wait3A_685 = tpu.memref_slice %arg8[%dma_wait3A_683, %dma_wait3A_684] : memref<512x16xf32, #tpu.memory_space<vmem>> -> memref<128x16xf32, #tpu.memory_space<vmem>>
      %dma_wait3A_686 = arith.constant 0 : i32
      %dma_wait3A_687 = tpu.memref_slice %arg6[%dma_wait3A_686] : memref<512xi32, #tpu.memory_space<vmem>> -> memref<128xi32, #tpu.memory_space<vmem>>
      %dma_wait3A_688 = arith.constant 0 : i32
      %dma_wait3A_689 = arith.constant 0 : i32
      %dma_wait3A_690 = tpu.memref_slice %arg3[%dma_wait3A_688, %dma_wait3A_689] : memref<100000x16xf32, #tpu.memory_space<hbm>> -> memref<100000x16xf32, #tpu.memory_space<hbm>>
      tpu.wait_indirect_dma semaphore(%arg11 : memref<!tpu.dma_semaphore, #tpu.memory_space<semaphore_mem>>) src(%dma_wait3A_690 : memref<100000x16xf32, #tpu.memory_space<hbm>>) dst(%dma_wait3A_685 : memref<128x16xf32, #tpu.memory_space<vmem>>)
      %dma_wait3A_691 = arith.constant 128 : i32
      %dma_wait3A_692 = arith.constant 0 : i32
      %dma_wait3A_693 = tpu.memref_slice %arg8[%dma_wait3A_691, %dma_wait3A_692] : memref<512x16xf32, #tpu.memory_space<vmem>> -> memref<128x16xf32, #tpu.memory_space<vmem>>
      %dma_wait3A_694 = arith.constant 128 : i32
      %dma_wait3A_695 = tpu.memref_slice %arg6[%dma_wait3A_694] : memref<512xi32, #tpu.memory_space<vmem>> -> memref<128xi32, #tpu.memory_space<vmem>>
      %dma_wait3A_696 = arith.constant 0 : i32
      %dma_wait3A_697 = arith.constant 0 : i32
      %dma_wait3A_698 = tpu.memref_slice %arg3[%dma_wait3A_696, %dma_wait3A_697] : memref<100000x16xf32, #tpu.memory_space<hbm>> -> memref<100000x16xf32, #tpu.memory_space<hbm>>
      tpu.wait_indirect_dma semaphore(%arg11 : memref<!tpu.dma_semaphore, #tpu.memory_space<semaphore_mem>>) src(%dma_wait3A_698 : memref<100000x16xf32, #tpu.memory_space<hbm>>) dst(%dma_wait3A_693 : memref<128x16xf32, #tpu.memory_space<vmem>>)
      %dma_wait3A_699 = arith.constant 256 : i32
      %dma_wait3A_700 = arith.constant 0 : i32
      %dma_wait3A_701 = tpu.memref_slice %arg8[%dma_wait3A_699, %dma_wait3A_700] : memref<512x16xf32, #tpu.memory_space<vmem>> -> memref<128x16xf32, #tpu.memory_space<vmem>>
      %dma_wait3A_702 = arith.constant 256 : i32
      %dma_wait3A_703 = tpu.memref_slice %arg6[%dma_wait3A_702] : memref<512xi32, #tpu.memory_space<vmem>> -> memref<128xi32, #tpu.memory_space<vmem>>
      %dma_wait3A_704 = arith.constant 0 : i32
      %dma_wait3A_705 = arith.constant 0 : i32
      %dma_wait3A_706 = tpu.memref_slice %arg3[%dma_wait3A_704, %dma_wait3A_705] : memref<100000x16xf32, #tpu.memory_space<hbm>> -> memref<100000x16xf32, #tpu.memory_space<hbm>>
      tpu.wait_indirect_dma semaphore(%arg11 : memref<!tpu.dma_semaphore, #tpu.memory_space<semaphore_mem>>) src(%dma_wait3A_706 : memref<100000x16xf32, #tpu.memory_space<hbm>>) dst(%dma_wait3A_701 : memref<128x16xf32, #tpu.memory_space<vmem>>)
      %dma_wait3A_707 = arith.constant 384 : i32
      %dma_wait3A_708 = arith.constant 0 : i32
      %dma_wait3A_709 = tpu.memref_slice %arg8[%dma_wait3A_707, %dma_wait3A_708] : memref<512x16xf32, #tpu.memory_space<vmem>> -> memref<128x16xf32, #tpu.memory_space<vmem>>
      %dma_wait3A_710 = arith.constant 384 : i32
      %dma_wait3A_711 = tpu.memref_slice %arg6[%dma_wait3A_710] : memref<512xi32, #tpu.memory_space<vmem>> -> memref<128xi32, #tpu.memory_space<vmem>>
      %dma_wait3A_712 = arith.constant 0 : i32
      %dma_wait3A_713 = arith.constant 0 : i32
      %dma_wait3A_714 = tpu.memref_slice %arg3[%dma_wait3A_712, %dma_wait3A_713] : memref<100000x16xf32, #tpu.memory_space<hbm>> -> memref<100000x16xf32, #tpu.memory_space<hbm>>
      tpu.wait_indirect_dma semaphore(%arg11 : memref<!tpu.dma_semaphore, #tpu.memory_space<semaphore_mem>>) src(%dma_wait3A_714 : memref<100000x16xf32, #tpu.memory_space<hbm>>) dst(%dma_wait3A_709 : memref<128x16xf32, #tpu.memory_space<vmem>>)
      %mul3A_715 = arith.constant 512 : i32
      %mul3A_716 = arith.muli %add3A_632, %mul3A_715 : i32
      %add3A_717 = arith.addi %mul3A_2, %mul3A_716 : i32
      %add3A_718 = arith.constant 0 : i32
      %add3A_719 = arith.addi %add3A_717, %add3A_718 : i32
      %jit3A_720 = arith.constant 16384 : i32
      %div3A_721 = arith.divsi %add3A_719, %jit3A_720 : i32
      %sign3A_722 = arith.constant 0 : i32
      %sign3A_723 = arith.cmpi sgt, %add3A_719, %sign3A_722 : i32
      %sign3A_724 = arith.extui %sign3A_723 : i1 to i32
      %sign3A_725 = arith.constant 0 : i32
      %sign3A_726 = arith.cmpi slt, %add3A_719, %sign3A_725 : i32
      %sign3A_727 = arith.extui %sign3A_726 : i1 to i32
      %sign3A_728 = arith.subi %sign3A_724, %sign3A_727 : i32
      %sign3A_729 = arith.constant 0 : i32
      %sign3A_730 = arith.cmpi sgt, %jit3A_720, %sign3A_729 : i32
      %sign3A_731 = arith.extui %sign3A_730 : i1 to i32
      %sign3A_732 = arith.constant 0 : i32
      %sign3A_733 = arith.cmpi slt, %jit3A_720, %sign3A_732 : i32
      %sign3A_734 = arith.extui %sign3A_733 : i1 to i32
      %sign3A_735 = arith.subi %sign3A_731, %sign3A_734 : i32
      %ne3A_736 = arith.cmpi ne, %sign3A_728, %sign3A_735 : i32
      %rem3A_737 = arith.remsi %add3A_719, %jit3A_720 : i32
      %ne3A_738 = arith.constant 0 : i32
      %ne3A_739 = arith.cmpi ne, %rem3A_737, %ne3A_738 : i32
      %and3A_740 = arith.andi %ne3A_736, %ne3A_739 : i1
      %sub3A_741 = arith.constant 1 : i32
      %sub3A_742 = arith.subi %div3A_721, %sub3A_741 : i32
      %select_n3A_743 = arith.select %and3A_740, %sub3A_742, %div3A_721 : i32
      %jit3A_744 = arith.constant 16384 : i32
      %eq3A_745 = arith.constant 0 : i32
      %eq3A_746 = arith.cmpi eq, %jit3A_744, %eq3A_745 : i32
      %jit3A_747 = arith.constant 1 : i32
      %select_n3A_748 = arith.select %eq3A_746, %jit3A_747, %jit3A_744 : i32
      %rem3A_749 = arith.remsi %add3A_719, %select_n3A_748 : i32
      %ne3A_750 = arith.constant 0 : i32
      %ne3A_751 = arith.cmpi ne, %rem3A_749, %ne3A_750 : i32
      %lt3A_752 = arith.constant 0 : i32
      %lt3A_753 = arith.cmpi slt, %rem3A_749, %lt3A_752 : i32
      %lt3A_754 = arith.constant 0 : i32
      %lt3A_755 = arith.cmpi slt, %select_n3A_748, %lt3A_754 : i32
      %ne3A_756 = arith.xori %lt3A_753, %lt3A_755 : i1
      %and3A_757 = arith.andi %ne3A_756, %ne3A_751 : i1
      %add3A_758 = arith.addi %rem3A_749, %select_n3A_748 : i32
      %select_n3A_759 = arith.select %and3A_757, %add3A_758, %rem3A_749 : i32
      %dma_start3A_760 = arith.constant 0 : i32
      %dma_start3A_761 = arith.constant 0 : i32
      %dma_start3A_762 = tpu.memref_slice %arg8[%dma_start3A_760, %dma_start3A_761] : memref<512x16xf32, #tpu.memory_space<vmem>> -> memref<128x16xf32, #tpu.memory_space<vmem>>
      %dma_start3A_763 = arith.constant 0 : i32
      %dma_start3A_764 = tpu.memref_slice %arg4[%select_n3A_743, %select_n3A_759, %dma_start3A_763] : memref<65x16384x16xf32, #tpu.memory_space<hbm>> -> memref<1x128x16xf32, #tpu.memory_space<hbm>>
      %dma_start3A_765 = tpu.memref_squeeze %dma_start3A_764 : memref<1x128x16xf32, #tpu.memory_space<hbm>> -> memref<128x16xf32, #tpu.memory_space<hbm>>
      %dma_start3A_766 = arith.constant 0 : i32
      %dma_start3A_767 = tpu.memref_slice %arg4[%select_n3A_743, %select_n3A_759, %dma_start3A_766] : memref<65x16384x16xf32, #tpu.memory_space<hbm>> -> memref<1x128x16xf32, #tpu.memory_space<hbm>>
      %dma_start3A_768 = tpu.memref_squeeze %dma_start3A_767 : memref<1x128x16xf32, #tpu.memory_space<hbm>> -> memref<128x16xf32, #tpu.memory_space<hbm>>
      %dma_start3A_769 = arith.constant 0 : i32
      %dma_start3A_770 = arith.constant 0 : i32
      %dma_start3A_771 = tpu.memref_slice %arg8[%dma_start3A_769, %dma_start3A_770] : memref<512x16xf32, #tpu.memory_space<vmem>> -> memref<128x16xf32, #tpu.memory_space<vmem>>
      tpu.enqueue_dma source(%dma_start3A_771 : memref<128x16xf32, #tpu.memory_space<vmem>>) target(%dma_start3A_768 : memref<128x16xf32, #tpu.memory_space<hbm>>) target_semaphore(%arg12 : memref<!tpu.dma_semaphore, #tpu.memory_space<semaphore_mem>>)
      %mul3A_772 = arith.constant 512 : i32
      %mul3A_773 = arith.muli %add3A_632, %mul3A_772 : i32
      %add3A_774 = arith.addi %mul3A_2, %mul3A_773 : i32
      %add3A_775 = arith.constant 128 : i32
      %add3A_776 = arith.addi %add3A_774, %add3A_775 : i32
      %jit3A_777 = arith.constant 16384 : i32
      %div3A_778 = arith.divsi %add3A_776, %jit3A_777 : i32
      %sign3A_779 = arith.constant 0 : i32
      %sign3A_780 = arith.cmpi sgt, %add3A_776, %sign3A_779 : i32
      %sign3A_781 = arith.extui %sign3A_780 : i1 to i32
      %sign3A_782 = arith.constant 0 : i32
      %sign3A_783 = arith.cmpi slt, %add3A_776, %sign3A_782 : i32
      %sign3A_784 = arith.extui %sign3A_783 : i1 to i32
      %sign3A_785 = arith.subi %sign3A_781, %sign3A_784 : i32
      %sign3A_786 = arith.constant 0 : i32
      %sign3A_787 = arith.cmpi sgt, %jit3A_777, %sign3A_786 : i32
      %sign3A_788 = arith.extui %sign3A_787 : i1 to i32
      %sign3A_789 = arith.constant 0 : i32
      %sign3A_790 = arith.cmpi slt, %jit3A_777, %sign3A_789 : i32
      %sign3A_791 = arith.extui %sign3A_790 : i1 to i32
      %sign3A_792 = arith.subi %sign3A_788, %sign3A_791 : i32
      %ne3A_793 = arith.cmpi ne, %sign3A_785, %sign3A_792 : i32
      %rem3A_794 = arith.remsi %add3A_776, %jit3A_777 : i32
      %ne3A_795 = arith.constant 0 : i32
      %ne3A_796 = arith.cmpi ne, %rem3A_794, %ne3A_795 : i32
      %and3A_797 = arith.andi %ne3A_793, %ne3A_796 : i1
      %sub3A_798 = arith.constant 1 : i32
      %sub3A_799 = arith.subi %div3A_778, %sub3A_798 : i32
      %select_n3A_800 = arith.select %and3A_797, %sub3A_799, %div3A_778 : i32
      %jit3A_801 = arith.constant 16384 : i32
      %eq3A_802 = arith.constant 0 : i32
      %eq3A_803 = arith.cmpi eq, %jit3A_801, %eq3A_802 : i32
      %jit3A_804 = arith.constant 1 : i32
      %select_n3A_805 = arith.select %eq3A_803, %jit3A_804, %jit3A_801 : i32
      %rem3A_806 = arith.remsi %add3A_776, %select_n3A_805 : i32
      %ne3A_807 = arith.constant 0 : i32
      %ne3A_808 = arith.cmpi ne, %rem3A_806, %ne3A_807 : i32
      %lt3A_809 = arith.constant 0 : i32
      %lt3A_810 = arith.cmpi slt, %rem3A_806, %lt3A_809 : i32
      %lt3A_811 = arith.constant 0 : i32
      %lt3A_812 = arith.cmpi slt, %select_n3A_805, %lt3A_811 : i32
      %ne3A_813 = arith.xori %lt3A_810, %lt3A_812 : i1
      %and3A_814 = arith.andi %ne3A_813, %ne3A_808 : i1
      %add3A_815 = arith.addi %rem3A_806, %select_n3A_805 : i32
      %select_n3A_816 = arith.select %and3A_814, %add3A_815, %rem3A_806 : i32
      %dma_start3A_817 = arith.constant 128 : i32
      %dma_start3A_818 = arith.constant 0 : i32
      %dma_start3A_819 = tpu.memref_slice %arg8[%dma_start3A_817, %dma_start3A_818] : memref<512x16xf32, #tpu.memory_space<vmem>> -> memref<128x16xf32, #tpu.memory_space<vmem>>
      %dma_start3A_820 = arith.constant 0 : i32
      %dma_start3A_821 = tpu.memref_slice %arg4[%select_n3A_800, %select_n3A_816, %dma_start3A_820] : memref<65x16384x16xf32, #tpu.memory_space<hbm>> -> memref<1x128x16xf32, #tpu.memory_space<hbm>>
      %dma_start3A_822 = tpu.memref_squeeze %dma_start3A_821 : memref<1x128x16xf32, #tpu.memory_space<hbm>> -> memref<128x16xf32, #tpu.memory_space<hbm>>
      %dma_start3A_823 = arith.constant 0 : i32
      %dma_start3A_824 = tpu.memref_slice %arg4[%select_n3A_800, %select_n3A_816, %dma_start3A_823] : memref<65x16384x16xf32, #tpu.memory_space<hbm>> -> memref<1x128x16xf32, #tpu.memory_space<hbm>>
      %dma_start3A_825 = tpu.memref_squeeze %dma_start3A_824 : memref<1x128x16xf32, #tpu.memory_space<hbm>> -> memref<128x16xf32, #tpu.memory_space<hbm>>
      %dma_start3A_826 = arith.constant 128 : i32
      %dma_start3A_827 = arith.constant 0 : i32
      %dma_start3A_828 = tpu.memref_slice %arg8[%dma_start3A_826, %dma_start3A_827] : memref<512x16xf32, #tpu.memory_space<vmem>> -> memref<128x16xf32, #tpu.memory_space<vmem>>
      tpu.enqueue_dma source(%dma_start3A_828 : memref<128x16xf32, #tpu.memory_space<vmem>>) target(%dma_start3A_825 : memref<128x16xf32, #tpu.memory_space<hbm>>) target_semaphore(%arg12 : memref<!tpu.dma_semaphore, #tpu.memory_space<semaphore_mem>>)
      %mul3A_829 = arith.constant 512 : i32
      %mul3A_830 = arith.muli %add3A_632, %mul3A_829 : i32
      %add3A_831 = arith.addi %mul3A_2, %mul3A_830 : i32
      %add3A_832 = arith.constant 256 : i32
      %add3A_833 = arith.addi %add3A_831, %add3A_832 : i32
      %jit3A_834 = arith.constant 16384 : i32
      %div3A_835 = arith.divsi %add3A_833, %jit3A_834 : i32
      %sign3A_836 = arith.constant 0 : i32
      %sign3A_837 = arith.cmpi sgt, %add3A_833, %sign3A_836 : i32
      %sign3A_838 = arith.extui %sign3A_837 : i1 to i32
      %sign3A_839 = arith.constant 0 : i32
      %sign3A_840 = arith.cmpi slt, %add3A_833, %sign3A_839 : i32
      %sign3A_841 = arith.extui %sign3A_840 : i1 to i32
      %sign3A_842 = arith.subi %sign3A_838, %sign3A_841 : i32
      %sign3A_843 = arith.constant 0 : i32
      %sign3A_844 = arith.cmpi sgt, %jit3A_834, %sign3A_843 : i32
      %sign3A_845 = arith.extui %sign3A_844 : i1 to i32
      %sign3A_846 = arith.constant 0 : i32
      %sign3A_847 = arith.cmpi slt, %jit3A_834, %sign3A_846 : i32
      %sign3A_848 = arith.extui %sign3A_847 : i1 to i32
      %sign3A_849 = arith.subi %sign3A_845, %sign3A_848 : i32
      %ne3A_850 = arith.cmpi ne, %sign3A_842, %sign3A_849 : i32
      %rem3A_851 = arith.remsi %add3A_833, %jit3A_834 : i32
      %ne3A_852 = arith.constant 0 : i32
      %ne3A_853 = arith.cmpi ne, %rem3A_851, %ne3A_852 : i32
      %and3A_854 = arith.andi %ne3A_850, %ne3A_853 : i1
      %sub3A_855 = arith.constant 1 : i32
      %sub3A_856 = arith.subi %div3A_835, %sub3A_855 : i32
      %select_n3A_857 = arith.select %and3A_854, %sub3A_856, %div3A_835 : i32
      %jit3A_858 = arith.constant 16384 : i32
      %eq3A_859 = arith.constant 0 : i32
      %eq3A_860 = arith.cmpi eq, %jit3A_858, %eq3A_859 : i32
      %jit3A_861 = arith.constant 1 : i32
      %select_n3A_862 = arith.select %eq3A_860, %jit3A_861, %jit3A_858 : i32
      %rem3A_863 = arith.remsi %add3A_833, %select_n3A_862 : i32
      %ne3A_864 = arith.constant 0 : i32
      %ne3A_865 = arith.cmpi ne, %rem3A_863, %ne3A_864 : i32
      %lt3A_866 = arith.constant 0 : i32
      %lt3A_867 = arith.cmpi slt, %rem3A_863, %lt3A_866 : i32
      %lt3A_868 = arith.constant 0 : i32
      %lt3A_869 = arith.cmpi slt, %select_n3A_862, %lt3A_868 : i32
      %ne3A_870 = arith.xori %lt3A_867, %lt3A_869 : i1
      %and3A_871 = arith.andi %ne3A_870, %ne3A_865 : i1
      %add3A_872 = arith.addi %rem3A_863, %select_n3A_862 : i32
      %select_n3A_873 = arith.select %and3A_871, %add3A_872, %rem3A_863 : i32
      %dma_start3A_874 = arith.constant 256 : i32
      %dma_start3A_875 = arith.constant 0 : i32
      %dma_start3A_876 = tpu.memref_slice %arg8[%dma_start3A_874, %dma_start3A_875] : memref<512x16xf32, #tpu.memory_space<vmem>> -> memref<128x16xf32, #tpu.memory_space<vmem>>
      %dma_start3A_877 = arith.constant 0 : i32
      %dma_start3A_878 = tpu.memref_slice %arg4[%select_n3A_857, %select_n3A_873, %dma_start3A_877] : memref<65x16384x16xf32, #tpu.memory_space<hbm>> -> memref<1x128x16xf32, #tpu.memory_space<hbm>>
      %dma_start3A_879 = tpu.memref_squeeze %dma_start3A_878 : memref<1x128x16xf32, #tpu.memory_space<hbm>> -> memref<128x16xf32, #tpu.memory_space<hbm>>
      %dma_start3A_880 = arith.constant 0 : i32
      %dma_start3A_881 = tpu.memref_slice %arg4[%select_n3A_857, %select_n3A_873, %dma_start3A_880] : memref<65x16384x16xf32, #tpu.memory_space<hbm>> -> memref<1x128x16xf32, #tpu.memory_space<hbm>>
      %dma_start3A_882 = tpu.memref_squeeze %dma_start3A_881 : memref<1x128x16xf32, #tpu.memory_space<hbm>> -> memref<128x16xf32, #tpu.memory_space<hbm>>
      %dma_start3A_883 = arith.constant 256 : i32
      %dma_start3A_884 = arith.constant 0 : i32
      %dma_start3A_885 = tpu.memref_slice %arg8[%dma_start3A_883, %dma_start3A_884] : memref<512x16xf32, #tpu.memory_space<vmem>> -> memref<128x16xf32, #tpu.memory_space<vmem>>
      tpu.enqueue_dma source(%dma_start3A_885 : memref<128x16xf32, #tpu.memory_space<vmem>>) target(%dma_start3A_882 : memref<128x16xf32, #tpu.memory_space<hbm>>) target_semaphore(%arg12 : memref<!tpu.dma_semaphore, #tpu.memory_space<semaphore_mem>>)
      %mul3A_886 = arith.constant 512 : i32
      %mul3A_887 = arith.muli %add3A_632, %mul3A_886 : i32
      %add3A_888 = arith.addi %mul3A_2, %mul3A_887 : i32
      %add3A_889 = arith.constant 384 : i32
      %add3A_890 = arith.addi %add3A_888, %add3A_889 : i32
      %jit3A_891 = arith.constant 16384 : i32
      %div3A_892 = arith.divsi %add3A_890, %jit3A_891 : i32
      %sign3A_893 = arith.constant 0 : i32
      %sign3A_894 = arith.cmpi sgt, %add3A_890, %sign3A_893 : i32
      %sign3A_895 = arith.extui %sign3A_894 : i1 to i32
      %sign3A_896 = arith.constant 0 : i32
      %sign3A_897 = arith.cmpi slt, %add3A_890, %sign3A_896 : i32
      %sign3A_898 = arith.extui %sign3A_897 : i1 to i32
      %sign3A_899 = arith.subi %sign3A_895, %sign3A_898 : i32
      %sign3A_900 = arith.constant 0 : i32
      %sign3A_901 = arith.cmpi sgt, %jit3A_891, %sign3A_900 : i32
      %sign3A_902 = arith.extui %sign3A_901 : i1 to i32
      %sign3A_903 = arith.constant 0 : i32
      %sign3A_904 = arith.cmpi slt, %jit3A_891, %sign3A_903 : i32
      %sign3A_905 = arith.extui %sign3A_904 : i1 to i32
      %sign3A_906 = arith.subi %sign3A_902, %sign3A_905 : i32
      %ne3A_907 = arith.cmpi ne, %sign3A_899, %sign3A_906 : i32
      %rem3A_908 = arith.remsi %add3A_890, %jit3A_891 : i32
      %ne3A_909 = arith.constant 0 : i32
      %ne3A_910 = arith.cmpi ne, %rem3A_908, %ne3A_909 : i32
      %and3A_911 = arith.andi %ne3A_907, %ne3A_910 : i1
      %sub3A_912 = arith.constant 1 : i32
      %sub3A_913 = arith.subi %div3A_892, %sub3A_912 : i32
      %select_n3A_914 = arith.select %and3A_911, %sub3A_913, %div3A_892 : i32
      %jit3A_915 = arith.constant 16384 : i32
      %eq3A_916 = arith.constant 0 : i32
      %eq3A_917 = arith.cmpi eq, %jit3A_915, %eq3A_916 : i32
      %jit3A_918 = arith.constant 1 : i32
      %select_n3A_919 = arith.select %eq3A_917, %jit3A_918, %jit3A_915 : i32
      %rem3A_920 = arith.remsi %add3A_890, %select_n3A_919 : i32
      %ne3A_921 = arith.constant 0 : i32
      %ne3A_922 = arith.cmpi ne, %rem3A_920, %ne3A_921 : i32
      %lt3A_923 = arith.constant 0 : i32
      %lt3A_924 = arith.cmpi slt, %rem3A_920, %lt3A_923 : i32
      %lt3A_925 = arith.constant 0 : i32
      %lt3A_926 = arith.cmpi slt, %select_n3A_919, %lt3A_925 : i32
      %ne3A_927 = arith.xori %lt3A_924, %lt3A_926 : i1
      %and3A_928 = arith.andi %ne3A_927, %ne3A_922 : i1
      %add3A_929 = arith.addi %rem3A_920, %select_n3A_919 : i32
      %select_n3A_930 = arith.select %and3A_928, %add3A_929, %rem3A_920 : i32
      %dma_start3A_931 = arith.constant 384 : i32
      %dma_start3A_932 = arith.constant 0 : i32
      %dma_start3A_933 = tpu.memref_slice %arg8[%dma_start3A_931, %dma_start3A_932] : memref<512x16xf32, #tpu.memory_space<vmem>> -> memref<128x16xf32, #tpu.memory_space<vmem>>
      %dma_start3A_934 = arith.constant 0 : i32
      %dma_start3A_935 = tpu.memref_slice %arg4[%select_n3A_914, %select_n3A_930, %dma_start3A_934] : memref<65x16384x16xf32, #tpu.memory_space<hbm>> -> memref<1x128x16xf32, #tpu.memory_space<hbm>>
      %dma_start3A_936 = tpu.memref_squeeze %dma_start3A_935 : memref<1x128x16xf32, #tpu.memory_space<hbm>> -> memref<128x16xf32, #tpu.memory_space<hbm>>
      %dma_start3A_937 = arith.constant 0 : i32
      %dma_start3A_938 = tpu.memref_slice %arg4[%select_n3A_914, %select_n3A_930, %dma_start3A_937] : memref<65x16384x16xf32, #tpu.memory_space<hbm>> -> memref<1x128x16xf32, #tpu.memory_space<hbm>>
      %dma_start3A_939 = tpu.memref_squeeze %dma_start3A_938 : memref<1x128x16xf32, #tpu.memory_space<hbm>> -> memref<128x16xf32, #tpu.memory_space<hbm>>
      %dma_start3A_940 = arith.constant 384 : i32
      %dma_start3A_941 = arith.constant 0 : i32
      %dma_start3A_942 = tpu.memref_slice %arg8[%dma_start3A_940, %dma_start3A_941] : memref<512x16xf32, #tpu.memory_space<vmem>> -> memref<128x16xf32, #tpu.memory_space<vmem>>
      tpu.enqueue_dma source(%dma_start3A_942 : memref<128x16xf32, #tpu.memory_space<vmem>>) target(%dma_start3A_939 : memref<128x16xf32, #tpu.memory_space<hbm>>) target_semaphore(%arg12 : memref<!tpu.dma_semaphore, #tpu.memory_space<semaphore_mem>>)
    }
    %scan3A_10 = arith.constant 32 : i32
    %dma_wait3A = arith.constant 0 : i32
    %dma_wait3A_11 = tpu.memref_slice %arg2[%dma_wait3A] : memref<1064960xi32, #tpu.memory_space<hbm>> -> memref<512xi32, #tpu.memory_space<hbm>>
    %dma_wait3A_12 = arith.constant 0 : i32
    %dma_wait3A_13 = tpu.memref_slice %arg2[%dma_wait3A_12] : memref<1064960xi32, #tpu.memory_space<hbm>> -> memref<512xi32, #tpu.memory_space<hbm>>
    tpu.wait_dma2 semaphore(%arg9 : memref<!tpu.dma_semaphore, #tpu.memory_space<semaphore_mem>>) src(%dma_wait3A_13 : memref<512xi32, #tpu.memory_space<hbm>>) dst(%arg5 : memref<512xi32, #tpu.memory_space<vmem>>)
    %dma_wait3A_14 = arith.constant 0 : i32
    %dma_wait3A_15 = arith.constant 0 : i32
    %dma_wait3A_16 = arith.constant 0 : i32
    %dma_wait3A_17 = tpu.memref_slice %arg4[%dma_wait3A_14, %dma_wait3A_15, %dma_wait3A_16] : memref<65x16384x16xf32, #tpu.memory_space<hbm>> -> memref<1x512x16xf32, #tpu.memory_space<hbm>>
    %dma_wait3A_18 = tpu.memref_squeeze %dma_wait3A_17 : memref<1x512x16xf32, #tpu.memory_space<hbm>> -> memref<512x16xf32, #tpu.memory_space<hbm>>
    %dma_wait3A_19 = arith.constant 0 : i32
    %dma_wait3A_20 = arith.constant 0 : i32
    %dma_wait3A_21 = tpu.memref_slice %arg4[%dma_wait3A_14, %dma_wait3A_19, %dma_wait3A_20] : memref<65x16384x16xf32, #tpu.memory_space<hbm>> -> memref<1x512x16xf32, #tpu.memory_space<hbm>>
    %dma_wait3A_22 = tpu.memref_squeeze %dma_wait3A_21 : memref<1x512x16xf32, #tpu.memory_space<hbm>> -> memref<512x16xf32, #tpu.memory_space<hbm>>
    tpu.wait_dma2 semaphore(%arg12 : memref<!tpu.dma_semaphore, #tpu.memory_space<semaphore_mem>>) src(%dma_wait3A_22 : memref<512x16xf32, #tpu.memory_space<hbm>>) dst(%arg7 : memref<512x16xf32, #tpu.memory_space<vmem>>)
    %dma_start3A_23 = arith.constant 0 : i32
    %dma_start3A_24 = arith.constant 0 : i32
    %dma_start3A_25 = tpu.memref_slice %arg7[%dma_start3A_23, %dma_start3A_24] : memref<512x16xf32, #tpu.memory_space<vmem>> -> memref<128x16xf32, #tpu.memory_space<vmem>>
    %dma_start3A_26 = arith.constant 0 : i32
    %dma_start3A_27 = tpu.memref_slice %arg5[%dma_start3A_26] : memref<512xi32, #tpu.memory_space<vmem>> -> memref<128xi32, #tpu.memory_space<vmem>>
    %dma_start3A_28 = arith.constant 0 : i32
    %dma_start3A_29 = arith.constant 0 : i32
    %dma_start3A_30 = tpu.memref_slice %arg3[%dma_start3A_28, %dma_start3A_29] : memref<100000x16xf32, #tpu.memory_space<hbm>> -> memref<100000x16xf32, #tpu.memory_space<hbm>>
    tpu.enqueue_indirect_dma source(%dma_start3A_30 : memref<100000x16xf32, #tpu.memory_space<hbm>>) target(%dma_start3A_25 : memref<128x16xf32, #tpu.memory_space<vmem>>) offsets(%dma_start3A_27 : memref<128xi32, #tpu.memory_space<vmem>>) semaphore(%arg11 : memref<!tpu.dma_semaphore, #tpu.memory_space<semaphore_mem>>)
    %dma_start3A_31 = arith.constant 128 : i32
    %dma_start3A_32 = arith.constant 0 : i32
    %dma_start3A_33 = tpu.memref_slice %arg7[%dma_start3A_31, %dma_start3A_32] : memref<512x16xf32, #tpu.memory_space<vmem>> -> memref<128x16xf32, #tpu.memory_space<vmem>>
    %dma_start3A_34 = arith.constant 128 : i32
    %dma_start3A_35 = tpu.memref_slice %arg5[%dma_start3A_34] : memref<512xi32, #tpu.memory_space<vmem>> -> memref<128xi32, #tpu.memory_space<vmem>>
    %dma_start3A_36 = arith.constant 0 : i32
    %dma_start3A_37 = arith.constant 0 : i32
    %dma_start3A_38 = tpu.memref_slice %arg3[%dma_start3A_36, %dma_start3A_37] : memref<100000x16xf32, #tpu.memory_space<hbm>> -> memref<100000x16xf32, #tpu.memory_space<hbm>>
    tpu.enqueue_indirect_dma source(%dma_start3A_38 : memref<100000x16xf32, #tpu.memory_space<hbm>>) target(%dma_start3A_33 : memref<128x16xf32, #tpu.memory_space<vmem>>) offsets(%dma_start3A_35 : memref<128xi32, #tpu.memory_space<vmem>>) semaphore(%arg11 : memref<!tpu.dma_semaphore, #tpu.memory_space<semaphore_mem>>)
    %dma_start3A_39 = arith.constant 256 : i32
    %dma_start3A_40 = arith.constant 0 : i32
    %dma_start3A_41 = tpu.memref_slice %arg7[%dma_start3A_39, %dma_start3A_40] : memref<512x16xf32, #tpu.memory_space<vmem>> -> memref<128x16xf32, #tpu.memory_space<vmem>>
    %dma_start3A_42 = arith.constant 256 : i32
    %dma_start3A_43 = tpu.memref_slice %arg5[%dma_start3A_42] : memref<512xi32, #tpu.memory_space<vmem>> -> memref<128xi32, #tpu.memory_space<vmem>>
    %dma_start3A_44 = arith.constant 0 : i32
    %dma_start3A_45 = arith.constant 0 : i32
    %dma_start3A_46 = tpu.memref_slice %arg3[%dma_start3A_44, %dma_start3A_45] : memref<100000x16xf32, #tpu.memory_space<hbm>> -> memref<100000x16xf32, #tpu.memory_space<hbm>>
    tpu.enqueue_indirect_dma source(%dma_start3A_46 : memref<100000x16xf32, #tpu.memory_space<hbm>>) target(%dma_start3A_41 : memref<128x16xf32, #tpu.memory_space<vmem>>) offsets(%dma_start3A_43 : memref<128xi32, #tpu.memory_space<vmem>>) semaphore(%arg11 : memref<!tpu.dma_semaphore, #tpu.memory_space<semaphore_mem>>)
    %dma_start3A_47 = arith.constant 384 : i32
    %dma_start3A_48 = arith.constant 0 : i32
    %dma_start3A_49 = tpu.memref_slice %arg7[%dma_start3A_47, %dma_start3A_48] : memref<512x16xf32, #tpu.memory_space<vmem>> -> memref<128x16xf32, #tpu.memory_space<vmem>>
    %dma_start3A_50 = arith.constant 384 : i32
    %dma_start3A_51 = tpu.memref_slice %arg5[%dma_start3A_50] : memref<512xi32, #tpu.memory_space<vmem>> -> memref<128xi32, #tpu.memory_space<vmem>>
    %dma_start3A_52 = arith.constant 0 : i32
    %dma_start3A_53 = arith.constant 0 : i32
    %dma_start3A_54 = tpu.memref_slice %arg3[%dma_start3A_52, %dma_start3A_53] : memref<100000x16xf32, #tpu.memory_space<hbm>> -> memref<100000x16xf32, #tpu.memory_space<hbm>>
    tpu.enqueue_indirect_dma source(%dma_start3A_54 : memref<100000x16xf32, #tpu.memory_space<hbm>>) target(%dma_start3A_49 : memref<128x16xf32, #tpu.memory_space<vmem>>) offsets(%dma_start3A_51 : memref<128xi32, #tpu.memory_space<vmem>>) semaphore(%arg11 : memref<!tpu.dma_semaphore, #tpu.memory_space<semaphore_mem>>)
    %dma_wait3A_55 = arith.constant 0 : i32
    %dma_wait3A_56 = arith.constant 0 : i32
    %dma_wait3A_57 = tpu.memref_slice %arg7[%dma_wait3A_55, %dma_wait3A_56] : memref<512x16xf32, #tpu.memory_space<vmem>> -> memref<128x16xf32, #tpu.memory_space<vmem>>
    %dma_wait3A_58 = arith.constant 0 : i32
    %dma_wait3A_59 = tpu.memref_slice %arg5[%dma_wait3A_58] : memref<512xi32, #tpu.memory_space<vmem>> -> memref<128xi32, #tpu.memory_space<vmem>>
    %dma_wait3A_60 = arith.constant 0 : i32
    %dma_wait3A_61 = arith.constant 0 : i32
    %dma_wait3A_62 = tpu.memref_slice %arg3[%dma_wait3A_60, %dma_wait3A_61] : memref<100000x16xf32, #tpu.memory_space<hbm>> -> memref<100000x16xf32, #tpu.memory_space<hbm>>
    tpu.wait_indirect_dma semaphore(%arg11 : memref<!tpu.dma_semaphore, #tpu.memory_space<semaphore_mem>>) src(%dma_wait3A_62 : memref<100000x16xf32, #tpu.memory_space<hbm>>) dst(%dma_wait3A_57 : memref<128x16xf32, #tpu.memory_space<vmem>>)
    %dma_wait3A_63 = arith.constant 128 : i32
    %dma_wait3A_64 = arith.constant 0 : i32
    %dma_wait3A_65 = tpu.memref_slice %arg7[%dma_wait3A_63, %dma_wait3A_64] : memref<512x16xf32, #tpu.memory_space<vmem>> -> memref<128x16xf32, #tpu.memory_space<vmem>>
    %dma_wait3A_66 = arith.constant 128 : i32
    %dma_wait3A_67 = tpu.memref_slice %arg5[%dma_wait3A_66] : memref<512xi32, #tpu.memory_space<vmem>> -> memref<128xi32, #tpu.memory_space<vmem>>
    %dma_wait3A_68 = arith.constant 0 : i32
    %dma_wait3A_69 = arith.constant 0 : i32
    %dma_wait3A_70 = tpu.memref_slice %arg3[%dma_wait3A_68, %dma_wait3A_69] : memref<100000x16xf32, #tpu.memory_space<hbm>> -> memref<100000x16xf32, #tpu.memory_space<hbm>>
    tpu.wait_indirect_dma semaphore(%arg11 : memref<!tpu.dma_semaphore, #tpu.memory_space<semaphore_mem>>) src(%dma_wait3A_70 : memref<100000x16xf32, #tpu.memory_space<hbm>>) dst(%dma_wait3A_65 : memref<128x16xf32, #tpu.memory_space<vmem>>)
    %dma_wait3A_71 = arith.constant 256 : i32
    %dma_wait3A_72 = arith.constant 0 : i32
    %dma_wait3A_73 = tpu.memref_slice %arg7[%dma_wait3A_71, %dma_wait3A_72] : memref<512x16xf32, #tpu.memory_space<vmem>> -> memref<128x16xf32, #tpu.memory_space<vmem>>
    %dma_wait3A_74 = arith.constant 256 : i32
    %dma_wait3A_75 = tpu.memref_slice %arg5[%dma_wait3A_74] : memref<512xi32, #tpu.memory_space<vmem>> -> memref<128xi32, #tpu.memory_space<vmem>>
    %dma_wait3A_76 = arith.constant 0 : i32
    %dma_wait3A_77 = arith.constant 0 : i32
    %dma_wait3A_78 = tpu.memref_slice %arg3[%dma_wait3A_76, %dma_wait3A_77] : memref<100000x16xf32, #tpu.memory_space<hbm>> -> memref<100000x16xf32, #tpu.memory_space<hbm>>
    tpu.wait_indirect_dma semaphore(%arg11 : memref<!tpu.dma_semaphore, #tpu.memory_space<semaphore_mem>>) src(%dma_wait3A_78 : memref<100000x16xf32, #tpu.memory_space<hbm>>) dst(%dma_wait3A_73 : memref<128x16xf32, #tpu.memory_space<vmem>>)
    %dma_wait3A_79 = arith.constant 384 : i32
    %dma_wait3A_80 = arith.constant 0 : i32
    %dma_wait3A_81 = tpu.memref_slice %arg7[%dma_wait3A_79, %dma_wait3A_80] : memref<512x16xf32, #tpu.memory_space<vmem>> -> memref<128x16xf32, #tpu.memory_space<vmem>>
    %dma_wait3A_82 = arith.constant 384 : i32
    %dma_wait3A_83 = tpu.memref_slice %arg5[%dma_wait3A_82] : memref<512xi32, #tpu.memory_space<vmem>> -> memref<128xi32, #tpu.memory_space<vmem>>
    %dma_wait3A_84 = arith.constant 0 : i32
    %dma_wait3A_85 = arith.constant 0 : i32
    %dma_wait3A_86 = tpu.memref_slice %arg3[%dma_wait3A_84, %dma_wait3A_85] : memref<100000x16xf32, #tpu.memory_space<hbm>> -> memref<100000x16xf32, #tpu.memory_space<hbm>>
    tpu.wait_indirect_dma semaphore(%arg11 : memref<!tpu.dma_semaphore, #tpu.memory_space<semaphore_mem>>) src(%dma_wait3A_86 : memref<100000x16xf32, #tpu.memory_space<hbm>>) dst(%dma_wait3A_81 : memref<128x16xf32, #tpu.memory_space<vmem>>)
    %dma_wait3A_87 = arith.constant 0 : i32
    %dma_wait3A_88 = arith.constant 0 : i32
    %dma_wait3A_89 = arith.constant 0 : i32
    %dma_wait3A_90 = tpu.memref_slice %arg4[%dma_wait3A_87, %dma_wait3A_88, %dma_wait3A_89] : memref<65x16384x16xf32, #tpu.memory_space<hbm>> -> memref<1x512x16xf32, #tpu.memory_space<hbm>>
    %dma_wait3A_91 = tpu.memref_squeeze %dma_wait3A_90 : memref<1x512x16xf32, #tpu.memory_space<hbm>> -> memref<512x16xf32, #tpu.memory_space<hbm>>
    %dma_wait3A_92 = arith.constant 0 : i32
    %dma_wait3A_93 = arith.constant 0 : i32
    %dma_wait3A_94 = tpu.memref_slice %arg4[%dma_wait3A_87, %dma_wait3A_92, %dma_wait3A_93] : memref<65x16384x16xf32, #tpu.memory_space<hbm>> -> memref<1x512x16xf32, #tpu.memory_space<hbm>>
    %dma_wait3A_95 = tpu.memref_squeeze %dma_wait3A_94 : memref<1x512x16xf32, #tpu.memory_space<hbm>> -> memref<512x16xf32, #tpu.memory_space<hbm>>
    tpu.wait_dma2 semaphore(%arg12 : memref<!tpu.dma_semaphore, #tpu.memory_space<semaphore_mem>>) src(%dma_wait3A_95 : memref<512x16xf32, #tpu.memory_space<hbm>>) dst(%arg8 : memref<512x16xf32, #tpu.memory_space<vmem>>)
    %add3A_96 = arith.constant 32768 : i32
    %add3A_97 = arith.addi %mul3A_2, %add3A_96 : i32
    %add3A_98 = arith.constant 0 : i32
    %add3A_99 = arith.addi %add3A_97, %add3A_98 : i32
    %jit3A = arith.constant 16384 : i32
    %div3A = arith.divsi %add3A_99, %jit3A : i32
    %sign3A = arith.constant 0 : i32
    %sign3A_100 = arith.cmpi sgt, %add3A_99, %sign3A : i32
    %sign3A_101 = arith.extui %sign3A_100 : i1 to i32
    %sign3A_102 = arith.constant 0 : i32
    %sign3A_103 = arith.cmpi slt, %add3A_99, %sign3A_102 : i32
    %sign3A_104 = arith.extui %sign3A_103 : i1 to i32
    %sign3A_105 = arith.subi %sign3A_101, %sign3A_104 : i32
    %sign3A_106 = arith.constant 0 : i32
    %sign3A_107 = arith.cmpi sgt, %jit3A, %sign3A_106 : i32
    %sign3A_108 = arith.extui %sign3A_107 : i1 to i32
    %sign3A_109 = arith.constant 0 : i32
    %sign3A_110 = arith.cmpi slt, %jit3A, %sign3A_109 : i32
    %sign3A_111 = arith.extui %sign3A_110 : i1 to i32
    %sign3A_112 = arith.subi %sign3A_108, %sign3A_111 : i32
    %ne3A = arith.cmpi ne, %sign3A_105, %sign3A_112 : i32
    %rem3A = arith.remsi %add3A_99, %jit3A : i32
    %ne3A_113 = arith.constant 0 : i32
    %ne3A_114 = arith.cmpi ne, %rem3A, %ne3A_113 : i32
    %and3A = arith.andi %ne3A, %ne3A_114 : i1
    %sub3A = arith.constant 1 : i32
    %sub3A_115 = arith.subi %div3A, %sub3A : i32
    %select_n3A = arith.select %and3A, %sub3A_115, %div3A : i32
    %jit3A_116 = arith.constant 16384 : i32
    %eq3A = arith.constant 0 : i32
    %eq3A_117 = arith.cmpi eq, %jit3A_116, %eq3A : i32
    %jit3A_118 = arith.constant 1 : i32
    %select_n3A_119 = arith.select %eq3A_117, %jit3A_118, %jit3A_116 : i32
    %rem3A_120 = arith.remsi %add3A_99, %select_n3A_119 : i32
    %ne3A_121 = arith.constant 0 : i32
    %ne3A_122 = arith.cmpi ne, %rem3A_120, %ne3A_121 : i32
    %lt3A = arith.constant 0 : i32
    %lt3A_123 = arith.cmpi slt, %rem3A_120, %lt3A : i32
    %lt3A_124 = arith.constant 0 : i32
    %lt3A_125 = arith.cmpi slt, %select_n3A_119, %lt3A_124 : i32
    %ne3A_126 = arith.xori %lt3A_123, %lt3A_125 : i1
    %and3A_127 = arith.andi %ne3A_126, %ne3A_122 : i1
    %add3A_128 = arith.addi %rem3A_120, %select_n3A_119 : i32
    %select_n3A_129 = arith.select %and3A_127, %add3A_128, %rem3A_120 : i32
    %dma_start3A_130 = arith.constant 0 : i32
    %dma_start3A_131 = arith.constant 0 : i32
    %dma_start3A_132 = tpu.memref_slice %arg7[%dma_start3A_130, %dma_start3A_131] : memref<512x16xf32, #tpu.memory_space<vmem>> -> memref<128x16xf32, #tpu.memory_space<vmem>>
    %dma_start3A_133 = arith.constant 0 : i32
    %dma_start3A_134 = tpu.memref_slice %arg4[%select_n3A, %select_n3A_129, %dma_start3A_133] : memref<65x16384x16xf32, #tpu.memory_space<hbm>> -> memref<1x128x16xf32, #tpu.memory_space<hbm>>
    %dma_start3A_135 = tpu.memref_squeeze %dma_start3A_134 : memref<1x128x16xf32, #tpu.memory_space<hbm>> -> memref<128x16xf32, #tpu.memory_space<hbm>>
    %dma_start3A_136 = arith.constant 0 : i32
    %dma_start3A_137 = tpu.memref_slice %arg4[%select_n3A, %select_n3A_129, %dma_start3A_136] : memref<65x16384x16xf32, #tpu.memory_space<hbm>> -> memref<1x128x16xf32, #tpu.memory_space<hbm>>
    %dma_start3A_138 = tpu.memref_squeeze %dma_start3A_137 : memref<1x128x16xf32, #tpu.memory_space<hbm>> -> memref<128x16xf32, #tpu.memory_space<hbm>>
    %dma_start3A_139 = arith.constant 0 : i32
    %dma_start3A_140 = arith.constant 0 : i32
    %dma_start3A_141 = tpu.memref_slice %arg7[%dma_start3A_139, %dma_start3A_140] : memref<512x16xf32, #tpu.memory_space<vmem>> -> memref<128x16xf32, #tpu.memory_space<vmem>>
    tpu.enqueue_dma source(%dma_start3A_141 : memref<128x16xf32, #tpu.memory_space<vmem>>) target(%dma_start3A_138 : memref<128x16xf32, #tpu.memory_space<hbm>>) target_semaphore(%arg12 : memref<!tpu.dma_semaphore, #tpu.memory_space<semaphore_mem>>)
    %add3A_142 = arith.constant 32768 : i32
    %add3A_143 = arith.addi %mul3A_2, %add3A_142 : i32
    %add3A_144 = arith.constant 128 : i32
    %add3A_145 = arith.addi %add3A_143, %add3A_144 : i32
    %jit3A_146 = arith.constant 16384 : i32
    %div3A_147 = arith.divsi %add3A_145, %jit3A_146 : i32
    %sign3A_148 = arith.constant 0 : i32
    %sign3A_149 = arith.cmpi sgt, %add3A_145, %sign3A_148 : i32
    %sign3A_150 = arith.extui %sign3A_149 : i1 to i32
    %sign3A_151 = arith.constant 0 : i32
    %sign3A_152 = arith.cmpi slt, %add3A_145, %sign3A_151 : i32
    %sign3A_153 = arith.extui %sign3A_152 : i1 to i32
    %sign3A_154 = arith.subi %sign3A_150, %sign3A_153 : i32
    %sign3A_155 = arith.constant 0 : i32
    %sign3A_156 = arith.cmpi sgt, %jit3A_146, %sign3A_155 : i32
    %sign3A_157 = arith.extui %sign3A_156 : i1 to i32
    %sign3A_158 = arith.constant 0 : i32
    %sign3A_159 = arith.cmpi slt, %jit3A_146, %sign3A_158 : i32
    %sign3A_160 = arith.extui %sign3A_159 : i1 to i32
    %sign3A_161 = arith.subi %sign3A_157, %sign3A_160 : i32
    %ne3A_162 = arith.cmpi ne, %sign3A_154, %sign3A_161 : i32
    %rem3A_163 = arith.remsi %add3A_145, %jit3A_146 : i32
    %ne3A_164 = arith.constant 0 : i32
    %ne3A_165 = arith.cmpi ne, %rem3A_163, %ne3A_164 : i32
    %and3A_166 = arith.andi %ne3A_162, %ne3A_165 : i1
    %sub3A_167 = arith.constant 1 : i32
    %sub3A_168 = arith.subi %div3A_147, %sub3A_167 : i32
    %select_n3A_169 = arith.select %and3A_166, %sub3A_168, %div3A_147 : i32
    %jit3A_170 = arith.constant 16384 : i32
    %eq3A_171 = arith.constant 0 : i32
    %eq3A_172 = arith.cmpi eq, %jit3A_170, %eq3A_171 : i32
    %jit3A_173 = arith.constant 1 : i32
    %select_n3A_174 = arith.select %eq3A_172, %jit3A_173, %jit3A_170 : i32
    %rem3A_175 = arith.remsi %add3A_145, %select_n3A_174 : i32
    %ne3A_176 = arith.constant 0 : i32
    %ne3A_177 = arith.cmpi ne, %rem3A_175, %ne3A_176 : i32
    %lt3A_178 = arith.constant 0 : i32
    %lt3A_179 = arith.cmpi slt, %rem3A_175, %lt3A_178 : i32
    %lt3A_180 = arith.constant 0 : i32
    %lt3A_181 = arith.cmpi slt, %select_n3A_174, %lt3A_180 : i32
    %ne3A_182 = arith.xori %lt3A_179, %lt3A_181 : i1
    %and3A_183 = arith.andi %ne3A_182, %ne3A_177 : i1
    %add3A_184 = arith.addi %rem3A_175, %select_n3A_174 : i32
    %select_n3A_185 = arith.select %and3A_183, %add3A_184, %rem3A_175 : i32
    %dma_start3A_186 = arith.constant 128 : i32
    %dma_start3A_187 = arith.constant 0 : i32
    %dma_start3A_188 = tpu.memref_slice %arg7[%dma_start3A_186, %dma_start3A_187] : memref<512x16xf32, #tpu.memory_space<vmem>> -> memref<128x16xf32, #tpu.memory_space<vmem>>
    %dma_start3A_189 = arith.constant 0 : i32
    %dma_start3A_190 = tpu.memref_slice %arg4[%select_n3A_169, %select_n3A_185, %dma_start3A_189] : memref<65x16384x16xf32, #tpu.memory_space<hbm>> -> memref<1x128x16xf32, #tpu.memory_space<hbm>>
    %dma_start3A_191 = tpu.memref_squeeze %dma_start3A_190 : memref<1x128x16xf32, #tpu.memory_space<hbm>> -> memref<128x16xf32, #tpu.memory_space<hbm>>
    %dma_start3A_192 = arith.constant 0 : i32
    %dma_start3A_193 = tpu.memref_slice %arg4[%select_n3A_169, %select_n3A_185, %dma_start3A_192] : memref<65x16384x16xf32, #tpu.memory_space<hbm>> -> memref<1x128x16xf32, #tpu.memory_space<hbm>>
    %dma_start3A_194 = tpu.memref_squeeze %dma_start3A_193 : memref<1x128x16xf32, #tpu.memory_space<hbm>> -> memref<128x16xf32, #tpu.memory_space<hbm>>
    %dma_start3A_195 = arith.constant 128 : i32
    %dma_start3A_196 = arith.constant 0 : i32
    %dma_start3A_197 = tpu.memref_slice %arg7[%dma_start3A_195, %dma_start3A_196] : memref<512x16xf32, #tpu.memory_space<vmem>> -> memref<128x16xf32, #tpu.memory_space<vmem>>
    tpu.enqueue_dma source(%dma_start3A_197 : memref<128x16xf32, #tpu.memory_space<vmem>>) target(%dma_start3A_194 : memref<128x16xf32, #tpu.memory_space<hbm>>) target_semaphore(%arg12 : memref<!tpu.dma_semaphore, #tpu.memory_space<semaphore_mem>>)
    %add3A_198 = arith.constant 32768 : i32
    %add3A_199 = arith.addi %mul3A_2, %add3A_198 : i32
    %add3A_200 = arith.constant 256 : i32
    %add3A_201 = arith.addi %add3A_199, %add3A_200 : i32
    %jit3A_202 = arith.constant 16384 : i32
    %div3A_203 = arith.divsi %add3A_201, %jit3A_202 : i32
    %sign3A_204 = arith.constant 0 : i32
    %sign3A_205 = arith.cmpi sgt, %add3A_201, %sign3A_204 : i32
    %sign3A_206 = arith.extui %sign3A_205 : i1 to i32
    %sign3A_207 = arith.constant 0 : i32
    %sign3A_208 = arith.cmpi slt, %add3A_201, %sign3A_207 : i32
    %sign3A_209 = arith.extui %sign3A_208 : i1 to i32
    %sign3A_210 = arith.subi %sign3A_206, %sign3A_209 : i32
    %sign3A_211 = arith.constant 0 : i32
    %sign3A_212 = arith.cmpi sgt, %jit3A_202, %sign3A_211 : i32
    %sign3A_213 = arith.extui %sign3A_212 : i1 to i32
    %sign3A_214 = arith.constant 0 : i32
    %sign3A_215 = arith.cmpi slt, %jit3A_202, %sign3A_214 : i32
    %sign3A_216 = arith.extui %sign3A_215 : i1 to i32
    %sign3A_217 = arith.subi %sign3A_213, %sign3A_216 : i32
    %ne3A_218 = arith.cmpi ne, %sign3A_210, %sign3A_217 : i32
    %rem3A_219 = arith.remsi %add3A_201, %jit3A_202 : i32
    %ne3A_220 = arith.constant 0 : i32
    %ne3A_221 = arith.cmpi ne, %rem3A_219, %ne3A_220 : i32
    %and3A_222 = arith.andi %ne3A_218, %ne3A_221 : i1
    %sub3A_223 = arith.constant 1 : i32
    %sub3A_224 = arith.subi %div3A_203, %sub3A_223 : i32
    %select_n3A_225 = arith.select %and3A_222, %sub3A_224, %div3A_203 : i32
    %jit3A_226 = arith.constant 16384 : i32
    %eq3A_227 = arith.constant 0 : i32
    %eq3A_228 = arith.cmpi eq, %jit3A_226, %eq3A_227 : i32
    %jit3A_229 = arith.constant 1 : i32
    %select_n3A_230 = arith.select %eq3A_228, %jit3A_229, %jit3A_226 : i32
    %rem3A_231 = arith.remsi %add3A_201, %select_n3A_230 : i32
    %ne3A_232 = arith.constant 0 : i32
    %ne3A_233 = arith.cmpi ne, %rem3A_231, %ne3A_232 : i32
    %lt3A_234 = arith.constant 0 : i32
    %lt3A_235 = arith.cmpi slt, %rem3A_231, %lt3A_234 : i32
    %lt3A_236 = arith.constant 0 : i32
    %lt3A_237 = arith.cmpi slt, %select_n3A_230, %lt3A_236 : i32
    %ne3A_238 = arith.xori %lt3A_235, %lt3A_237 : i1
    %and3A_239 = arith.andi %ne3A_238, %ne3A_233 : i1
    %add3A_240 = arith.addi %rem3A_231, %select_n3A_230 : i32
    %select_n3A_241 = arith.select %and3A_239, %add3A_240, %rem3A_231 : i32
    %dma_start3A_242 = arith.constant 256 : i32
    %dma_start3A_243 = arith.constant 0 : i32
    %dma_start3A_244 = tpu.memref_slice %arg7[%dma_start3A_242, %dma_start3A_243] : memref<512x16xf32, #tpu.memory_space<vmem>> -> memref<128x16xf32, #tpu.memory_space<vmem>>
    %dma_start3A_245 = arith.constant 0 : i32
    %dma_start3A_246 = tpu.memref_slice %arg4[%select_n3A_225, %select_n3A_241, %dma_start3A_245] : memref<65x16384x16xf32, #tpu.memory_space<hbm>> -> memref<1x128x16xf32, #tpu.memory_space<hbm>>
    %dma_start3A_247 = tpu.memref_squeeze %dma_start3A_246 : memref<1x128x16xf32, #tpu.memory_space<hbm>> -> memref<128x16xf32, #tpu.memory_space<hbm>>
    %dma_start3A_248 = arith.constant 0 : i32
    %dma_start3A_249 = tpu.memref_slice %arg4[%select_n3A_225, %select_n3A_241, %dma_start3A_248] : memref<65x16384x16xf32, #tpu.memory_space<hbm>> -> memref<1x128x16xf32, #tpu.memory_space<hbm>>
    %dma_start3A_250 = tpu.memref_squeeze %dma_start3A_249 : memref<1x128x16xf32, #tpu.memory_space<hbm>> -> memref<128x16xf32, #tpu.memory_space<hbm>>
    %dma_start3A_251 = arith.constant 256 : i32
    %dma_start3A_252 = arith.constant 0 : i32
    %dma_start3A_253 = tpu.memref_slice %arg7[%dma_start3A_251, %dma_start3A_252] : memref<512x16xf32, #tpu.memory_space<vmem>> -> memref<128x16xf32, #tpu.memory_space<vmem>>
    tpu.enqueue_dma source(%dma_start3A_253 : memref<128x16xf32, #tpu.memory_space<vmem>>) target(%dma_start3A_250 : memref<128x16xf32, #tpu.memory_space<hbm>>) target_semaphore(%arg12 : memref<!tpu.dma_semaphore, #tpu.memory_space<semaphore_mem>>)
    %add3A_254 = arith.constant 32768 : i32
    %add3A_255 = arith.addi %mul3A_2, %add3A_254 : i32
    %add3A_256 = arith.constant 384 : i32
    %add3A_257 = arith.addi %add3A_255, %add3A_256 : i32
    %jit3A_258 = arith.constant 16384 : i32
    %div3A_259 = arith.divsi %add3A_257, %jit3A_258 : i32
    %sign3A_260 = arith.constant 0 : i32
    %sign3A_261 = arith.cmpi sgt, %add3A_257, %sign3A_260 : i32
    %sign3A_262 = arith.extui %sign3A_261 : i1 to i32
    %sign3A_263 = arith.constant 0 : i32
    %sign3A_264 = arith.cmpi slt, %add3A_257, %sign3A_263 : i32
    %sign3A_265 = arith.extui %sign3A_264 : i1 to i32
    %sign3A_266 = arith.subi %sign3A_262, %sign3A_265 : i32
    %sign3A_267 = arith.constant 0 : i32
    %sign3A_268 = arith.cmpi sgt, %jit3A_258, %sign3A_267 : i32
    %sign3A_269 = arith.extui %sign3A_268 : i1 to i32
    %sign3A_270 = arith.constant 0 : i32
    %sign3A_271 = arith.cmpi slt, %jit3A_258, %sign3A_270 : i32
    %sign3A_272 = arith.extui %sign3A_271 : i1 to i32
    %sign3A_273 = arith.subi %sign3A_269, %sign3A_272 : i32
    %ne3A_274 = arith.cmpi ne, %sign3A_266, %sign3A_273 : i32
    %rem3A_275 = arith.remsi %add3A_257, %jit3A_258 : i32
    %ne3A_276 = arith.constant 0 : i32
    %ne3A_277 = arith.cmpi ne, %rem3A_275, %ne3A_276 : i32
    %and3A_278 = arith.andi %ne3A_274, %ne3A_277 : i1
    %sub3A_279 = arith.constant 1 : i32
    %sub3A_280 = arith.subi %div3A_259, %sub3A_279 : i32
    %select_n3A_281 = arith.select %and3A_278, %sub3A_280, %div3A_259 : i32
    %jit3A_282 = arith.constant 16384 : i32
    %eq3A_283 = arith.constant 0 : i32
    %eq3A_284 = arith.cmpi eq, %jit3A_282, %eq3A_283 : i32
    %jit3A_285 = arith.constant 1 : i32
    %select_n3A_286 = arith.select %eq3A_284, %jit3A_285, %jit3A_282 : i32
    %rem3A_287 = arith.remsi %add3A_257, %select_n3A_286 : i32
    %ne3A_288 = arith.constant 0 : i32
    %ne3A_289 = arith.cmpi ne, %rem3A_287, %ne3A_288 : i32
    %lt3A_290 = arith.constant 0 : i32
    %lt3A_291 = arith.cmpi slt, %rem3A_287, %lt3A_290 : i32
    %lt3A_292 = arith.constant 0 : i32
    %lt3A_293 = arith.cmpi slt, %select_n3A_286, %lt3A_292 : i32
    %ne3A_294 = arith.xori %lt3A_291, %lt3A_293 : i1
    %and3A_295 = arith.andi %ne3A_294, %ne3A_289 : i1
    %add3A_296 = arith.addi %rem3A_287, %select_n3A_286 : i32
    %select_n3A_297 = arith.select %and3A_295, %add3A_296, %rem3A_287 : i32
    %dma_start3A_298 = arith.constant 384 : i32
    %dma_start3A_299 = arith.constant 0 : i32
    %dma_start3A_300 = tpu.memref_slice %arg7[%dma_start3A_298, %dma_start3A_299] : memref<512x16xf32, #tpu.memory_space<vmem>> -> memref<128x16xf32, #tpu.memory_space<vmem>>
    %dma_start3A_301 = arith.constant 0 : i32
    %dma_start3A_302 = tpu.memref_slice %arg4[%select_n3A_281, %select_n3A_297, %dma_start3A_301] : memref<65x16384x16xf32, #tpu.memory_space<hbm>> -> memref<1x128x16xf32, #tpu.memory_space<hbm>>
    %dma_start3A_303 = tpu.memref_squeeze %dma_start3A_302 : memref<1x128x16xf32, #tpu.memory_space<hbm>> -> memref<128x16xf32, #tpu.memory_space<hbm>>
    %dma_start3A_304 = arith.constant 0 : i32
    %dma_start3A_305 = tpu.memref_slice %arg4[%select_n3A_281, %select_n3A_297, %dma_start3A_304] : memref<65x16384x16xf32, #tpu.memory_space<hbm>> -> memref<1x128x16xf32, #tpu.memory_space<hbm>>
    %dma_start3A_306 = tpu.memref_squeeze %dma_start3A_305 : memref<1x128x16xf32, #tpu.memory_space<hbm>> -> memref<128x16xf32, #tpu.memory_space<hbm>>
    %dma_start3A_307 = arith.constant 384 : i32
    %dma_start3A_308 = arith.constant 0 : i32
    %dma_start3A_309 = tpu.memref_slice %arg7[%dma_start3A_307, %dma_start3A_308] : memref<512x16xf32, #tpu.memory_space<vmem>> -> memref<128x16xf32, #tpu.memory_space<vmem>>
    tpu.enqueue_dma source(%dma_start3A_309 : memref<128x16xf32, #tpu.memory_space<vmem>>) target(%dma_start3A_306 : memref<128x16xf32, #tpu.memory_space<hbm>>) target_semaphore(%arg12 : memref<!tpu.dma_semaphore, #tpu.memory_space<semaphore_mem>>)
    %dma_wait3A_310 = arith.constant 0 : i32
    %dma_wait3A_311 = arith.constant 0 : i32
    %dma_wait3A_312 = arith.constant 0 : i32
    %dma_wait3A_313 = tpu.memref_slice %arg4[%dma_wait3A_310, %dma_wait3A_311, %dma_wait3A_312] : memref<65x16384x16xf32, #tpu.memory_space<hbm>> -> memref<1x512x16xf32, #tpu.memory_space<hbm>>
    %dma_wait3A_314 = tpu.memref_squeeze %dma_wait3A_313 : memref<1x512x16xf32, #tpu.memory_space<hbm>> -> memref<512x16xf32, #tpu.memory_space<hbm>>
    %dma_wait3A_315 = arith.constant 0 : i32
    %dma_wait3A_316 = arith.constant 0 : i32
    %dma_wait3A_317 = tpu.memref_slice %arg4[%dma_wait3A_310, %dma_wait3A_315, %dma_wait3A_316] : memref<65x16384x16xf32, #tpu.memory_space<hbm>> -> memref<1x512x16xf32, #tpu.memory_space<hbm>>
    %dma_wait3A_318 = tpu.memref_squeeze %dma_wait3A_317 : memref<1x512x16xf32, #tpu.memory_space<hbm>> -> memref<512x16xf32, #tpu.memory_space<hbm>>
    tpu.wait_dma2 semaphore(%arg12 : memref<!tpu.dma_semaphore, #tpu.memory_space<semaphore_mem>>) src(%dma_wait3A_318 : memref<512x16xf32, #tpu.memory_space<hbm>>) dst(%arg7 : memref<512x16xf32, #tpu.memory_space<vmem>>)
    return
  }
}

#map = affine_map<(d0, d1) -> (0)>
#map1 = affine_map<(d0, d1) -> (0, 0)>
module attributes {stable_mosaic.version = 14 : i64} {
  func.func @_sc_update_body(%arg0: i32, %arg1: i32, %arg2: memref<16384xi32, #tpu.memory_space<hbm>>, %arg3: memref<16384x16xf32, #tpu.memory_space<hbm>>, %arg4: memref<16384x16xf32, #tpu.memory_space<hbm>>, %arg5: memref<100000x16xf32, #tpu.memory_space<hbm>>, %arg6: memref<100000x16xf32, #tpu.memory_space<hbm>>, %arg7: memref<100000x16xf32, #tpu.memory_space<hbm>>, %arg8: memref<100000x16xf32, #tpu.memory_space<hbm>>, %arg9: memref<16384xi32, #tpu.memory_space<vmem>>, %arg10: memref<16512xi32, #tpu.memory_space<vmem>>, %arg11: memref<16512xi32, #tpu.memory_space<vmem>>, %arg12: memref<3125x16xf32, #tpu.memory_space<vmem>>, %arg13: memref<128x16xf32, #tpu.memory_space<vmem>>, %arg14: memref<128x16xf32, #tpu.memory_space<vmem>>, %arg15: memref<128x16xf32, #tpu.memory_space<vmem>>, %arg16: memref<!tpu.dma_semaphore, #tpu.memory_space<semaphore_mem>>) attributes {dimension_semantics = [#tpu.dimension_semantics<core_parallel>, #tpu.dimension_semantics<subcore_parallel>], iteration_bounds = array<i64: 2, 16>, scalar_prefetch = 0 : i64, scratch_operands = 8 : i64, tpu.core_type = #tpu.core_type<sc_vector_subcore>, window_params = [{transform_indices = #map}, {transform_indices = #map1}, {transform_indices = #map1}, {transform_indices = #map1}, {transform_indices = #map1}, {transform_indices = #map1}, {transform_indices = #map1}]} {
    %mul3A = arith.constant 2 : i32
    %mul3A_0 = arith.muli %arg1, %mul3A : i32
    %add3A = arith.addi %mul3A_0, %arg0 : i32
    %iota3A = tpu.iota {dimensions = array<i32: 0>} : vector<16xi32>
    %mul3A_1 = arith.constant 3125 : i32
    %mul3A_2 = arith.muli %add3A, %mul3A_1 : i32
    "tpu.region"() ({
      %run_scoped3A = tpu.sem_alloc : memref<!tpu.dma_semaphore, #tpu.memory_space<semaphore_mem>>
      tpu.enqueue_dma source(%arg2 : memref<16384xi32, #tpu.memory_space<hbm>>) target(%arg9 : memref<16384xi32, #tpu.memory_space<vmem>>) target_semaphore(%run_scoped3A : memref<!tpu.dma_semaphore, #tpu.memory_space<semaphore_mem>>)
      tpu.wait_dma2 semaphore(%run_scoped3A : memref<!tpu.dma_semaphore, #tpu.memory_space<semaphore_mem>>) src(%arg2 : memref<16384xi32, #tpu.memory_space<hbm>>) dst(%arg9 : memref<16384xi32, #tpu.memory_space<vmem>>)
      tpu.yield
    }) : () -> ()
    %scan3A = arith.constant 0 : i32
    %scan3A_3 = arith.constant 0 : i32
    %scan3A_4 = arith.constant 1032 : i32
    %scan3A_5 = arith.addi %scan3A_3, %scan3A_4 : i32
    %scan3A_6 = arith.constant 1 : i32
    scf.for %scan3A_54 = %scan3A_3 to %scan3A_5 step %scan3A_6  : i32 {
      %broadcast_in_dim3A = arith.constant 0 : i32
      %broadcast_in_dim3A_55 = vector.broadcast %broadcast_in_dim3A : i32 to vector<16xi32>
      %mul3A_56 = arith.constant 16 : i32
      %mul3A_57 = arith.muli %scan3A_54, %mul3A_56 : i32
      %swap3A = arith.index_cast %mul3A_57 : i32 to index
      %swap3A_58 = tpu.vector_load %arg10[%swap3A] {strides = array<i32>} : memref<16512xi32, #tpu.memory_space<vmem>>, vector<16xi32>,
      tpu.vector_store %arg10[%swap3A], %broadcast_in_dim3A_55 {strides = array<i32>} : memref<16512xi32, #tpu.memory_space<vmem>>, vector<16xi32>,
      %mul3A_59 = arith.constant 16 : i32
      %mul3A_60 = arith.muli %scan3A_54, %mul3A_59 : i32
      %swap3A_61 = arith.index_cast %mul3A_60 : i32 to index
      %swap3A_62 = tpu.vector_load %arg11[%swap3A_61] {strides = array<i32>} : memref<16512xi32, #tpu.memory_space<vmem>>, vector<16xi32>,
      tpu.vector_store %arg11[%swap3A_61], %broadcast_in_dim3A_55 {strides = array<i32>} : memref<16512xi32, #tpu.memory_space<vmem>>, vector<16xi32>,
    }
    %scan3A_7 = arith.constant 1032 : i32
    %scan3A_8 = arith.constant 0 : i32
    %scan3A_9 = arith.constant 0 : i32
    %scan3A_10 = arith.constant 1024 : i32
    %scan3A_11 = arith.addi %scan3A_9, %scan3A_10 : i32
    %scan3A_12 = arith.constant 1 : i32
    %scan3A_13 = scf.for %scan3A_54 = %scan3A_9 to %scan3A_11 step %scan3A_12 iter_args(%scan3A_55 = %scan3A_8) -> (i32)  : i32 {
      %mul3A_56 = arith.constant 16 : i32
      %mul3A_57 = arith.muli %scan3A_54, %mul3A_56 : i32
      %get3A = arith.index_cast %mul3A_57 : i32 to index
      %get3A_58 = tpu.vector_load %arg9[%get3A] {strides = array<i32>} : memref<16384xi32, #tpu.memory_space<vmem>>, vector<16xi32>,
      %broadcast_in_dim3A = vector.broadcast %mul3A_2 : i32 to vector<16xi32>
      %add3A_59 = arith.constant 3125 : i32
      %add3A_60 = arith.addi %mul3A_2, %add3A_59 : i32
      %broadcast_in_dim3A_61 = vector.broadcast %add3A_60 : i32 to vector<16xi32>
      %ge3A = arith.cmpi sge, %get3A_58, %broadcast_in_dim3A : vector<16xi32>
      %lt3A = arith.cmpi slt, %get3A_58, %broadcast_in_dim3A_61 : vector<16xi32>
      %and3A_62 = arith.andi %ge3A, %lt3A : vector<16xi1>
      %broadcast_in_dim3A_63 = arith.constant 1 : i32
      %broadcast_in_dim3A_64 = vector.broadcast %broadcast_in_dim3A_63 : i32 to vector<16xi32>
      %broadcast_in_dim3A_65 = arith.constant 0 : i32
      %broadcast_in_dim3A_66 = vector.broadcast %broadcast_in_dim3A_65 : i32 to vector<16xi32>
      %select_n3A_67 = arith.select %and3A_62, %broadcast_in_dim3A_64, %broadcast_in_dim3A_66 : vector<16xi1>, vector<16xi32>
      %sub3A_68 = arith.constant 1 : i32
      %sub3A_69 = arith.subi %scan3A_55, %sub3A_68 : i32
      %broadcast_in_dim3A_70 = vector.broadcast %sub3A_69 : i32 to vector<16xi32>
      %broadcast_in_dim3A_71 = arith.constant true
      %broadcast_in_dim3A_72 = vector.broadcast %broadcast_in_dim3A_71 : i1 to vector<16xi1>
      %masked_cumsum3A = tpu.scan <sum>, %select_n3A_67 masked %broadcast_in_dim3A_72 : vector<16xi32>, vector<16xi1> -> vector<16xi32>
      %add3A_73 = arith.addi %broadcast_in_dim3A_70, %masked_cumsum3A : vector<16xi32>
      %mul3A_74 = arith.constant 16 : i32
      %mul3A_75 = arith.muli %scan3A_54, %mul3A_74 : i32
      %broadcast_in_dim3A_76 = vector.broadcast %mul3A_75 : i32 to vector<16xi32>
      %add3A_77 = arith.addi %broadcast_in_dim3A_76, %iota3A : vector<16xi32>
      tpu.vector_store_idx %arg10[%add3A_73], %add3A_77 masked %and3A_62 : memref<16512xi32, #tpu.memory_space<vmem>>[vector<16xi32>], vector<16xi32>, vector<16xi1>
      tpu.vector_store_idx %arg11[%add3A_73], %get3A_58 masked %and3A_62 : memref<16512xi32, #tpu.memory_space<vmem>>[vector<16xi32>], vector<16xi32>, vector<16xi1>
      %reduce_sum3A = arith.constant true
      %reduce_sum3A_78 = vector.broadcast %reduce_sum3A : i1 to vector<16xi1>
      %reduce_sum3A_79 = tpu.scan <sum>, %select_n3A_67 masked %reduce_sum3A_78 : vector<16xi32>, vector<16xi1> -> vector<16xi32>
      %reduce_sum3A_80 = vector.extract %reduce_sum3A_79[15] : i32 from vector<16xi32>
      %add3A_81 = arith.addi %scan3A_55, %reduce_sum3A_80 : i32
      scf.yield %add3A_81 : i32
    }
    %scan3A_14 = arith.constant 1024 : i32
    %add3A_15 = arith.constant 128 : i32
    %add3A_16 = arith.addi %scan3A_13, %add3A_15 : i32
    %sub3A = arith.constant 1 : i32
    %sub3A_17 = arith.subi %add3A_16, %sub3A : i32
    %jit3A = arith.constant 128 : i32
    %div3A = arith.divsi %sub3A_17, %jit3A : i32
    %sign3A = arith.constant 0 : i32
    %sign3A_18 = arith.cmpi sgt, %sub3A_17, %sign3A : i32
    %sign3A_19 = arith.extui %sign3A_18 : i1 to i32
    %sign3A_20 = arith.constant 0 : i32
    %sign3A_21 = arith.cmpi slt, %sub3A_17, %sign3A_20 : i32
    %sign3A_22 = arith.extui %sign3A_21 : i1 to i32
    %sign3A_23 = arith.subi %sign3A_19, %sign3A_22 : i32
    %sign3A_24 = arith.constant 0 : i32
    %sign3A_25 = arith.cmpi sgt, %jit3A, %sign3A_24 : i32
    %sign3A_26 = arith.extui %sign3A_25 : i1 to i32
    %sign3A_27 = arith.constant 0 : i32
    %sign3A_28 = arith.cmpi slt, %jit3A, %sign3A_27 : i32
    %sign3A_29 = arith.extui %sign3A_28 : i1 to i32
    %sign3A_30 = arith.subi %sign3A_26, %sign3A_29 : i32
    %ne3A = arith.cmpi ne, %sign3A_23, %sign3A_30 : i32
    %rem3A = arith.remsi %sub3A_17, %jit3A : i32
    %ne3A_31 = arith.constant 0 : i32
    %ne3A_32 = arith.cmpi ne, %rem3A, %ne3A_31 : i32
    %and3A = arith.andi %ne3A, %ne3A_32 : i1
    %sub3A_33 = arith.constant 1 : i32
    %sub3A_34 = arith.subi %div3A, %sub3A_33 : i32
    %select_n3A = arith.select %and3A, %sub3A_34, %div3A : i32
    "tpu.region"() ({
      %run_scoped3A = tpu.sem_alloc : memref<!tpu.dma_semaphore, #tpu.memory_space<semaphore_mem>>
      %dma_start3A = arith.constant 0 : i32
      %dma_start3A_54 = tpu.memref_slice %arg5[%mul3A_2, %dma_start3A] : memref<100000x16xf32, #tpu.memory_space<hbm>> -> memref<3125x16xf32, #tpu.memory_space<hbm>>
      %dma_start3A_55 = arith.constant 0 : i32
      %dma_start3A_56 = tpu.memref_slice %arg5[%mul3A_2, %dma_start3A_55] : memref<100000x16xf32, #tpu.memory_space<hbm>> -> memref<3125x16xf32, #tpu.memory_space<hbm>>
      tpu.enqueue_dma source(%dma_start3A_56 : memref<3125x16xf32, #tpu.memory_space<hbm>>) target(%arg12 : memref<3125x16xf32, #tpu.memory_space<vmem>>) target_semaphore(%run_scoped3A : memref<!tpu.dma_semaphore, #tpu.memory_space<semaphore_mem>>)
      %dma_wait3A = arith.constant 0 : i32
      %dma_wait3A_57 = tpu.memref_slice %arg5[%mul3A_2, %dma_wait3A] : memref<100000x16xf32, #tpu.memory_space<hbm>> -> memref<3125x16xf32, #tpu.memory_space<hbm>>
      %dma_wait3A_58 = arith.constant 0 : i32
      %dma_wait3A_59 = tpu.memref_slice %arg5[%mul3A_2, %dma_wait3A_58] : memref<100000x16xf32, #tpu.memory_space<hbm>> -> memref<3125x16xf32, #tpu.memory_space<hbm>>
      tpu.wait_dma2 semaphore(%run_scoped3A : memref<!tpu.dma_semaphore, #tpu.memory_space<semaphore_mem>>) src(%dma_wait3A_59 : memref<3125x16xf32, #tpu.memory_space<hbm>>) dst(%arg12 : memref<3125x16xf32, #tpu.memory_space<vmem>>)
      tpu.yield
    }) : () -> ()
    %while3A = arith.constant 0 : i32
    %while3A_35 = arith.constant 0 : i32
    %while3A_36 = arith.subi %select_n3A, %while3A_35 : i32
    %while3A_37 = arith.addi %while3A_35, %while3A_36 : i32
    %while3A_38 = arith.constant 1 : i32
    %while3A_39 = arith.divsi %while3A_36, %while3A_38 : i32
    %while3A_40 = arith.muli %while3A_39, %while3A_38 : i32
    %while3A_41 = arith.addi %while3A_35, %while3A_40 : i32
    %while3A_42 = arith.constant 1 : i32
    scf.for %while3A_54 = %while3A_35 to %while3A_41 step %while3A_42  : i32 {
      %mul3A_55 = arith.constant 128 : i32
      %mul3A_56 = arith.muli %while3A_54, %mul3A_55 : i32
      %dma_start3A = tpu.memref_slice %arg10[%mul3A_56] : memref<16512xi32, #tpu.memory_space<vmem>> -> memref<128xi32, #tpu.memory_space<vmem>>
      %dma_start3A_57 = arith.constant 0 : i32
      %dma_start3A_58 = arith.constant 0 : i32
      %dma_start3A_59 = tpu.memref_slice %arg3[%dma_start3A_57, %dma_start3A_58] : memref<16384x16xf32, #tpu.memory_space<hbm>> -> memref<16384x16xf32, #tpu.memory_space<hbm>>
      tpu.enqueue_indirect_dma source(%dma_start3A_59 : memref<16384x16xf32, #tpu.memory_space<hbm>>) target(%arg13 : memref<128x16xf32, #tpu.memory_space<vmem>>) offsets(%dma_start3A : memref<128xi32, #tpu.memory_space<vmem>>) semaphore(%arg16 : memref<!tpu.dma_semaphore, #tpu.memory_space<semaphore_mem>>)
      %dma_wait3A = tpu.memref_slice %arg10[%mul3A_56] : memref<16512xi32, #tpu.memory_space<vmem>> -> memref<128xi32, #tpu.memory_space<vmem>>
      %dma_wait3A_60 = arith.constant 0 : i32
      %dma_wait3A_61 = arith.constant 0 : i32
      %dma_wait3A_62 = tpu.memref_slice %arg3[%dma_wait3A_60, %dma_wait3A_61] : memref<16384x16xf32, #tpu.memory_space<hbm>> -> memref<16384x16xf32, #tpu.memory_space<hbm>>
      tpu.wait_indirect_dma semaphore(%arg16 : memref<!tpu.dma_semaphore, #tpu.memory_space<semaphore_mem>>) src(%dma_wait3A_62 : memref<16384x16xf32, #tpu.memory_space<hbm>>) dst(%arg13 : memref<128x16xf32, #tpu.memory_space<vmem>>)
      %dma_start3A_63 = tpu.memref_slice %arg11[%mul3A_56] : memref<16512xi32, #tpu.memory_space<vmem>> -> memref<128xi32, #tpu.memory_space<vmem>>
      %dma_start3A_64 = arith.constant 0 : i32
      %dma_start3A_65 = arith.constant 0 : i32
      %dma_start3A_66 = tpu.memref_slice %arg5[%dma_start3A_64, %dma_start3A_65] : memref<100000x16xf32, #tpu.memory_space<hbm>> -> memref<100000x16xf32, #tpu.memory_space<hbm>>
      tpu.enqueue_indirect_dma source(%dma_start3A_66 : memref<100000x16xf32, #tpu.memory_space<hbm>>) target(%arg14 : memref<128x16xf32, #tpu.memory_space<vmem>>) offsets(%dma_start3A_63 : memref<128xi32, #tpu.memory_space<vmem>>) semaphore(%arg16 : memref<!tpu.dma_semaphore, #tpu.memory_space<semaphore_mem>>)
      %dma_wait3A_67 = tpu.memref_slice %arg11[%mul3A_56] : memref<16512xi32, #tpu.memory_space<vmem>> -> memref<128xi32, #tpu.memory_space<vmem>>
      %dma_wait3A_68 = arith.constant 0 : i32
      %dma_wait3A_69 = arith.constant 0 : i32
      %dma_wait3A_70 = tpu.memref_slice %arg5[%dma_wait3A_68, %dma_wait3A_69] : memref<100000x16xf32, #tpu.memory_space<hbm>> -> memref<100000x16xf32, #tpu.memory_space<hbm>>
      tpu.wait_indirect_dma semaphore(%arg16 : memref<!tpu.dma_semaphore, #tpu.memory_space<semaphore_mem>>) src(%dma_wait3A_70 : memref<100000x16xf32, #tpu.memory_space<hbm>>) dst(%arg14 : memref<128x16xf32, #tpu.memory_space<vmem>>)
      %scan3A_71 = arith.constant 0 : i32
      %scan3A_72 = arith.constant 0 : i32
      %scan3A_73 = arith.constant 8 : i32
      %scan3A_74 = arith.addi %scan3A_72, %scan3A_73 : i32
      %scan3A_75 = arith.constant 1 : i32
      scf.for %scan3A_89 = %scan3A_72 to %scan3A_74 step %scan3A_75  : i32 {
        %mul3A_90 = arith.constant 16 : i32
        %mul3A_91 = arith.muli %scan3A_89, %mul3A_90 : i32
        %add3A_92 = vector.broadcast %mul3A_91 : i32 to vector<16xi32>
        %add3A_93 = arith.addi %add3A_92, %iota3A : vector<16xi32>
        %broadcast_in_dim3A = arith.constant 0.000000e+00 : f32
        %broadcast_in_dim3A_94 = vector.broadcast %broadcast_in_dim3A : f32 to vector<16xf32>
        %broadcast_in_dim3A_95 = arith.constant 0 : i32
        %broadcast_in_dim3A_96 = vector.broadcast %broadcast_in_dim3A_95 : i32 to vector<16xi32>
        %gather3A = tpu.vector_load_idx %arg13[%add3A_93, %broadcast_in_dim3A_96] : memref<128x16xf32, #tpu.memory_space<vmem>>[vector<16xi32>, vector<16xi32>], vector<16xf32>,
        %gather3A_97 = tpu.vector_load_idx %arg14[%add3A_93, %broadcast_in_dim3A_96] : memref<128x16xf32, #tpu.memory_space<vmem>>[vector<16xi32>, vector<16xi32>], vector<16xf32>,
        %mul3A_98 = arith.constant 5.000000e-01 : f32
        %mul3A_99 = vector.broadcast %mul3A_98 : f32 to vector<16xf32>
        %mul3A_100 = arith.mulf %mul3A_99, %gather3A_97 : vector<16xf32>
        %mul3A_101 = arith.constant 5.000000e-01 : f32
        %mul3A_102 = vector.broadcast %mul3A_101 : f32 to vector<16xf32>
        %mul3A_103 = arith.mulf %mul3A_102, %gather3A : vector<16xf32>
        %add3A_104 = arith.addf %mul3A_100, %mul3A_103 : vector<16xf32>
        %mul3A_105 = arith.mulf %add3A_104, %add3A_104 : vector<16xf32>
        %add3A_106 = arith.addf %broadcast_in_dim3A_94, %mul3A_105 : vector<16xf32>
        %broadcast_in_dim3A_107 = arith.constant 1 : i32
        %broadcast_in_dim3A_108 = vector.broadcast %broadcast_in_dim3A_107 : i32 to vector<16xi32>
        %gather3A_109 = tpu.vector_load_idx %arg13[%add3A_93, %broadcast_in_dim3A_108] : memref<128x16xf32, #tpu.memory_space<vmem>>[vector<16xi32>, vector<16xi32>], vector<16xf32>,
        %gather3A_110 = tpu.vector_load_idx %arg14[%add3A_93, %broadcast_in_dim3A_108] : memref<128x16xf32, #tpu.memory_space<vmem>>[vector<16xi32>, vector<16xi32>], vector<16xf32>,
        %mul3A_111 = arith.constant 5.000000e-01 : f32
        %mul3A_112 = vector.broadcast %mul3A_111 : f32 to vector<16xf32>
        %mul3A_113 = arith.mulf %mul3A_112, %gather3A_110 : vector<16xf32>
        %mul3A_114 = arith.constant 5.000000e-01 : f32
        %mul3A_115 = vector.broadcast %mul3A_114 : f32 to vector<16xf32>
        %mul3A_116 = arith.mulf %mul3A_115, %gather3A_109 : vector<16xf32>
        %add3A_117 = arith.addf %mul3A_113, %mul3A_116 : vector<16xf32>
        %mul3A_118 = arith.mulf %add3A_117, %add3A_117 : vector<16xf32>
        %add3A_119 = arith.addf %add3A_106, %mul3A_118 : vector<16xf32>
        %broadcast_in_dim3A_120 = arith.constant 2 : i32
        %broadcast_in_dim3A_121 = vector.broadcast %broadcast_in_dim3A_120 : i32 to vector<16xi32>
        %gather3A_122 = tpu.vector_load_idx %arg13[%add3A_93, %broadcast_in_dim3A_121] : memref<128x16xf32, #tpu.memory_space<vmem>>[vector<16xi32>, vector<16xi32>], vector<16xf32>,
        %gather3A_123 = tpu.vector_load_idx %arg14[%add3A_93, %broadcast_in_dim3A_121] : memref<128x16xf32, #tpu.memory_space<vmem>>[vector<16xi32>, vector<16xi32>], vector<16xf32>,
        %mul3A_124 = arith.constant 5.000000e-01 : f32
        %mul3A_125 = vector.broadcast %mul3A_124 : f32 to vector<16xf32>
        %mul3A_126 = arith.mulf %mul3A_125, %gather3A_123 : vector<16xf32>
        %mul3A_127 = arith.constant 5.000000e-01 : f32
        %mul3A_128 = vector.broadcast %mul3A_127 : f32 to vector<16xf32>
        %mul3A_129 = arith.mulf %mul3A_128, %gather3A_122 : vector<16xf32>
        %add3A_130 = arith.addf %mul3A_126, %mul3A_129 : vector<16xf32>
        %mul3A_131 = arith.mulf %add3A_130, %add3A_130 : vector<16xf32>
        %add3A_132 = arith.addf %add3A_119, %mul3A_131 : vector<16xf32>
        %broadcast_in_dim3A_133 = arith.constant 3 : i32
        %broadcast_in_dim3A_134 = vector.broadcast %broadcast_in_dim3A_133 : i32 to vector<16xi32>
        %gather3A_135 = tpu.vector_load_idx %arg13[%add3A_93, %broadcast_in_dim3A_134] : memref<128x16xf32, #tpu.memory_space<vmem>>[vector<16xi32>, vector<16xi32>], vector<16xf32>,
        %gather3A_136 = tpu.vector_load_idx %arg14[%add3A_93, %broadcast_in_dim3A_134] : memref<128x16xf32, #tpu.memory_space<vmem>>[vector<16xi32>, vector<16xi32>], vector<16xf32>,
        %mul3A_137 = arith.constant 5.000000e-01 : f32
        %mul3A_138 = vector.broadcast %mul3A_137 : f32 to vector<16xf32>
        %mul3A_139 = arith.mulf %mul3A_138, %gather3A_136 : vector<16xf32>
        %mul3A_140 = arith.constant 5.000000e-01 : f32
        %mul3A_141 = vector.broadcast %mul3A_140 : f32 to vector<16xf32>
        %mul3A_142 = arith.mulf %mul3A_141, %gather3A_135 : vector<16xf32>
        %add3A_143 = arith.addf %mul3A_139, %mul3A_142 : vector<16xf32>
        %mul3A_144 = arith.mulf %add3A_143, %add3A_143 : vector<16xf32>
        %add3A_145 = arith.addf %add3A_132, %mul3A_144 : vector<16xf32>
        %broadcast_in_dim3A_146 = arith.constant 4 : i32
        %broadcast_in_dim3A_147 = vector.broadcast %broadcast_in_dim3A_146 : i32 to vector<16xi32>
        %gather3A_148 = tpu.vector_load_idx %arg13[%add3A_93, %broadcast_in_dim3A_147] : memref<128x16xf32, #tpu.memory_space<vmem>>[vector<16xi32>, vector<16xi32>], vector<16xf32>,
        %gather3A_149 = tpu.vector_load_idx %arg14[%add3A_93, %broadcast_in_dim3A_147] : memref<128x16xf32, #tpu.memory_space<vmem>>[vector<16xi32>, vector<16xi32>], vector<16xf32>,
        %mul3A_150 = arith.constant 5.000000e-01 : f32
        %mul3A_151 = vector.broadcast %mul3A_150 : f32 to vector<16xf32>
        %mul3A_152 = arith.mulf %mul3A_151, %gather3A_149 : vector<16xf32>
        %mul3A_153 = arith.constant 5.000000e-01 : f32
        %mul3A_154 = vector.broadcast %mul3A_153 : f32 to vector<16xf32>
        %mul3A_155 = arith.mulf %mul3A_154, %gather3A_148 : vector<16xf32>
        %add3A_156 = arith.addf %mul3A_152, %mul3A_155 : vector<16xf32>
        %mul3A_157 = arith.mulf %add3A_156, %add3A_156 : vector<16xf32>
        %add3A_158 = arith.addf %add3A_145, %mul3A_157 : vector<16xf32>
        %broadcast_in_dim3A_159 = arith.constant 5 : i32
        %broadcast_in_dim3A_160 = vector.broadcast %broadcast_in_dim3A_159 : i32 to vector<16xi32>
        %gather3A_161 = tpu.vector_load_idx %arg13[%add3A_93, %broadcast_in_dim3A_160] : memref<128x16xf32, #tpu.memory_space<vmem>>[vector<16xi32>, vector<16xi32>], vector<16xf32>,
        %gather3A_162 = tpu.vector_load_idx %arg14[%add3A_93, %broadcast_in_dim3A_160] : memref<128x16xf32, #tpu.memory_space<vmem>>[vector<16xi32>, vector<16xi32>], vector<16xf32>,
        %mul3A_163 = arith.constant 5.000000e-01 : f32
        %mul3A_164 = vector.broadcast %mul3A_163 : f32 to vector<16xf32>
        %mul3A_165 = arith.mulf %mul3A_164, %gather3A_162 : vector<16xf32>
        %mul3A_166 = arith.constant 5.000000e-01 : f32
        %mul3A_167 = vector.broadcast %mul3A_166 : f32 to vector<16xf32>
        %mul3A_168 = arith.mulf %mul3A_167, %gather3A_161 : vector<16xf32>
        %add3A_169 = arith.addf %mul3A_165, %mul3A_168 : vector<16xf32>
        %mul3A_170 = arith.mulf %add3A_169, %add3A_169 : vector<16xf32>
        %add3A_171 = arith.addf %add3A_158, %mul3A_170 : vector<16xf32>
        %broadcast_in_dim3A_172 = arith.constant 6 : i32
        %broadcast_in_dim3A_173 = vector.broadcast %broadcast_in_dim3A_172 : i32 to vector<16xi32>
        %gather3A_174 = tpu.vector_load_idx %arg13[%add3A_93, %broadcast_in_dim3A_173] : memref<128x16xf32, #tpu.memory_space<vmem>>[vector<16xi32>, vector<16xi32>], vector<16xf32>,
        %gather3A_175 = tpu.vector_load_idx %arg14[%add3A_93, %broadcast_in_dim3A_173] : memref<128x16xf32, #tpu.memory_space<vmem>>[vector<16xi32>, vector<16xi32>], vector<16xf32>,
        %mul3A_176 = arith.constant 5.000000e-01 : f32
        %mul3A_177 = vector.broadcast %mul3A_176 : f32 to vector<16xf32>
        %mul3A_178 = arith.mulf %mul3A_177, %gather3A_175 : vector<16xf32>
        %mul3A_179 = arith.constant 5.000000e-01 : f32
        %mul3A_180 = vector.broadcast %mul3A_179 : f32 to vector<16xf32>
        %mul3A_181 = arith.mulf %mul3A_180, %gather3A_174 : vector<16xf32>
        %add3A_182 = arith.addf %mul3A_178, %mul3A_181 : vector<16xf32>
        %mul3A_183 = arith.mulf %add3A_182, %add3A_182 : vector<16xf32>
        %add3A_184 = arith.addf %add3A_171, %mul3A_183 : vector<16xf32>
        %broadcast_in_dim3A_185 = arith.constant 7 : i32
        %broadcast_in_dim3A_186 = vector.broadcast %broadcast_in_dim3A_185 : i32 to vector<16xi32>
        %gather3A_187 = tpu.vector_load_idx %arg13[%add3A_93, %broadcast_in_dim3A_186] : memref<128x16xf32, #tpu.memory_space<vmem>>[vector<16xi32>, vector<16xi32>], vector<16xf32>,
        %gather3A_188 = tpu.vector_load_idx %arg14[%add3A_93, %broadcast_in_dim3A_186] : memref<128x16xf32, #tpu.memory_space<vmem>>[vector<16xi32>, vector<16xi32>], vector<16xf32>,
        %mul3A_189 = arith.constant 5.000000e-01 : f32
        %mul3A_190 = vector.broadcast %mul3A_189 : f32 to vector<16xf32>
        %mul3A_191 = arith.mulf %mul3A_190, %gather3A_188 : vector<16xf32>
        %mul3A_192 = arith.constant 5.000000e-01 : f32
        %mul3A_193 = vector.broadcast %mul3A_192 : f32 to vector<16xf32>
        %mul3A_194 = arith.mulf %mul3A_193, %gather3A_187 : vector<16xf32>
        %add3A_195 = arith.addf %mul3A_191, %mul3A_194 : vector<16xf32>
        %mul3A_196 = arith.mulf %add3A_195, %add3A_195 : vector<16xf32>
        %add3A_197 = arith.addf %add3A_184, %mul3A_196 : vector<16xf32>
        %broadcast_in_dim3A_198 = arith.constant 8 : i32
        %broadcast_in_dim3A_199 = vector.broadcast %broadcast_in_dim3A_198 : i32 to vector<16xi32>
        %gather3A_200 = tpu.vector_load_idx %arg13[%add3A_93, %broadcast_in_dim3A_199] : memref<128x16xf32, #tpu.memory_space<vmem>>[vector<16xi32>, vector<16xi32>], vector<16xf32>,
        %gather3A_201 = tpu.vector_load_idx %arg14[%add3A_93, %broadcast_in_dim3A_199] : memref<128x16xf32, #tpu.memory_space<vmem>>[vector<16xi32>, vector<16xi32>], vector<16xf32>,
        %mul3A_202 = arith.constant 5.000000e-01 : f32
        %mul3A_203 = vector.broadcast %mul3A_202 : f32 to vector<16xf32>
        %mul3A_204 = arith.mulf %mul3A_203, %gather3A_201 : vector<16xf32>
        %mul3A_205 = arith.constant 5.000000e-01 : f32
        %mul3A_206 = vector.broadcast %mul3A_205 : f32 to vector<16xf32>
        %mul3A_207 = arith.mulf %mul3A_206, %gather3A_200 : vector<16xf32>
        %add3A_208 = arith.addf %mul3A_204, %mul3A_207 : vector<16xf32>
        %mul3A_209 = arith.mulf %add3A_208, %add3A_208 : vector<16xf32>
        %add3A_210 = arith.addf %add3A_197, %mul3A_209 : vector<16xf32>
        %broadcast_in_dim3A_211 = arith.constant 9 : i32
        %broadcast_in_dim3A_212 = vector.broadcast %broadcast_in_dim3A_211 : i32 to vector<16xi32>
        %gather3A_213 = tpu.vector_load_idx %arg13[%add3A_93, %broadcast_in_dim3A_212] : memref<128x16xf32, #tpu.memory_space<vmem>>[vector<16xi32>, vector<16xi32>], vector<16xf32>,
        %gather3A_214 = tpu.vector_load_idx %arg14[%add3A_93, %broadcast_in_dim3A_212] : memref<128x16xf32, #tpu.memory_space<vmem>>[vector<16xi32>, vector<16xi32>], vector<16xf32>,
        %mul3A_215 = arith.constant 5.000000e-01 : f32
        %mul3A_216 = vector.broadcast %mul3A_215 : f32 to vector<16xf32>
        %mul3A_217 = arith.mulf %mul3A_216, %gather3A_214 : vector<16xf32>
        %mul3A_218 = arith.constant 5.000000e-01 : f32
        %mul3A_219 = vector.broadcast %mul3A_218 : f32 to vector<16xf32>
        %mul3A_220 = arith.mulf %mul3A_219, %gather3A_213 : vector<16xf32>
        %add3A_221 = arith.addf %mul3A_217, %mul3A_220 : vector<16xf32>
        %mul3A_222 = arith.mulf %add3A_221, %add3A_221 : vector<16xf32>
        %add3A_223 = arith.addf %add3A_210, %mul3A_222 : vector<16xf32>
        %broadcast_in_dim3A_224 = arith.constant 10 : i32
        %broadcast_in_dim3A_225 = vector.broadcast %broadcast_in_dim3A_224 : i32 to vector<16xi32>
        %gather3A_226 = tpu.vector_load_idx %arg13[%add3A_93, %broadcast_in_dim3A_225] : memref<128x16xf32, #tpu.memory_space<vmem>>[vector<16xi32>, vector<16xi32>], vector<16xf32>,
        %gather3A_227 = tpu.vector_load_idx %arg14[%add3A_93, %broadcast_in_dim3A_225] : memref<128x16xf32, #tpu.memory_space<vmem>>[vector<16xi32>, vector<16xi32>], vector<16xf32>,
        %mul3A_228 = arith.constant 5.000000e-01 : f32
        %mul3A_229 = vector.broadcast %mul3A_228 : f32 to vector<16xf32>
        %mul3A_230 = arith.mulf %mul3A_229, %gather3A_227 : vector<16xf32>
        %mul3A_231 = arith.constant 5.000000e-01 : f32
        %mul3A_232 = vector.broadcast %mul3A_231 : f32 to vector<16xf32>
        %mul3A_233 = arith.mulf %mul3A_232, %gather3A_226 : vector<16xf32>
        %add3A_234 = arith.addf %mul3A_230, %mul3A_233 : vector<16xf32>
        %mul3A_235 = arith.mulf %add3A_234, %add3A_234 : vector<16xf32>
        %add3A_236 = arith.addf %add3A_223, %mul3A_235 : vector<16xf32>
        %broadcast_in_dim3A_237 = arith.constant 11 : i32
        %broadcast_in_dim3A_238 = vector.broadcast %broadcast_in_dim3A_237 : i32 to vector<16xi32>
        %gather3A_239 = tpu.vector_load_idx %arg13[%add3A_93, %broadcast_in_dim3A_238] : memref<128x16xf32, #tpu.memory_space<vmem>>[vector<16xi32>, vector<16xi32>], vector<16xf32>,
        %gather3A_240 = tpu.vector_load_idx %arg14[%add3A_93, %broadcast_in_dim3A_238] : memref<128x16xf32, #tpu.memory_space<vmem>>[vector<16xi32>, vector<16xi32>], vector<16xf32>,
        %mul3A_241 = arith.constant 5.000000e-01 : f32
        %mul3A_242 = vector.broadcast %mul3A_241 : f32 to vector<16xf32>
        %mul3A_243 = arith.mulf %mul3A_242, %gather3A_240 : vector<16xf32>
        %mul3A_244 = arith.constant 5.000000e-01 : f32
        %mul3A_245 = vector.broadcast %mul3A_244 : f32 to vector<16xf32>
        %mul3A_246 = arith.mulf %mul3A_245, %gather3A_239 : vector<16xf32>
        %add3A_247 = arith.addf %mul3A_243, %mul3A_246 : vector<16xf32>
        %mul3A_248 = arith.mulf %add3A_247, %add3A_247 : vector<16xf32>
        %add3A_249 = arith.addf %add3A_236, %mul3A_248 : vector<16xf32>
        %broadcast_in_dim3A_250 = arith.constant 12 : i32
        %broadcast_in_dim3A_251 = vector.broadcast %broadcast_in_dim3A_250 : i32 to vector<16xi32>
        %gather3A_252 = tpu.vector_load_idx %arg13[%add3A_93, %broadcast_in_dim3A_251] : memref<128x16xf32, #tpu.memory_space<vmem>>[vector<16xi32>, vector<16xi32>], vector<16xf32>,
        %gather3A_253 = tpu.vector_load_idx %arg14[%add3A_93, %broadcast_in_dim3A_251] : memref<128x16xf32, #tpu.memory_space<vmem>>[vector<16xi32>, vector<16xi32>], vector<16xf32>,
        %mul3A_254 = arith.constant 5.000000e-01 : f32
        %mul3A_255 = vector.broadcast %mul3A_254 : f32 to vector<16xf32>
        %mul3A_256 = arith.mulf %mul3A_255, %gather3A_253 : vector<16xf32>
        %mul3A_257 = arith.constant 5.000000e-01 : f32
        %mul3A_258 = vector.broadcast %mul3A_257 : f32 to vector<16xf32>
        %mul3A_259 = arith.mulf %mul3A_258, %gather3A_252 : vector<16xf32>
        %add3A_260 = arith.addf %mul3A_256, %mul3A_259 : vector<16xf32>
        %mul3A_261 = arith.mulf %add3A_260, %add3A_260 : vector<16xf32>
        %add3A_262 = arith.addf %add3A_249, %mul3A_261 : vector<16xf32>
        %broadcast_in_dim3A_263 = arith.constant 13 : i32
        %broadcast_in_dim3A_264 = vector.broadcast %broadcast_in_dim3A_263 : i32 to vector<16xi32>
        %gather3A_265 = tpu.vector_load_idx %arg13[%add3A_93, %broadcast_in_dim3A_264] : memref<128x16xf32, #tpu.memory_space<vmem>>[vector<16xi32>, vector<16xi32>], vector<16xf32>,
        %gather3A_266 = tpu.vector_load_idx %arg14[%add3A_93, %broadcast_in_dim3A_264] : memref<128x16xf32, #tpu.memory_space<vmem>>[vector<16xi32>, vector<16xi32>], vector<16xf32>,
        %mul3A_267 = arith.constant 5.000000e-01 : f32
        %mul3A_268 = vector.broadcast %mul3A_267 : f32 to vector<16xf32>
        %mul3A_269 = arith.mulf %mul3A_268, %gather3A_266 : vector<16xf32>
        %mul3A_270 = arith.constant 5.000000e-01 : f32
        %mul3A_271 = vector.broadcast %mul3A_270 : f32 to vector<16xf32>
        %mul3A_272 = arith.mulf %mul3A_271, %gather3A_265 : vector<16xf32>
        %add3A_273 = arith.addf %mul3A_269, %mul3A_272 : vector<16xf32>
        %mul3A_274 = arith.mulf %add3A_273, %add3A_273 : vector<16xf32>
        %add3A_275 = arith.addf %add3A_262, %mul3A_274 : vector<16xf32>
        %broadcast_in_dim3A_276 = arith.constant 14 : i32
        %broadcast_in_dim3A_277 = vector.broadcast %broadcast_in_dim3A_276 : i32 to vector<16xi32>
        %gather3A_278 = tpu.vector_load_idx %arg13[%add3A_93, %broadcast_in_dim3A_277] : memref<128x16xf32, #tpu.memory_space<vmem>>[vector<16xi32>, vector<16xi32>], vector<16xf32>,
        %gather3A_279 = tpu.vector_load_idx %arg14[%add3A_93, %broadcast_in_dim3A_277] : memref<128x16xf32, #tpu.memory_space<vmem>>[vector<16xi32>, vector<16xi32>], vector<16xf32>,
        %mul3A_280 = arith.constant 5.000000e-01 : f32
        %mul3A_281 = vector.broadcast %mul3A_280 : f32 to vector<16xf32>
        %mul3A_282 = arith.mulf %mul3A_281, %gather3A_279 : vector<16xf32>
        %mul3A_283 = arith.constant 5.000000e-01 : f32
        %mul3A_284 = vector.broadcast %mul3A_283 : f32 to vector<16xf32>
        %mul3A_285 = arith.mulf %mul3A_284, %gather3A_278 : vector<16xf32>
        %add3A_286 = arith.addf %mul3A_282, %mul3A_285 : vector<16xf32>
        %mul3A_287 = arith.mulf %add3A_286, %add3A_286 : vector<16xf32>
        %add3A_288 = arith.addf %add3A_275, %mul3A_287 : vector<16xf32>
        %broadcast_in_dim3A_289 = arith.constant 15 : i32
        %broadcast_in_dim3A_290 = vector.broadcast %broadcast_in_dim3A_289 : i32 to vector<16xi32>
        %gather3A_291 = tpu.vector_load_idx %arg13[%add3A_93, %broadcast_in_dim3A_290] : memref<128x16xf32, #tpu.memory_space<vmem>>[vector<16xi32>, vector<16xi32>], vector<16xf32>,
        %gather3A_292 = tpu.vector_load_idx %arg14[%add3A_93, %broadcast_in_dim3A_290] : memref<128x16xf32, #tpu.memory_space<vmem>>[vector<16xi32>, vector<16xi32>], vector<16xf32>,
        %mul3A_293 = arith.constant 5.000000e-01 : f32
        %mul3A_294 = vector.broadcast %mul3A_293 : f32 to vector<16xf32>
        %mul3A_295 = arith.mulf %mul3A_294, %gather3A_292 : vector<16xf32>
        %mul3A_296 = arith.constant 5.000000e-01 : f32
        %mul3A_297 = vector.broadcast %mul3A_296 : f32 to vector<16xf32>
        %mul3A_298 = arith.mulf %mul3A_297, %gather3A_291 : vector<16xf32>
        %add3A_299 = arith.addf %mul3A_295, %mul3A_298 : vector<16xf32>
        %mul3A_300 = arith.mulf %add3A_299, %add3A_299 : vector<16xf32>
        %add3A_301 = arith.addf %add3A_288, %mul3A_300 : vector<16xf32>
        %bitcast_convert_type3A = tpu.bitcast %add3A_301 : vector<16xf32> -> vector<16xi32>
        %shift_right_logical3A = arith.constant 1 : i32
        %shift_right_logical3A_302 = vector.broadcast %shift_right_logical3A : i32 to vector<16xi32>
        %shift_right_logical3A_303 = arith.shrui %bitcast_convert_type3A, %shift_right_logical3A_302 : vector<16xi32>
        %sub3A_304 = arith.constant 1597463007 : i32
        %sub3A_305 = vector.broadcast %sub3A_304 : i32 to vector<16xi32>
        %sub3A_306 = arith.subi %sub3A_305, %shift_right_logical3A_303 : vector<16xi32>
        %bitcast_convert_type3A_307 = tpu.bitcast %sub3A_306 : vector<16xi32> -> vector<16xf32>
        %mul3A_308 = arith.constant 5.000000e-01 : f32
        %mul3A_309 = vector.broadcast %mul3A_308 : f32 to vector<16xf32>
        %mul3A_310 = arith.mulf %mul3A_309, %add3A_301 : vector<16xf32>
        %mul3A_311 = arith.mulf %mul3A_310, %bitcast_convert_type3A_307 : vector<16xf32>
        %mul3A_312 = arith.mulf %mul3A_311, %bitcast_convert_type3A_307 : vector<16xf32>
        %sub3A_313 = arith.constant 1.500000e+00 : f32
        %sub3A_314 = vector.broadcast %sub3A_313 : f32 to vector<16xf32>
        %sub3A_315 = arith.subf %sub3A_314, %mul3A_312 : vector<16xf32>
        %mul3A_316 = arith.mulf %bitcast_convert_type3A_307, %sub3A_315 : vector<16xf32>
        %mul3A_317 = arith.constant 5.000000e-01 : f32
        %mul3A_318 = vector.broadcast %mul3A_317 : f32 to vector<16xf32>
        %mul3A_319 = arith.mulf %mul3A_318, %add3A_301 : vector<16xf32>
        %mul3A_320 = arith.mulf %mul3A_319, %mul3A_316 : vector<16xf32>
        %mul3A_321 = arith.mulf %mul3A_320, %mul3A_316 : vector<16xf32>
        %sub3A_322 = arith.constant 1.500000e+00 : f32
        %sub3A_323 = vector.broadcast %sub3A_322 : f32 to vector<16xf32>
        %sub3A_324 = arith.subf %sub3A_323, %mul3A_321 : vector<16xf32>
        %mul3A_325 = arith.mulf %mul3A_316, %sub3A_324 : vector<16xf32>
        %mul3A_326 = arith.constant 5.000000e-01 : f32
        %mul3A_327 = vector.broadcast %mul3A_326 : f32 to vector<16xf32>
        %mul3A_328 = arith.mulf %mul3A_327, %add3A_301 : vector<16xf32>
        %mul3A_329 = arith.mulf %mul3A_328, %mul3A_325 : vector<16xf32>
        %mul3A_330 = arith.mulf %mul3A_329, %mul3A_325 : vector<16xf32>
        %sub3A_331 = arith.constant 1.500000e+00 : f32
        %sub3A_332 = vector.broadcast %sub3A_331 : f32 to vector<16xf32>
        %sub3A_333 = arith.subf %sub3A_332, %mul3A_330 : vector<16xf32>
        %mul3A_334 = arith.mulf %mul3A_325, %sub3A_333 : vector<16xf32>
        %broadcast_in_dim3A_335 = arith.constant 0 : i32
        %broadcast_in_dim3A_336 = vector.broadcast %broadcast_in_dim3A_335 : i32 to vector<16xi32>
        %mul3A_337 = arith.mulf %add3A_104, %mul3A_334 : vector<16xf32>
        tpu.vector_store_idx %arg15[%add3A_93, %broadcast_in_dim3A_336], %mul3A_337 : memref<128x16xf32, #tpu.memory_space<vmem>>[vector<16xi32>, vector<16xi32>], vector<16xf32>,
        %broadcast_in_dim3A_338 = arith.constant 1 : i32
        %broadcast_in_dim3A_339 = vector.broadcast %broadcast_in_dim3A_338 : i32 to vector<16xi32>
        %mul3A_340 = arith.mulf %add3A_117, %mul3A_334 : vector<16xf32>
        tpu.vector_store_idx %arg15[%add3A_93, %broadcast_in_dim3A_339], %mul3A_340 : memref<128x16xf32, #tpu.memory_space<vmem>>[vector<16xi32>, vector<16xi32>], vector<16xf32>,
        %broadcast_in_dim3A_341 = arith.constant 2 : i32
        %broadcast_in_dim3A_342 = vector.broadcast %broadcast_in_dim3A_341 : i32 to vector<16xi32>
        %mul3A_343 = arith.mulf %add3A_130, %mul3A_334 : vector<16xf32>
        tpu.vector_store_idx %arg15[%add3A_93, %broadcast_in_dim3A_342], %mul3A_343 : memref<128x16xf32, #tpu.memory_space<vmem>>[vector<16xi32>, vector<16xi32>], vector<16xf32>,
        %broadcast_in_dim3A_344 = arith.constant 3 : i32
        %broadcast_in_dim3A_345 = vector.broadcast %broadcast_in_dim3A_344 : i32 to vector<16xi32>
        %mul3A_346 = arith.mulf %add3A_143, %mul3A_334 : vector<16xf32>
        tpu.vector_store_idx %arg15[%add3A_93, %broadcast_in_dim3A_345], %mul3A_346 : memref<128x16xf32, #tpu.memory_space<vmem>>[vector<16xi32>, vector<16xi32>], vector<16xf32>,
        %broadcast_in_dim3A_347 = arith.constant 4 : i32
        %broadcast_in_dim3A_348 = vector.broadcast %broadcast_in_dim3A_347 : i32 to vector<16xi32>
        %mul3A_349 = arith.mulf %add3A_156, %mul3A_334 : vector<16xf32>
        tpu.vector_store_idx %arg15[%add3A_93, %broadcast_in_dim3A_348], %mul3A_349 : memref<128x16xf32, #tpu.memory_space<vmem>>[vector<16xi32>, vector<16xi32>], vector<16xf32>,
        %broadcast_in_dim3A_350 = arith.constant 5 : i32
        %broadcast_in_dim3A_351 = vector.broadcast %broadcast_in_dim3A_350 : i32 to vector<16xi32>
        %mul3A_352 = arith.mulf %add3A_169, %mul3A_334 : vector<16xf32>
        tpu.vector_store_idx %arg15[%add3A_93, %broadcast_in_dim3A_351], %mul3A_352 : memref<128x16xf32, #tpu.memory_space<vmem>>[vector<16xi32>, vector<16xi32>], vector<16xf32>,
        %broadcast_in_dim3A_353 = arith.constant 6 : i32
        %broadcast_in_dim3A_354 = vector.broadcast %broadcast_in_dim3A_353 : i32 to vector<16xi32>
        %mul3A_355 = arith.mulf %add3A_182, %mul3A_334 : vector<16xf32>
        tpu.vector_store_idx %arg15[%add3A_93, %broadcast_in_dim3A_354], %mul3A_355 : memref<128x16xf32, #tpu.memory_space<vmem>>[vector<16xi32>, vector<16xi32>], vector<16xf32>,
        %broadcast_in_dim3A_356 = arith.constant 7 : i32
        %broadcast_in_dim3A_357 = vector.broadcast %broadcast_in_dim3A_356 : i32 to vector<16xi32>
        %mul3A_358 = arith.mulf %add3A_195, %mul3A_334 : vector<16xf32>
        tpu.vector_store_idx %arg15[%add3A_93, %broadcast_in_dim3A_357], %mul3A_358 : memref<128x16xf32, #tpu.memory_space<vmem>>[vector<16xi32>, vector<16xi32>], vector<16xf32>,
        %broadcast_in_dim3A_359 = arith.constant 8 : i32
        %broadcast_in_dim3A_360 = vector.broadcast %broadcast_in_dim3A_359 : i32 to vector<16xi32>
        %mul3A_361 = arith.mulf %add3A_208, %mul3A_334 : vector<16xf32>
        tpu.vector_store_idx %arg15[%add3A_93, %broadcast_in_dim3A_360], %mul3A_361 : memref<128x16xf32, #tpu.memory_space<vmem>>[vector<16xi32>, vector<16xi32>], vector<16xf32>,
        %broadcast_in_dim3A_362 = arith.constant 9 : i32
        %broadcast_in_dim3A_363 = vector.broadcast %broadcast_in_dim3A_362 : i32 to vector<16xi32>
        %mul3A_364 = arith.mulf %add3A_221, %mul3A_334 : vector<16xf32>
        tpu.vector_store_idx %arg15[%add3A_93, %broadcast_in_dim3A_363], %mul3A_364 : memref<128x16xf32, #tpu.memory_space<vmem>>[vector<16xi32>, vector<16xi32>], vector<16xf32>,
        %broadcast_in_dim3A_365 = arith.constant 10 : i32
        %broadcast_in_dim3A_366 = vector.broadcast %broadcast_in_dim3A_365 : i32 to vector<16xi32>
        %mul3A_367 = arith.mulf %add3A_234, %mul3A_334 : vector<16xf32>
        tpu.vector_store_idx %arg15[%add3A_93, %broadcast_in_dim3A_366], %mul3A_367 : memref<128x16xf32, #tpu.memory_space<vmem>>[vector<16xi32>, vector<16xi32>], vector<16xf32>,
        %broadcast_in_dim3A_368 = arith.constant 11 : i32
        %broadcast_in_dim3A_369 = vector.broadcast %broadcast_in_dim3A_368 : i32 to vector<16xi32>
        %mul3A_370 = arith.mulf %add3A_247, %mul3A_334 : vector<16xf32>
        tpu.vector_store_idx %arg15[%add3A_93, %broadcast_in_dim3A_369], %mul3A_370 : memref<128x16xf32, #tpu.memory_space<vmem>>[vector<16xi32>, vector<16xi32>], vector<16xf32>,
        %broadcast_in_dim3A_371 = arith.constant 12 : i32
        %broadcast_in_dim3A_372 = vector.broadcast %broadcast_in_dim3A_371 : i32 to vector<16xi32>
        %mul3A_373 = arith.mulf %add3A_260, %mul3A_334 : vector<16xf32>
        tpu.vector_store_idx %arg15[%add3A_93, %broadcast_in_dim3A_372], %mul3A_373 : memref<128x16xf32, #tpu.memory_space<vmem>>[vector<16xi32>, vector<16xi32>], vector<16xf32>,
        %broadcast_in_dim3A_374 = arith.constant 13 : i32
        %broadcast_in_dim3A_375 = vector.broadcast %broadcast_in_dim3A_374 : i32 to vector<16xi32>
        %mul3A_376 = arith.mulf %add3A_273, %mul3A_334 : vector<16xf32>
        tpu.vector_store_idx %arg15[%add3A_93, %broadcast_in_dim3A_375], %mul3A_376 : memref<128x16xf32, #tpu.memory_space<vmem>>[vector<16xi32>, vector<16xi32>], vector<16xf32>,
        %broadcast_in_dim3A_377 = arith.constant 14 : i32
        %broadcast_in_dim3A_378 = vector.broadcast %broadcast_in_dim3A_377 : i32 to vector<16xi32>
        %mul3A_379 = arith.mulf %add3A_286, %mul3A_334 : vector<16xf32>
        tpu.vector_store_idx %arg15[%add3A_93, %broadcast_in_dim3A_378], %mul3A_379 : memref<128x16xf32, #tpu.memory_space<vmem>>[vector<16xi32>, vector<16xi32>], vector<16xf32>,
        %broadcast_in_dim3A_380 = arith.constant 15 : i32
        %broadcast_in_dim3A_381 = vector.broadcast %broadcast_in_dim3A_380 : i32 to vector<16xi32>
        %mul3A_382 = arith.mulf %add3A_299, %mul3A_334 : vector<16xf32>
        tpu.vector_store_idx %arg15[%add3A_93, %broadcast_in_dim3A_381], %mul3A_382 : memref<128x16xf32, #tpu.memory_space<vmem>>[vector<16xi32>, vector<16xi32>], vector<16xf32>,
      }
      %scan3A_76 = arith.constant 8 : i32
      %sub3A_77 = arith.subi %scan3A_13, %mul3A_56 : i32
      %min3A = arith.constant 128 : i32
      %min3A_78 = arith.minsi %min3A, %sub3A_77 : i32
      %while3A_79 = arith.constant 0 : i32
      %while3A_80 = arith.constant 0 : i32
      %while3A_81 = arith.subi %min3A_78, %while3A_80 : i32
      %while3A_82 = arith.addi %while3A_80, %while3A_81 : i32
      %while3A_83 = arith.constant 1 : i32
      %while3A_84 = arith.divsi %while3A_81, %while3A_83 : i32
      %while3A_85 = arith.muli %while3A_84, %while3A_83 : i32
      %while3A_86 = arith.addi %while3A_80, %while3A_85 : i32
      %while3A_87 = arith.constant 1 : i32
      scf.for %while3A_89 = %while3A_80 to %while3A_86 step %while3A_87  : i32 {
        %add3A_90 = arith.addi %mul3A_56, %while3A_89 : i32
        %get3A = arith.index_cast %add3A_90 : i32 to index
        %get3A_91 = tpu.vector_load %arg11[%get3A] {strides = array<i32>} : memref<16512xi32, #tpu.memory_space<vmem>>, vector<16xi32>,
        %slice3A = vector.extract_strided_slice %get3A_91 {offsets = [0], sizes = [1], strides = [1]} : vector<16xi32> to vector<1xi32>
        %squeeze3A = vector.extract %slice3A[0] : i32 from vector<1xi32>
        %sub3A_92 = arith.subi %squeeze3A, %mul3A_2 : i32
        %broadcast_in_dim3A = vector.broadcast %sub3A_92 : i32 to vector<16xi32>
        %broadcast_in_dim3A_93 = vector.broadcast %while3A_89 : i32 to vector<16xi32>
        %gather3A = tpu.vector_load_idx %arg15[%broadcast_in_dim3A_93, %iota3A] : memref<128x16xf32, #tpu.memory_space<vmem>>[vector<16xi32>, vector<16xi32>], vector<16xf32>,
        tpu.vector_store_idx %arg12[%broadcast_in_dim3A, %iota3A], %gather3A : memref<3125x16xf32, #tpu.memory_space<vmem>>[vector<16xi32>, vector<16xi32>], vector<16xf32>,
      }
      %while3A_88 = arith.constant 1 : i32
      scf.for %while3A_89 = %while3A_86 to %while3A_82 step %while3A_88  : i32 {
        %add3A_90 = arith.addi %mul3A_56, %while3A_89 : i32
        %get3A = arith.index_cast %add3A_90 : i32 to index
        %get3A_91 = tpu.vector_load %arg11[%get3A] {strides = array<i32>} : memref<16512xi32, #tpu.memory_space<vmem>>, vector<16xi32>,
        %slice3A = vector.extract_strided_slice %get3A_91 {offsets = [0], sizes = [1], strides = [1]} : vector<16xi32> to vector<1xi32>
        %squeeze3A = vector.extract %slice3A[0] : i32 from vector<1xi32>
        %sub3A_92 = arith.subi %squeeze3A, %mul3A_2 : i32
        %broadcast_in_dim3A = vector.broadcast %sub3A_92 : i32 to vector<16xi32>
        %broadcast_in_dim3A_93 = vector.broadcast %while3A_89 : i32 to vector<16xi32>
        %gather3A = tpu.vector_load_idx %arg15[%broadcast_in_dim3A_93, %iota3A] : memref<128x16xf32, #tpu.memory_space<vmem>>[vector<16xi32>, vector<16xi32>], vector<16xf32>,
        tpu.vector_store_idx %arg12[%broadcast_in_dim3A, %iota3A], %gather3A : memref<3125x16xf32, #tpu.memory_space<vmem>>[vector<16xi32>, vector<16xi32>], vector<16xf32>,
      }
    }
    %while3A_43 = arith.constant 1 : i32
    scf.for %while3A_54 = %while3A_41 to %while3A_37 step %while3A_43  : i32 {
      %mul3A_55 = arith.constant 128 : i32
      %mul3A_56 = arith.muli %while3A_54, %mul3A_55 : i32
      %dma_start3A = tpu.memref_slice %arg10[%mul3A_56] : memref<16512xi32, #tpu.memory_space<vmem>> -> memref<128xi32, #tpu.memory_space<vmem>>
      %dma_start3A_57 = arith.constant 0 : i32
      %dma_start3A_58 = arith.constant 0 : i32
      %dma_start3A_59 = tpu.memref_slice %arg3[%dma_start3A_57, %dma_start3A_58] : memref<16384x16xf32, #tpu.memory_space<hbm>> -> memref<16384x16xf32, #tpu.memory_space<hbm>>
      tpu.enqueue_indirect_dma source(%dma_start3A_59 : memref<16384x16xf32, #tpu.memory_space<hbm>>) target(%arg13 : memref<128x16xf32, #tpu.memory_space<vmem>>) offsets(%dma_start3A : memref<128xi32, #tpu.memory_space<vmem>>) semaphore(%arg16 : memref<!tpu.dma_semaphore, #tpu.memory_space<semaphore_mem>>)
      %dma_wait3A = tpu.memref_slice %arg10[%mul3A_56] : memref<16512xi32, #tpu.memory_space<vmem>> -> memref<128xi32, #tpu.memory_space<vmem>>
      %dma_wait3A_60 = arith.constant 0 : i32
      %dma_wait3A_61 = arith.constant 0 : i32
      %dma_wait3A_62 = tpu.memref_slice %arg3[%dma_wait3A_60, %dma_wait3A_61] : memref<16384x16xf32, #tpu.memory_space<hbm>> -> memref<16384x16xf32, #tpu.memory_space<hbm>>
      tpu.wait_indirect_dma semaphore(%arg16 : memref<!tpu.dma_semaphore, #tpu.memory_space<semaphore_mem>>) src(%dma_wait3A_62 : memref<16384x16xf32, #tpu.memory_space<hbm>>) dst(%arg13 : memref<128x16xf32, #tpu.memory_space<vmem>>)
      %dma_start3A_63 = tpu.memref_slice %arg11[%mul3A_56] : memref<16512xi32, #tpu.memory_space<vmem>> -> memref<128xi32, #tpu.memory_space<vmem>>
      %dma_start3A_64 = arith.constant 0 : i32
      %dma_start3A_65 = arith.constant 0 : i32
      %dma_start3A_66 = tpu.memref_slice %arg5[%dma_start3A_64, %dma_start3A_65] : memref<100000x16xf32, #tpu.memory_space<hbm>> -> memref<100000x16xf32, #tpu.memory_space<hbm>>
      tpu.enqueue_indirect_dma source(%dma_start3A_66 : memref<100000x16xf32, #tpu.memory_space<hbm>>) target(%arg14 : memref<128x16xf32, #tpu.memory_space<vmem>>) offsets(%dma_start3A_63 : memref<128xi32, #tpu.memory_space<vmem>>) semaphore(%arg16 : memref<!tpu.dma_semaphore, #tpu.memory_space<semaphore_mem>>)
      %dma_wait3A_67 = tpu.memref_slice %arg11[%mul3A_56] : memref<16512xi32, #tpu.memory_space<vmem>> -> memref<128xi32, #tpu.memory_space<vmem>>
      %dma_wait3A_68 = arith.constant 0 : i32
      %dma_wait3A_69 = arith.constant 0 : i32
      %dma_wait3A_70 = tpu.memref_slice %arg5[%dma_wait3A_68, %dma_wait3A_69] : memref<100000x16xf32, #tpu.memory_space<hbm>> -> memref<100000x16xf32, #tpu.memory_space<hbm>>
      tpu.wait_indirect_dma semaphore(%arg16 : memref<!tpu.dma_semaphore, #tpu.memory_space<semaphore_mem>>) src(%dma_wait3A_70 : memref<100000x16xf32, #tpu.memory_space<hbm>>) dst(%arg14 : memref<128x16xf32, #tpu.memory_space<vmem>>)
      %scan3A_71 = arith.constant 0 : i32
      %scan3A_72 = arith.constant 0 : i32
      %scan3A_73 = arith.constant 8 : i32
      %scan3A_74 = arith.addi %scan3A_72, %scan3A_73 : i32
      %scan3A_75 = arith.constant 1 : i32
      scf.for %scan3A_89 = %scan3A_72 to %scan3A_74 step %scan3A_75  : i32 {
        %mul3A_90 = arith.constant 16 : i32
        %mul3A_91 = arith.muli %scan3A_89, %mul3A_90 : i32
        %add3A_92 = vector.broadcast %mul3A_91 : i32 to vector<16xi32>
        %add3A_93 = arith.addi %add3A_92, %iota3A : vector<16xi32>
        %broadcast_in_dim3A = arith.constant 0.000000e+00 : f32
        %broadcast_in_dim3A_94 = vector.broadcast %broadcast_in_dim3A : f32 to vector<16xf32>
        %broadcast_in_dim3A_95 = arith.constant 0 : i32
        %broadcast_in_dim3A_96 = vector.broadcast %broadcast_in_dim3A_95 : i32 to vector<16xi32>
        %gather3A = tpu.vector_load_idx %arg13[%add3A_93, %broadcast_in_dim3A_96] : memref<128x16xf32, #tpu.memory_space<vmem>>[vector<16xi32>, vector<16xi32>], vector<16xf32>,
        %gather3A_97 = tpu.vector_load_idx %arg14[%add3A_93, %broadcast_in_dim3A_96] : memref<128x16xf32, #tpu.memory_space<vmem>>[vector<16xi32>, vector<16xi32>], vector<16xf32>,
        %mul3A_98 = arith.constant 5.000000e-01 : f32
        %mul3A_99 = vector.broadcast %mul3A_98 : f32 to vector<16xf32>
        %mul3A_100 = arith.mulf %mul3A_99, %gather3A_97 : vector<16xf32>
        %mul3A_101 = arith.constant 5.000000e-01 : f32
        %mul3A_102 = vector.broadcast %mul3A_101 : f32 to vector<16xf32>
        %mul3A_103 = arith.mulf %mul3A_102, %gather3A : vector<16xf32>
        %add3A_104 = arith.addf %mul3A_100, %mul3A_103 : vector<16xf32>
        %mul3A_105 = arith.mulf %add3A_104, %add3A_104 : vector<16xf32>
        %add3A_106 = arith.addf %broadcast_in_dim3A_94, %mul3A_105 : vector<16xf32>
        %broadcast_in_dim3A_107 = arith.constant 1 : i32
        %broadcast_in_dim3A_108 = vector.broadcast %broadcast_in_dim3A_107 : i32 to vector<16xi32>
        %gather3A_109 = tpu.vector_load_idx %arg13[%add3A_93, %broadcast_in_dim3A_108] : memref<128x16xf32, #tpu.memory_space<vmem>>[vector<16xi32>, vector<16xi32>], vector<16xf32>,
        %gather3A_110 = tpu.vector_load_idx %arg14[%add3A_93, %broadcast_in_dim3A_108] : memref<128x16xf32, #tpu.memory_space<vmem>>[vector<16xi32>, vector<16xi32>], vector<16xf32>,
        %mul3A_111 = arith.constant 5.000000e-01 : f32
        %mul3A_112 = vector.broadcast %mul3A_111 : f32 to vector<16xf32>
        %mul3A_113 = arith.mulf %mul3A_112, %gather3A_110 : vector<16xf32>
        %mul3A_114 = arith.constant 5.000000e-01 : f32
        %mul3A_115 = vector.broadcast %mul3A_114 : f32 to vector<16xf32>
        %mul3A_116 = arith.mulf %mul3A_115, %gather3A_109 : vector<16xf32>
        %add3A_117 = arith.addf %mul3A_113, %mul3A_116 : vector<16xf32>
        %mul3A_118 = arith.mulf %add3A_117, %add3A_117 : vector<16xf32>
        %add3A_119 = arith.addf %add3A_106, %mul3A_118 : vector<16xf32>
        %broadcast_in_dim3A_120 = arith.constant 2 : i32
        %broadcast_in_dim3A_121 = vector.broadcast %broadcast_in_dim3A_120 : i32 to vector<16xi32>
        %gather3A_122 = tpu.vector_load_idx %arg13[%add3A_93, %broadcast_in_dim3A_121] : memref<128x16xf32, #tpu.memory_space<vmem>>[vector<16xi32>, vector<16xi32>], vector<16xf32>,
        %gather3A_123 = tpu.vector_load_idx %arg14[%add3A_93, %broadcast_in_dim3A_121] : memref<128x16xf32, #tpu.memory_space<vmem>>[vector<16xi32>, vector<16xi32>], vector<16xf32>,
        %mul3A_124 = arith.constant 5.000000e-01 : f32
        %mul3A_125 = vector.broadcast %mul3A_124 : f32 to vector<16xf32>
        %mul3A_126 = arith.mulf %mul3A_125, %gather3A_123 : vector<16xf32>
        %mul3A_127 = arith.constant 5.000000e-01 : f32
        %mul3A_128 = vector.broadcast %mul3A_127 : f32 to vector<16xf32>
        %mul3A_129 = arith.mulf %mul3A_128, %gather3A_122 : vector<16xf32>
        %add3A_130 = arith.addf %mul3A_126, %mul3A_129 : vector<16xf32>
        %mul3A_131 = arith.mulf %add3A_130, %add3A_130 : vector<16xf32>
        %add3A_132 = arith.addf %add3A_119, %mul3A_131 : vector<16xf32>
        %broadcast_in_dim3A_133 = arith.constant 3 : i32
        %broadcast_in_dim3A_134 = vector.broadcast %broadcast_in_dim3A_133 : i32 to vector<16xi32>
        %gather3A_135 = tpu.vector_load_idx %arg13[%add3A_93, %broadcast_in_dim3A_134] : memref<128x16xf32, #tpu.memory_space<vmem>>[vector<16xi32>, vector<16xi32>], vector<16xf32>,
        %gather3A_136 = tpu.vector_load_idx %arg14[%add3A_93, %broadcast_in_dim3A_134] : memref<128x16xf32, #tpu.memory_space<vmem>>[vector<16xi32>, vector<16xi32>], vector<16xf32>,
        %mul3A_137 = arith.constant 5.000000e-01 : f32
        %mul3A_138 = vector.broadcast %mul3A_137 : f32 to vector<16xf32>
        %mul3A_139 = arith.mulf %mul3A_138, %gather3A_136 : vector<16xf32>
        %mul3A_140 = arith.constant 5.000000e-01 : f32
        %mul3A_141 = vector.broadcast %mul3A_140 : f32 to vector<16xf32>
        %mul3A_142 = arith.mulf %mul3A_141, %gather3A_135 : vector<16xf32>
        %add3A_143 = arith.addf %mul3A_139, %mul3A_142 : vector<16xf32>
        %mul3A_144 = arith.mulf %add3A_143, %add3A_143 : vector<16xf32>
        %add3A_145 = arith.addf %add3A_132, %mul3A_144 : vector<16xf32>
        %broadcast_in_dim3A_146 = arith.constant 4 : i32
        %broadcast_in_dim3A_147 = vector.broadcast %broadcast_in_dim3A_146 : i32 to vector<16xi32>
        %gather3A_148 = tpu.vector_load_idx %arg13[%add3A_93, %broadcast_in_dim3A_147] : memref<128x16xf32, #tpu.memory_space<vmem>>[vector<16xi32>, vector<16xi32>], vector<16xf32>,
        %gather3A_149 = tpu.vector_load_idx %arg14[%add3A_93, %broadcast_in_dim3A_147] : memref<128x16xf32, #tpu.memory_space<vmem>>[vector<16xi32>, vector<16xi32>], vector<16xf32>,
        %mul3A_150 = arith.constant 5.000000e-01 : f32
        %mul3A_151 = vector.broadcast %mul3A_150 : f32 to vector<16xf32>
        %mul3A_152 = arith.mulf %mul3A_151, %gather3A_149 : vector<16xf32>
        %mul3A_153 = arith.constant 5.000000e-01 : f32
        %mul3A_154 = vector.broadcast %mul3A_153 : f32 to vector<16xf32>
        %mul3A_155 = arith.mulf %mul3A_154, %gather3A_148 : vector<16xf32>
        %add3A_156 = arith.addf %mul3A_152, %mul3A_155 : vector<16xf32>
        %mul3A_157 = arith.mulf %add3A_156, %add3A_156 : vector<16xf32>
        %add3A_158 = arith.addf %add3A_145, %mul3A_157 : vector<16xf32>
        %broadcast_in_dim3A_159 = arith.constant 5 : i32
        %broadcast_in_dim3A_160 = vector.broadcast %broadcast_in_dim3A_159 : i32 to vector<16xi32>
        %gather3A_161 = tpu.vector_load_idx %arg13[%add3A_93, %broadcast_in_dim3A_160] : memref<128x16xf32, #tpu.memory_space<vmem>>[vector<16xi32>, vector<16xi32>], vector<16xf32>,
        %gather3A_162 = tpu.vector_load_idx %arg14[%add3A_93, %broadcast_in_dim3A_160] : memref<128x16xf32, #tpu.memory_space<vmem>>[vector<16xi32>, vector<16xi32>], vector<16xf32>,
        %mul3A_163 = arith.constant 5.000000e-01 : f32
        %mul3A_164 = vector.broadcast %mul3A_163 : f32 to vector<16xf32>
        %mul3A_165 = arith.mulf %mul3A_164, %gather3A_162 : vector<16xf32>
        %mul3A_166 = arith.constant 5.000000e-01 : f32
        %mul3A_167 = vector.broadcast %mul3A_166 : f32 to vector<16xf32>
        %mul3A_168 = arith.mulf %mul3A_167, %gather3A_161 : vector<16xf32>
        %add3A_169 = arith.addf %mul3A_165, %mul3A_168 : vector<16xf32>
        %mul3A_170 = arith.mulf %add3A_169, %add3A_169 : vector<16xf32>
        %add3A_171 = arith.addf %add3A_158, %mul3A_170 : vector<16xf32>
        %broadcast_in_dim3A_172 = arith.constant 6 : i32
        %broadcast_in_dim3A_173 = vector.broadcast %broadcast_in_dim3A_172 : i32 to vector<16xi32>
        %gather3A_174 = tpu.vector_load_idx %arg13[%add3A_93, %broadcast_in_dim3A_173] : memref<128x16xf32, #tpu.memory_space<vmem>>[vector<16xi32>, vector<16xi32>], vector<16xf32>,
        %gather3A_175 = tpu.vector_load_idx %arg14[%add3A_93, %broadcast_in_dim3A_173] : memref<128x16xf32, #tpu.memory_space<vmem>>[vector<16xi32>, vector<16xi32>], vector<16xf32>,
        %mul3A_176 = arith.constant 5.000000e-01 : f32
        %mul3A_177 = vector.broadcast %mul3A_176 : f32 to vector<16xf32>
        %mul3A_178 = arith.mulf %mul3A_177, %gather3A_175 : vector<16xf32>
        %mul3A_179 = arith.constant 5.000000e-01 : f32
        %mul3A_180 = vector.broadcast %mul3A_179 : f32 to vector<16xf32>
        %mul3A_181 = arith.mulf %mul3A_180, %gather3A_174 : vector<16xf32>
        %add3A_182 = arith.addf %mul3A_178, %mul3A_181 : vector<16xf32>
        %mul3A_183 = arith.mulf %add3A_182, %add3A_182 : vector<16xf32>
        %add3A_184 = arith.addf %add3A_171, %mul3A_183 : vector<16xf32>
        %broadcast_in_dim3A_185 = arith.constant 7 : i32
        %broadcast_in_dim3A_186 = vector.broadcast %broadcast_in_dim3A_185 : i32 to vector<16xi32>
        %gather3A_187 = tpu.vector_load_idx %arg13[%add3A_93, %broadcast_in_dim3A_186] : memref<128x16xf32, #tpu.memory_space<vmem>>[vector<16xi32>, vector<16xi32>], vector<16xf32>,
        %gather3A_188 = tpu.vector_load_idx %arg14[%add3A_93, %broadcast_in_dim3A_186] : memref<128x16xf32, #tpu.memory_space<vmem>>[vector<16xi32>, vector<16xi32>], vector<16xf32>,
        %mul3A_189 = arith.constant 5.000000e-01 : f32
        %mul3A_190 = vector.broadcast %mul3A_189 : f32 to vector<16xf32>
        %mul3A_191 = arith.mulf %mul3A_190, %gather3A_188 : vector<16xf32>
        %mul3A_192 = arith.constant 5.000000e-01 : f32
        %mul3A_193 = vector.broadcast %mul3A_192 : f32 to vector<16xf32>
        %mul3A_194 = arith.mulf %mul3A_193, %gather3A_187 : vector<16xf32>
        %add3A_195 = arith.addf %mul3A_191, %mul3A_194 : vector<16xf32>
        %mul3A_196 = arith.mulf %add3A_195, %add3A_195 : vector<16xf32>
        %add3A_197 = arith.addf %add3A_184, %mul3A_196 : vector<16xf32>
        %broadcast_in_dim3A_198 = arith.constant 8 : i32
        %broadcast_in_dim3A_199 = vector.broadcast %broadcast_in_dim3A_198 : i32 to vector<16xi32>
        %gather3A_200 = tpu.vector_load_idx %arg13[%add3A_93, %broadcast_in_dim3A_199] : memref<128x16xf32, #tpu.memory_space<vmem>>[vector<16xi32>, vector<16xi32>], vector<16xf32>,
        %gather3A_201 = tpu.vector_load_idx %arg14[%add3A_93, %broadcast_in_dim3A_199] : memref<128x16xf32, #tpu.memory_space<vmem>>[vector<16xi32>, vector<16xi32>], vector<16xf32>,
        %mul3A_202 = arith.constant 5.000000e-01 : f32
        %mul3A_203 = vector.broadcast %mul3A_202 : f32 to vector<16xf32>
        %mul3A_204 = arith.mulf %mul3A_203, %gather3A_201 : vector<16xf32>
        %mul3A_205 = arith.constant 5.000000e-01 : f32
        %mul3A_206 = vector.broadcast %mul3A_205 : f32 to vector<16xf32>
        %mul3A_207 = arith.mulf %mul3A_206, %gather3A_200 : vector<16xf32>
        %add3A_208 = arith.addf %mul3A_204, %mul3A_207 : vector<16xf32>
        %mul3A_209 = arith.mulf %add3A_208, %add3A_208 : vector<16xf32>
        %add3A_210 = arith.addf %add3A_197, %mul3A_209 : vector<16xf32>
        %broadcast_in_dim3A_211 = arith.constant 9 : i32
        %broadcast_in_dim3A_212 = vector.broadcast %broadcast_in_dim3A_211 : i32 to vector<16xi32>
        %gather3A_213 = tpu.vector_load_idx %arg13[%add3A_93, %broadcast_in_dim3A_212] : memref<128x16xf32, #tpu.memory_space<vmem>>[vector<16xi32>, vector<16xi32>], vector<16xf32>,
        %gather3A_214 = tpu.vector_load_idx %arg14[%add3A_93, %broadcast_in_dim3A_212] : memref<128x16xf32, #tpu.memory_space<vmem>>[vector<16xi32>, vector<16xi32>], vector<16xf32>,
        %mul3A_215 = arith.constant 5.000000e-01 : f32
        %mul3A_216 = vector.broadcast %mul3A_215 : f32 to vector<16xf32>
        %mul3A_217 = arith.mulf %mul3A_216, %gather3A_214 : vector<16xf32>
        %mul3A_218 = arith.constant 5.000000e-01 : f32
        %mul3A_219 = vector.broadcast %mul3A_218 : f32 to vector<16xf32>
        %mul3A_220 = arith.mulf %mul3A_219, %gather3A_213 : vector<16xf32>
        %add3A_221 = arith.addf %mul3A_217, %mul3A_220 : vector<16xf32>
        %mul3A_222 = arith.mulf %add3A_221, %add3A_221 : vector<16xf32>
        %add3A_223 = arith.addf %add3A_210, %mul3A_222 : vector<16xf32>
        %broadcast_in_dim3A_224 = arith.constant 10 : i32
        %broadcast_in_dim3A_225 = vector.broadcast %broadcast_in_dim3A_224 : i32 to vector<16xi32>
        %gather3A_226 = tpu.vector_load_idx %arg13[%add3A_93, %broadcast_in_dim3A_225] : memref<128x16xf32, #tpu.memory_space<vmem>>[vector<16xi32>, vector<16xi32>], vector<16xf32>,
        %gather3A_227 = tpu.vector_load_idx %arg14[%add3A_93, %broadcast_in_dim3A_225] : memref<128x16xf32, #tpu.memory_space<vmem>>[vector<16xi32>, vector<16xi32>], vector<16xf32>,
        %mul3A_228 = arith.constant 5.000000e-01 : f32
        %mul3A_229 = vector.broadcast %mul3A_228 : f32 to vector<16xf32>
        %mul3A_230 = arith.mulf %mul3A_229, %gather3A_227 : vector<16xf32>
        %mul3A_231 = arith.constant 5.000000e-01 : f32
        %mul3A_232 = vector.broadcast %mul3A_231 : f32 to vector<16xf32>
        %mul3A_233 = arith.mulf %mul3A_232, %gather3A_226 : vector<16xf32>
        %add3A_234 = arith.addf %mul3A_230, %mul3A_233 : vector<16xf32>
        %mul3A_235 = arith.mulf %add3A_234, %add3A_234 : vector<16xf32>
        %add3A_236 = arith.addf %add3A_223, %mul3A_235 : vector<16xf32>
        %broadcast_in_dim3A_237 = arith.constant 11 : i32
        %broadcast_in_dim3A_238 = vector.broadcast %broadcast_in_dim3A_237 : i32 to vector<16xi32>
        %gather3A_239 = tpu.vector_load_idx %arg13[%add3A_93, %broadcast_in_dim3A_238] : memref<128x16xf32, #tpu.memory_space<vmem>>[vector<16xi32>, vector<16xi32>], vector<16xf32>,
        %gather3A_240 = tpu.vector_load_idx %arg14[%add3A_93, %broadcast_in_dim3A_238] : memref<128x16xf32, #tpu.memory_space<vmem>>[vector<16xi32>, vector<16xi32>], vector<16xf32>,
        %mul3A_241 = arith.constant 5.000000e-01 : f32
        %mul3A_242 = vector.broadcast %mul3A_241 : f32 to vector<16xf32>
        %mul3A_243 = arith.mulf %mul3A_242, %gather3A_240 : vector<16xf32>
        %mul3A_244 = arith.constant 5.000000e-01 : f32
        %mul3A_245 = vector.broadcast %mul3A_244 : f32 to vector<16xf32>
        %mul3A_246 = arith.mulf %mul3A_245, %gather3A_239 : vector<16xf32>
        %add3A_247 = arith.addf %mul3A_243, %mul3A_246 : vector<16xf32>
        %mul3A_248 = arith.mulf %add3A_247, %add3A_247 : vector<16xf32>
        %add3A_249 = arith.addf %add3A_236, %mul3A_248 : vector<16xf32>
        %broadcast_in_dim3A_250 = arith.constant 12 : i32
        %broadcast_in_dim3A_251 = vector.broadcast %broadcast_in_dim3A_250 : i32 to vector<16xi32>
        %gather3A_252 = tpu.vector_load_idx %arg13[%add3A_93, %broadcast_in_dim3A_251] : memref<128x16xf32, #tpu.memory_space<vmem>>[vector<16xi32>, vector<16xi32>], vector<16xf32>,
        %gather3A_253 = tpu.vector_load_idx %arg14[%add3A_93, %broadcast_in_dim3A_251] : memref<128x16xf32, #tpu.memory_space<vmem>>[vector<16xi32>, vector<16xi32>], vector<16xf32>,
        %mul3A_254 = arith.constant 5.000000e-01 : f32
        %mul3A_255 = vector.broadcast %mul3A_254 : f32 to vector<16xf32>
        %mul3A_256 = arith.mulf %mul3A_255, %gather3A_253 : vector<16xf32>
        %mul3A_257 = arith.constant 5.000000e-01 : f32
        %mul3A_258 = vector.broadcast %mul3A_257 : f32 to vector<16xf32>
        %mul3A_259 = arith.mulf %mul3A_258, %gather3A_252 : vector<16xf32>
        %add3A_260 = arith.addf %mul3A_256, %mul3A_259 : vector<16xf32>
        %mul3A_261 = arith.mulf %add3A_260, %add3A_260 : vector<16xf32>
        %add3A_262 = arith.addf %add3A_249, %mul3A_261 : vector<16xf32>
        %broadcast_in_dim3A_263 = arith.constant 13 : i32
        %broadcast_in_dim3A_264 = vector.broadcast %broadcast_in_dim3A_263 : i32 to vector<16xi32>
        %gather3A_265 = tpu.vector_load_idx %arg13[%add3A_93, %broadcast_in_dim3A_264] : memref<128x16xf32, #tpu.memory_space<vmem>>[vector<16xi32>, vector<16xi32>], vector<16xf32>,
        %gather3A_266 = tpu.vector_load_idx %arg14[%add3A_93, %broadcast_in_dim3A_264] : memref<128x16xf32, #tpu.memory_space<vmem>>[vector<16xi32>, vector<16xi32>], vector<16xf32>,
        %mul3A_267 = arith.constant 5.000000e-01 : f32
        %mul3A_268 = vector.broadcast %mul3A_267 : f32 to vector<16xf32>
        %mul3A_269 = arith.mulf %mul3A_268, %gather3A_266 : vector<16xf32>
        %mul3A_270 = arith.constant 5.000000e-01 : f32
        %mul3A_271 = vector.broadcast %mul3A_270 : f32 to vector<16xf32>
        %mul3A_272 = arith.mulf %mul3A_271, %gather3A_265 : vector<16xf32>
        %add3A_273 = arith.addf %mul3A_269, %mul3A_272 : vector<16xf32>
        %mul3A_274 = arith.mulf %add3A_273, %add3A_273 : vector<16xf32>
        %add3A_275 = arith.addf %add3A_262, %mul3A_274 : vector<16xf32>
        %broadcast_in_dim3A_276 = arith.constant 14 : i32
        %broadcast_in_dim3A_277 = vector.broadcast %broadcast_in_dim3A_276 : i32 to vector<16xi32>
        %gather3A_278 = tpu.vector_load_idx %arg13[%add3A_93, %broadcast_in_dim3A_277] : memref<128x16xf32, #tpu.memory_space<vmem>>[vector<16xi32>, vector<16xi32>], vector<16xf32>,
        %gather3A_279 = tpu.vector_load_idx %arg14[%add3A_93, %broadcast_in_dim3A_277] : memref<128x16xf32, #tpu.memory_space<vmem>>[vector<16xi32>, vector<16xi32>], vector<16xf32>,
        %mul3A_280 = arith.constant 5.000000e-01 : f32
        %mul3A_281 = vector.broadcast %mul3A_280 : f32 to vector<16xf32>
        %mul3A_282 = arith.mulf %mul3A_281, %gather3A_279 : vector<16xf32>
        %mul3A_283 = arith.constant 5.000000e-01 : f32
        %mul3A_284 = vector.broadcast %mul3A_283 : f32 to vector<16xf32>
        %mul3A_285 = arith.mulf %mul3A_284, %gather3A_278 : vector<16xf32>
        %add3A_286 = arith.addf %mul3A_282, %mul3A_285 : vector<16xf32>
        %mul3A_287 = arith.mulf %add3A_286, %add3A_286 : vector<16xf32>
        %add3A_288 = arith.addf %add3A_275, %mul3A_287 : vector<16xf32>
        %broadcast_in_dim3A_289 = arith.constant 15 : i32
        %broadcast_in_dim3A_290 = vector.broadcast %broadcast_in_dim3A_289 : i32 to vector<16xi32>
        %gather3A_291 = tpu.vector_load_idx %arg13[%add3A_93, %broadcast_in_dim3A_290] : memref<128x16xf32, #tpu.memory_space<vmem>>[vector<16xi32>, vector<16xi32>], vector<16xf32>,
        %gather3A_292 = tpu.vector_load_idx %arg14[%add3A_93, %broadcast_in_dim3A_290] : memref<128x16xf32, #tpu.memory_space<vmem>>[vector<16xi32>, vector<16xi32>], vector<16xf32>,
        %mul3A_293 = arith.constant 5.000000e-01 : f32
        %mul3A_294 = vector.broadcast %mul3A_293 : f32 to vector<16xf32>
        %mul3A_295 = arith.mulf %mul3A_294, %gather3A_292 : vector<16xf32>
        %mul3A_296 = arith.constant 5.000000e-01 : f32
        %mul3A_297 = vector.broadcast %mul3A_296 : f32 to vector<16xf32>
        %mul3A_298 = arith.mulf %mul3A_297, %gather3A_291 : vector<16xf32>
        %add3A_299 = arith.addf %mul3A_295, %mul3A_298 : vector<16xf32>
        %mul3A_300 = arith.mulf %add3A_299, %add3A_299 : vector<16xf32>
        %add3A_301 = arith.addf %add3A_288, %mul3A_300 : vector<16xf32>
        %bitcast_convert_type3A = tpu.bitcast %add3A_301 : vector<16xf32> -> vector<16xi32>
        %shift_right_logical3A = arith.constant 1 : i32
        %shift_right_logical3A_302 = vector.broadcast %shift_right_logical3A : i32 to vector<16xi32>
        %shift_right_logical3A_303 = arith.shrui %bitcast_convert_type3A, %shift_right_logical3A_302 : vector<16xi32>
        %sub3A_304 = arith.constant 1597463007 : i32
        %sub3A_305 = vector.broadcast %sub3A_304 : i32 to vector<16xi32>
        %sub3A_306 = arith.subi %sub3A_305, %shift_right_logical3A_303 : vector<16xi32>
        %bitcast_convert_type3A_307 = tpu.bitcast %sub3A_306 : vector<16xi32> -> vector<16xf32>
        %mul3A_308 = arith.constant 5.000000e-01 : f32
        %mul3A_309 = vector.broadcast %mul3A_308 : f32 to vector<16xf32>
        %mul3A_310 = arith.mulf %mul3A_309, %add3A_301 : vector<16xf32>
        %mul3A_311 = arith.mulf %mul3A_310, %bitcast_convert_type3A_307 : vector<16xf32>
        %mul3A_312 = arith.mulf %mul3A_311, %bitcast_convert_type3A_307 : vector<16xf32>
        %sub3A_313 = arith.constant 1.500000e+00 : f32
        %sub3A_314 = vector.broadcast %sub3A_313 : f32 to vector<16xf32>
        %sub3A_315 = arith.subf %sub3A_314, %mul3A_312 : vector<16xf32>
        %mul3A_316 = arith.mulf %bitcast_convert_type3A_307, %sub3A_315 : vector<16xf32>
        %mul3A_317 = arith.constant 5.000000e-01 : f32
        %mul3A_318 = vector.broadcast %mul3A_317 : f32 to vector<16xf32>
        %mul3A_319 = arith.mulf %mul3A_318, %add3A_301 : vector<16xf32>
        %mul3A_320 = arith.mulf %mul3A_319, %mul3A_316 : vector<16xf32>
        %mul3A_321 = arith.mulf %mul3A_320, %mul3A_316 : vector<16xf32>
        %sub3A_322 = arith.constant 1.500000e+00 : f32
        %sub3A_323 = vector.broadcast %sub3A_322 : f32 to vector<16xf32>
        %sub3A_324 = arith.subf %sub3A_323, %mul3A_321 : vector<16xf32>
        %mul3A_325 = arith.mulf %mul3A_316, %sub3A_324 : vector<16xf32>
        %mul3A_326 = arith.constant 5.000000e-01 : f32
        %mul3A_327 = vector.broadcast %mul3A_326 : f32 to vector<16xf32>
        %mul3A_328 = arith.mulf %mul3A_327, %add3A_301 : vector<16xf32>
        %mul3A_329 = arith.mulf %mul3A_328, %mul3A_325 : vector<16xf32>
        %mul3A_330 = arith.mulf %mul3A_329, %mul3A_325 : vector<16xf32>
        %sub3A_331 = arith.constant 1.500000e+00 : f32
        %sub3A_332 = vector.broadcast %sub3A_331 : f32 to vector<16xf32>
        %sub3A_333 = arith.subf %sub3A_332, %mul3A_330 : vector<16xf32>
        %mul3A_334 = arith.mulf %mul3A_325, %sub3A_333 : vector<16xf32>
        %broadcast_in_dim3A_335 = arith.constant 0 : i32
        %broadcast_in_dim3A_336 = vector.broadcast %broadcast_in_dim3A_335 : i32 to vector<16xi32>
        %mul3A_337 = arith.mulf %add3A_104, %mul3A_334 : vector<16xf32>
        tpu.vector_store_idx %arg15[%add3A_93, %broadcast_in_dim3A_336], %mul3A_337 : memref<128x16xf32, #tpu.memory_space<vmem>>[vector<16xi32>, vector<16xi32>], vector<16xf32>,
        %broadcast_in_dim3A_338 = arith.constant 1 : i32
        %broadcast_in_dim3A_339 = vector.broadcast %broadcast_in_dim3A_338 : i32 to vector<16xi32>
        %mul3A_340 = arith.mulf %add3A_117, %mul3A_334 : vector<16xf32>
        tpu.vector_store_idx %arg15[%add3A_93, %broadcast_in_dim3A_339], %mul3A_340 : memref<128x16xf32, #tpu.memory_space<vmem>>[vector<16xi32>, vector<16xi32>], vector<16xf32>,
        %broadcast_in_dim3A_341 = arith.constant 2 : i32
        %broadcast_in_dim3A_342 = vector.broadcast %broadcast_in_dim3A_341 : i32 to vector<16xi32>
        %mul3A_343 = arith.mulf %add3A_130, %mul3A_334 : vector<16xf32>
        tpu.vector_store_idx %arg15[%add3A_93, %broadcast_in_dim3A_342], %mul3A_343 : memref<128x16xf32, #tpu.memory_space<vmem>>[vector<16xi32>, vector<16xi32>], vector<16xf32>,
        %broadcast_in_dim3A_344 = arith.constant 3 : i32
        %broadcast_in_dim3A_345 = vector.broadcast %broadcast_in_dim3A_344 : i32 to vector<16xi32>
        %mul3A_346 = arith.mulf %add3A_143, %mul3A_334 : vector<16xf32>
        tpu.vector_store_idx %arg15[%add3A_93, %broadcast_in_dim3A_345], %mul3A_346 : memref<128x16xf32, #tpu.memory_space<vmem>>[vector<16xi32>, vector<16xi32>], vector<16xf32>,
        %broadcast_in_dim3A_347 = arith.constant 4 : i32
        %broadcast_in_dim3A_348 = vector.broadcast %broadcast_in_dim3A_347 : i32 to vector<16xi32>
        %mul3A_349 = arith.mulf %add3A_156, %mul3A_334 : vector<16xf32>
        tpu.vector_store_idx %arg15[%add3A_93, %broadcast_in_dim3A_348], %mul3A_349 : memref<128x16xf32, #tpu.memory_space<vmem>>[vector<16xi32>, vector<16xi32>], vector<16xf32>,
        %broadcast_in_dim3A_350 = arith.constant 5 : i32
        %broadcast_in_dim3A_351 = vector.broadcast %broadcast_in_dim3A_350 : i32 to vector<16xi32>
        %mul3A_352 = arith.mulf %add3A_169, %mul3A_334 : vector<16xf32>
        tpu.vector_store_idx %arg15[%add3A_93, %broadcast_in_dim3A_351], %mul3A_352 : memref<128x16xf32, #tpu.memory_space<vmem>>[vector<16xi32>, vector<16xi32>], vector<16xf32>,
        %broadcast_in_dim3A_353 = arith.constant 6 : i32
        %broadcast_in_dim3A_354 = vector.broadcast %broadcast_in_dim3A_353 : i32 to vector<16xi32>
        %mul3A_355 = arith.mulf %add3A_182, %mul3A_334 : vector<16xf32>
        tpu.vector_store_idx %arg15[%add3A_93, %broadcast_in_dim3A_354], %mul3A_355 : memref<128x16xf32, #tpu.memory_space<vmem>>[vector<16xi32>, vector<16xi32>], vector<16xf32>,
        %broadcast_in_dim3A_356 = arith.constant 7 : i32
        %broadcast_in_dim3A_357 = vector.broadcast %broadcast_in_dim3A_356 : i32 to vector<16xi32>
        %mul3A_358 = arith.mulf %add3A_195, %mul3A_334 : vector<16xf32>
        tpu.vector_store_idx %arg15[%add3A_93, %broadcast_in_dim3A_357], %mul3A_358 : memref<128x16xf32, #tpu.memory_space<vmem>>[vector<16xi32>, vector<16xi32>], vector<16xf32>,
        %broadcast_in_dim3A_359 = arith.constant 8 : i32
        %broadcast_in_dim3A_360 = vector.broadcast %broadcast_in_dim3A_359 : i32 to vector<16xi32>
        %mul3A_361 = arith.mulf %add3A_208, %mul3A_334 : vector<16xf32>
        tpu.vector_store_idx %arg15[%add3A_93, %broadcast_in_dim3A_360], %mul3A_361 : memref<128x16xf32, #tpu.memory_space<vmem>>[vector<16xi32>, vector<16xi32>], vector<16xf32>,
        %broadcast_in_dim3A_362 = arith.constant 9 : i32
        %broadcast_in_dim3A_363 = vector.broadcast %broadcast_in_dim3A_362 : i32 to vector<16xi32>
        %mul3A_364 = arith.mulf %add3A_221, %mul3A_334 : vector<16xf32>
        tpu.vector_store_idx %arg15[%add3A_93, %broadcast_in_dim3A_363], %mul3A_364 : memref<128x16xf32, #tpu.memory_space<vmem>>[vector<16xi32>, vector<16xi32>], vector<16xf32>,
        %broadcast_in_dim3A_365 = arith.constant 10 : i32
        %broadcast_in_dim3A_366 = vector.broadcast %broadcast_in_dim3A_365 : i32 to vector<16xi32>
        %mul3A_367 = arith.mulf %add3A_234, %mul3A_334 : vector<16xf32>
        tpu.vector_store_idx %arg15[%add3A_93, %broadcast_in_dim3A_366], %mul3A_367 : memref<128x16xf32, #tpu.memory_space<vmem>>[vector<16xi32>, vector<16xi32>], vector<16xf32>,
        %broadcast_in_dim3A_368 = arith.constant 11 : i32
        %broadcast_in_dim3A_369 = vector.broadcast %broadcast_in_dim3A_368 : i32 to vector<16xi32>
        %mul3A_370 = arith.mulf %add3A_247, %mul3A_334 : vector<16xf32>
        tpu.vector_store_idx %arg15[%add3A_93, %broadcast_in_dim3A_369], %mul3A_370 : memref<128x16xf32, #tpu.memory_space<vmem>>[vector<16xi32>, vector<16xi32>], vector<16xf32>,
        %broadcast_in_dim3A_371 = arith.constant 12 : i32
        %broadcast_in_dim3A_372 = vector.broadcast %broadcast_in_dim3A_371 : i32 to vector<16xi32>
        %mul3A_373 = arith.mulf %add3A_260, %mul3A_334 : vector<16xf32>
        tpu.vector_store_idx %arg15[%add3A_93, %broadcast_in_dim3A_372], %mul3A_373 : memref<128x16xf32, #tpu.memory_space<vmem>>[vector<16xi32>, vector<16xi32>], vector<16xf32>,
        %broadcast_in_dim3A_374 = arith.constant 13 : i32
        %broadcast_in_dim3A_375 = vector.broadcast %broadcast_in_dim3A_374 : i32 to vector<16xi32>
        %mul3A_376 = arith.mulf %add3A_273, %mul3A_334 : vector<16xf32>
        tpu.vector_store_idx %arg15[%add3A_93, %broadcast_in_dim3A_375], %mul3A_376 : memref<128x16xf32, #tpu.memory_space<vmem>>[vector<16xi32>, vector<16xi32>], vector<16xf32>,
        %broadcast_in_dim3A_377 = arith.constant 14 : i32
        %broadcast_in_dim3A_378 = vector.broadcast %broadcast_in_dim3A_377 : i32 to vector<16xi32>
        %mul3A_379 = arith.mulf %add3A_286, %mul3A_334 : vector<16xf32>
        tpu.vector_store_idx %arg15[%add3A_93, %broadcast_in_dim3A_378], %mul3A_379 : memref<128x16xf32, #tpu.memory_space<vmem>>[vector<16xi32>, vector<16xi32>], vector<16xf32>,
        %broadcast_in_dim3A_380 = arith.constant 15 : i32
        %broadcast_in_dim3A_381 = vector.broadcast %broadcast_in_dim3A_380 : i32 to vector<16xi32>
        %mul3A_382 = arith.mulf %add3A_299, %mul3A_334 : vector<16xf32>
        tpu.vector_store_idx %arg15[%add3A_93, %broadcast_in_dim3A_381], %mul3A_382 : memref<128x16xf32, #tpu.memory_space<vmem>>[vector<16xi32>, vector<16xi32>], vector<16xf32>,
      }
      %scan3A_76 = arith.constant 8 : i32
      %sub3A_77 = arith.subi %scan3A_13, %mul3A_56 : i32
      %min3A = arith.constant 128 : i32
      %min3A_78 = arith.minsi %min3A, %sub3A_77 : i32
      %while3A_79 = arith.constant 0 : i32
      %while3A_80 = arith.constant 0 : i32
      %while3A_81 = arith.subi %min3A_78, %while3A_80 : i32
      %while3A_82 = arith.addi %while3A_80, %while3A_81 : i32
      %while3A_83 = arith.constant 1 : i32
      %while3A_84 = arith.divsi %while3A_81, %while3A_83 : i32
      %while3A_85 = arith.muli %while3A_84, %while3A_83 : i32
      %while3A_86 = arith.addi %while3A_80, %while3A_85 : i32
      %while3A_87 = arith.constant 1 : i32
      scf.for %while3A_89 = %while3A_80 to %while3A_86 step %while3A_87  : i32 {
        %add3A_90 = arith.addi %mul3A_56, %while3A_89 : i32
        %get3A = arith.index_cast %add3A_90 : i32 to index
        %get3A_91 = tpu.vector_load %arg11[%get3A] {strides = array<i32>} : memref<16512xi32, #tpu.memory_space<vmem>>, vector<16xi32>,
        %slice3A = vector.extract_strided_slice %get3A_91 {offsets = [0], sizes = [1], strides = [1]} : vector<16xi32> to vector<1xi32>
        %squeeze3A = vector.extract %slice3A[0] : i32 from vector<1xi32>
        %sub3A_92 = arith.subi %squeeze3A, %mul3A_2 : i32
        %broadcast_in_dim3A = vector.broadcast %sub3A_92 : i32 to vector<16xi32>
        %broadcast_in_dim3A_93 = vector.broadcast %while3A_89 : i32 to vector<16xi32>
        %gather3A = tpu.vector_load_idx %arg15[%broadcast_in_dim3A_93, %iota3A] : memref<128x16xf32, #tpu.memory_space<vmem>>[vector<16xi32>, vector<16xi32>], vector<16xf32>,
        tpu.vector_store_idx %arg12[%broadcast_in_dim3A, %iota3A], %gather3A : memref<3125x16xf32, #tpu.memory_space<vmem>>[vector<16xi32>, vector<16xi32>], vector<16xf32>,
      }
      %while3A_88 = arith.constant 1 : i32
      scf.for %while3A_89 = %while3A_86 to %while3A_82 step %while3A_88  : i32 {
        %add3A_90 = arith.addi %mul3A_56, %while3A_89 : i32
        %get3A = arith.index_cast %add3A_90 : i32 to index
        %get3A_91 = tpu.vector_load %arg11[%get3A] {strides = array<i32>} : memref<16512xi32, #tpu.memory_space<vmem>>, vector<16xi32>,
        %slice3A = vector.extract_strided_slice %get3A_91 {offsets = [0], sizes = [1], strides = [1]} : vector<16xi32> to vector<1xi32>
        %squeeze3A = vector.extract %slice3A[0] : i32 from vector<1xi32>
        %sub3A_92 = arith.subi %squeeze3A, %mul3A_2 : i32
        %broadcast_in_dim3A = vector.broadcast %sub3A_92 : i32 to vector<16xi32>
        %broadcast_in_dim3A_93 = vector.broadcast %while3A_89 : i32 to vector<16xi32>
        %gather3A = tpu.vector_load_idx %arg15[%broadcast_in_dim3A_93, %iota3A] : memref<128x16xf32, #tpu.memory_space<vmem>>[vector<16xi32>, vector<16xi32>], vector<16xf32>,
        tpu.vector_store_idx %arg12[%broadcast_in_dim3A, %iota3A], %gather3A : memref<3125x16xf32, #tpu.memory_space<vmem>>[vector<16xi32>, vector<16xi32>], vector<16xf32>,
      }
    }
    "tpu.region"() ({
      %run_scoped3A = tpu.sem_alloc : memref<!tpu.dma_semaphore, #tpu.memory_space<semaphore_mem>>
      %dma_start3A = arith.constant 0 : i32
      %dma_start3A_54 = tpu.memref_slice %arg7[%mul3A_2, %dma_start3A] : memref<100000x16xf32, #tpu.memory_space<hbm>> -> memref<3125x16xf32, #tpu.memory_space<hbm>>
      %dma_start3A_55 = arith.constant 0 : i32
      %dma_start3A_56 = tpu.memref_slice %arg7[%mul3A_2, %dma_start3A_55] : memref<100000x16xf32, #tpu.memory_space<hbm>> -> memref<3125x16xf32, #tpu.memory_space<hbm>>
      tpu.enqueue_dma source(%arg12 : memref<3125x16xf32, #tpu.memory_space<vmem>>) target(%dma_start3A_56 : memref<3125x16xf32, #tpu.memory_space<hbm>>) target_semaphore(%run_scoped3A : memref<!tpu.dma_semaphore, #tpu.memory_space<semaphore_mem>>)
      %dma_wait3A = arith.constant 0 : i32
      %dma_wait3A_57 = tpu.memref_slice %arg7[%mul3A_2, %dma_wait3A] : memref<100000x16xf32, #tpu.memory_space<hbm>> -> memref<3125x16xf32, #tpu.memory_space<hbm>>
      %dma_wait3A_58 = arith.constant 0 : i32
      %dma_wait3A_59 = tpu.memref_slice %arg7[%mul3A_2, %dma_wait3A_58] : memref<100000x16xf32, #tpu.memory_space<hbm>> -> memref<3125x16xf32, #tpu.memory_space<hbm>>
      tpu.wait_dma2 semaphore(%run_scoped3A : memref<!tpu.dma_semaphore, #tpu.memory_space<semaphore_mem>>) src(%arg12 : memref<3125x16xf32, #tpu.memory_space<vmem>>) dst(%dma_wait3A_59 : memref<3125x16xf32, #tpu.memory_space<hbm>>)
      tpu.yield
    }) : () -> ()
    "tpu.region"() ({
      %run_scoped3A = tpu.sem_alloc : memref<!tpu.dma_semaphore, #tpu.memory_space<semaphore_mem>>
      %dma_start3A = arith.constant 0 : i32
      %dma_start3A_54 = tpu.memref_slice %arg6[%mul3A_2, %dma_start3A] : memref<100000x16xf32, #tpu.memory_space<hbm>> -> memref<3125x16xf32, #tpu.memory_space<hbm>>
      %dma_start3A_55 = arith.constant 0 : i32
      %dma_start3A_56 = tpu.memref_slice %arg6[%mul3A_2, %dma_start3A_55] : memref<100000x16xf32, #tpu.memory_space<hbm>> -> memref<3125x16xf32, #tpu.memory_space<hbm>>
      tpu.enqueue_dma source(%dma_start3A_56 : memref<3125x16xf32, #tpu.memory_space<hbm>>) target(%arg12 : memref<3125x16xf32, #tpu.memory_space<vmem>>) target_semaphore(%run_scoped3A : memref<!tpu.dma_semaphore, #tpu.memory_space<semaphore_mem>>)
      %dma_wait3A = arith.constant 0 : i32
      %dma_wait3A_57 = tpu.memref_slice %arg6[%mul3A_2, %dma_wait3A] : memref<100000x16xf32, #tpu.memory_space<hbm>> -> memref<3125x16xf32, #tpu.memory_space<hbm>>
      %dma_wait3A_58 = arith.constant 0 : i32
      %dma_wait3A_59 = tpu.memref_slice %arg6[%mul3A_2, %dma_wait3A_58] : memref<100000x16xf32, #tpu.memory_space<hbm>> -> memref<3125x16xf32, #tpu.memory_space<hbm>>
      tpu.wait_dma2 semaphore(%run_scoped3A : memref<!tpu.dma_semaphore, #tpu.memory_space<semaphore_mem>>) src(%dma_wait3A_59 : memref<3125x16xf32, #tpu.memory_space<hbm>>) dst(%arg12 : memref<3125x16xf32, #tpu.memory_space<vmem>>)
      tpu.yield
    }) : () -> ()
    %while3A_44 = arith.constant 0 : i32
    %while3A_45 = arith.constant 0 : i32
    %while3A_46 = arith.subi %select_n3A, %while3A_45 : i32
    %while3A_47 = arith.addi %while3A_45, %while3A_46 : i32
    %while3A_48 = arith.constant 1 : i32
    %while3A_49 = arith.divsi %while3A_46, %while3A_48 : i32
    %while3A_50 = arith.muli %while3A_49, %while3A_48 : i32
    %while3A_51 = arith.addi %while3A_45, %while3A_50 : i32
    %while3A_52 = arith.constant 1 : i32
    scf.for %while3A_54 = %while3A_45 to %while3A_51 step %while3A_52  : i32 {
      %mul3A_55 = arith.constant 128 : i32
      %mul3A_56 = arith.muli %while3A_54, %mul3A_55 : i32
      %dma_start3A = tpu.memref_slice %arg10[%mul3A_56] : memref<16512xi32, #tpu.memory_space<vmem>> -> memref<128xi32, #tpu.memory_space<vmem>>
      %dma_start3A_57 = arith.constant 0 : i32
      %dma_start3A_58 = arith.constant 0 : i32
      %dma_start3A_59 = tpu.memref_slice %arg4[%dma_start3A_57, %dma_start3A_58] : memref<16384x16xf32, #tpu.memory_space<hbm>> -> memref<16384x16xf32, #tpu.memory_space<hbm>>
      tpu.enqueue_indirect_dma source(%dma_start3A_59 : memref<16384x16xf32, #tpu.memory_space<hbm>>) target(%arg13 : memref<128x16xf32, #tpu.memory_space<vmem>>) offsets(%dma_start3A : memref<128xi32, #tpu.memory_space<vmem>>) semaphore(%arg16 : memref<!tpu.dma_semaphore, #tpu.memory_space<semaphore_mem>>)
      %dma_wait3A = tpu.memref_slice %arg10[%mul3A_56] : memref<16512xi32, #tpu.memory_space<vmem>> -> memref<128xi32, #tpu.memory_space<vmem>>
      %dma_wait3A_60 = arith.constant 0 : i32
      %dma_wait3A_61 = arith.constant 0 : i32
      %dma_wait3A_62 = tpu.memref_slice %arg4[%dma_wait3A_60, %dma_wait3A_61] : memref<16384x16xf32, #tpu.memory_space<hbm>> -> memref<16384x16xf32, #tpu.memory_space<hbm>>
      tpu.wait_indirect_dma semaphore(%arg16 : memref<!tpu.dma_semaphore, #tpu.memory_space<semaphore_mem>>) src(%dma_wait3A_62 : memref<16384x16xf32, #tpu.memory_space<hbm>>) dst(%arg13 : memref<128x16xf32, #tpu.memory_space<vmem>>)
      %dma_start3A_63 = tpu.memref_slice %arg11[%mul3A_56] : memref<16512xi32, #tpu.memory_space<vmem>> -> memref<128xi32, #tpu.memory_space<vmem>>
      %dma_start3A_64 = arith.constant 0 : i32
      %dma_start3A_65 = arith.constant 0 : i32
      %dma_start3A_66 = tpu.memref_slice %arg6[%dma_start3A_64, %dma_start3A_65] : memref<100000x16xf32, #tpu.memory_space<hbm>> -> memref<100000x16xf32, #tpu.memory_space<hbm>>
      tpu.enqueue_indirect_dma source(%dma_start3A_66 : memref<100000x16xf32, #tpu.memory_space<hbm>>) target(%arg14 : memref<128x16xf32, #tpu.memory_space<vmem>>) offsets(%dma_start3A_63 : memref<128xi32, #tpu.memory_space<vmem>>) semaphore(%arg16 : memref<!tpu.dma_semaphore, #tpu.memory_space<semaphore_mem>>)
      %dma_wait3A_67 = tpu.memref_slice %arg11[%mul3A_56] : memref<16512xi32, #tpu.memory_space<vmem>> -> memref<128xi32, #tpu.memory_space<vmem>>
      %dma_wait3A_68 = arith.constant 0 : i32
      %dma_wait3A_69 = arith.constant 0 : i32
      %dma_wait3A_70 = tpu.memref_slice %arg6[%dma_wait3A_68, %dma_wait3A_69] : memref<100000x16xf32, #tpu.memory_space<hbm>> -> memref<100000x16xf32, #tpu.memory_space<hbm>>
      tpu.wait_indirect_dma semaphore(%arg16 : memref<!tpu.dma_semaphore, #tpu.memory_space<semaphore_mem>>) src(%dma_wait3A_70 : memref<100000x16xf32, #tpu.memory_space<hbm>>) dst(%arg14 : memref<128x16xf32, #tpu.memory_space<vmem>>)
      %scan3A_71 = arith.constant 0 : i32
      %scan3A_72 = arith.constant 0 : i32
      %scan3A_73 = arith.constant 8 : i32
      %scan3A_74 = arith.addi %scan3A_72, %scan3A_73 : i32
      %scan3A_75 = arith.constant 1 : i32
      scf.for %scan3A_89 = %scan3A_72 to %scan3A_74 step %scan3A_75  : i32 {
        %mul3A_90 = arith.constant 16 : i32
        %mul3A_91 = arith.muli %scan3A_89, %mul3A_90 : i32
        %add3A_92 = vector.broadcast %mul3A_91 : i32 to vector<16xi32>
        %add3A_93 = arith.addi %add3A_92, %iota3A : vector<16xi32>
        %broadcast_in_dim3A = arith.constant 0.000000e+00 : f32
        %broadcast_in_dim3A_94 = vector.broadcast %broadcast_in_dim3A : f32 to vector<16xf32>
        %broadcast_in_dim3A_95 = arith.constant 0 : i32
        %broadcast_in_dim3A_96 = vector.broadcast %broadcast_in_dim3A_95 : i32 to vector<16xi32>
        %gather3A = tpu.vector_load_idx %arg13[%add3A_93, %broadcast_in_dim3A_96] : memref<128x16xf32, #tpu.memory_space<vmem>>[vector<16xi32>, vector<16xi32>], vector<16xf32>,
        %gather3A_97 = tpu.vector_load_idx %arg14[%add3A_93, %broadcast_in_dim3A_96] : memref<128x16xf32, #tpu.memory_space<vmem>>[vector<16xi32>, vector<16xi32>], vector<16xf32>,
        %mul3A_98 = arith.constant 5.000000e-01 : f32
        %mul3A_99 = vector.broadcast %mul3A_98 : f32 to vector<16xf32>
        %mul3A_100 = arith.mulf %mul3A_99, %gather3A_97 : vector<16xf32>
        %mul3A_101 = arith.constant 5.000000e-01 : f32
        %mul3A_102 = vector.broadcast %mul3A_101 : f32 to vector<16xf32>
        %mul3A_103 = arith.mulf %mul3A_102, %gather3A : vector<16xf32>
        %add3A_104 = arith.addf %mul3A_100, %mul3A_103 : vector<16xf32>
        %mul3A_105 = arith.mulf %add3A_104, %add3A_104 : vector<16xf32>
        %add3A_106 = arith.addf %broadcast_in_dim3A_94, %mul3A_105 : vector<16xf32>
        %broadcast_in_dim3A_107 = arith.constant 1 : i32
        %broadcast_in_dim3A_108 = vector.broadcast %broadcast_in_dim3A_107 : i32 to vector<16xi32>
        %gather3A_109 = tpu.vector_load_idx %arg13[%add3A_93, %broadcast_in_dim3A_108] : memref<128x16xf32, #tpu.memory_space<vmem>>[vector<16xi32>, vector<16xi32>], vector<16xf32>,
        %gather3A_110 = tpu.vector_load_idx %arg14[%add3A_93, %broadcast_in_dim3A_108] : memref<128x16xf32, #tpu.memory_space<vmem>>[vector<16xi32>, vector<16xi32>], vector<16xf32>,
        %mul3A_111 = arith.constant 5.000000e-01 : f32
        %mul3A_112 = vector.broadcast %mul3A_111 : f32 to vector<16xf32>
        %mul3A_113 = arith.mulf %mul3A_112, %gather3A_110 : vector<16xf32>
        %mul3A_114 = arith.constant 5.000000e-01 : f32
        %mul3A_115 = vector.broadcast %mul3A_114 : f32 to vector<16xf32>
        %mul3A_116 = arith.mulf %mul3A_115, %gather3A_109 : vector<16xf32>
        %add3A_117 = arith.addf %mul3A_113, %mul3A_116 : vector<16xf32>
        %mul3A_118 = arith.mulf %add3A_117, %add3A_117 : vector<16xf32>
        %add3A_119 = arith.addf %add3A_106, %mul3A_118 : vector<16xf32>
        %broadcast_in_dim3A_120 = arith.constant 2 : i32
        %broadcast_in_dim3A_121 = vector.broadcast %broadcast_in_dim3A_120 : i32 to vector<16xi32>
        %gather3A_122 = tpu.vector_load_idx %arg13[%add3A_93, %broadcast_in_dim3A_121] : memref<128x16xf32, #tpu.memory_space<vmem>>[vector<16xi32>, vector<16xi32>], vector<16xf32>,
        %gather3A_123 = tpu.vector_load_idx %arg14[%add3A_93, %broadcast_in_dim3A_121] : memref<128x16xf32, #tpu.memory_space<vmem>>[vector<16xi32>, vector<16xi32>], vector<16xf32>,
        %mul3A_124 = arith.constant 5.000000e-01 : f32
        %mul3A_125 = vector.broadcast %mul3A_124 : f32 to vector<16xf32>
        %mul3A_126 = arith.mulf %mul3A_125, %gather3A_123 : vector<16xf32>
        %mul3A_127 = arith.constant 5.000000e-01 : f32
        %mul3A_128 = vector.broadcast %mul3A_127 : f32 to vector<16xf32>
        %mul3A_129 = arith.mulf %mul3A_128, %gather3A_122 : vector<16xf32>
        %add3A_130 = arith.addf %mul3A_126, %mul3A_129 : vector<16xf32>
        %mul3A_131 = arith.mulf %add3A_130, %add3A_130 : vector<16xf32>
        %add3A_132 = arith.addf %add3A_119, %mul3A_131 : vector<16xf32>
        %broadcast_in_dim3A_133 = arith.constant 3 : i32
        %broadcast_in_dim3A_134 = vector.broadcast %broadcast_in_dim3A_133 : i32 to vector<16xi32>
        %gather3A_135 = tpu.vector_load_idx %arg13[%add3A_93, %broadcast_in_dim3A_134] : memref<128x16xf32, #tpu.memory_space<vmem>>[vector<16xi32>, vector<16xi32>], vector<16xf32>,
        %gather3A_136 = tpu.vector_load_idx %arg14[%add3A_93, %broadcast_in_dim3A_134] : memref<128x16xf32, #tpu.memory_space<vmem>>[vector<16xi32>, vector<16xi32>], vector<16xf32>,
        %mul3A_137 = arith.constant 5.000000e-01 : f32
        %mul3A_138 = vector.broadcast %mul3A_137 : f32 to vector<16xf32>
        %mul3A_139 = arith.mulf %mul3A_138, %gather3A_136 : vector<16xf32>
        %mul3A_140 = arith.constant 5.000000e-01 : f32
        %mul3A_141 = vector.broadcast %mul3A_140 : f32 to vector<16xf32>
        %mul3A_142 = arith.mulf %mul3A_141, %gather3A_135 : vector<16xf32>
        %add3A_143 = arith.addf %mul3A_139, %mul3A_142 : vector<16xf32>
        %mul3A_144 = arith.mulf %add3A_143, %add3A_143 : vector<16xf32>
        %add3A_145 = arith.addf %add3A_132, %mul3A_144 : vector<16xf32>
        %broadcast_in_dim3A_146 = arith.constant 4 : i32
        %broadcast_in_dim3A_147 = vector.broadcast %broadcast_in_dim3A_146 : i32 to vector<16xi32>
        %gather3A_148 = tpu.vector_load_idx %arg13[%add3A_93, %broadcast_in_dim3A_147] : memref<128x16xf32, #tpu.memory_space<vmem>>[vector<16xi32>, vector<16xi32>], vector<16xf32>,
        %gather3A_149 = tpu.vector_load_idx %arg14[%add3A_93, %broadcast_in_dim3A_147] : memref<128x16xf32, #tpu.memory_space<vmem>>[vector<16xi32>, vector<16xi32>], vector<16xf32>,
        %mul3A_150 = arith.constant 5.000000e-01 : f32
        %mul3A_151 = vector.broadcast %mul3A_150 : f32 to vector<16xf32>
        %mul3A_152 = arith.mulf %mul3A_151, %gather3A_149 : vector<16xf32>
        %mul3A_153 = arith.constant 5.000000e-01 : f32
        %mul3A_154 = vector.broadcast %mul3A_153 : f32 to vector<16xf32>
        %mul3A_155 = arith.mulf %mul3A_154, %gather3A_148 : vector<16xf32>
        %add3A_156 = arith.addf %mul3A_152, %mul3A_155 : vector<16xf32>
        %mul3A_157 = arith.mulf %add3A_156, %add3A_156 : vector<16xf32>
        %add3A_158 = arith.addf %add3A_145, %mul3A_157 : vector<16xf32>
        %broadcast_in_dim3A_159 = arith.constant 5 : i32
        %broadcast_in_dim3A_160 = vector.broadcast %broadcast_in_dim3A_159 : i32 to vector<16xi32>
        %gather3A_161 = tpu.vector_load_idx %arg13[%add3A_93, %broadcast_in_dim3A_160] : memref<128x16xf32, #tpu.memory_space<vmem>>[vector<16xi32>, vector<16xi32>], vector<16xf32>,
        %gather3A_162 = tpu.vector_load_idx %arg14[%add3A_93, %broadcast_in_dim3A_160] : memref<128x16xf32, #tpu.memory_space<vmem>>[vector<16xi32>, vector<16xi32>], vector<16xf32>,
        %mul3A_163 = arith.constant 5.000000e-01 : f32
        %mul3A_164 = vector.broadcast %mul3A_163 : f32 to vector<16xf32>
        %mul3A_165 = arith.mulf %mul3A_164, %gather3A_162 : vector<16xf32>
        %mul3A_166 = arith.constant 5.000000e-01 : f32
        %mul3A_167 = vector.broadcast %mul3A_166 : f32 to vector<16xf32>
        %mul3A_168 = arith.mulf %mul3A_167, %gather3A_161 : vector<16xf32>
        %add3A_169 = arith.addf %mul3A_165, %mul3A_168 : vector<16xf32>
        %mul3A_170 = arith.mulf %add3A_169, %add3A_169 : vector<16xf32>
        %add3A_171 = arith.addf %add3A_158, %mul3A_170 : vector<16xf32>
        %broadcast_in_dim3A_172 = arith.constant 6 : i32
        %broadcast_in_dim3A_173 = vector.broadcast %broadcast_in_dim3A_172 : i32 to vector<16xi32>
        %gather3A_174 = tpu.vector_load_idx %arg13[%add3A_93, %broadcast_in_dim3A_173] : memref<128x16xf32, #tpu.memory_space<vmem>>[vector<16xi32>, vector<16xi32>], vector<16xf32>,
        %gather3A_175 = tpu.vector_load_idx %arg14[%add3A_93, %broadcast_in_dim3A_173] : memref<128x16xf32, #tpu.memory_space<vmem>>[vector<16xi32>, vector<16xi32>], vector<16xf32>,
        %mul3A_176 = arith.constant 5.000000e-01 : f32
        %mul3A_177 = vector.broadcast %mul3A_176 : f32 to vector<16xf32>
        %mul3A_178 = arith.mulf %mul3A_177, %gather3A_175 : vector<16xf32>
        %mul3A_179 = arith.constant 5.000000e-01 : f32
        %mul3A_180 = vector.broadcast %mul3A_179 : f32 to vector<16xf32>
        %mul3A_181 = arith.mulf %mul3A_180, %gather3A_174 : vector<16xf32>
        %add3A_182 = arith.addf %mul3A_178, %mul3A_181 : vector<16xf32>
        %mul3A_183 = arith.mulf %add3A_182, %add3A_182 : vector<16xf32>
        %add3A_184 = arith.addf %add3A_171, %mul3A_183 : vector<16xf32>
        %broadcast_in_dim3A_185 = arith.constant 7 : i32
        %broadcast_in_dim3A_186 = vector.broadcast %broadcast_in_dim3A_185 : i32 to vector<16xi32>
        %gather3A_187 = tpu.vector_load_idx %arg13[%add3A_93, %broadcast_in_dim3A_186] : memref<128x16xf32, #tpu.memory_space<vmem>>[vector<16xi32>, vector<16xi32>], vector<16xf32>,
        %gather3A_188 = tpu.vector_load_idx %arg14[%add3A_93, %broadcast_in_dim3A_186] : memref<128x16xf32, #tpu.memory_space<vmem>>[vector<16xi32>, vector<16xi32>], vector<16xf32>,
        %mul3A_189 = arith.constant 5.000000e-01 : f32
        %mul3A_190 = vector.broadcast %mul3A_189 : f32 to vector<16xf32>
        %mul3A_191 = arith.mulf %mul3A_190, %gather3A_188 : vector<16xf32>
        %mul3A_192 = arith.constant 5.000000e-01 : f32
        %mul3A_193 = vector.broadcast %mul3A_192 : f32 to vector<16xf32>
        %mul3A_194 = arith.mulf %mul3A_193, %gather3A_187 : vector<16xf32>
        %add3A_195 = arith.addf %mul3A_191, %mul3A_194 : vector<16xf32>
        %mul3A_196 = arith.mulf %add3A_195, %add3A_195 : vector<16xf32>
        %add3A_197 = arith.addf %add3A_184, %mul3A_196 : vector<16xf32>
        %broadcast_in_dim3A_198 = arith.constant 8 : i32
        %broadcast_in_dim3A_199 = vector.broadcast %broadcast_in_dim3A_198 : i32 to vector<16xi32>
        %gather3A_200 = tpu.vector_load_idx %arg13[%add3A_93, %broadcast_in_dim3A_199] : memref<128x16xf32, #tpu.memory_space<vmem>>[vector<16xi32>, vector<16xi32>], vector<16xf32>,
        %gather3A_201 = tpu.vector_load_idx %arg14[%add3A_93, %broadcast_in_dim3A_199] : memref<128x16xf32, #tpu.memory_space<vmem>>[vector<16xi32>, vector<16xi32>], vector<16xf32>,
        %mul3A_202 = arith.constant 5.000000e-01 : f32
        %mul3A_203 = vector.broadcast %mul3A_202 : f32 to vector<16xf32>
        %mul3A_204 = arith.mulf %mul3A_203, %gather3A_201 : vector<16xf32>
        %mul3A_205 = arith.constant 5.000000e-01 : f32
        %mul3A_206 = vector.broadcast %mul3A_205 : f32 to vector<16xf32>
        %mul3A_207 = arith.mulf %mul3A_206, %gather3A_200 : vector<16xf32>
        %add3A_208 = arith.addf %mul3A_204, %mul3A_207 : vector<16xf32>
        %mul3A_209 = arith.mulf %add3A_208, %add3A_208 : vector<16xf32>
        %add3A_210 = arith.addf %add3A_197, %mul3A_209 : vector<16xf32>
        %broadcast_in_dim3A_211 = arith.constant 9 : i32
        %broadcast_in_dim3A_212 = vector.broadcast %broadcast_in_dim3A_211 : i32 to vector<16xi32>
        %gather3A_213 = tpu.vector_load_idx %arg13[%add3A_93, %broadcast_in_dim3A_212] : memref<128x16xf32, #tpu.memory_space<vmem>>[vector<16xi32>, vector<16xi32>], vector<16xf32>,
        %gather3A_214 = tpu.vector_load_idx %arg14[%add3A_93, %broadcast_in_dim3A_212] : memref<128x16xf32, #tpu.memory_space<vmem>>[vector<16xi32>, vector<16xi32>], vector<16xf32>,
        %mul3A_215 = arith.constant 5.000000e-01 : f32
        %mul3A_216 = vector.broadcast %mul3A_215 : f32 to vector<16xf32>
        %mul3A_217 = arith.mulf %mul3A_216, %gather3A_214 : vector<16xf32>
        %mul3A_218 = arith.constant 5.000000e-01 : f32
        %mul3A_219 = vector.broadcast %mul3A_218 : f32 to vector<16xf32>
        %mul3A_220 = arith.mulf %mul3A_219, %gather3A_213 : vector<16xf32>
        %add3A_221 = arith.addf %mul3A_217, %mul3A_220 : vector<16xf32>
        %mul3A_222 = arith.mulf %add3A_221, %add3A_221 : vector<16xf32>
        %add3A_223 = arith.addf %add3A_210, %mul3A_222 : vector<16xf32>
        %broadcast_in_dim3A_224 = arith.constant 10 : i32
        %broadcast_in_dim3A_225 = vector.broadcast %broadcast_in_dim3A_224 : i32 to vector<16xi32>
        %gather3A_226 = tpu.vector_load_idx %arg13[%add3A_93, %broadcast_in_dim3A_225] : memref<128x16xf32, #tpu.memory_space<vmem>>[vector<16xi32>, vector<16xi32>], vector<16xf32>,
        %gather3A_227 = tpu.vector_load_idx %arg14[%add3A_93, %broadcast_in_dim3A_225] : memref<128x16xf32, #tpu.memory_space<vmem>>[vector<16xi32>, vector<16xi32>], vector<16xf32>,
        %mul3A_228 = arith.constant 5.000000e-01 : f32
        %mul3A_229 = vector.broadcast %mul3A_228 : f32 to vector<16xf32>
        %mul3A_230 = arith.mulf %mul3A_229, %gather3A_227 : vector<16xf32>
        %mul3A_231 = arith.constant 5.000000e-01 : f32
        %mul3A_232 = vector.broadcast %mul3A_231 : f32 to vector<16xf32>
        %mul3A_233 = arith.mulf %mul3A_232, %gather3A_226 : vector<16xf32>
        %add3A_234 = arith.addf %mul3A_230, %mul3A_233 : vector<16xf32>
        %mul3A_235 = arith.mulf %add3A_234, %add3A_234 : vector<16xf32>
        %add3A_236 = arith.addf %add3A_223, %mul3A_235 : vector<16xf32>
        %broadcast_in_dim3A_237 = arith.constant 11 : i32
        %broadcast_in_dim3A_238 = vector.broadcast %broadcast_in_dim3A_237 : i32 to vector<16xi32>
        %gather3A_239 = tpu.vector_load_idx %arg13[%add3A_93, %broadcast_in_dim3A_238] : memref<128x16xf32, #tpu.memory_space<vmem>>[vector<16xi32>, vector<16xi32>], vector<16xf32>,
        %gather3A_240 = tpu.vector_load_idx %arg14[%add3A_93, %broadcast_in_dim3A_238] : memref<128x16xf32, #tpu.memory_space<vmem>>[vector<16xi32>, vector<16xi32>], vector<16xf32>,
        %mul3A_241 = arith.constant 5.000000e-01 : f32
        %mul3A_242 = vector.broadcast %mul3A_241 : f32 to vector<16xf32>
        %mul3A_243 = arith.mulf %mul3A_242, %gather3A_240 : vector<16xf32>
        %mul3A_244 = arith.constant 5.000000e-01 : f32
        %mul3A_245 = vector.broadcast %mul3A_244 : f32 to vector<16xf32>
        %mul3A_246 = arith.mulf %mul3A_245, %gather3A_239 : vector<16xf32>
        %add3A_247 = arith.addf %mul3A_243, %mul3A_246 : vector<16xf32>
        %mul3A_248 = arith.mulf %add3A_247, %add3A_247 : vector<16xf32>
        %add3A_249 = arith.addf %add3A_236, %mul3A_248 : vector<16xf32>
        %broadcast_in_dim3A_250 = arith.constant 12 : i32
        %broadcast_in_dim3A_251 = vector.broadcast %broadcast_in_dim3A_250 : i32 to vector<16xi32>
        %gather3A_252 = tpu.vector_load_idx %arg13[%add3A_93, %broadcast_in_dim3A_251] : memref<128x16xf32, #tpu.memory_space<vmem>>[vector<16xi32>, vector<16xi32>], vector<16xf32>,
        %gather3A_253 = tpu.vector_load_idx %arg14[%add3A_93, %broadcast_in_dim3A_251] : memref<128x16xf32, #tpu.memory_space<vmem>>[vector<16xi32>, vector<16xi32>], vector<16xf32>,
        %mul3A_254 = arith.constant 5.000000e-01 : f32
        %mul3A_255 = vector.broadcast %mul3A_254 : f32 to vector<16xf32>
        %mul3A_256 = arith.mulf %mul3A_255, %gather3A_253 : vector<16xf32>
        %mul3A_257 = arith.constant 5.000000e-01 : f32
        %mul3A_258 = vector.broadcast %mul3A_257 : f32 to vector<16xf32>
        %mul3A_259 = arith.mulf %mul3A_258, %gather3A_252 : vector<16xf32>
        %add3A_260 = arith.addf %mul3A_256, %mul3A_259 : vector<16xf32>
        %mul3A_261 = arith.mulf %add3A_260, %add3A_260 : vector<16xf32>
        %add3A_262 = arith.addf %add3A_249, %mul3A_261 : vector<16xf32>
        %broadcast_in_dim3A_263 = arith.constant 13 : i32
        %broadcast_in_dim3A_264 = vector.broadcast %broadcast_in_dim3A_263 : i32 to vector<16xi32>
        %gather3A_265 = tpu.vector_load_idx %arg13[%add3A_93, %broadcast_in_dim3A_264] : memref<128x16xf32, #tpu.memory_space<vmem>>[vector<16xi32>, vector<16xi32>], vector<16xf32>,
        %gather3A_266 = tpu.vector_load_idx %arg14[%add3A_93, %broadcast_in_dim3A_264] : memref<128x16xf32, #tpu.memory_space<vmem>>[vector<16xi32>, vector<16xi32>], vector<16xf32>,
        %mul3A_267 = arith.constant 5.000000e-01 : f32
        %mul3A_268 = vector.broadcast %mul3A_267 : f32 to vector<16xf32>
        %mul3A_269 = arith.mulf %mul3A_268, %gather3A_266 : vector<16xf32>
        %mul3A_270 = arith.constant 5.000000e-01 : f32
        %mul3A_271 = vector.broadcast %mul3A_270 : f32 to vector<16xf32>
        %mul3A_272 = arith.mulf %mul3A_271, %gather3A_265 : vector<16xf32>
        %add3A_273 = arith.addf %mul3A_269, %mul3A_272 : vector<16xf32>
        %mul3A_274 = arith.mulf %add3A_273, %add3A_273 : vector<16xf32>
        %add3A_275 = arith.addf %add3A_262, %mul3A_274 : vector<16xf32>
        %broadcast_in_dim3A_276 = arith.constant 14 : i32
        %broadcast_in_dim3A_277 = vector.broadcast %broadcast_in_dim3A_276 : i32 to vector<16xi32>
        %gather3A_278 = tpu.vector_load_idx %arg13[%add3A_93, %broadcast_in_dim3A_277] : memref<128x16xf32, #tpu.memory_space<vmem>>[vector<16xi32>, vector<16xi32>], vector<16xf32>,
        %gather3A_279 = tpu.vector_load_idx %arg14[%add3A_93, %broadcast_in_dim3A_277] : memref<128x16xf32, #tpu.memory_space<vmem>>[vector<16xi32>, vector<16xi32>], vector<16xf32>,
        %mul3A_280 = arith.constant 5.000000e-01 : f32
        %mul3A_281 = vector.broadcast %mul3A_280 : f32 to vector<16xf32>
        %mul3A_282 = arith.mulf %mul3A_281, %gather3A_279 : vector<16xf32>
        %mul3A_283 = arith.constant 5.000000e-01 : f32
        %mul3A_284 = vector.broadcast %mul3A_283 : f32 to vector<16xf32>
        %mul3A_285 = arith.mulf %mul3A_284, %gather3A_278 : vector<16xf32>
        %add3A_286 = arith.addf %mul3A_282, %mul3A_285 : vector<16xf32>
        %mul3A_287 = arith.mulf %add3A_286, %add3A_286 : vector<16xf32>
        %add3A_288 = arith.addf %add3A_275, %mul3A_287 : vector<16xf32>
        %broadcast_in_dim3A_289 = arith.constant 15 : i32
        %broadcast_in_dim3A_290 = vector.broadcast %broadcast_in_dim3A_289 : i32 to vector<16xi32>
        %gather3A_291 = tpu.vector_load_idx %arg13[%add3A_93, %broadcast_in_dim3A_290] : memref<128x16xf32, #tpu.memory_space<vmem>>[vector<16xi32>, vector<16xi32>], vector<16xf32>,
        %gather3A_292 = tpu.vector_load_idx %arg14[%add3A_93, %broadcast_in_dim3A_290] : memref<128x16xf32, #tpu.memory_space<vmem>>[vector<16xi32>, vector<16xi32>], vector<16xf32>,
        %mul3A_293 = arith.constant 5.000000e-01 : f32
        %mul3A_294 = vector.broadcast %mul3A_293 : f32 to vector<16xf32>
        %mul3A_295 = arith.mulf %mul3A_294, %gather3A_292 : vector<16xf32>
        %mul3A_296 = arith.constant 5.000000e-01 : f32
        %mul3A_297 = vector.broadcast %mul3A_296 : f32 to vector<16xf32>
        %mul3A_298 = arith.mulf %mul3A_297, %gather3A_291 : vector<16xf32>
        %add3A_299 = arith.addf %mul3A_295, %mul3A_298 : vector<16xf32>
        %mul3A_300 = arith.mulf %add3A_299, %add3A_299 : vector<16xf32>
        %add3A_301 = arith.addf %add3A_288, %mul3A_300 : vector<16xf32>
        %bitcast_convert_type3A = tpu.bitcast %add3A_301 : vector<16xf32> -> vector<16xi32>
        %shift_right_logical3A = arith.constant 1 : i32
        %shift_right_logical3A_302 = vector.broadcast %shift_right_logical3A : i32 to vector<16xi32>
        %shift_right_logical3A_303 = arith.shrui %bitcast_convert_type3A, %shift_right_logical3A_302 : vector<16xi32>
        %sub3A_304 = arith.constant 1597463007 : i32
        %sub3A_305 = vector.broadcast %sub3A_304 : i32 to vector<16xi32>
        %sub3A_306 = arith.subi %sub3A_305, %shift_right_logical3A_303 : vector<16xi32>
        %bitcast_convert_type3A_307 = tpu.bitcast %sub3A_306 : vector<16xi32> -> vector<16xf32>
        %mul3A_308 = arith.constant 5.000000e-01 : f32
        %mul3A_309 = vector.broadcast %mul3A_308 : f32 to vector<16xf32>
        %mul3A_310 = arith.mulf %mul3A_309, %add3A_301 : vector<16xf32>
        %mul3A_311 = arith.mulf %mul3A_310, %bitcast_convert_type3A_307 : vector<16xf32>
        %mul3A_312 = arith.mulf %mul3A_311, %bitcast_convert_type3A_307 : vector<16xf32>
        %sub3A_313 = arith.constant 1.500000e+00 : f32
        %sub3A_314 = vector.broadcast %sub3A_313 : f32 to vector<16xf32>
        %sub3A_315 = arith.subf %sub3A_314, %mul3A_312 : vector<16xf32>
        %mul3A_316 = arith.mulf %bitcast_convert_type3A_307, %sub3A_315 : vector<16xf32>
        %mul3A_317 = arith.constant 5.000000e-01 : f32
        %mul3A_318 = vector.broadcast %mul3A_317 : f32 to vector<16xf32>
        %mul3A_319 = arith.mulf %mul3A_318, %add3A_301 : vector<16xf32>
        %mul3A_320 = arith.mulf %mul3A_319, %mul3A_316 : vector<16xf32>
        %mul3A_321 = arith.mulf %mul3A_320, %mul3A_316 : vector<16xf32>
        %sub3A_322 = arith.constant 1.500000e+00 : f32
        %sub3A_323 = vector.broadcast %sub3A_322 : f32 to vector<16xf32>
        %sub3A_324 = arith.subf %sub3A_323, %mul3A_321 : vector<16xf32>
        %mul3A_325 = arith.mulf %mul3A_316, %sub3A_324 : vector<16xf32>
        %mul3A_326 = arith.constant 5.000000e-01 : f32
        %mul3A_327 = vector.broadcast %mul3A_326 : f32 to vector<16xf32>
        %mul3A_328 = arith.mulf %mul3A_327, %add3A_301 : vector<16xf32>
        %mul3A_329 = arith.mulf %mul3A_328, %mul3A_325 : vector<16xf32>
        %mul3A_330 = arith.mulf %mul3A_329, %mul3A_325 : vector<16xf32>
        %sub3A_331 = arith.constant 1.500000e+00 : f32
        %sub3A_332 = vector.broadcast %sub3A_331 : f32 to vector<16xf32>
        %sub3A_333 = arith.subf %sub3A_332, %mul3A_330 : vector<16xf32>
        %mul3A_334 = arith.mulf %mul3A_325, %sub3A_333 : vector<16xf32>
        %broadcast_in_dim3A_335 = arith.constant 0 : i32
        %broadcast_in_dim3A_336 = vector.broadcast %broadcast_in_dim3A_335 : i32 to vector<16xi32>
        %mul3A_337 = arith.mulf %add3A_104, %mul3A_334 : vector<16xf32>
        tpu.vector_store_idx %arg15[%add3A_93, %broadcast_in_dim3A_336], %mul3A_337 : memref<128x16xf32, #tpu.memory_space<vmem>>[vector<16xi32>, vector<16xi32>], vector<16xf32>,
        %broadcast_in_dim3A_338 = arith.constant 1 : i32
        %broadcast_in_dim3A_339 = vector.broadcast %broadcast_in_dim3A_338 : i32 to vector<16xi32>
        %mul3A_340 = arith.mulf %add3A_117, %mul3A_334 : vector<16xf32>
        tpu.vector_store_idx %arg15[%add3A_93, %broadcast_in_dim3A_339], %mul3A_340 : memref<128x16xf32, #tpu.memory_space<vmem>>[vector<16xi32>, vector<16xi32>], vector<16xf32>,
        %broadcast_in_dim3A_341 = arith.constant 2 : i32
        %broadcast_in_dim3A_342 = vector.broadcast %broadcast_in_dim3A_341 : i32 to vector<16xi32>
        %mul3A_343 = arith.mulf %add3A_130, %mul3A_334 : vector<16xf32>
        tpu.vector_store_idx %arg15[%add3A_93, %broadcast_in_dim3A_342], %mul3A_343 : memref<128x16xf32, #tpu.memory_space<vmem>>[vector<16xi32>, vector<16xi32>], vector<16xf32>,
        %broadcast_in_dim3A_344 = arith.constant 3 : i32
        %broadcast_in_dim3A_345 = vector.broadcast %broadcast_in_dim3A_344 : i32 to vector<16xi32>
        %mul3A_346 = arith.mulf %add3A_143, %mul3A_334 : vector<16xf32>
        tpu.vector_store_idx %arg15[%add3A_93, %broadcast_in_dim3A_345], %mul3A_346 : memref<128x16xf32, #tpu.memory_space<vmem>>[vector<16xi32>, vector<16xi32>], vector<16xf32>,
        %broadcast_in_dim3A_347 = arith.constant 4 : i32
        %broadcast_in_dim3A_348 = vector.broadcast %broadcast_in_dim3A_347 : i32 to vector<16xi32>
        %mul3A_349 = arith.mulf %add3A_156, %mul3A_334 : vector<16xf32>
        tpu.vector_store_idx %arg15[%add3A_93, %broadcast_in_dim3A_348], %mul3A_349 : memref<128x16xf32, #tpu.memory_space<vmem>>[vector<16xi32>, vector<16xi32>], vector<16xf32>,
        %broadcast_in_dim3A_350 = arith.constant 5 : i32
        %broadcast_in_dim3A_351 = vector.broadcast %broadcast_in_dim3A_350 : i32 to vector<16xi32>
        %mul3A_352 = arith.mulf %add3A_169, %mul3A_334 : vector<16xf32>
        tpu.vector_store_idx %arg15[%add3A_93, %broadcast_in_dim3A_351], %mul3A_352 : memref<128x16xf32, #tpu.memory_space<vmem>>[vector<16xi32>, vector<16xi32>], vector<16xf32>,
        %broadcast_in_dim3A_353 = arith.constant 6 : i32
        %broadcast_in_dim3A_354 = vector.broadcast %broadcast_in_dim3A_353 : i32 to vector<16xi32>
        %mul3A_355 = arith.mulf %add3A_182, %mul3A_334 : vector<16xf32>
        tpu.vector_store_idx %arg15[%add3A_93, %broadcast_in_dim3A_354], %mul3A_355 : memref<128x16xf32, #tpu.memory_space<vmem>>[vector<16xi32>, vector<16xi32>], vector<16xf32>,
        %broadcast_in_dim3A_356 = arith.constant 7 : i32
        %broadcast_in_dim3A_357 = vector.broadcast %broadcast_in_dim3A_356 : i32 to vector<16xi32>
        %mul3A_358 = arith.mulf %add3A_195, %mul3A_334 : vector<16xf32>
        tpu.vector_store_idx %arg15[%add3A_93, %broadcast_in_dim3A_357], %mul3A_358 : memref<128x16xf32, #tpu.memory_space<vmem>>[vector<16xi32>, vector<16xi32>], vector<16xf32>,
        %broadcast_in_dim3A_359 = arith.constant 8 : i32
        %broadcast_in_dim3A_360 = vector.broadcast %broadcast_in_dim3A_359 : i32 to vector<16xi32>
        %mul3A_361 = arith.mulf %add3A_208, %mul3A_334 : vector<16xf32>
        tpu.vector_store_idx %arg15[%add3A_93, %broadcast_in_dim3A_360], %mul3A_361 : memref<128x16xf32, #tpu.memory_space<vmem>>[vector<16xi32>, vector<16xi32>], vector<16xf32>,
        %broadcast_in_dim3A_362 = arith.constant 9 : i32
        %broadcast_in_dim3A_363 = vector.broadcast %broadcast_in_dim3A_362 : i32 to vector<16xi32>
        %mul3A_364 = arith.mulf %add3A_221, %mul3A_334 : vector<16xf32>
        tpu.vector_store_idx %arg15[%add3A_93, %broadcast_in_dim3A_363], %mul3A_364 : memref<128x16xf32, #tpu.memory_space<vmem>>[vector<16xi32>, vector<16xi32>], vector<16xf32>,
        %broadcast_in_dim3A_365 = arith.constant 10 : i32
        %broadcast_in_dim3A_366 = vector.broadcast %broadcast_in_dim3A_365 : i32 to vector<16xi32>
        %mul3A_367 = arith.mulf %add3A_234, %mul3A_334 : vector<16xf32>
        tpu.vector_store_idx %arg15[%add3A_93, %broadcast_in_dim3A_366], %mul3A_367 : memref<128x16xf32, #tpu.memory_space<vmem>>[vector<16xi32>, vector<16xi32>], vector<16xf32>,
        %broadcast_in_dim3A_368 = arith.constant 11 : i32
        %broadcast_in_dim3A_369 = vector.broadcast %broadcast_in_dim3A_368 : i32 to vector<16xi32>
        %mul3A_370 = arith.mulf %add3A_247, %mul3A_334 : vector<16xf32>
        tpu.vector_store_idx %arg15[%add3A_93, %broadcast_in_dim3A_369], %mul3A_370 : memref<128x16xf32, #tpu.memory_space<vmem>>[vector<16xi32>, vector<16xi32>], vector<16xf32>,
        %broadcast_in_dim3A_371 = arith.constant 12 : i32
        %broadcast_in_dim3A_372 = vector.broadcast %broadcast_in_dim3A_371 : i32 to vector<16xi32>
        %mul3A_373 = arith.mulf %add3A_260, %mul3A_334 : vector<16xf32>
        tpu.vector_store_idx %arg15[%add3A_93, %broadcast_in_dim3A_372], %mul3A_373 : memref<128x16xf32, #tpu.memory_space<vmem>>[vector<16xi32>, vector<16xi32>], vector<16xf32>,
        %broadcast_in_dim3A_374 = arith.constant 13 : i32
        %broadcast_in_dim3A_375 = vector.broadcast %broadcast_in_dim3A_374 : i32 to vector<16xi32>
        %mul3A_376 = arith.mulf %add3A_273, %mul3A_334 : vector<16xf32>
        tpu.vector_store_idx %arg15[%add3A_93, %broadcast_in_dim3A_375], %mul3A_376 : memref<128x16xf32, #tpu.memory_space<vmem>>[vector<16xi32>, vector<16xi32>], vector<16xf32>,
        %broadcast_in_dim3A_377 = arith.constant 14 : i32
        %broadcast_in_dim3A_378 = vector.broadcast %broadcast_in_dim3A_377 : i32 to vector<16xi32>
        %mul3A_379 = arith.mulf %add3A_286, %mul3A_334 : vector<16xf32>
        tpu.vector_store_idx %arg15[%add3A_93, %broadcast_in_dim3A_378], %mul3A_379 : memref<128x16xf32, #tpu.memory_space<vmem>>[vector<16xi32>, vector<16xi32>], vector<16xf32>,
        %broadcast_in_dim3A_380 = arith.constant 15 : i32
        %broadcast_in_dim3A_381 = vector.broadcast %broadcast_in_dim3A_380 : i32 to vector<16xi32>
        %mul3A_382 = arith.mulf %add3A_299, %mul3A_334 : vector<16xf32>
        tpu.vector_store_idx %arg15[%add3A_93, %broadcast_in_dim3A_381], %mul3A_382 : memref<128x16xf32, #tpu.memory_space<vmem>>[vector<16xi32>, vector<16xi32>], vector<16xf32>,
      }
      %scan3A_76 = arith.constant 8 : i32
      %sub3A_77 = arith.subi %scan3A_13, %mul3A_56 : i32
      %min3A = arith.constant 128 : i32
      %min3A_78 = arith.minsi %min3A, %sub3A_77 : i32
      %while3A_79 = arith.constant 0 : i32
      %while3A_80 = arith.constant 0 : i32
      %while3A_81 = arith.subi %min3A_78, %while3A_80 : i32
      %while3A_82 = arith.addi %while3A_80, %while3A_81 : i32
      %while3A_83 = arith.constant 1 : i32
      %while3A_84 = arith.divsi %while3A_81, %while3A_83 : i32
      %while3A_85 = arith.muli %while3A_84, %while3A_83 : i32
      %while3A_86 = arith.addi %while3A_80, %while3A_85 : i32
      %while3A_87 = arith.constant 1 : i32
      scf.for %while3A_89 = %while3A_80 to %while3A_86 step %while3A_87  : i32 {
        %add3A_90 = arith.addi %mul3A_56, %while3A_89 : i32
        %get3A = arith.index_cast %add3A_90 : i32 to index
        %get3A_91 = tpu.vector_load %arg11[%get3A] {strides = array<i32>} : memref<16512xi32, #tpu.memory_space<vmem>>, vector<16xi32>,
        %slice3A = vector.extract_strided_slice %get3A_91 {offsets = [0], sizes = [1], strides = [1]} : vector<16xi32> to vector<1xi32>
        %squeeze3A = vector.extract %slice3A[0] : i32 from vector<1xi32>
        %sub3A_92 = arith.subi %squeeze3A, %mul3A_2 : i32
        %broadcast_in_dim3A = vector.broadcast %sub3A_92 : i32 to vector<16xi32>
        %broadcast_in_dim3A_93 = vector.broadcast %while3A_89 : i32 to vector<16xi32>
        %gather3A = tpu.vector_load_idx %arg15[%broadcast_in_dim3A_93, %iota3A] : memref<128x16xf32, #tpu.memory_space<vmem>>[vector<16xi32>, vector<16xi32>], vector<16xf32>,
        tpu.vector_store_idx %arg12[%broadcast_in_dim3A, %iota3A], %gather3A : memref<3125x16xf32, #tpu.memory_space<vmem>>[vector<16xi32>, vector<16xi32>], vector<16xf32>,
      }
      %while3A_88 = arith.constant 1 : i32
      scf.for %while3A_89 = %while3A_86 to %while3A_82 step %while3A_88  : i32 {
        %add3A_90 = arith.addi %mul3A_56, %while3A_89 : i32
        %get3A = arith.index_cast %add3A_90 : i32 to index
        %get3A_91 = tpu.vector_load %arg11[%get3A] {strides = array<i32>} : memref<16512xi32, #tpu.memory_space<vmem>>, vector<16xi32>,
        %slice3A = vector.extract_strided_slice %get3A_91 {offsets = [0], sizes = [1], strides = [1]} : vector<16xi32> to vector<1xi32>
        %squeeze3A = vector.extract %slice3A[0] : i32 from vector<1xi32>
        %sub3A_92 = arith.subi %squeeze3A, %mul3A_2 : i32
        %broadcast_in_dim3A = vector.broadcast %sub3A_92 : i32 to vector<16xi32>
        %broadcast_in_dim3A_93 = vector.broadcast %while3A_89 : i32 to vector<16xi32>
        %gather3A = tpu.vector_load_idx %arg15[%broadcast_in_dim3A_93, %iota3A] : memref<128x16xf32, #tpu.memory_space<vmem>>[vector<16xi32>, vector<16xi32>], vector<16xf32>,
        tpu.vector_store_idx %arg12[%broadcast_in_dim3A, %iota3A], %gather3A : memref<3125x16xf32, #tpu.memory_space<vmem>>[vector<16xi32>, vector<16xi32>], vector<16xf32>,
      }
    }
    %while3A_53 = arith.constant 1 : i32
    scf.for %while3A_54 = %while3A_51 to %while3A_47 step %while3A_53  : i32 {
      %mul3A_55 = arith.constant 128 : i32
      %mul3A_56 = arith.muli %while3A_54, %mul3A_55 : i32
      %dma_start3A = tpu.memref_slice %arg10[%mul3A_56] : memref<16512xi32, #tpu.memory_space<vmem>> -> memref<128xi32, #tpu.memory_space<vmem>>
      %dma_start3A_57 = arith.constant 0 : i32
      %dma_start3A_58 = arith.constant 0 : i32
      %dma_start3A_59 = tpu.memref_slice %arg4[%dma_start3A_57, %dma_start3A_58] : memref<16384x16xf32, #tpu.memory_space<hbm>> -> memref<16384x16xf32, #tpu.memory_space<hbm>>
      tpu.enqueue_indirect_dma source(%dma_start3A_59 : memref<16384x16xf32, #tpu.memory_space<hbm>>) target(%arg13 : memref<128x16xf32, #tpu.memory_space<vmem>>) offsets(%dma_start3A : memref<128xi32, #tpu.memory_space<vmem>>) semaphore(%arg16 : memref<!tpu.dma_semaphore, #tpu.memory_space<semaphore_mem>>)
      %dma_wait3A = tpu.memref_slice %arg10[%mul3A_56] : memref<16512xi32, #tpu.memory_space<vmem>> -> memref<128xi32, #tpu.memory_space<vmem>>
      %dma_wait3A_60 = arith.constant 0 : i32
      %dma_wait3A_61 = arith.constant 0 : i32
      %dma_wait3A_62 = tpu.memref_slice %arg4[%dma_wait3A_60, %dma_wait3A_61] : memref<16384x16xf32, #tpu.memory_space<hbm>> -> memref<16384x16xf32, #tpu.memory_space<hbm>>
      tpu.wait_indirect_dma semaphore(%arg16 : memref<!tpu.dma_semaphore, #tpu.memory_space<semaphore_mem>>) src(%dma_wait3A_62 : memref<16384x16xf32, #tpu.memory_space<hbm>>) dst(%arg13 : memref<128x16xf32, #tpu.memory_space<vmem>>)
      %dma_start3A_63 = tpu.memref_slice %arg11[%mul3A_56] : memref<16512xi32, #tpu.memory_space<vmem>> -> memref<128xi32, #tpu.memory_space<vmem>>
      %dma_start3A_64 = arith.constant 0 : i32
      %dma_start3A_65 = arith.constant 0 : i32
      %dma_start3A_66 = tpu.memref_slice %arg6[%dma_start3A_64, %dma_start3A_65] : memref<100000x16xf32, #tpu.memory_space<hbm>> -> memref<100000x16xf32, #tpu.memory_space<hbm>>
      tpu.enqueue_indirect_dma source(%dma_start3A_66 : memref<100000x16xf32, #tpu.memory_space<hbm>>) target(%arg14 : memref<128x16xf32, #tpu.memory_space<vmem>>) offsets(%dma_start3A_63 : memref<128xi32, #tpu.memory_space<vmem>>) semaphore(%arg16 : memref<!tpu.dma_semaphore, #tpu.memory_space<semaphore_mem>>)
      %dma_wait3A_67 = tpu.memref_slice %arg11[%mul3A_56] : memref<16512xi32, #tpu.memory_space<vmem>> -> memref<128xi32, #tpu.memory_space<vmem>>
      %dma_wait3A_68 = arith.constant 0 : i32
      %dma_wait3A_69 = arith.constant 0 : i32
      %dma_wait3A_70 = tpu.memref_slice %arg6[%dma_wait3A_68, %dma_wait3A_69] : memref<100000x16xf32, #tpu.memory_space<hbm>> -> memref<100000x16xf32, #tpu.memory_space<hbm>>
      tpu.wait_indirect_dma semaphore(%arg16 : memref<!tpu.dma_semaphore, #tpu.memory_space<semaphore_mem>>) src(%dma_wait3A_70 : memref<100000x16xf32, #tpu.memory_space<hbm>>) dst(%arg14 : memref<128x16xf32, #tpu.memory_space<vmem>>)
      %scan3A_71 = arith.constant 0 : i32
      %scan3A_72 = arith.constant 0 : i32
      %scan3A_73 = arith.constant 8 : i32
      %scan3A_74 = arith.addi %scan3A_72, %scan3A_73 : i32
      %scan3A_75 = arith.constant 1 : i32
      scf.for %scan3A_89 = %scan3A_72 to %scan3A_74 step %scan3A_75  : i32 {
        %mul3A_90 = arith.constant 16 : i32
        %mul3A_91 = arith.muli %scan3A_89, %mul3A_90 : i32
        %add3A_92 = vector.broadcast %mul3A_91 : i32 to vector<16xi32>
        %add3A_93 = arith.addi %add3A_92, %iota3A : vector<16xi32>
        %broadcast_in_dim3A = arith.constant 0.000000e+00 : f32
        %broadcast_in_dim3A_94 = vector.broadcast %broadcast_in_dim3A : f32 to vector<16xf32>
        %broadcast_in_dim3A_95 = arith.constant 0 : i32
        %broadcast_in_dim3A_96 = vector.broadcast %broadcast_in_dim3A_95 : i32 to vector<16xi32>
        %gather3A = tpu.vector_load_idx %arg13[%add3A_93, %broadcast_in_dim3A_96] : memref<128x16xf32, #tpu.memory_space<vmem>>[vector<16xi32>, vector<16xi32>], vector<16xf32>,
        %gather3A_97 = tpu.vector_load_idx %arg14[%add3A_93, %broadcast_in_dim3A_96] : memref<128x16xf32, #tpu.memory_space<vmem>>[vector<16xi32>, vector<16xi32>], vector<16xf32>,
        %mul3A_98 = arith.constant 5.000000e-01 : f32
        %mul3A_99 = vector.broadcast %mul3A_98 : f32 to vector<16xf32>
        %mul3A_100 = arith.mulf %mul3A_99, %gather3A_97 : vector<16xf32>
        %mul3A_101 = arith.constant 5.000000e-01 : f32
        %mul3A_102 = vector.broadcast %mul3A_101 : f32 to vector<16xf32>
        %mul3A_103 = arith.mulf %mul3A_102, %gather3A : vector<16xf32>
        %add3A_104 = arith.addf %mul3A_100, %mul3A_103 : vector<16xf32>
        %mul3A_105 = arith.mulf %add3A_104, %add3A_104 : vector<16xf32>
        %add3A_106 = arith.addf %broadcast_in_dim3A_94, %mul3A_105 : vector<16xf32>
        %broadcast_in_dim3A_107 = arith.constant 1 : i32
        %broadcast_in_dim3A_108 = vector.broadcast %broadcast_in_dim3A_107 : i32 to vector<16xi32>
        %gather3A_109 = tpu.vector_load_idx %arg13[%add3A_93, %broadcast_in_dim3A_108] : memref<128x16xf32, #tpu.memory_space<vmem>>[vector<16xi32>, vector<16xi32>], vector<16xf32>,
        %gather3A_110 = tpu.vector_load_idx %arg14[%add3A_93, %broadcast_in_dim3A_108] : memref<128x16xf32, #tpu.memory_space<vmem>>[vector<16xi32>, vector<16xi32>], vector<16xf32>,
        %mul3A_111 = arith.constant 5.000000e-01 : f32
        %mul3A_112 = vector.broadcast %mul3A_111 : f32 to vector<16xf32>
        %mul3A_113 = arith.mulf %mul3A_112, %gather3A_110 : vector<16xf32>
        %mul3A_114 = arith.constant 5.000000e-01 : f32
        %mul3A_115 = vector.broadcast %mul3A_114 : f32 to vector<16xf32>
        %mul3A_116 = arith.mulf %mul3A_115, %gather3A_109 : vector<16xf32>
        %add3A_117 = arith.addf %mul3A_113, %mul3A_116 : vector<16xf32>
        %mul3A_118 = arith.mulf %add3A_117, %add3A_117 : vector<16xf32>
        %add3A_119 = arith.addf %add3A_106, %mul3A_118 : vector<16xf32>
        %broadcast_in_dim3A_120 = arith.constant 2 : i32
        %broadcast_in_dim3A_121 = vector.broadcast %broadcast_in_dim3A_120 : i32 to vector<16xi32>
        %gather3A_122 = tpu.vector_load_idx %arg13[%add3A_93, %broadcast_in_dim3A_121] : memref<128x16xf32, #tpu.memory_space<vmem>>[vector<16xi32>, vector<16xi32>], vector<16xf32>,
        %gather3A_123 = tpu.vector_load_idx %arg14[%add3A_93, %broadcast_in_dim3A_121] : memref<128x16xf32, #tpu.memory_space<vmem>>[vector<16xi32>, vector<16xi32>], vector<16xf32>,
        %mul3A_124 = arith.constant 5.000000e-01 : f32
        %mul3A_125 = vector.broadcast %mul3A_124 : f32 to vector<16xf32>
        %mul3A_126 = arith.mulf %mul3A_125, %gather3A_123 : vector<16xf32>
        %mul3A_127 = arith.constant 5.000000e-01 : f32
        %mul3A_128 = vector.broadcast %mul3A_127 : f32 to vector<16xf32>
        %mul3A_129 = arith.mulf %mul3A_128, %gather3A_122 : vector<16xf32>
        %add3A_130 = arith.addf %mul3A_126, %mul3A_129 : vector<16xf32>
        %mul3A_131 = arith.mulf %add3A_130, %add3A_130 : vector<16xf32>
        %add3A_132 = arith.addf %add3A_119, %mul3A_131 : vector<16xf32>
        %broadcast_in_dim3A_133 = arith.constant 3 : i32
        %broadcast_in_dim3A_134 = vector.broadcast %broadcast_in_dim3A_133 : i32 to vector<16xi32>
        %gather3A_135 = tpu.vector_load_idx %arg13[%add3A_93, %broadcast_in_dim3A_134] : memref<128x16xf32, #tpu.memory_space<vmem>>[vector<16xi32>, vector<16xi32>], vector<16xf32>,
        %gather3A_136 = tpu.vector_load_idx %arg14[%add3A_93, %broadcast_in_dim3A_134] : memref<128x16xf32, #tpu.memory_space<vmem>>[vector<16xi32>, vector<16xi32>], vector<16xf32>,
        %mul3A_137 = arith.constant 5.000000e-01 : f32
        %mul3A_138 = vector.broadcast %mul3A_137 : f32 to vector<16xf32>
        %mul3A_139 = arith.mulf %mul3A_138, %gather3A_136 : vector<16xf32>
        %mul3A_140 = arith.constant 5.000000e-01 : f32
        %mul3A_141 = vector.broadcast %mul3A_140 : f32 to vector<16xf32>
        %mul3A_142 = arith.mulf %mul3A_141, %gather3A_135 : vector<16xf32>
        %add3A_143 = arith.addf %mul3A_139, %mul3A_142 : vector<16xf32>
        %mul3A_144 = arith.mulf %add3A_143, %add3A_143 : vector<16xf32>
        %add3A_145 = arith.addf %add3A_132, %mul3A_144 : vector<16xf32>
        %broadcast_in_dim3A_146 = arith.constant 4 : i32
        %broadcast_in_dim3A_147 = vector.broadcast %broadcast_in_dim3A_146 : i32 to vector<16xi32>
        %gather3A_148 = tpu.vector_load_idx %arg13[%add3A_93, %broadcast_in_dim3A_147] : memref<128x16xf32, #tpu.memory_space<vmem>>[vector<16xi32>, vector<16xi32>], vector<16xf32>,
        %gather3A_149 = tpu.vector_load_idx %arg14[%add3A_93, %broadcast_in_dim3A_147] : memref<128x16xf32, #tpu.memory_space<vmem>>[vector<16xi32>, vector<16xi32>], vector<16xf32>,
        %mul3A_150 = arith.constant 5.000000e-01 : f32
        %mul3A_151 = vector.broadcast %mul3A_150 : f32 to vector<16xf32>
        %mul3A_152 = arith.mulf %mul3A_151, %gather3A_149 : vector<16xf32>
        %mul3A_153 = arith.constant 5.000000e-01 : f32
        %mul3A_154 = vector.broadcast %mul3A_153 : f32 to vector<16xf32>
        %mul3A_155 = arith.mulf %mul3A_154, %gather3A_148 : vector<16xf32>
        %add3A_156 = arith.addf %mul3A_152, %mul3A_155 : vector<16xf32>
        %mul3A_157 = arith.mulf %add3A_156, %add3A_156 : vector<16xf32>
        %add3A_158 = arith.addf %add3A_145, %mul3A_157 : vector<16xf32>
        %broadcast_in_dim3A_159 = arith.constant 5 : i32
        %broadcast_in_dim3A_160 = vector.broadcast %broadcast_in_dim3A_159 : i32 to vector<16xi32>
        %gather3A_161 = tpu.vector_load_idx %arg13[%add3A_93, %broadcast_in_dim3A_160] : memref<128x16xf32, #tpu.memory_space<vmem>>[vector<16xi32>, vector<16xi32>], vector<16xf32>,
        %gather3A_162 = tpu.vector_load_idx %arg14[%add3A_93, %broadcast_in_dim3A_160] : memref<128x16xf32, #tpu.memory_space<vmem>>[vector<16xi32>, vector<16xi32>], vector<16xf32>,
        %mul3A_163 = arith.constant 5.000000e-01 : f32
        %mul3A_164 = vector.broadcast %mul3A_163 : f32 to vector<16xf32>
        %mul3A_165 = arith.mulf %mul3A_164, %gather3A_162 : vector<16xf32>
        %mul3A_166 = arith.constant 5.000000e-01 : f32
        %mul3A_167 = vector.broadcast %mul3A_166 : f32 to vector<16xf32>
        %mul3A_168 = arith.mulf %mul3A_167, %gather3A_161 : vector<16xf32>
        %add3A_169 = arith.addf %mul3A_165, %mul3A_168 : vector<16xf32>
        %mul3A_170 = arith.mulf %add3A_169, %add3A_169 : vector<16xf32>
        %add3A_171 = arith.addf %add3A_158, %mul3A_170 : vector<16xf32>
        %broadcast_in_dim3A_172 = arith.constant 6 : i32
        %broadcast_in_dim3A_173 = vector.broadcast %broadcast_in_dim3A_172 : i32 to vector<16xi32>
        %gather3A_174 = tpu.vector_load_idx %arg13[%add3A_93, %broadcast_in_dim3A_173] : memref<128x16xf32, #tpu.memory_space<vmem>>[vector<16xi32>, vector<16xi32>], vector<16xf32>,
        %gather3A_175 = tpu.vector_load_idx %arg14[%add3A_93, %broadcast_in_dim3A_173] : memref<128x16xf32, #tpu.memory_space<vmem>>[vector<16xi32>, vector<16xi32>], vector<16xf32>,
        %mul3A_176 = arith.constant 5.000000e-01 : f32
        %mul3A_177 = vector.broadcast %mul3A_176 : f32 to vector<16xf32>
        %mul3A_178 = arith.mulf %mul3A_177, %gather3A_175 : vector<16xf32>
        %mul3A_179 = arith.constant 5.000000e-01 : f32
        %mul3A_180 = vector.broadcast %mul3A_179 : f32 to vector<16xf32>
        %mul3A_181 = arith.mulf %mul3A_180, %gather3A_174 : vector<16xf32>
        %add3A_182 = arith.addf %mul3A_178, %mul3A_181 : vector<16xf32>
        %mul3A_183 = arith.mulf %add3A_182, %add3A_182 : vector<16xf32>
        %add3A_184 = arith.addf %add3A_171, %mul3A_183 : vector<16xf32>
        %broadcast_in_dim3A_185 = arith.constant 7 : i32
        %broadcast_in_dim3A_186 = vector.broadcast %broadcast_in_dim3A_185 : i32 to vector<16xi32>
        %gather3A_187 = tpu.vector_load_idx %arg13[%add3A_93, %broadcast_in_dim3A_186] : memref<128x16xf32, #tpu.memory_space<vmem>>[vector<16xi32>, vector<16xi32>], vector<16xf32>,
        %gather3A_188 = tpu.vector_load_idx %arg14[%add3A_93, %broadcast_in_dim3A_186] : memref<128x16xf32, #tpu.memory_space<vmem>>[vector<16xi32>, vector<16xi32>], vector<16xf32>,
        %mul3A_189 = arith.constant 5.000000e-01 : f32
        %mul3A_190 = vector.broadcast %mul3A_189 : f32 to vector<16xf32>
        %mul3A_191 = arith.mulf %mul3A_190, %gather3A_188 : vector<16xf32>
        %mul3A_192 = arith.constant 5.000000e-01 : f32
        %mul3A_193 = vector.broadcast %mul3A_192 : f32 to vector<16xf32>
        %mul3A_194 = arith.mulf %mul3A_193, %gather3A_187 : vector<16xf32>
        %add3A_195 = arith.addf %mul3A_191, %mul3A_194 : vector<16xf32>
        %mul3A_196 = arith.mulf %add3A_195, %add3A_195 : vector<16xf32>
        %add3A_197 = arith.addf %add3A_184, %mul3A_196 : vector<16xf32>
        %broadcast_in_dim3A_198 = arith.constant 8 : i32
        %broadcast_in_dim3A_199 = vector.broadcast %broadcast_in_dim3A_198 : i32 to vector<16xi32>
        %gather3A_200 = tpu.vector_load_idx %arg13[%add3A_93, %broadcast_in_dim3A_199] : memref<128x16xf32, #tpu.memory_space<vmem>>[vector<16xi32>, vector<16xi32>], vector<16xf32>,
        %gather3A_201 = tpu.vector_load_idx %arg14[%add3A_93, %broadcast_in_dim3A_199] : memref<128x16xf32, #tpu.memory_space<vmem>>[vector<16xi32>, vector<16xi32>], vector<16xf32>,
        %mul3A_202 = arith.constant 5.000000e-01 : f32
        %mul3A_203 = vector.broadcast %mul3A_202 : f32 to vector<16xf32>
        %mul3A_204 = arith.mulf %mul3A_203, %gather3A_201 : vector<16xf32>
        %mul3A_205 = arith.constant 5.000000e-01 : f32
        %mul3A_206 = vector.broadcast %mul3A_205 : f32 to vector<16xf32>
        %mul3A_207 = arith.mulf %mul3A_206, %gather3A_200 : vector<16xf32>
        %add3A_208 = arith.addf %mul3A_204, %mul3A_207 : vector<16xf32>
        %mul3A_209 = arith.mulf %add3A_208, %add3A_208 : vector<16xf32>
        %add3A_210 = arith.addf %add3A_197, %mul3A_209 : vector<16xf32>
        %broadcast_in_dim3A_211 = arith.constant 9 : i32
        %broadcast_in_dim3A_212 = vector.broadcast %broadcast_in_dim3A_211 : i32 to vector<16xi32>
        %gather3A_213 = tpu.vector_load_idx %arg13[%add3A_93, %broadcast_in_dim3A_212] : memref<128x16xf32, #tpu.memory_space<vmem>>[vector<16xi32>, vector<16xi32>], vector<16xf32>,
        %gather3A_214 = tpu.vector_load_idx %arg14[%add3A_93, %broadcast_in_dim3A_212] : memref<128x16xf32, #tpu.memory_space<vmem>>[vector<16xi32>, vector<16xi32>], vector<16xf32>,
        %mul3A_215 = arith.constant 5.000000e-01 : f32
        %mul3A_216 = vector.broadcast %mul3A_215 : f32 to vector<16xf32>
        %mul3A_217 = arith.mulf %mul3A_216, %gather3A_214 : vector<16xf32>
        %mul3A_218 = arith.constant 5.000000e-01 : f32
        %mul3A_219 = vector.broadcast %mul3A_218 : f32 to vector<16xf32>
        %mul3A_220 = arith.mulf %mul3A_219, %gather3A_213 : vector<16xf32>
        %add3A_221 = arith.addf %mul3A_217, %mul3A_220 : vector<16xf32>
        %mul3A_222 = arith.mulf %add3A_221, %add3A_221 : vector<16xf32>
        %add3A_223 = arith.addf %add3A_210, %mul3A_222 : vector<16xf32>
        %broadcast_in_dim3A_224 = arith.constant 10 : i32
        %broadcast_in_dim3A_225 = vector.broadcast %broadcast_in_dim3A_224 : i32 to vector<16xi32>
        %gather3A_226 = tpu.vector_load_idx %arg13[%add3A_93, %broadcast_in_dim3A_225] : memref<128x16xf32, #tpu.memory_space<vmem>>[vector<16xi32>, vector<16xi32>], vector<16xf32>,
        %gather3A_227 = tpu.vector_load_idx %arg14[%add3A_93, %broadcast_in_dim3A_225] : memref<128x16xf32, #tpu.memory_space<vmem>>[vector<16xi32>, vector<16xi32>], vector<16xf32>,
        %mul3A_228 = arith.constant 5.000000e-01 : f32
        %mul3A_229 = vector.broadcast %mul3A_228 : f32 to vector<16xf32>
        %mul3A_230 = arith.mulf %mul3A_229, %gather3A_227 : vector<16xf32>
        %mul3A_231 = arith.constant 5.000000e-01 : f32
        %mul3A_232 = vector.broadcast %mul3A_231 : f32 to vector<16xf32>
        %mul3A_233 = arith.mulf %mul3A_232, %gather3A_226 : vector<16xf32>
        %add3A_234 = arith.addf %mul3A_230, %mul3A_233 : vector<16xf32>
        %mul3A_235 = arith.mulf %add3A_234, %add3A_234 : vector<16xf32>
        %add3A_236 = arith.addf %add3A_223, %mul3A_235 : vector<16xf32>
        %broadcast_in_dim3A_237 = arith.constant 11 : i32
        %broadcast_in_dim3A_238 = vector.broadcast %broadcast_in_dim3A_237 : i32 to vector<16xi32>
        %gather3A_239 = tpu.vector_load_idx %arg13[%add3A_93, %broadcast_in_dim3A_238] : memref<128x16xf32, #tpu.memory_space<vmem>>[vector<16xi32>, vector<16xi32>], vector<16xf32>,
        %gather3A_240 = tpu.vector_load_idx %arg14[%add3A_93, %broadcast_in_dim3A_238] : memref<128x16xf32, #tpu.memory_space<vmem>>[vector<16xi32>, vector<16xi32>], vector<16xf32>,
        %mul3A_241 = arith.constant 5.000000e-01 : f32
        %mul3A_242 = vector.broadcast %mul3A_241 : f32 to vector<16xf32>
        %mul3A_243 = arith.mulf %mul3A_242, %gather3A_240 : vector<16xf32>
        %mul3A_244 = arith.constant 5.000000e-01 : f32
        %mul3A_245 = vector.broadcast %mul3A_244 : f32 to vector<16xf32>
        %mul3A_246 = arith.mulf %mul3A_245, %gather3A_239 : vector<16xf32>
        %add3A_247 = arith.addf %mul3A_243, %mul3A_246 : vector<16xf32>
        %mul3A_248 = arith.mulf %add3A_247, %add3A_247 : vector<16xf32>
        %add3A_249 = arith.addf %add3A_236, %mul3A_248 : vector<16xf32>
        %broadcast_in_dim3A_250 = arith.constant 12 : i32
        %broadcast_in_dim3A_251 = vector.broadcast %broadcast_in_dim3A_250 : i32 to vector<16xi32>
        %gather3A_252 = tpu.vector_load_idx %arg13[%add3A_93, %broadcast_in_dim3A_251] : memref<128x16xf32, #tpu.memory_space<vmem>>[vector<16xi32>, vector<16xi32>], vector<16xf32>,
        %gather3A_253 = tpu.vector_load_idx %arg14[%add3A_93, %broadcast_in_dim3A_251] : memref<128x16xf32, #tpu.memory_space<vmem>>[vector<16xi32>, vector<16xi32>], vector<16xf32>,
        %mul3A_254 = arith.constant 5.000000e-01 : f32
        %mul3A_255 = vector.broadcast %mul3A_254 : f32 to vector<16xf32>
        %mul3A_256 = arith.mulf %mul3A_255, %gather3A_253 : vector<16xf32>
        %mul3A_257 = arith.constant 5.000000e-01 : f32
        %mul3A_258 = vector.broadcast %mul3A_257 : f32 to vector<16xf32>
        %mul3A_259 = arith.mulf %mul3A_258, %gather3A_252 : vector<16xf32>
        %add3A_260 = arith.addf %mul3A_256, %mul3A_259 : vector<16xf32>
        %mul3A_261 = arith.mulf %add3A_260, %add3A_260 : vector<16xf32>
        %add3A_262 = arith.addf %add3A_249, %mul3A_261 : vector<16xf32>
        %broadcast_in_dim3A_263 = arith.constant 13 : i32
        %broadcast_in_dim3A_264 = vector.broadcast %broadcast_in_dim3A_263 : i32 to vector<16xi32>
        %gather3A_265 = tpu.vector_load_idx %arg13[%add3A_93, %broadcast_in_dim3A_264] : memref<128x16xf32, #tpu.memory_space<vmem>>[vector<16xi32>, vector<16xi32>], vector<16xf32>,
        %gather3A_266 = tpu.vector_load_idx %arg14[%add3A_93, %broadcast_in_dim3A_264] : memref<128x16xf32, #tpu.memory_space<vmem>>[vector<16xi32>, vector<16xi32>], vector<16xf32>,
        %mul3A_267 = arith.constant 5.000000e-01 : f32
        %mul3A_268 = vector.broadcast %mul3A_267 : f32 to vector<16xf32>
        %mul3A_269 = arith.mulf %mul3A_268, %gather3A_266 : vector<16xf32>
        %mul3A_270 = arith.constant 5.000000e-01 : f32
        %mul3A_271 = vector.broadcast %mul3A_270 : f32 to vector<16xf32>
        %mul3A_272 = arith.mulf %mul3A_271, %gather3A_265 : vector<16xf32>
        %add3A_273 = arith.addf %mul3A_269, %mul3A_272 : vector<16xf32>
        %mul3A_274 = arith.mulf %add3A_273, %add3A_273 : vector<16xf32>
        %add3A_275 = arith.addf %add3A_262, %mul3A_274 : vector<16xf32>
        %broadcast_in_dim3A_276 = arith.constant 14 : i32
        %broadcast_in_dim3A_277 = vector.broadcast %broadcast_in_dim3A_276 : i32 to vector<16xi32>
        %gather3A_278 = tpu.vector_load_idx %arg13[%add3A_93, %broadcast_in_dim3A_277] : memref<128x16xf32, #tpu.memory_space<vmem>>[vector<16xi32>, vector<16xi32>], vector<16xf32>,
        %gather3A_279 = tpu.vector_load_idx %arg14[%add3A_93, %broadcast_in_dim3A_277] : memref<128x16xf32, #tpu.memory_space<vmem>>[vector<16xi32>, vector<16xi32>], vector<16xf32>,
        %mul3A_280 = arith.constant 5.000000e-01 : f32
        %mul3A_281 = vector.broadcast %mul3A_280 : f32 to vector<16xf32>
        %mul3A_282 = arith.mulf %mul3A_281, %gather3A_279 : vector<16xf32>
        %mul3A_283 = arith.constant 5.000000e-01 : f32
        %mul3A_284 = vector.broadcast %mul3A_283 : f32 to vector<16xf32>
        %mul3A_285 = arith.mulf %mul3A_284, %gather3A_278 : vector<16xf32>
        %add3A_286 = arith.addf %mul3A_282, %mul3A_285 : vector<16xf32>
        %mul3A_287 = arith.mulf %add3A_286, %add3A_286 : vector<16xf32>
        %add3A_288 = arith.addf %add3A_275, %mul3A_287 : vector<16xf32>
        %broadcast_in_dim3A_289 = arith.constant 15 : i32
        %broadcast_in_dim3A_290 = vector.broadcast %broadcast_in_dim3A_289 : i32 to vector<16xi32>
        %gather3A_291 = tpu.vector_load_idx %arg13[%add3A_93, %broadcast_in_dim3A_290] : memref<128x16xf32, #tpu.memory_space<vmem>>[vector<16xi32>, vector<16xi32>], vector<16xf32>,
        %gather3A_292 = tpu.vector_load_idx %arg14[%add3A_93, %broadcast_in_dim3A_290] : memref<128x16xf32, #tpu.memory_space<vmem>>[vector<16xi32>, vector<16xi32>], vector<16xf32>,
        %mul3A_293 = arith.constant 5.000000e-01 : f32
        %mul3A_294 = vector.broadcast %mul3A_293 : f32 to vector<16xf32>
        %mul3A_295 = arith.mulf %mul3A_294, %gather3A_292 : vector<16xf32>
        %mul3A_296 = arith.constant 5.000000e-01 : f32
        %mul3A_297 = vector.broadcast %mul3A_296 : f32 to vector<16xf32>
        %mul3A_298 = arith.mulf %mul3A_297, %gather3A_291 : vector<16xf32>
        %add3A_299 = arith.addf %mul3A_295, %mul3A_298 : vector<16xf32>
        %mul3A_300 = arith.mulf %add3A_299, %add3A_299 : vector<16xf32>
        %add3A_301 = arith.addf %add3A_288, %mul3A_300 : vector<16xf32>
        %bitcast_convert_type3A = tpu.bitcast %add3A_301 : vector<16xf32> -> vector<16xi32>
        %shift_right_logical3A = arith.constant 1 : i32
        %shift_right_logical3A_302 = vector.broadcast %shift_right_logical3A : i32 to vector<16xi32>
        %shift_right_logical3A_303 = arith.shrui %bitcast_convert_type3A, %shift_right_logical3A_302 : vector<16xi32>
        %sub3A_304 = arith.constant 1597463007 : i32
        %sub3A_305 = vector.broadcast %sub3A_304 : i32 to vector<16xi32>
        %sub3A_306 = arith.subi %sub3A_305, %shift_right_logical3A_303 : vector<16xi32>
        %bitcast_convert_type3A_307 = tpu.bitcast %sub3A_306 : vector<16xi32> -> vector<16xf32>
        %mul3A_308 = arith.constant 5.000000e-01 : f32
        %mul3A_309 = vector.broadcast %mul3A_308 : f32 to vector<16xf32>
        %mul3A_310 = arith.mulf %mul3A_309, %add3A_301 : vector<16xf32>
        %mul3A_311 = arith.mulf %mul3A_310, %bitcast_convert_type3A_307 : vector<16xf32>
        %mul3A_312 = arith.mulf %mul3A_311, %bitcast_convert_type3A_307 : vector<16xf32>
        %sub3A_313 = arith.constant 1.500000e+00 : f32
        %sub3A_314 = vector.broadcast %sub3A_313 : f32 to vector<16xf32>
        %sub3A_315 = arith.subf %sub3A_314, %mul3A_312 : vector<16xf32>
        %mul3A_316 = arith.mulf %bitcast_convert_type3A_307, %sub3A_315 : vector<16xf32>
        %mul3A_317 = arith.constant 5.000000e-01 : f32
        %mul3A_318 = vector.broadcast %mul3A_317 : f32 to vector<16xf32>
        %mul3A_319 = arith.mulf %mul3A_318, %add3A_301 : vector<16xf32>
        %mul3A_320 = arith.mulf %mul3A_319, %mul3A_316 : vector<16xf32>
        %mul3A_321 = arith.mulf %mul3A_320, %mul3A_316 : vector<16xf32>
        %sub3A_322 = arith.constant 1.500000e+00 : f32
        %sub3A_323 = vector.broadcast %sub3A_322 : f32 to vector<16xf32>
        %sub3A_324 = arith.subf %sub3A_323, %mul3A_321 : vector<16xf32>
        %mul3A_325 = arith.mulf %mul3A_316, %sub3A_324 : vector<16xf32>
        %mul3A_326 = arith.constant 5.000000e-01 : f32
        %mul3A_327 = vector.broadcast %mul3A_326 : f32 to vector<16xf32>
        %mul3A_328 = arith.mulf %mul3A_327, %add3A_301 : vector<16xf32>
        %mul3A_329 = arith.mulf %mul3A_328, %mul3A_325 : vector<16xf32>
        %mul3A_330 = arith.mulf %mul3A_329, %mul3A_325 : vector<16xf32>
        %sub3A_331 = arith.constant 1.500000e+00 : f32
        %sub3A_332 = vector.broadcast %sub3A_331 : f32 to vector<16xf32>
        %sub3A_333 = arith.subf %sub3A_332, %mul3A_330 : vector<16xf32>
        %mul3A_334 = arith.mulf %mul3A_325, %sub3A_333 : vector<16xf32>
        %broadcast_in_dim3A_335 = arith.constant 0 : i32
        %broadcast_in_dim3A_336 = vector.broadcast %broadcast_in_dim3A_335 : i32 to vector<16xi32>
        %mul3A_337 = arith.mulf %add3A_104, %mul3A_334 : vector<16xf32>
        tpu.vector_store_idx %arg15[%add3A_93, %broadcast_in_dim3A_336], %mul3A_337 : memref<128x16xf32, #tpu.memory_space<vmem>>[vector<16xi32>, vector<16xi32>], vector<16xf32>,
        %broadcast_in_dim3A_338 = arith.constant 1 : i32
        %broadcast_in_dim3A_339 = vector.broadcast %broadcast_in_dim3A_338 : i32 to vector<16xi32>
        %mul3A_340 = arith.mulf %add3A_117, %mul3A_334 : vector<16xf32>
        tpu.vector_store_idx %arg15[%add3A_93, %broadcast_in_dim3A_339], %mul3A_340 : memref<128x16xf32, #tpu.memory_space<vmem>>[vector<16xi32>, vector<16xi32>], vector<16xf32>,
        %broadcast_in_dim3A_341 = arith.constant 2 : i32
        %broadcast_in_dim3A_342 = vector.broadcast %broadcast_in_dim3A_341 : i32 to vector<16xi32>
        %mul3A_343 = arith.mulf %add3A_130, %mul3A_334 : vector<16xf32>
        tpu.vector_store_idx %arg15[%add3A_93, %broadcast_in_dim3A_342], %mul3A_343 : memref<128x16xf32, #tpu.memory_space<vmem>>[vector<16xi32>, vector<16xi32>], vector<16xf32>,
        %broadcast_in_dim3A_344 = arith.constant 3 : i32
        %broadcast_in_dim3A_345 = vector.broadcast %broadcast_in_dim3A_344 : i32 to vector<16xi32>
        %mul3A_346 = arith.mulf %add3A_143, %mul3A_334 : vector<16xf32>
        tpu.vector_store_idx %arg15[%add3A_93, %broadcast_in_dim3A_345], %mul3A_346 : memref<128x16xf32, #tpu.memory_space<vmem>>[vector<16xi32>, vector<16xi32>], vector<16xf32>,
        %broadcast_in_dim3A_347 = arith.constant 4 : i32
        %broadcast_in_dim3A_348 = vector.broadcast %broadcast_in_dim3A_347 : i32 to vector<16xi32>
        %mul3A_349 = arith.mulf %add3A_156, %mul3A_334 : vector<16xf32>
        tpu.vector_store_idx %arg15[%add3A_93, %broadcast_in_dim3A_348], %mul3A_349 : memref<128x16xf32, #tpu.memory_space<vmem>>[vector<16xi32>, vector<16xi32>], vector<16xf32>,
        %broadcast_in_dim3A_350 = arith.constant 5 : i32
        %broadcast_in_dim3A_351 = vector.broadcast %broadcast_in_dim3A_350 : i32 to vector<16xi32>
        %mul3A_352 = arith.mulf %add3A_169, %mul3A_334 : vector<16xf32>
        tpu.vector_store_idx %arg15[%add3A_93, %broadcast_in_dim3A_351], %mul3A_352 : memref<128x16xf32, #tpu.memory_space<vmem>>[vector<16xi32>, vector<16xi32>], vector<16xf32>,
        %broadcast_in_dim3A_353 = arith.constant 6 : i32
        %broadcast_in_dim3A_354 = vector.broadcast %broadcast_in_dim3A_353 : i32 to vector<16xi32>
        %mul3A_355 = arith.mulf %add3A_182, %mul3A_334 : vector<16xf32>
        tpu.vector_store_idx %arg15[%add3A_93, %broadcast_in_dim3A_354], %mul3A_355 : memref<128x16xf32, #tpu.memory_space<vmem>>[vector<16xi32>, vector<16xi32>], vector<16xf32>,
        %broadcast_in_dim3A_356 = arith.constant 7 : i32
        %broadcast_in_dim3A_357 = vector.broadcast %broadcast_in_dim3A_356 : i32 to vector<16xi32>
        %mul3A_358 = arith.mulf %add3A_195, %mul3A_334 : vector<16xf32>
        tpu.vector_store_idx %arg15[%add3A_93, %broadcast_in_dim3A_357], %mul3A_358 : memref<128x16xf32, #tpu.memory_space<vmem>>[vector<16xi32>, vector<16xi32>], vector<16xf32>,
        %broadcast_in_dim3A_359 = arith.constant 8 : i32
        %broadcast_in_dim3A_360 = vector.broadcast %broadcast_in_dim3A_359 : i32 to vector<16xi32>
        %mul3A_361 = arith.mulf %add3A_208, %mul3A_334 : vector<16xf32>
        tpu.vector_store_idx %arg15[%add3A_93, %broadcast_in_dim3A_360], %mul3A_361 : memref<128x16xf32, #tpu.memory_space<vmem>>[vector<16xi32>, vector<16xi32>], vector<16xf32>,
        %broadcast_in_dim3A_362 = arith.constant 9 : i32
        %broadcast_in_dim3A_363 = vector.broadcast %broadcast_in_dim3A_362 : i32 to vector<16xi32>
        %mul3A_364 = arith.mulf %add3A_221, %mul3A_334 : vector<16xf32>
        tpu.vector_store_idx %arg15[%add3A_93, %broadcast_in_dim3A_363], %mul3A_364 : memref<128x16xf32, #tpu.memory_space<vmem>>[vector<16xi32>, vector<16xi32>], vector<16xf32>,
        %broadcast_in_dim3A_365 = arith.constant 10 : i32
        %broadcast_in_dim3A_366 = vector.broadcast %broadcast_in_dim3A_365 : i32 to vector<16xi32>
        %mul3A_367 = arith.mulf %add3A_234, %mul3A_334 : vector<16xf32>
        tpu.vector_store_idx %arg15[%add3A_93, %broadcast_in_dim3A_366], %mul3A_367 : memref<128x16xf32, #tpu.memory_space<vmem>>[vector<16xi32>, vector<16xi32>], vector<16xf32>,
        %broadcast_in_dim3A_368 = arith.constant 11 : i32
        %broadcast_in_dim3A_369 = vector.broadcast %broadcast_in_dim3A_368 : i32 to vector<16xi32>
        %mul3A_370 = arith.mulf %add3A_247, %mul3A_334 : vector<16xf32>
        tpu.vector_store_idx %arg15[%add3A_93, %broadcast_in_dim3A_369], %mul3A_370 : memref<128x16xf32, #tpu.memory_space<vmem>>[vector<16xi32>, vector<16xi32>], vector<16xf32>,
        %broadcast_in_dim3A_371 = arith.constant 12 : i32
        %broadcast_in_dim3A_372 = vector.broadcast %broadcast_in_dim3A_371 : i32 to vector<16xi32>
        %mul3A_373 = arith.mulf %add3A_260, %mul3A_334 : vector<16xf32>
        tpu.vector_store_idx %arg15[%add3A_93, %broadcast_in_dim3A_372], %mul3A_373 : memref<128x16xf32, #tpu.memory_space<vmem>>[vector<16xi32>, vector<16xi32>], vector<16xf32>,
        %broadcast_in_dim3A_374 = arith.constant 13 : i32
        %broadcast_in_dim3A_375 = vector.broadcast %broadcast_in_dim3A_374 : i32 to vector<16xi32>
        %mul3A_376 = arith.mulf %add3A_273, %mul3A_334 : vector<16xf32>
        tpu.vector_store_idx %arg15[%add3A_93, %broadcast_in_dim3A_375], %mul3A_376 : memref<128x16xf32, #tpu.memory_space<vmem>>[vector<16xi32>, vector<16xi32>], vector<16xf32>,
        %broadcast_in_dim3A_377 = arith.constant 14 : i32
        %broadcast_in_dim3A_378 = vector.broadcast %broadcast_in_dim3A_377 : i32 to vector<16xi32>
        %mul3A_379 = arith.mulf %add3A_286, %mul3A_334 : vector<16xf32>
        tpu.vector_store_idx %arg15[%add3A_93, %broadcast_in_dim3A_378], %mul3A_379 : memref<128x16xf32, #tpu.memory_space<vmem>>[vector<16xi32>, vector<16xi32>], vector<16xf32>,
        %broadcast_in_dim3A_380 = arith.constant 15 : i32
        %broadcast_in_dim3A_381 = vector.broadcast %broadcast_in_dim3A_380 : i32 to vector<16xi32>
        %mul3A_382 = arith.mulf %add3A_299, %mul3A_334 : vector<16xf32>
        tpu.vector_store_idx %arg15[%add3A_93, %broadcast_in_dim3A_381], %mul3A_382 : memref<128x16xf32, #tpu.memory_space<vmem>>[vector<16xi32>, vector<16xi32>], vector<16xf32>,
      }
      %scan3A_76 = arith.constant 8 : i32
      %sub3A_77 = arith.subi %scan3A_13, %mul3A_56 : i32
      %min3A = arith.constant 128 : i32
      %min3A_78 = arith.minsi %min3A, %sub3A_77 : i32
      %while3A_79 = arith.constant 0 : i32
      %while3A_80 = arith.constant 0 : i32
      %while3A_81 = arith.subi %min3A_78, %while3A_80 : i32
      %while3A_82 = arith.addi %while3A_80, %while3A_81 : i32
      %while3A_83 = arith.constant 1 : i32
      %while3A_84 = arith.divsi %while3A_81, %while3A_83 : i32
      %while3A_85 = arith.muli %while3A_84, %while3A_83 : i32
      %while3A_86 = arith.addi %while3A_80, %while3A_85 : i32
      %while3A_87 = arith.constant 1 : i32
      scf.for %while3A_89 = %while3A_80 to %while3A_86 step %while3A_87  : i32 {
        %add3A_90 = arith.addi %mul3A_56, %while3A_89 : i32
        %get3A = arith.index_cast %add3A_90 : i32 to index
        %get3A_91 = tpu.vector_load %arg11[%get3A] {strides = array<i32>} : memref<16512xi32, #tpu.memory_space<vmem>>, vector<16xi32>,
        %slice3A = vector.extract_strided_slice %get3A_91 {offsets = [0], sizes = [1], strides = [1]} : vector<16xi32> to vector<1xi32>
        %squeeze3A = vector.extract %slice3A[0] : i32 from vector<1xi32>
        %sub3A_92 = arith.subi %squeeze3A, %mul3A_2 : i32
        %broadcast_in_dim3A = vector.broadcast %sub3A_92 : i32 to vector<16xi32>
        %broadcast_in_dim3A_93 = vector.broadcast %while3A_89 : i32 to vector<16xi32>
        %gather3A = tpu.vector_load_idx %arg15[%broadcast_in_dim3A_93, %iota3A] : memref<128x16xf32, #tpu.memory_space<vmem>>[vector<16xi32>, vector<16xi32>], vector<16xf32>,
        tpu.vector_store_idx %arg12[%broadcast_in_dim3A, %iota3A], %gather3A : memref<3125x16xf32, #tpu.memory_space<vmem>>[vector<16xi32>, vector<16xi32>], vector<16xf32>,
      }
      %while3A_88 = arith.constant 1 : i32
      scf.for %while3A_89 = %while3A_86 to %while3A_82 step %while3A_88  : i32 {
        %add3A_90 = arith.addi %mul3A_56, %while3A_89 : i32
        %get3A = arith.index_cast %add3A_90 : i32 to index
        %get3A_91 = tpu.vector_load %arg11[%get3A] {strides = array<i32>} : memref<16512xi32, #tpu.memory_space<vmem>>, vector<16xi32>,
        %slice3A = vector.extract_strided_slice %get3A_91 {offsets = [0], sizes = [1], strides = [1]} : vector<16xi32> to vector<1xi32>
        %squeeze3A = vector.extract %slice3A[0] : i32 from vector<1xi32>
        %sub3A_92 = arith.subi %squeeze3A, %mul3A_2 : i32
        %broadcast_in_dim3A = vector.broadcast %sub3A_92 : i32 to vector<16xi32>
        %broadcast_in_dim3A_93 = vector.broadcast %while3A_89 : i32 to vector<16xi32>
        %gather3A = tpu.vector_load_idx %arg15[%broadcast_in_dim3A_93, %iota3A] : memref<128x16xf32, #tpu.memory_space<vmem>>[vector<16xi32>, vector<16xi32>], vector<16xf32>,
        tpu.vector_store_idx %arg12[%broadcast_in_dim3A, %iota3A], %gather3A : memref<3125x16xf32, #tpu.memory_space<vmem>>[vector<16xi32>, vector<16xi32>], vector<16xf32>,
      }
    }
    "tpu.region"() ({
      %run_scoped3A = tpu.sem_alloc : memref<!tpu.dma_semaphore, #tpu.memory_space<semaphore_mem>>
      %dma_start3A = arith.constant 0 : i32
      %dma_start3A_54 = tpu.memref_slice %arg8[%mul3A_2, %dma_start3A] : memref<100000x16xf32, #tpu.memory_space<hbm>> -> memref<3125x16xf32, #tpu.memory_space<hbm>>
      %dma_start3A_55 = arith.constant 0 : i32
      %dma_start3A_56 = tpu.memref_slice %arg8[%mul3A_2, %dma_start3A_55] : memref<100000x16xf32, #tpu.memory_space<hbm>> -> memref<3125x16xf32, #tpu.memory_space<hbm>>
      tpu.enqueue_dma source(%arg12 : memref<3125x16xf32, #tpu.memory_space<vmem>>) target(%dma_start3A_56 : memref<3125x16xf32, #tpu.memory_space<hbm>>) target_semaphore(%run_scoped3A : memref<!tpu.dma_semaphore, #tpu.memory_space<semaphore_mem>>)
      %dma_wait3A = arith.constant 0 : i32
      %dma_wait3A_57 = tpu.memref_slice %arg8[%mul3A_2, %dma_wait3A] : memref<100000x16xf32, #tpu.memory_space<hbm>> -> memref<3125x16xf32, #tpu.memory_space<hbm>>
      %dma_wait3A_58 = arith.constant 0 : i32
      %dma_wait3A_59 = tpu.memref_slice %arg8[%mul3A_2, %dma_wait3A_58] : memref<100000x16xf32, #tpu.memory_space<hbm>> -> memref<3125x16xf32, #tpu.memory_space<hbm>>
      tpu.wait_dma2 semaphore(%run_scoped3A : memref<!tpu.dma_semaphore, #tpu.memory_space<semaphore_mem>>) src(%arg12 : memref<3125x16xf32, #tpu.memory_space<vmem>>) dst(%dma_wait3A_59 : memref<3125x16xf32, #tpu.memory_space<hbm>>)
      tpu.yield
    }) : () -> ()
    return
  }
}

module attributes {stable_mosaic.version = 14 : i64} {
  func.func @_tc_body(%arg0: i32, %arg1: i32, %arg2: memref<1x16x16384xf32, #tpu.memory_space<vmem>>, %arg3: memref<16x16384xf32, #tpu.memory_space<vmem>>, %arg4: memref<16x16384xf32, #tpu.memory_space<vmem>>, %arg5: memref<16x16xf32, #tpu.memory_space<vmem>>, %arg6: memref<16x16xf32, #tpu.memory_space<vmem>>, %arg7: memref<16x16xf32, #tpu.memory_space<vmem>>, %arg8: memref<16x16xf32, #tpu.memory_space<vmem>>, %arg9: memref<16x16xf32, #tpu.memory_space<vmem>>, %arg10: memref<16x16xf32, #tpu.memory_space<vmem>>, %arg11: memref<16x1xf32, #tpu.memory_space<vmem>>, %arg12: memref<16x1xf32, #tpu.memory_space<vmem>>, %arg13: memref<16x1xf32, #tpu.memory_space<vmem>>, %arg14: memref<16x1xf32, #tpu.memory_space<vmem>>, %arg15: memref<1x16x16384xf32, #tpu.memory_space<vmem>>, %arg16: memref<1x16x16384xf32, #tpu.memory_space<vmem>>, %arg17: memref<16x16384xf32, #tpu.memory_space<vmem>>, %arg18: memref<16x16384xf32, #tpu.memory_space<vmem>>) attributes {dimension_semantics = [#tpu.dimension_semantics<arbitrary>, #tpu.dimension_semantics<arbitrary>], iteration_bounds = array<i64: 1, 65>, scalar_prefetch = 0 : i64, scratch_operands = 2 : i64, tpu.core_type = #tpu.core_type<tc>, window_params = [{transform_indices = @transform_0, window_bounds = array<i64: 1, 16, 16384>}, {transform_indices = @transform_1, window_bounds = array<i64: 16, 16384>}, {transform_indices = @transform_2, window_bounds = array<i64: 16, 16384>}, {pipeline_mode = #tpu.pipeline_mode<synchronous>, transform_indices = @transform_3, window_bounds = array<i64: 16, 16>}, {pipeline_mode = #tpu.pipeline_mode<synchronous>, transform_indices = @transform_4, window_bounds = array<i64: 16, 16>}, {pipeline_mode = #tpu.pipeline_mode<synchronous>, transform_indices = @transform_5, window_bounds = array<i64: 16, 16>}, {pipeline_mode = #tpu.pipeline_mode<synchronous>, transform_indices = @transform_6, window_bounds = array<i64: 16, 16>}, {pipeline_mode = #tpu.pipeline_mode<synchronous>, transform_indices = @transform_7, window_bounds = array<i64: 16, 16>}, {pipeline_mode = #tpu.pipeline_mode<synchronous>, transform_indices = @transform_8, window_bounds = array<i64: 16, 16>}, {pipeline_mode = #tpu.pipeline_mode<synchronous>, transform_indices = @transform_9, window_bounds = array<i64: 16, 1>}, {pipeline_mode = #tpu.pipeline_mode<synchronous>, transform_indices = @transform_10, window_bounds = array<i64: 16, 1>}, {pipeline_mode = #tpu.pipeline_mode<synchronous>, transform_indices = @transform_11, window_bounds = array<i64: 16, 1>}, {pipeline_mode = #tpu.pipeline_mode<synchronous>, transform_indices = @transform_12, window_bounds = array<i64: 16, 1>}, {transform_indices = @transform_13, window_bounds = array<i64: 1, 16, 16384>}, {transform_indices = @transform_14, window_bounds = array<i64: 1, 16, 16384>}]} {
    %eq3A = arith.constant 0 : i32
    %eq3A_0 = arith.cmpi eq, %arg1, %eq3A : i32
    %convert_element_type3A = arith.extui %eq3A_0 : i1 to i32
    %cond3A = arith.constant 0 : i32
    %cond3A_1 = arith.cmpi ne, %convert_element_type3A, %cond3A : i32
    scf.if %cond3A_1 {
      %get3A_57 = arith.constant 0 : index
      %get3A_58 = arith.constant 0 : index
      %get3A_59 = vector.load %arg7[%get3A_57, %get3A_58] : memref<16x16xf32, #tpu.memory_space<vmem>>, vector<16x16xf32>
      %get3A_60 = arith.constant 0 : index
      %get3A_61 = arith.constant 0 : index
      %get3A_62 = vector.load %arg3[%get3A_60, %get3A_61] : memref<16x16384xf32, #tpu.memory_space<vmem>>, vector<16x16384xf32>
      %dot_general3A_63 = arith.constant dense<0.000000e+00> : vector<16x16384xf32>
      %dot_general3A_64 = tpu.matmul %get3A_59, %get3A_62, %dot_general3A_63 {dimension_numbers = #tpu.dot_dimension_numbers<[1], [0], [0], [1], [0, 0, 1, 1], [], []>, transpose_lhs_hint = false} : vector<16x16xf32>, vector<16x16384xf32>, vector<16x16384xf32> -> vector<16x16384xf32>
      %get3A_65 = arith.constant 0 : index
      %get3A_66 = arith.constant 0 : index
      %get3A_67 = vector.load %arg11[%get3A_65, %get3A_66] : memref<16x1xf32, #tpu.memory_space<vmem>>, vector<16x1xf32>
      %add3A_68 = vector.broadcast %get3A_67 : vector<16x1xf32> to vector<16x16384xf32>
      %add3A_69 = arith.addf %dot_general3A_64, %add3A_68 : vector<16x16384xf32>
      %swap3A_70 = arith.constant 0 : index
      %swap3A_71 = arith.constant 0 : index
      %swap3A_72 = vector.load %arg17[%swap3A_70, %swap3A_71] : memref<16x16384xf32, #tpu.memory_space<vmem>>, vector<16x16384xf32>
      tpu.vector_store %arg17[%swap3A_70, %swap3A_71], %add3A_69 {strides = array<i32>} : memref<16x16384xf32, #tpu.memory_space<vmem>>, vector<16x16384xf32>,
      %get3A_73 = arith.constant 0 : index
      %get3A_74 = arith.constant 0 : index
      %get3A_75 = vector.load %arg8[%get3A_73, %get3A_74] : memref<16x16xf32, #tpu.memory_space<vmem>>, vector<16x16xf32>
      %get3A_76 = arith.constant 0 : index
      %get3A_77 = arith.constant 0 : index
      %get3A_78 = vector.load %arg4[%get3A_76, %get3A_77] : memref<16x16384xf32, #tpu.memory_space<vmem>>, vector<16x16384xf32>
      %dot_general3A_79 = arith.constant dense<0.000000e+00> : vector<16x16384xf32>
      %dot_general3A_80 = tpu.matmul %get3A_75, %get3A_78, %dot_general3A_79 {dimension_numbers = #tpu.dot_dimension_numbers<[1], [0], [0], [1], [0, 0, 1, 1], [], []>, transpose_lhs_hint = false} : vector<16x16xf32>, vector<16x16384xf32>, vector<16x16384xf32> -> vector<16x16384xf32>
      %get3A_81 = arith.constant 0 : index
      %get3A_82 = arith.constant 0 : index
      %get3A_83 = vector.load %arg12[%get3A_81, %get3A_82] : memref<16x1xf32, #tpu.memory_space<vmem>>, vector<16x1xf32>
      %add3A_84 = vector.broadcast %get3A_83 : vector<16x1xf32> to vector<16x16384xf32>
      %add3A_85 = arith.addf %dot_general3A_80, %add3A_84 : vector<16x16384xf32>
      %swap3A_86 = arith.constant 0 : index
      %swap3A_87 = arith.constant 0 : index
      %swap3A_88 = vector.load %arg18[%swap3A_86, %swap3A_87] : memref<16x16384xf32, #tpu.memory_space<vmem>>, vector<16x16384xf32>
      tpu.vector_store %arg18[%swap3A_86, %swap3A_87], %add3A_85 {strides = array<i32>} : memref<16x16384xf32, #tpu.memory_space<vmem>>, vector<16x16384xf32>,
    } else {
    }
    %get3A = arith.constant 0 : index
    %get3A_2 = arith.constant 0 : index
    %get3A_3 = arith.constant 0 : index
    %get3A_4 = vector.load %arg2[%get3A, %get3A_2, %get3A_3] : memref<1x16x16384xf32, #tpu.memory_space<vmem>>, vector<1x16x16384xf32>
    %get3A_5 = vector.shape_cast %get3A_4 : vector<1x16x16384xf32> to vector<16x16384xf32>
    %get3A_6 = arith.constant 0 : index
    %get3A_7 = arith.constant 0 : index
    %get3A_8 = vector.load %arg17[%get3A_6, %get3A_7] : memref<16x16384xf32, #tpu.memory_space<vmem>>, vector<16x16384xf32>
    %get3A_9 = arith.constant 0 : index
    %get3A_10 = arith.constant 0 : index
    %get3A_11 = vector.load %arg5[%get3A_9, %get3A_10] : memref<16x16xf32, #tpu.memory_space<vmem>>, vector<16x16xf32>
    %dot_general3A = arith.constant dense<0.000000e+00> : vector<16x16384xf32>
    %dot_general3A_12 = tpu.matmul %get3A_11, %get3A_5, %dot_general3A {dimension_numbers = #tpu.dot_dimension_numbers<[1], [0], [0], [1], [0, 0, 1, 1], [], []>, transpose_lhs_hint = false} : vector<16x16xf32>, vector<16x16384xf32>, vector<16x16384xf32> -> vector<16x16384xf32>
    %sub3A = arith.subf %get3A_8, %dot_general3A_12 : vector<16x16384xf32>
    %max3A = arith.constant 0.000000e+00 : f32
    %max3A_13 = vector.broadcast %max3A : f32 to vector<16x16384xf32>
    %max3A_14 = arith.maximumf %sub3A, %max3A_13 : vector<16x16384xf32>
    %get3A_15 = arith.constant 0 : index
    %get3A_16 = arith.constant 0 : index
    %get3A_17 = vector.load %arg9[%get3A_15, %get3A_16] : memref<16x16xf32, #tpu.memory_space<vmem>>, vector<16x16xf32>
    %dot_general3A_18 = arith.constant dense<0.000000e+00> : vector<16x16384xf32>
    %dot_general3A_19 = tpu.matmul %get3A_17, %max3A_14, %dot_general3A_18 {dimension_numbers = #tpu.dot_dimension_numbers<[1], [0], [0], [1], [0, 0, 1, 1], [], []>, transpose_lhs_hint = false} : vector<16x16xf32>, vector<16x16384xf32>, vector<16x16384xf32> -> vector<16x16384xf32>
    %get3A_20 = arith.constant 0 : index
    %get3A_21 = arith.constant 0 : index
    %get3A_22 = vector.load %arg13[%get3A_20, %get3A_21] : memref<16x1xf32, #tpu.memory_space<vmem>>, vector<16x1xf32>
    %add3A = vector.broadcast %get3A_22 : vector<16x1xf32> to vector<16x16384xf32>
    %add3A_23 = arith.addf %dot_general3A_19, %add3A : vector<16x16384xf32>
    %swap3A = arith.constant 0 : index
    %swap3A_24 = arith.constant 0 : index
    %swap3A_25 = arith.constant 0 : index
    %swap3A_26 = vector.load %arg16[%swap3A, %swap3A_24, %swap3A_25] : memref<1x16x16384xf32, #tpu.memory_space<vmem>>, vector<1x16x16384xf32>
    %swap3A_27 = vector.shape_cast %swap3A_26 : vector<1x16x16384xf32> to vector<16x16384xf32>
    %swap3A_28 = vector.shape_cast %add3A_23 : vector<16x16384xf32> to vector<1x16x16384xf32>
    tpu.vector_store %arg16[%swap3A, %swap3A_24, %swap3A_25], %swap3A_28 {strides = array<i32>} : memref<1x16x16384xf32, #tpu.memory_space<vmem>>, vector<1x16x16384xf32>,
    %get3A_29 = arith.constant 0 : index
    %get3A_30 = arith.constant 0 : index
    %get3A_31 = vector.load %arg18[%get3A_29, %get3A_30] : memref<16x16384xf32, #tpu.memory_space<vmem>>, vector<16x16384xf32>
    %get3A_32 = arith.constant 0 : index
    %get3A_33 = arith.constant 0 : index
    %get3A_34 = vector.load %arg6[%get3A_32, %get3A_33] : memref<16x16xf32, #tpu.memory_space<vmem>>, vector<16x16xf32>
    %dot_general3A_35 = arith.constant dense<0.000000e+00> : vector<16x16384xf32>
    %dot_general3A_36 = tpu.matmul %get3A_34, %get3A_5, %dot_general3A_35 {dimension_numbers = #tpu.dot_dimension_numbers<[1], [0], [0], [1], [0, 0, 1, 1], [], []>, transpose_lhs_hint = false} : vector<16x16xf32>, vector<16x16384xf32>, vector<16x16384xf32> -> vector<16x16384xf32>
    %sub3A_37 = arith.subf %get3A_31, %dot_general3A_36 : vector<16x16384xf32>
    %max3A_38 = arith.constant 0.000000e+00 : f32
    %max3A_39 = vector.broadcast %max3A_38 : f32 to vector<16x16384xf32>
    %max3A_40 = arith.maximumf %sub3A_37, %max3A_39 : vector<16x16384xf32>
    %get3A_41 = arith.constant 0 : index
    %get3A_42 = arith.constant 0 : index
    %get3A_43 = vector.load %arg10[%get3A_41, %get3A_42] : memref<16x16xf32, #tpu.memory_space<vmem>>, vector<16x16xf32>
    %dot_general3A_44 = arith.constant dense<0.000000e+00> : vector<16x16384xf32>
    %dot_general3A_45 = tpu.matmul %get3A_43, %max3A_40, %dot_general3A_44 {dimension_numbers = #tpu.dot_dimension_numbers<[1], [0], [0], [1], [0, 0, 1, 1], [], []>, transpose_lhs_hint = false} : vector<16x16xf32>, vector<16x16384xf32>, vector<16x16384xf32> -> vector<16x16384xf32>
    %get3A_46 = arith.constant 0 : index
    %get3A_47 = arith.constant 0 : index
    %get3A_48 = vector.load %arg14[%get3A_46, %get3A_47] : memref<16x1xf32, #tpu.memory_space<vmem>>, vector<16x1xf32>
    %add3A_49 = vector.broadcast %get3A_48 : vector<16x1xf32> to vector<16x16384xf32>
    %add3A_50 = arith.addf %dot_general3A_45, %add3A_49 : vector<16x16384xf32>
    %swap3A_51 = arith.constant 0 : index
    %swap3A_52 = arith.constant 0 : index
    %swap3A_53 = arith.constant 0 : index
    %swap3A_54 = vector.load %arg15[%swap3A_51, %swap3A_52, %swap3A_53] : memref<1x16x16384xf32, #tpu.memory_space<vmem>>, vector<1x16x16384xf32>
    %swap3A_55 = vector.shape_cast %swap3A_54 : vector<1x16x16384xf32> to vector<16x16384xf32>
    %swap3A_56 = vector.shape_cast %add3A_50 : vector<16x16384xf32> to vector<1x16x16384xf32>
    tpu.vector_store %arg15[%swap3A_51, %swap3A_52, %swap3A_53], %swap3A_56 {strides = array<i32>} : memref<1x16x16384xf32, #tpu.memory_space<vmem>>, vector<1x16x16384xf32>,
    return
  }
  func.func @transform_0(%arg0: i32, %arg1: i32) -> (i32, i32, i32) {
    %c0_i32 = arith.constant 0 : i32
    %c0_i32_0 = arith.constant 0 : i32
    return %arg1, %c0_i32, %arg0 : i32, i32, i32
  }
  func.func @transform_1(%arg0: i32, %arg1: i32) -> (i32, i32) {
    %c0_i32 = arith.constant 0 : i32
    %c0_i32_0 = arith.constant 0 : i32
    return %c0_i32, %arg0 : i32, i32
  }
  func.func @transform_2(%arg0: i32, %arg1: i32) -> (i32, i32) {
    %c0_i32 = arith.constant 0 : i32
    %c0_i32_0 = arith.constant 0 : i32
    return %c0_i32, %arg0 : i32, i32
  }
  func.func @transform_3(%arg0: i32, %arg1: i32) -> (i32, i32) {
    %c0_i32 = arith.constant 0 : i32
    %c0_i32_0 = arith.constant 0 : i32
    %c0_i32_1 = arith.constant 0 : i32
    return %c0_i32, %c0_i32_0 : i32, i32
  }
  func.func @transform_4(%arg0: i32, %arg1: i32) -> (i32, i32) {
    %c0_i32 = arith.constant 0 : i32
    %c0_i32_0 = arith.constant 0 : i32
    %c0_i32_1 = arith.constant 0 : i32
    return %c0_i32, %c0_i32_0 : i32, i32
  }
  func.func @transform_5(%arg0: i32, %arg1: i32) -> (i32, i32) {
    %c0_i32 = arith.constant 0 : i32
    %c0_i32_0 = arith.constant 0 : i32
    %c0_i32_1 = arith.constant 0 : i32
    return %c0_i32, %c0_i32_0 : i32, i32
  }
  func.func @transform_6(%arg0: i32, %arg1: i32) -> (i32, i32) {
    %c0_i32 = arith.constant 0 : i32
    %c0_i32_0 = arith.constant 0 : i32
    %c0_i32_1 = arith.constant 0 : i32
    return %c0_i32, %c0_i32_0 : i32, i32
  }
  func.func @transform_7(%arg0: i32, %arg1: i32) -> (i32, i32) {
    %c0_i32 = arith.constant 0 : i32
    %c0_i32_0 = arith.constant 0 : i32
    %c0_i32_1 = arith.constant 0 : i32
    return %c0_i32, %c0_i32_0 : i32, i32
  }
  func.func @transform_8(%arg0: i32, %arg1: i32) -> (i32, i32) {
    %c0_i32 = arith.constant 0 : i32
    %c0_i32_0 = arith.constant 0 : i32
    %c0_i32_1 = arith.constant 0 : i32
    return %c0_i32, %c0_i32_0 : i32, i32
  }
  func.func @transform_9(%arg0: i32, %arg1: i32) -> (i32, i32) {
    %c0_i32 = arith.constant 0 : i32
    %c0_i32_0 = arith.constant 0 : i32
    %c0_i32_1 = arith.constant 0 : i32
    return %c0_i32, %c0_i32_0 : i32, i32
  }
  func.func @transform_10(%arg0: i32, %arg1: i32) -> (i32, i32) {
    %c0_i32 = arith.constant 0 : i32
    %c0_i32_0 = arith.constant 0 : i32
    %c0_i32_1 = arith.constant 0 : i32
    return %c0_i32, %c0_i32_0 : i32, i32
  }
  func.func @transform_11(%arg0: i32, %arg1: i32) -> (i32, i32) {
    %c0_i32 = arith.constant 0 : i32
    %c0_i32_0 = arith.constant 0 : i32
    %c0_i32_1 = arith.constant 0 : i32
    return %c0_i32, %c0_i32_0 : i32, i32
  }
  func.func @transform_12(%arg0: i32, %arg1: i32) -> (i32, i32) {
    %c0_i32 = arith.constant 0 : i32
    %c0_i32_0 = arith.constant 0 : i32
    %c0_i32_1 = arith.constant 0 : i32
    return %c0_i32, %c0_i32_0 : i32, i32
  }
  func.func @transform_13(%arg0: i32, %arg1: i32) -> (i32, i32, i32) {
    %c0_i32 = arith.constant 0 : i32
    %c0_i32_0 = arith.constant 0 : i32
    return %arg1, %c0_i32, %arg0 : i32, i32, i32
  }
  func.func @transform_14(%arg0: i32, %arg1: i32) -> (i32, i32, i32) {
    %c0_i32 = arith.constant 0 : i32
    %c0_i32_0 = arith.constant 0 : i32
    return %arg1, %c0_i32, %arg0 : i32, i32, i32
  }
}

</mosaic_0001>

<sc_bundles>
// kernel: kernel.5.cloned.1.call-start
scs
__scs_entry_jumppad:
0x0: {  	(pc) =	sbr.rel $0x88, $3  }
0x1: {  	(tag) =	ssettag $0x0;
	lr =	simm.s32 $0x1  }
0x2: {  	[smem:$0x3F8F] =	sst lr;
	_ =	strace $0xD0000000  }
0x3: {  	_ = 	snop  }
0x4: {  	_ = 	snop  }
0x5: {  	_ = 	snop  }
0x6: {  	_ = 	snop  }
0x7: {  	_ = 	snop  }
__scs_overlays_trampoline_lowered:
0x8: {  	[smem:$0x3F9E] =	sst s0  }
0x9: {  	[smem:$0x3F9F] =	sst s1  }
0xa: {  	[smem:$0x3FA0] =	sst s2  }
0xb: {  	[smem:$0x3FA1] =	sst s3  }
0xc: {  	[smem:$0x3FA2] =	sst s4  }
0xd: {  	[smem:$0x3FA3] =	sst s5  }
0xe: {  	[smem:$0x3FA4] =	sst s6  }
0xf: {  	[smem:$0x3FA5] =	sst s7  }
0x10: {  	[smem:$0x3FA6] =	sst s8  }
0x11: {  	[smem:$0x3FA7] =	sst s9;
	s0 =	simm.s32 @!p0 $0x0  }
0x12: {  	s1 =	sld [smem:$0x3F8D];
	s0 =	simm.s32 @p0 $0x1  }
0x13: {  	[smem:$0x3FA8] =	sst s0;
	s0 =	simm.s32 @!p1 $0x0  }
0x14: {  	s2 =	sld [smem:$0x3F8C];
	s0 =	simm.s32 @p1 $0x1  }
0x15: {  	[smem:$0x3FA9] =	sst s0;
	s0 =	simm.s32 @!p2 $0x0  }
0x16: {  	s3 =	sld [smem:$0x3FDB];
	s0 =	simm.s32 @p2 $0x1  }
0x17: {  	s4 =	simm.s32 $0x1BF5;
	[smem:$0x3FAB] =	sst s0  }
0x18: {  	s0 =	sld [smem:$0x3F8E];
	_ =	swait.ge [sflag:s4], $0x0  }
0x19: {  	s7 =	sld [smem:$0x3F8F]  }
0x1a: {  	s8 =	sadd.s32 $0xFFFFE003, lr  }
0x1b: {  	s9 =	sadd.s32 $0xFFFFFEF7, lr;
	s5 =	simm.s32 $0xFFFFFFFF;
	p2 =	slt.u32 s8, $0xFFFFF086  }
0x1c: {  	p1 =	slt.u32 s9, $0xF7A;
	s5 =	simm.s32 @!p2 $0x0  }
0x1d: {  	s5 =	simm.s32 @p1 $0x1;
	p0 =	seq.s32 s7, s2  }
0x1e: {  	s7 =	smul.u32 @!p0 $0xF7A, s2;
	p2 =	seq.s32 @!p0 s5, $0x0  }
0x1f: {  	s9 =	smul.u32 $0xF7A, s1;
	s8 =	simm.s32 @!p0 $0x1BF5;
	p2 =	por !p2, p0  }
0x20: {  	[sflag:s8] =	ssyncset.s32 @!p0 $0xFFFFF086;
	s6 =	sadd.s32 @!p0 s3, s7;
	s7 =	simm.s32 @!p0 $0x108  }
0x21: {  	s3 =	sadd.s32 s3, s9;
	s6 =	sadd.s32 @!p0 $0x88, s6;
	s7 =	simm.s32 @p2 $0x1082  }
0x22: {  	[simem:s7], [sflag:s8] =	dma.local @!p0 [hbm:s6], $0xF7A  }
0x23: {  	s9 =	sor.u32 $0xD0000000, s2;
	s6 =	simm.s32 $0x108;
	_ =	swait.ge @!p0 [sflag:s8], $0x0  }
0x24: {  	s3 =	sadd.s32 $0x88, s3;
	s6 =	simm.s32 @!p1 $0x1082;
	[sflag:s4] =	ssyncset.s32 $0xFFFFF086  }
0x25: {  	[simem:s6], [sflag:s4] =	dma.local [hbm:s3], $0xF7A  }
0x26: {  	[smem:$0x3F8F] =	sst s1;
	(tag) =	ssettag s2;
	_ =	strace s9  }
0x27: {  	s1 =	sld [smem:$0x3F9F]  }
0x28: {  	s2 =	sld [smem:$0x3FA0]  }
0x29: {  	s4 =	sld [smem:$0x3FA2]  }
0x2a: {  	p0 =	seq.s32 s5, $0x0;
	s5 =	sld [smem:$0x3FA3]  }
0x2b: {  	s6 =	sld [smem:$0x3FA4]  }
0x2c: {  	s7 =	sld [smem:$0x3FA5]  }
0x2d: {  	s3 =	simm.s32 $0x108;
	s8 =	sld [smem:$0x3FA6]  }
0x2e: {  	s3 =	simm.s32 @!p0 $0x1082;
	s9 =	sld [smem:$0x3FA7]  }
0x2f: {  	lr =	sadd.s32 s0, s3;
	s0 =	sld [smem:$0x3F9E]  }
0x30: {  	s3 =	sld [smem:$0x3FA1]  }
0x31: {  	[smem:$0x3FAA] =	sst s10  }
0x32: {  	s10 =	sld [smem:$0x3FA8];
	_ =	sdelay $0x3  }
0x33: {  	p0 =	seq.s32 s10, $0x1;
	s10 =	sld [smem:$0x3FAA];
	_ =	sdelay $0x3  }
0x34: {  	[smem:$0x3FAA] =	sst s10  }
0x35: {  	s10 =	sld [smem:$0x3FA9];
	_ =	sdelay $0x3  }
0x36: {  	p1 =	seq.s32 s10, $0x1;
	s10 =	sld [smem:$0x3FAA];
	_ =	sdelay $0x3  }
0x37: {  	[smem:$0x3FAA] =	sst s10  }
0x38: {  	s10 =	sld [smem:$0x3FAB]  }
0x39: {  	_ = 	snop;
	(pc) =	sbr.ind lr, $3  }
0x3a: {  	_ = 	snop  }
0x3b: {  	_ = 	snop  }
0x3c: {  	p2 =	seq.s32 s10, $0x1;
	s10 =	sld [smem:$0x3FAA]  }
0x3d: {  	_ =	shalt  }
0x3e: {  	_ =	shalt  }
0x3f: {  	_ =	shalt  }
0x40: {  	_ =	shalt  }
0x41: {  	_ =	shalt  }
0x42: {  	_ =	shalt  }
0x43: {  	_ =	shalt  }
0x44: {  	_ =	shalt  }
0x45: {  	_ =	shalt  }
0x46: {  	_ =	shalt  }
0x47: {  	_ =	shalt  }
0x48: {  	_ =	shalt  }
0x49: {  	_ =	shalt  }
0x4a: {  	_ =	shalt  }
0x4b: {  	_ =	shalt  }
0x4c: {  	_ =	shalt  }
0x4d: {  	_ =	shalt  }
0x4e: {  	_ =	shalt  }
0x4f: {  	_ =	shalt  }
0x50: {  	_ =	shalt  }
0x51: {  	_ =	shalt  }
0x52: {  	_ =	shalt  }
0x53: {  	_ =	shalt  }
0x54: {  	_ =	shalt  }
0x55: {  	_ =	shalt  }
0x56: {  	_ =	shalt  }
0x57: {  	_ =	shalt  }
0x58: {  	_ =	shalt  }
0x59: {  	_ =	shalt  }
0x5a: {  	_ =	shalt  }
0x5b: {  	_ =	shalt  }
0x5c: {  	_ =	shalt  }
0x5d: {  	_ =	shalt  }
0x5e: {  	_ =	shalt  }
0x5f: {  	_ =	shalt  }
0x60: {  	_ =	shalt  }
0x61: {  	_ =	shalt  }
0x62: {  	_ =	shalt  }
0x63: {  	_ =	shalt  }
0x64: {  	_ =	shalt  }
0x65: {  	_ =	shalt  }
0x66: {  	_ =	shalt  }
0x67: {  	_ =	shalt  }
0x68: {  	_ =	shalt  }
0x69: {  	_ =	shalt  }
0x6a: {  	_ =	shalt  }
0x6b: {  	_ =	shalt  }
0x6c: {  	_ =	shalt  }
0x6d: {  	_ =	shalt  }
0x6e: {  	_ =	shalt  }
0x6f: {  	_ =	shalt  }
0x70: {  	_ =	shalt  }
0x71: {  	_ =	shalt  }
0x72: {  	_ =	shalt  }
0x73: {  	_ =	shalt  }
0x74: {  	_ =	shalt  }
0x75: {  	_ =	shalt  }
0x76: {  	_ =	shalt  }
0x77: {  	_ =	shalt  }
0x78: {  	_ =	shalt  }
0x79: {  	_ =	shalt  }
0x7a: {  	_ =	shalt  }
0x7b: {  	_ =	shalt  }
0x7c: {  	_ =	shalt  }
0x7d: {  	_ =	shalt  }
0x7e: {  	_ =	shalt  }
0x7f: {  	_ =	shalt  }
0x80: {  	_ =	shalt  }
0x81: {  	_ =	shalt  }
0x82: {  	_ =	shalt  }
0x83: {  	_ =	shalt  }
0x84: {  	_ =	shalt  }
0x85: {  	_ =	shalt  }
0x86: {  	_ =	shalt  }
0x87: {  	_ =	shalt  }
.Lfunc_end0:
.L_simem_size_0:
called_computation.1_lowered:
.L_overlay_start_0:
0x88: {  	s2 =	sld [smem:$0x3FD9]  }
0x89: {  	s3 =	sld [smem:$0x3FFE];
	_ =	sdelay $0x1  }
0x8a: {  	s1 =	srdreg.scid  }
0x8b: {  	s0 =	sand.u32 $0x1, s1  }
0x8c: {  	s14 =	sshll.u32 s0, $0xA;
	s2 =	sadd.s32 s3, s2  }
0x8d: {  	s2 =	sadd.s32 s2, s14  }
0x8e: {  	[smem:$0x3FB6] =	sst s2  }
0x8f: {  	_ = 	snop  }
0x90: {  	s2 =	sld [smem:$0x3FD0];
	_ =	sdelay $0x2  }
0x91: {  	s15 =	simm.s32 $0xB;
	s4 =	simm.s32 $0x10  }
0x92: {  	[smem:s4], [sflag:s15] =	dma.local [hbm:s2], $0x1  }
0x93: {  	_ =	swait.eq [sflag:s15], $0x1  }
0x94: {  	[sflag:s15] =	ssyncset.done $0x0  }
0x95: {  	s16 =	sld [smem:$0x11];
	[sflag:s15] =	ssyncadd.s32 $0xFFFFFFFF  }
0x96: {  	s17 =	sld [smem:$0x13];
	(tm) =	ssettm $0x1  }
0x97: {  	s18 =	sld [smem:$0x3FFB];
	_ =	sdelay $0x3  }
0x98: {  	_ =	strace s18  }
0x99: {  	s4 =	sld [smem:$0x3FFC];
	_ =	sdelay $0x3  }
0x9a: {  	_ =	strace s4  }
0x9b: {  	s4 =	sld [smem:$0x3FFD];
	_ =	sdelay $0x3  }
0x9c: {  	_ =	strace s4  }
0x9d: {  	_ =	strace $0x8FFFFFFF  }
0x9e: {  	s19 =	sld [smem:$0x3FDB];
	_ =	sdelay $0x1  }
0x9f: {  	s5 =	simm.s32 $_scs_section_size  }
0xa0: {  	s6 =	simm.s32 $_size__tile_overlayer_lowered;
	s7 =	simm.s32 $_tile_overlayer_lowered  }
0xa1: {  	s22 =	simm.s32 $0x1BFF;
	s21 =	sshll.u32 s7, $0x1;
	s4 =	sadd.s32 s5, s19  }
0xa2: {  	s8 =	simm.s32 $0x0;
	s20 =	sshll.u32 s6, $0x1;
	s6 =	sadd.s32 s21, s4  }
0xa3: {  	[timem:s8], [sflag:s22] =	dma.local [hbm:s6], s20  }
0xa4: {  	_ =	swait.ge [sflag:s22], s20  }
0xa5: {  	s5 =	ssub.s32 $0x0, s20;
	[sflag:s22] =	ssyncset.done $0x0  }
0xa6: {  	[sflag:s22] =	ssyncadd.s32 s5;
	_ =	sdelay $0x1  }
0xa7: {  	s23 =	simm.s32 $0x1B8B  }
0xa8: {  	_ =	swait.ge [sflag:s23], $0x1  }
0xa9: {  	[sflag:s23] =	ssyncset.done $0x0  }
0xaa: {  	s25 =	simm.s32 $0x1B8E;
	s24 =	sld [smem:$0x3FFE];
	[sflag:s23] =	ssyncadd.s32 $0xFFFFFFFF  }
0xab: {  	s26 =	simm.s32 $execute0_lowered;
	[smem:$0x3FD2] =	sst s25  }
0xac: {  	s6 =	sshll.u32 s26, $0x1;
	_ =	strace $0x80000046;
	[dreg:$0x1] =	wrdreg $0xFFFFFFFF  }
0xad: {  	s28 =	simm.s32 $_size_execute0_lowered;
	s4 =	sadd.s32 s4, s6;
	[dreg:$0x0] =	wrdreg $0x0  }
0xae: {  	s6 =	sshll.u32 s28, $0x1;
	[dreg:$0x2] =	wrdreg s4  }
0xaf: {  	[dreg:$0x3] =	wrdreg s6  }
0xb0: {  	[dreg:$0x4] =	wrdreg $0xC0  }
0xb1: {  	_ =	task [dreg:s8], $0x5FFFF  }
0xb2: {  	[dreg:$0x1] =	wrdreg $0xFFFFFFFF  }
0xb3: {  	[dreg:$0x0] =	wrdreg $0x60  }
0xb4: {  	[dreg:$0x2] =	wrdreg s24  }
0xb5: {  	[dreg:$0x3] =	wrdreg s17  }
0xb6: {  	[dreg:$0x4] =	wrdreg s16  }
0xb7: {  	[dreg:$0x5] =	wrdreg $0xA  }
0xb8: {  	_ =	task.clear_ibuf [dreg:s8], $0x6FFFF;
	_ =	strace $0x90000046  }
0xb9: {  	s29 =	simm.s32 $0xA;
	_ =	strace $0x80000048  }
0xba: {  	_ =	swait.ge [sflag:s29], $0x1  }
0xbb: {  	[sflag:s29] =	ssyncadd.s32 $0xFFFFFFFF  }
0xbc: {  	_ =	strace $0x90000048  }
0xbd: {  	_ =	sfence  }
0xbe: {  	s30 =	sld [smem:$0x0];
	_ =	sdelay $0x2  }
0xbf: {  	s31 =	sshll.u32 s1, $0xD;
	s1 =	sshrl.u32 s1, $0x2  }
0xc0: {  	s3 =	sand.u32 $0x4000, s31;
	s1 =	sadd.s32 s1, s30  }
0xc1: {  	s0 =	sor.u32 s3, s0;
	s1 =	sshll.u32 s1, $0x11  }
0xc2: {  	s0 =	sor.u32 s1, s0  }
0xc3: {  	s0 =	sadd.s32 $0x8F2B, s0  }
0xc4: {  	[sflag:s0] =	ssyncadd.remote.s32 $0x1  }
0xc5: {  	_ =	sfence.sel $0xFFFF  }
0xc6: {  	[dreg:$0x0] =	wrdreg $0xFFFFFFFF;
	(pc) =	sbr.abs _section_cstart, $3  }
0xc7: {  	[dreg:$0x1] =	wrdreg $0xFFFFFFFF  }
0xc8: {  	_ =	task.clear_ibuf [dreg:s8], $0x2FFFF;
	_ =	strace $0x9FFFFFFF  }
0xc9: {  	(tm) =	ssettm $0x7FFFFFFF  }
tec
execute0_lowered:
.L_overlay_start_1:
0x0: {  	(tag) =	ssettag $0x1  }
0x1: {  	s0 =	rddreg [dreg:$0x0]  }
0x2: {  	s2 =	rddreg [dreg:$0x1]  }
0x3: {  	s1 =	srdreg.scid;
	s11 =	stileid.u32  }
0x4: {  	s3 =	rddreg [dreg:$0x2];
	s4 =	simm.s32 $0x0;
	s25 =	simm.s32 $0x280  }
0x5: {  	s26 =	simm.s32 $0x300;
	s28 =	simm.s32 $0x2C00;
	s29 =	simm.s32 $0x3400  }
0x6: {  	s30 =	simm.s32 $0x3C00;
	s1 =	sand.u32 $0x1, s1;
	s12 =	smul.u32 $0x10400, s11  }
0x7: {  	s5 =	sshll.u32 s11, $0x1;
	[smem:$0x7FF] =	sst s4;
	s15 =	smul.u32 $0x20800, s11  }
0x8: {  	s6 =	sor.u32 s1, s5;
	s7 =	ssub.s32 $0x2, s1;
	s13 =	smul.u32 $0x8200, s1  }
0x9: {  	_ =	strace $0x80000047;
	s1 =	smul.u32 $0x10400, s1;
	[dreg:$0x6] =	wrdreg s25  }
0xa: {  	s5 =	sadd.s32 $0x3E00, s0;
	[dreg:$0x7] =	wrdreg s26;
	s8 =	smul.u32 $0x8200, s6  }
0xb: {  	s25 =	simm.s32 $0x2;
	s9 =	sshrl.u32 s7, $0x1;
	s10 =	smul.u32 $0x82000, s6  }
0xc: {  	s26 =	simm.s32 $0x2400;
	s6 =	sshll.u32 s6, $0xD;
	s31 =	ssub.s32 s7, s9  }
0xd: {  	s17 =	sadd.s32 s13, s12;
	s8 =	sshrl.u32 s8, $0x3;
	s9 =	sand.u32 $0xFC0000, s10  }
0xe: {  	s14 =	sshrl.u32 s10, $0x3;
	s10 =	sadd.s32 s1, s15;
	s19 =	sadd.s32 $0x200, s17  }
0xf: {  	s0 =	smax.u32 s31, $0x1;
	s15 =	simm.s32 $0x1;
	s31 =	simm.s32 $0x380  }
0x10: {  	s1 =	simm.s32 $0x0;
	s7 =	sadd.s32 s5, s8;
	[dreg:$0xe] =	wrdreg s0  }
0x11: {  	s6 =	sor.u32 s6, s9;
	s8 =	sadd.s32 s3, s14;
	[dreg:$0x8] =	wrdreg s31  }
0x12: {  	s21 =	sadd.s32 s3, s10;
	s22 =	sshll.u32 s19, $0x1;
	[dreg:$0x9] =	wrdreg s7  }
0x13: {  	s24 =	sshrl.u32 s19, $0x3;
	s16 =	sadd.s32 $0x10100, s8;
	[dreg:$0x4] =	wrdreg s21  }
0x14: {  	s19 =	simm.s32 $0x100;
	s18 =	sadd.s32 $0x10200, s8;
	[dreg:$0xb] =	wrdreg s16  }
0x15: {  	s6 =	sadd.s32 $0x80000, s6;
	s20 =	sadd.s32 $0x10300, s8;
	[dreg:$0xc] =	wrdreg s18  }
0x16: {  	s23 =	sadd.s32 s22, s3;
	s0 =	sadd.s32 s24, s5;
	[dreg:$0xd] =	wrdreg s20  }
0x17: {  	s21 =	simm.s32 $0x180;
	s22 =	simm.s32 $0x1C00;
	[dreg:$0x5] =	wrdreg s23  }
0x18: {  	s24 =	simm.s32 $0x3;
	s6 =	sshrl.u32 s6, $0x3;
	[dreg:$0x10] =	wrdreg s0  }
0x19: {  	s16 =	simm.s32 $0x80;
	s18 =	simm.s32 $0xC00;
	s6 =	sadd.s32 s3, s6  }
0x1a: {  	s20 =	simm.s32 $0x1400;
	[dreg:$0xa] =	wrdreg s6;
	s6 =	sadd.s32 $0x400, s17  }
0x1b: {  	s23 =	simm.s32 $0x200;
	s17 =	simm.s32 $0x400;
	[dreg:$0xf] =	wrdreg s6  }
.LBB2_1:
0x1c: {  	s0 =	rddreg [dreg:$0x9]  }
0x1d: {  	[tilespmem:s4], [sflag:$0x1] =	stream.linear.gather [hbm4b:s0+s4], $0x200, $0x38;
	[tilespmem:$0x4400] =	vst v63  }
0x1e: {  	_ =	swait.ge [sflag:s15], $0x200  }
0x1f: {  	p0 =	por $0x1, $0x1;
	[sflag:s15] =	ssyncset.done $0x0  }
0x20: {  	s0 =	simm.s32 @!p0 $0x4;
	[sflag:s15] =	ssyncadd.s32 $0xFFFFFE00  }
0x21: {  	_ =	swait.ge @!p0 [sflag:s0], $0x2000  }
0x22: {  	[sflag:s0] =	ssyncset.done @!p0 $0x0  }
0x23: {  	[sflag:s0] =	ssyncadd.s32 @!p0 $0xFFFFE000  }
0x24: {  	[tilespmem:s17], [sflag:$0x3] =	stream.indirect.gather [hbm4b:s2+s16], $0x10, s4, s16, $0xb8;
	[tilespmem:$0x4400] =	vst v63  }
0x25: {  	_ = 	snop  }
0x26: {  	[tilespmem:s18], [sflag:$0x3] =	stream.indirect.gather [hbm4b:s2+s16], $0x10, s16, s16, $0xb8;
	[tilespmem:$0x4400] =	vst v63  }
0x27: {  	_ = 	snop  }
0x28: {  	[tilespmem:s20], [sflag:$0x3] =	stream.indirect.gather [hbm4b:s2+s16], $0x10, s19, s16, $0xb8;
	[tilespmem:$0x4400] =	vst v63  }
0x29: {  	_ = 	snop  }
0x2a: {  	[tilespmem:s22], [sflag:$0x3] =	stream.indirect.gather [hbm4b:s2+s16], $0x10, s21, s16, $0xb8;
	[tilespmem:$0x4400] =	vst v63  }
0x2b: {  	s14 =	rddreg [dreg:$0x10]  }
0x2c: {  	[tilespmem:s23], [sflag:$0x2] =	stream.linear.gather [hbm4b:s14+s4], $0x200, $0x38;
	[tilespmem:$0x4400] =	vst v63  }
0x2d: {  	_ =	swait.ge [sflag:s24], $0x800  }
0x2e: {  	[sflag:s24] =	ssyncset.done $0x0  }
0x2f: {  	[sflag:s24] =	ssyncadd.s32 $0xFFFFF800  }
0x30: {  	_ =	swait.ge [sflag:s24], $0x800  }
0x31: {  	[sflag:s24] =	ssyncset.done $0x0  }
0x32: {  	[sflag:s24] =	ssyncadd.s32 $0xFFFFF800  }
0x33: {  	_ =	swait.ge [sflag:s24], $0x800  }
0x34: {  	[sflag:s24] =	ssyncset.done $0x0  }
0x35: {  	s9 =	sadd.s32 $0x0, s10;
	[sflag:s24] =	ssyncadd.s32 $0xFFFFF800  }
0x36: {  	s11 =	sand.u32 $0xFFF8000, s9;
	_ =	swait.ge [sflag:s24], $0x800  }
0x37: {  	s31 =	sand.u32 $0x7C00, s9;
	s8 =	rddreg [dreg:$0x4];
	[sflag:s24] =	ssyncset.done $0x0  }
0x38: {  	s11 =	sadd.s32 s3, s11;
	[sflag:s24] =	ssyncadd.s32 $0xFFFFF800;
	s8 =	sadd.s32 $0x0, s8  }
0x39: {  	[hbm4b:s8+s4] =	stream.linear.scatter [tilespmem:s17], [sflag:$0x4], $0x800, $0x38;
	[tilespmem:$0x4400] =	vst v63  }
0x3a: {  	s8 =	sadd.s32 s31, s11  }
0x3b: {  	s11 =	sadd.s32 $0x100, s8  }
0x3c: {  	[hbm4b:s11+s4] =	stream.linear.scatter [tilespmem:s18], [sflag:$0x4], $0x800, $0x38;
	[tilespmem:$0x4400] =	vst v63  }
0x3d: {  	s6 =	sadd.s32 $0x200, s8  }
0x3e: {  	[hbm4b:s6+s4] =	stream.linear.scatter [tilespmem:s20], [sflag:$0x4], $0x800, $0x38;
	[tilespmem:$0x4400] =	vst v63  }
0x3f: {  	s8 =	sadd.s32 $0x300, s8  }
0x40: {  	[hbm4b:s8+s4] =	stream.linear.scatter [tilespmem:s22], [sflag:$0x4], $0x800, $0x38;
	[tilespmem:$0x4400] =	vst v63  }
0x41: {  	_ =	swait.ge [sflag:s25], $0x200  }
0x42: {  	[sflag:s25] =	ssyncset.done $0x0  }
0x43: {  	[sflag:s25] =	ssyncadd.s32 $0xFFFFFE00  }
0x44: {  	_ =	swait.ge @!p0 [sflag:s0], $0x2000  }
0x45: {  	[sflag:s0] =	ssyncset.done @!p0 $0x0  }
0x46: {  	s7 =	rddreg [dreg:$0x6];
	[sflag:s0] =	ssyncadd.s32 @!p0 $0xFFFFE000  }
0x47: {  	[tilespmem:s26], [sflag:$0x3] =	stream.indirect.gather [hbm4b:s2+s16], $0x10, s23, s16, $0xb8;
	[tilespmem:$0x4400] =	vst v63  }
0x48: {  	s11 =	rddreg [dreg:$0x7]  }
0x49: {  	[tilespmem:s28], [sflag:$0x3] =	stream.indirect.gather [hbm4b:s2+s16], $0x10, s7, s16, $0xb8;
	[tilespmem:$0x4400] =	vst v63  }
0x4a: {  	s13 =	rddreg [dreg:$0xf]  }
0x4b: {  	[tilespmem:s29], [sflag:$0x3] =	stream.indirect.gather [hbm4b:s2+s16], $0x10, s11, s16, $0xb8;
	[tilespmem:$0x4400] =	vst v63  }
0x4c: {  	s12 =	rddreg [dreg:$0x8];
	s31 =	sshrl.u32 s13, $0x3  }
0x4d: {  	[tilespmem:s30], [sflag:$0x3] =	stream.indirect.gather [hbm4b:s2+s16], $0x10, s12, s16, $0xb8;
	[tilespmem:$0x4400] =	vst v63  }
0x4e: {  	s0 =	sadd.s32 s5, s31  }
0x4f: {  	[tilespmem:s4], [sflag:$0x1] =	stream.linear.gather [hbm4b:s0+s4], $0x200, $0x38;
	[tilespmem:$0x4400] =	vst v63  }
0x50: {  	_ =	swait.ge [sflag:s24], $0x800  }
0x51: {  	[sflag:s24] =	ssyncset.done $0x0  }
0x52: {  	[sflag:s24] =	ssyncadd.s32 $0xFFFFF800  }
0x53: {  	_ =	swait.ge [sflag:s24], $0x800  }
0x54: {  	[sflag:s24] =	ssyncset.done $0x0  }
0x55: {  	[sflag:s24] =	ssyncadd.s32 $0xFFFFF800  }
0x56: {  	_ =	swait.ge [sflag:s24], $0x800  }
0x57: {  	s6 =	sadd.s32 $0x400, s9;
	[sflag:s24] =	ssyncset.done $0x0  }
0x58: {  	s9 =	sand.u32 $0xFFF8000, s6;
	[sflag:s24] =	ssyncadd.s32 $0xFFFFF800  }
0x59: {  	s9 =	sadd.s32 s3, s9;
	_ =	swait.ge [sflag:s24], $0x800  }
0x5a: {  	s0 =	sand.u32 $0x7C00, s6;
	s7 =	rddreg [dreg:$0x5];
	[sflag:s24] =	ssyncset.done $0x0  }
0x5b: {  	s9 =	sadd.s32 s0, s9;
	[sflag:s24] =	ssyncadd.s32 $0xFFFFF800;
	s11 =	sadd.s32 $0x0, s7  }
0x5c: {  	[hbm4b:s11+s4] =	stream.linear.scatter [tilespmem:s26], [sflag:$0x4], $0x800, $0x38;
	[tilespmem:$0x4400] =	vst v63  }
0x5d: {  	s12 =	sadd.s32 $0x100, s9  }
0x5e: {  	[hbm4b:s12+s4] =	stream.linear.scatter [tilespmem:s28], [sflag:$0x4], $0x800, $0x38;
	[tilespmem:$0x4400] =	vst v63  }
0x5f: {  	s0 =	simm.s32 $0x800;
	s31 =	sadd.s32 $0x200, s9;
	s9 =	sadd.s32 $0x300, s9  }
0x60: {  	[hbm4b:s31+s4] =	stream.linear.scatter [tilespmem:s29], [sflag:$0x4], $0x800, $0x38;
	[tilespmem:$0x4400] =	vst v63  }
.LBB2_2:
0x61: {  	[hbm4b:s9+s4] =	stream.linear.scatter [tilespmem:s30], [sflag:$0x4], $0x800, $0x38;
	[tilespmem:$0x4400] =	vst v63  }
0x62: {  	s8 =	smov.u32 s0;
	_ =	swait.ge [sflag:s15], $0x200  }
0x63: {  	p1 =	seq.s32 s8, $0x0;
	[sflag:s15] =	ssyncset.done $0x0  }
0x64: {  	s9 =	simm.s32 @!p1 $0x4;
	[sflag:s15] =	ssyncadd.s32 $0xFFFFFE00  }
0x65: {  	_ =	swait.ge @!p1 [sflag:s9], $0x2000  }
0x66: {  	[sflag:s9] =	ssyncset.done @!p1 $0x0  }
0x67: {  	[sflag:s9] =	ssyncadd.s32 @!p1 $0xFFFFE000  }
0x68: {  	[tilespmem:s17], [sflag:$0x3] =	stream.indirect.gather [hbm4b:s2+s16], $0x10, s4, s16, $0xb8;
	[tilespmem:$0x4400] =	vst v63  }
0x69: {  	_ = 	snop  }
0x6a: {  	[tilespmem:s18], [sflag:$0x3] =	stream.indirect.gather [hbm4b:s2+s16], $0x10, s16, s16, $0xb8;
	[tilespmem:$0x4400] =	vst v63  }
0x6b: {  	_ = 	snop  }
0x6c: {  	[tilespmem:s20], [sflag:$0x3] =	stream.indirect.gather [hbm4b:s2+s16], $0x10, s19, s16, $0xb8;
	[tilespmem:$0x4400] =	vst v63  }
0x6d: {  	_ = 	snop  }
0x6e: {  	[tilespmem:s22], [sflag:$0x3] =	stream.indirect.gather [hbm4b:s2+s16], $0x10, s21, s16, $0xb8;
	[tilespmem:$0x4400] =	vst v63  }
0x6f: {  	s14 =	sadd.s32 $0x80, s14  }
0x70: {  	[tilespmem:s23], [sflag:$0x2] =	stream.linear.gather [hbm4b:s14+s4], $0x200, $0x38;
	[tilespmem:$0x4400] =	vst v63  }
0x71: {  	_ =	swait.ge [sflag:s24], $0x800  }
0x72: {  	[sflag:s24] =	ssyncset.done $0x0  }
0x73: {  	[sflag:s24] =	ssyncadd.s32 $0xFFFFF800  }
0x74: {  	_ =	swait.ge [sflag:s24], $0x800  }
0x75: {  	[sflag:s24] =	ssyncset.done $0x0  }
0x76: {  	[sflag:s24] =	ssyncadd.s32 $0xFFFFF800  }
0x77: {  	_ =	swait.ge [sflag:s24], $0x800  }
0x78: {  	[sflag:s24] =	ssyncset.done $0x0  }
0x79: {  	s12 =	sadd.s32 s8, s10;
	[sflag:s24] =	ssyncadd.s32 $0xFFFFF800  }
0x7a: {  	s6 =	sand.u32 $0xFFF8000, s12;
	s7 =	sand.u32 $0x7C00, s12;
	_ =	swait.ge [sflag:s24], $0x800  }
0x7b: {  	s6 =	sadd.s32 s3, s6;
	s11 =	rddreg [dreg:$0x4];
	[sflag:s24] =	ssyncset.done $0x0  }
0x7c: {  	s6 =	sadd.s32 s7, s6;
	[sflag:s24] =	ssyncadd.s32 $0xFFFFF800;
	s11 =	sadd.s32 s8, s11  }
0x7d: {  	[hbm4b:s11+s4] =	stream.linear.scatter [tilespmem:s17], [sflag:$0x4], $0x800, $0x38;
	[tilespmem:$0x4400] =	vst v63  }
0x7e: {  	s11 =	sadd.s32 $0x100, s6  }
0x7f: {  	[hbm4b:s11+s4] =	stream.linear.scatter [tilespmem:s18], [sflag:$0x4], $0x800, $0x38;
	[tilespmem:$0x4400] =	vst v63  }
0x80: {  	s7 =	sadd.s32 $0x400, s12;
	s12 =	sadd.s32 $0x200, s6  }
0x81: {  	[hbm4b:s12+s4] =	stream.linear.scatter [tilespmem:s20], [sflag:$0x4], $0x800, $0x38;
	[tilespmem:$0x4400] =	vst v63  }
0x82: {  	s6 =	sadd.s32 $0x300, s6  }
0x83: {  	[hbm4b:s6+s4] =	stream.linear.scatter [tilespmem:s22], [sflag:$0x4], $0x800, $0x38;
	[tilespmem:$0x4400] =	vst v63  }
0x84: {  	_ =	swait.ge [sflag:s25], $0x200  }
0x85: {  	[sflag:s25] =	ssyncset.done $0x0  }
0x86: {  	[sflag:s25] =	ssyncadd.s32 $0xFFFFFE00  }
0x87: {  	_ =	swait.ge @!p1 [sflag:s9], $0x2000  }
0x88: {  	s31 =	sand.u32 $0xFFF8000, s7;
	[sflag:s9] =	ssyncset.done @!p1 $0x0  }
0x89: {  	s7 =	sand.u32 $0x7C00, s7;
	s31 =	sadd.s32 s3, s31;
	[sflag:s9] =	ssyncadd.s32 @!p1 $0xFFFFE000  }
0x8a: {  	[tilespmem:s26], [sflag:$0x3] =	stream.indirect.gather [hbm4b:s2+s16], $0x10, s23, s16, $0xb8;
	[tilespmem:$0x4400] =	vst v63  }
0x8b: {  	s11 =	sadd.s32 s7, s31;
	s7 =	rddreg [dreg:$0x6]  }
0x8c: {  	[tilespmem:s28], [sflag:$0x3] =	stream.indirect.gather [hbm4b:s2+s16], $0x10, s7, s16, $0xb8;
	[tilespmem:$0x4400] =	vst v63  }
0x8d: {  	s13 =	sadd.s32 $0x400, s13;
	s12 =	rddreg [dreg:$0x7]  }
0x8e: {  	[tilespmem:s29], [sflag:$0x3] =	stream.indirect.gather [hbm4b:s2+s16], $0x10, s12, s16, $0xb8;
	[tilespmem:$0x4400] =	vst v63  }
0x8f: {  	s31 =	rddreg [dreg:$0x8];
	s7 =	sshrl.u32 s13, $0x3  }
0x90: {  	[tilespmem:s30], [sflag:$0x3] =	stream.indirect.gather [hbm4b:s2+s16], $0x10, s31, s16, $0xb8;
	[tilespmem:$0x4400] =	vst v63  }
0x91: {  	s6 =	sadd.s32 s5, s7  }
0x92: {  	[tilespmem:s4], [sflag:$0x1] =	stream.linear.gather [hbm4b:s6+s4], $0x200, $0x38;
	[tilespmem:$0x4400] =	vst v63  }
0x93: {  	_ =	swait.ge [sflag:s24], $0x800  }
0x94: {  	[sflag:s24] =	ssyncset.done $0x0  }
0x95: {  	[sflag:s24] =	ssyncadd.s32 $0xFFFFF800  }
0x96: {  	_ =	swait.ge [sflag:s24], $0x800  }
0x97: {  	[sflag:s24] =	ssyncset.done $0x0  }
0x98: {  	[sflag:s24] =	ssyncadd.s32 $0xFFFFF800  }
0x99: {  	_ =	swait.ge [sflag:s24], $0x800  }
0x9a: {  	[sflag:s24] =	ssyncset.done $0x0  }
0x9b: {  	[sflag:s24] =	ssyncadd.s32 $0xFFFFF800  }
0x9c: {  	_ =	swait.ge [sflag:s24], $0x800  }
0x9d: {  	s0 =	sadd.s32 $0x800, s0;
	s9 =	rddreg [dreg:$0x5];
	[sflag:s24] =	ssyncset.done $0x0  }
0x9e: {  	p0 =	sne.s32 s0, $0x10000;
	[sflag:s24] =	ssyncadd.s32 $0xFFFFF800;
	s6 =	sadd.s32 s8, s9  }
0x9f: {  	[hbm4b:s6+s4] =	stream.linear.scatter [tilespmem:s26], [sflag:$0x4], $0x800, $0x38;
	[tilespmem:$0x4400] =	vst v63  }
.Ltmp0:
0xa0: {  	_ = 	snop;
	(pc) =	sbr.rel @p0 .LBB2_2-.Ltmp0, $4  }
0xa1: {  	s12 =	sadd.s32 $0x100, s11  }
0xa2: {  	[hbm4b:s12+s4] =	stream.linear.scatter [tilespmem:s28], [sflag:$0x4], $0x800, $0x38;
	[tilespmem:$0x4400] =	vst v63  }
0xa3: {  	s31 =	sadd.s32 $0x200, s11;
	s9 =	sadd.s32 $0x300, s11  }
0xa4: {  	[hbm4b:s31+s4] =	stream.linear.scatter [tilespmem:s29], [sflag:$0x4], $0x800, $0x38;
	[tilespmem:$0x4400] =	vst v63  }
0xa5: {  	[hbm4b:s9+s4] =	stream.linear.scatter [tilespmem:s30], [sflag:$0x4], $0x800, $0x38;
	[tilespmem:$0x4400] =	vst v63  }
0xa6: {  	_ =	swait.ge [sflag:s15], $0x200  }
0xa7: {  	[sflag:s15] =	ssyncset.done $0x0  }
0xa8: {  	s6 =	simm.s32 $0x4;
	[sflag:s15] =	ssyncadd.s32 $0xFFFFFE00  }
0xa9: {  	_ =	swait.ge [sflag:s6], $0x2000  }
0xaa: {  	[sflag:s6] =	ssyncset.done $0x0  }
0xab: {  	[sflag:s6] =	ssyncadd.s32 $0xFFFFE000  }
0xac: {  	[tilespmem:s17], [sflag:$0x3] =	stream.indirect.gather [hbm4b:s2+s16], $0x10, s4, s16, $0xb8;
	[tilespmem:$0x4400] =	vst v63  }
0xad: {  	_ = 	snop  }
0xae: {  	[tilespmem:s18], [sflag:$0x3] =	stream.indirect.gather [hbm4b:s2+s16], $0x10, s16, s16, $0xb8;
	[tilespmem:$0x4400] =	vst v63  }
0xaf: {  	_ = 	snop  }
0xb0: {  	[tilespmem:s20], [sflag:$0x3] =	stream.indirect.gather [hbm4b:s2+s16], $0x10, s19, s16, $0xb8;
	[tilespmem:$0x4400] =	vst v63  }
0xb1: {  	_ = 	snop  }
0xb2: {  	[tilespmem:s22], [sflag:$0x3] =	stream.indirect.gather [hbm4b:s2+s16], $0x10, s21, s16, $0xb8;
	[tilespmem:$0x4400] =	vst v63  }
0xb3: {  	_ =	swait.ge [sflag:s24], $0x800  }
0xb4: {  	[sflag:s24] =	ssyncset.done $0x0  }
0xb5: {  	[sflag:s24] =	ssyncadd.s32 $0xFFFFF800  }
0xb6: {  	_ =	swait.ge [sflag:s24], $0x800  }
0xb7: {  	[sflag:s24] =	ssyncset.done $0x0  }
0xb8: {  	[sflag:s24] =	ssyncadd.s32 $0xFFFFF800  }
0xb9: {  	_ =	swait.ge [sflag:s24], $0x800  }
0xba: {  	[sflag:s24] =	ssyncset.done $0x0  }
0xbb: {  	[sflag:s24] =	ssyncadd.s32 $0xFFFFF800  }
0xbc: {  	_ =	swait.ge [sflag:s24], $0x800  }
0xbd: {  	[sflag:s24] =	ssyncset.done $0x0  }
0xbe: {  	[sflag:s24] =	ssyncadd.s32 $0xFFFFF800  }
0xbf: {  	_ =	swait.ge [sflag:s6], $0x2000  }
0xc0: {  	[sflag:s6] =	ssyncset.done $0x0  }
0xc1: {  	s0 =	rddreg [dreg:$0xa];
	[sflag:s6] =	ssyncadd.s32 $0xFFFFE000  }
0xc2: {  	[hbm4b:s0+s4] =	stream.linear.scatter [tilespmem:s17], [sflag:$0x4], $0x800, $0x38;
	[tilespmem:$0x4400] =	vst v63  }
0xc3: {  	s12 =	rddreg [dreg:$0xb]  }
0xc4: {  	[hbm4b:s12+s4] =	stream.linear.scatter [tilespmem:s18], [sflag:$0x4], $0x800, $0x38;
	[tilespmem:$0x4400] =	vst v63  }
0xc5: {  	s13 =	rddreg [dreg:$0xc]  }
0xc6: {  	[hbm4b:s13+s4] =	stream.linear.scatter [tilespmem:s20], [sflag:$0x4], $0x800, $0x38;
	[tilespmem:$0x4400] =	vst v63  }
0xc7: {  	s14 =	rddreg [dreg:$0xd]  }
0xc8: {  	[hbm4b:s14+s4] =	stream.linear.scatter [tilespmem:s22], [sflag:$0x4], $0x800, $0x38;
	[tilespmem:$0x4400] =	vst v63  }
0xc9: {  	_ =	swait.ge [sflag:s6], $0x2000  }
0xca: {  	s1 =	sadd.s32 $0x1, s1;
	s31 =	rddreg [dreg:$0xe]  }
0xcb: {  	p0 =	sne.s32 s1, s31  }
.Ltmp1:
0xcc: {  	_ = 	snop;
	(pc) =	sbr.rel @p0 .LBB2_1-.Ltmp1, $3  }
0xcd: {  	_ =	sdelay $0x1  }
0xce: {  	[sflag:s6] =	ssyncset.done $0x0  }
0xcf: {  	[sflag:s6] =	ssyncadd.s32 $0xFFFFE000  }
0xd0: {  	_ =	sfence.sel $0x180000  }
0xd1: {  	[bflag:$0x0] =	sbarrier.arrive $0xFFFF  }
0xd2: {  	_ =	strace $0x90000047  }
0xd3: {  	s0 =	stileid.u32;
	[bflag:$0x2] =	sbarrier.arrive $0xFFFF  }
0xd4: {  	p0 =	sne.s32 s0, $0x0;
	s0 =	rddreg [dreg:$0x3]  }
0xd5: {  	s0 =	sadd.s32 @!p0 $0x100000, s0  }
0xd6: {  	[sflag:s0] =	ssyncadd.tile.s32 @!p0 $0x1;
	_ =	shalt  }
.Lfunc_end2:
_tile_overlayer_lowered:
.L_overlay_start_2:
0xd7: {  	(tag) =	ssettag $0x2  }
0xd8: {  	s0 =	rddreg [dreg:$0x0];
	s2 =	stileid.u32  }
0xd9: {  	s1 =	rddreg [dreg:$0x1];
	p0 =	sne.s32 s2, $0x0  }
0xda: {  	s3 =	rddreg [dreg:$0x2];
	[bflag:$0x3] =	sbarrier.arrive $0xFFFF;
	s2 =	simm.s32 @!p0 $0x1C05  }
0xdb: {  	[timem:s3], [sflag:s2] =	dma.local @!p0 [hbm:s0], s1  }
0xdc: {  	s0 =	simm.s32 @!p0 $0x5  }
0xdd: {  	_ =	swait.ge @!p0 [sflag:s0], s1  }
0xde: {  	s1 =	ssub.s32 @!p0 $0x0, s1;
	[sflag:s0] =	ssyncset.done @!p0 $0x0  }
0xdf: {  	[sflag:s0] =	ssyncadd.s32 @!p0 s1  }
0xe0: {  	[bflag:$0x3] =	sbarrier.arrive $0xFFFF  }
0xe1: {  	_ =	shalt  }

// kernel: kernel.8.cloned.1.call-start
scs
__scs_entry_jumppad:
0x0: {  	(pc) =	sbr.rel $0x88, $3  }
0x1: {  	(tag) =	ssettag $0x0;
	lr =	simm.s32 $0x1  }
0x2: {  	[smem:$0x3F8F] =	sst lr;
	_ =	strace $0xD0000000  }
0x3: {  	_ = 	snop  }
0x4: {  	_ = 	snop  }
0x5: {  	_ = 	snop  }
0x6: {  	_ = 	snop  }
0x7: {  	_ = 	snop  }
__scs_overlays_trampoline_lowered:
0x8: {  	[smem:$0x3F9E] =	sst s0  }
0x9: {  	[smem:$0x3F9F] =	sst s1  }
0xa: {  	[smem:$0x3FA0] =	sst s2  }
0xb: {  	[smem:$0x3FA1] =	sst s3  }
0xc: {  	[smem:$0x3FA2] =	sst s4  }
0xd: {  	[smem:$0x3FA3] =	sst s5  }
0xe: {  	[smem:$0x3FA4] =	sst s6  }
0xf: {  	[smem:$0x3FA5] =	sst s7  }
0x10: {  	[smem:$0x3FA6] =	sst s8  }
0x11: {  	[smem:$0x3FA7] =	sst s9;
	s0 =	simm.s32 @!p0 $0x0  }
0x12: {  	s1 =	sld [smem:$0x3F8D];
	s0 =	simm.s32 @p0 $0x1  }
0x13: {  	[smem:$0x3FA8] =	sst s0;
	s0 =	simm.s32 @!p1 $0x0  }
0x14: {  	s2 =	sld [smem:$0x3F8C];
	s0 =	simm.s32 @p1 $0x1  }
0x15: {  	[smem:$0x3FA9] =	sst s0;
	s0 =	simm.s32 @!p2 $0x0  }
0x16: {  	s3 =	sld [smem:$0x3FDB];
	s0 =	simm.s32 @p2 $0x1  }
0x17: {  	s4 =	simm.s32 $0x1BF5;
	[smem:$0x3FAB] =	sst s0  }
0x18: {  	s0 =	sld [smem:$0x3F8E];
	_ =	swait.ge [sflag:s4], $0x0  }
0x19: {  	s7 =	sld [smem:$0x3F8F]  }
0x1a: {  	s8 =	sadd.s32 $0xFFFFE003, lr  }
0x1b: {  	s9 =	sadd.s32 $0xFFFFFEF7, lr;
	s5 =	simm.s32 $0xFFFFFFFF;
	p2 =	slt.u32 s8, $0xFFFFF086  }
0x1c: {  	p1 =	slt.u32 s9, $0xF7A;
	s5 =	simm.s32 @!p2 $0x0  }
0x1d: {  	s5 =	simm.s32 @p1 $0x1;
	p0 =	seq.s32 s7, s2  }
0x1e: {  	s7 =	smul.u32 @!p0 $0xF7A, s2;
	p2 =	seq.s32 @!p0 s5, $0x0  }
0x1f: {  	s9 =	smul.u32 $0xF7A, s1;
	s8 =	simm.s32 @!p0 $0x1BF5;
	p2 =	por !p2, p0  }
0x20: {  	[sflag:s8] =	ssyncset.s32 @!p0 $0xFFFFF086;
	s6 =	sadd.s32 @!p0 s3, s7;
	s7 =	simm.s32 @!p0 $0x108  }
0x21: {  	s3 =	sadd.s32 s3, s9;
	s6 =	sadd.s32 @!p0 $0x88, s6;
	s7 =	simm.s32 @p2 $0x1082  }
0x22: {  	[simem:s7], [sflag:s8] =	dma.local @!p0 [hbm:s6], $0xF7A  }
0x23: {  	s9 =	sor.u32 $0xD0000000, s2;
	s6 =	simm.s32 $0x108;
	_ =	swait.ge @!p0 [sflag:s8], $0x0  }
0x24: {  	s3 =	sadd.s32 $0x88, s3;
	s6 =	simm.s32 @!p1 $0x1082;
	[sflag:s4] =	ssyncset.s32 $0xFFFFF086  }
0x25: {  	[simem:s6], [sflag:s4] =	dma.local [hbm:s3], $0xF7A  }
0x26: {  	[smem:$0x3F8F] =	sst s1;
	(tag) =	ssettag s2;
	_ =	strace s9  }
0x27: {  	s1 =	sld [smem:$0x3F9F]  }
0x28: {  	s2 =	sld [smem:$0x3FA0]  }
0x29: {  	s4 =	sld [smem:$0x3FA2]  }
0x2a: {  	p0 =	seq.s32 s5, $0x0;
	s5 =	sld [smem:$0x3FA3]  }
0x2b: {  	s6 =	sld [smem:$0x3FA4]  }
0x2c: {  	s7 =	sld [smem:$0x3FA5]  }
0x2d: {  	s3 =	simm.s32 $0x108;
	s8 =	sld [smem:$0x3FA6]  }
0x2e: {  	s3 =	simm.s32 @!p0 $0x1082;
	s9 =	sld [smem:$0x3FA7]  }
0x2f: {  	lr =	sadd.s32 s0, s3;
	s0 =	sld [smem:$0x3F9E]  }
0x30: {  	s3 =	sld [smem:$0x3FA1]  }
0x31: {  	[smem:$0x3FAA] =	sst s10  }
0x32: {  	s10 =	sld [smem:$0x3FA8];
	_ =	sdelay $0x3  }
0x33: {  	p0 =	seq.s32 s10, $0x1;
	s10 =	sld [smem:$0x3FAA];
	_ =	sdelay $0x3  }
0x34: {  	[smem:$0x3FAA] =	sst s10  }
0x35: {  	s10 =	sld [smem:$0x3FA9];
	_ =	sdelay $0x3  }
0x36: {  	p1 =	seq.s32 s10, $0x1;
	s10 =	sld [smem:$0x3FAA];
	_ =	sdelay $0x3  }
0x37: {  	[smem:$0x3FAA] =	sst s10  }
0x38: {  	s10 =	sld [smem:$0x3FAB]  }
0x39: {  	_ = 	snop;
	(pc) =	sbr.ind lr, $3  }
0x3a: {  	_ = 	snop  }
0x3b: {  	_ = 	snop  }
0x3c: {  	p2 =	seq.s32 s10, $0x1;
	s10 =	sld [smem:$0x3FAA]  }
0x3d: {  	_ =	shalt  }
0x3e: {  	_ =	shalt  }
0x3f: {  	_ =	shalt  }
0x40: {  	_ =	shalt  }
0x41: {  	_ =	shalt  }
0x42: {  	_ =	shalt  }
0x43: {  	_ =	shalt  }
0x44: {  	_ =	shalt  }
0x45: {  	_ =	shalt  }
0x46: {  	_ =	shalt  }
0x47: {  	_ =	shalt  }
0x48: {  	_ =	shalt  }
0x49: {  	_ =	shalt  }
0x4a: {  	_ =	shalt  }
0x4b: {  	_ =	shalt  }
0x4c: {  	_ =	shalt  }
0x4d: {  	_ =	shalt  }
0x4e: {  	_ =	shalt  }
0x4f: {  	_ =	shalt  }
0x50: {  	_ =	shalt  }
0x51: {  	_ =	shalt  }
0x52: {  	_ =	shalt  }
0x53: {  	_ =	shalt  }
0x54: {  	_ =	shalt  }
0x55: {  	_ =	shalt  }
0x56: {  	_ =	shalt  }
0x57: {  	_ =	shalt  }
0x58: {  	_ =	shalt  }
0x59: {  	_ =	shalt  }
0x5a: {  	_ =	shalt  }
0x5b: {  	_ =	shalt  }
0x5c: {  	_ =	shalt  }
0x5d: {  	_ =	shalt  }
0x5e: {  	_ =	shalt  }
0x5f: {  	_ =	shalt  }
0x60: {  	_ =	shalt  }
0x61: {  	_ =	shalt  }
0x62: {  	_ =	shalt  }
0x63: {  	_ =	shalt  }
0x64: {  	_ =	shalt  }
0x65: {  	_ =	shalt  }
0x66: {  	_ =	shalt  }
0x67: {  	_ =	shalt  }
0x68: {  	_ =	shalt  }
0x69: {  	_ =	shalt  }
0x6a: {  	_ =	shalt  }
0x6b: {  	_ =	shalt  }
0x6c: {  	_ =	shalt  }
0x6d: {  	_ =	shalt  }
0x6e: {  	_ =	shalt  }
0x6f: {  	_ =	shalt  }
0x70: {  	_ =	shalt  }
0x71: {  	_ =	shalt  }
0x72: {  	_ =	shalt  }
0x73: {  	_ =	shalt  }
0x74: {  	_ =	shalt  }
0x75: {  	_ =	shalt  }
0x76: {  	_ =	shalt  }
0x77: {  	_ =	shalt  }
0x78: {  	_ =	shalt  }
0x79: {  	_ =	shalt  }
0x7a: {  	_ =	shalt  }
0x7b: {  	_ =	shalt  }
0x7c: {  	_ =	shalt  }
0x7d: {  	_ =	shalt  }
0x7e: {  	_ =	shalt  }
0x7f: {  	_ =	shalt  }
0x80: {  	_ =	shalt  }
0x81: {  	_ =	shalt  }
0x82: {  	_ =	shalt  }
0x83: {  	_ =	shalt  }
0x84: {  	_ =	shalt  }
0x85: {  	_ =	shalt  }
0x86: {  	_ =	shalt  }
0x87: {  	_ =	shalt  }
.Lfunc_end0:
.L_simem_size_0:
called_computation.2_lowered:
.L_overlay_start_0:
0x88: {  	s2 =	sld [smem:$0x3FD9]  }
0x89: {  	s3 =	sld [smem:$0x3FFE];
	_ =	sdelay $0x1  }
0x8a: {  	s1 =	srdreg.scid  }
0x8b: {  	s0 =	sand.u32 $0x1, s1  }
0x8c: {  	s15 =	sshll.u32 s0, $0xA;
	s2 =	sadd.s32 s3, s2  }
0x8d: {  	s2 =	sadd.s32 s2, s15  }
0x8e: {  	[smem:$0x3FB6] =	sst s2  }
0x8f: {  	_ = 	snop  }
0x90: {  	s16 =	sld [smem:$0x3FD0];
	_ =	sdelay $0x2  }
0x91: {  	s6 =	simm.s32 $0xB;
	s4 =	simm.s32 $0x10;
	s2 =	sld [smem:$0x3FC7]  }
0x92: {  	[smem:s4], [sflag:s6] =	dma.local [hbm:s16], $0x1  }
0x93: {  	_ =	swait.eq [sflag:s6], $0x1  }
0x94: {  	s17 =	sld [smem:$0x10];
	[sflag:s6] =	ssyncset.done $0x0  }
0x95: {  	s5 =	sld [smem:$0x12];
	[sflag:s6] =	ssyncadd.s32 $0xFFFFFFFF  }
0x96: {  	s18 =	sld [smem:$0x13];
	(tm) =	ssettm $0x1  }
0x97: {  	s19 =	sld [smem:$0x3FFB];
	_ =	sdelay $0x3  }
0x98: {  	_ =	strace s19  }
0x99: {  	s3 =	sld [smem:$0x3FFC];
	_ =	sdelay $0x3  }
0x9a: {  	_ =	strace s3  }
0x9b: {  	s3 =	sld [smem:$0x3FFD];
	_ =	sdelay $0x3  }
0x9c: {  	_ =	strace s3  }
0x9d: {  	_ =	strace $0x8FFFFFFF  }
0x9e: {  	s20 =	sld [smem:$0x3FDB];
	_ =	sdelay $0x1  }
0x9f: {  	s7 =	simm.s32 $_scs_section_size  }
0xa0: {  	s8 =	simm.s32 $_size__tile_overlayer_lowered;
	s9 =	simm.s32 $_tile_overlayer_lowered  }
0xa1: {  	s10 =	simm.s32 $0x1BFF;
	s21 =	sshll.u32 s9, $0x1;
	s7 =	sadd.s32 s7, s20  }
0xa2: {  	s22 =	simm.s32 $0x0;
	s8 =	sshll.u32 s8, $0x1;
	s9 =	sadd.s32 s21, s7  }
0xa3: {  	[timem:s22], [sflag:s10] =	dma.local [hbm:s9], s8  }
0xa4: {  	_ =	swait.ge [sflag:s10], s8  }
0xa5: {  	s8 =	ssub.s32 $0x0, s8;
	[sflag:s10] =	ssyncset.done $0x0  }
0xa6: {  	[sflag:s10] =	ssyncadd.s32 s8;
	_ =	sdelay $0x1  }
0xa7: {  	s23 =	simm.s32 $0x1B8B  }
0xa8: {  	_ =	swait.ge [sflag:s23], $0x1  }
0xa9: {  	[sflag:s23] =	ssyncset.done $0x0  }
0xaa: {  	[sflag:s23] =	ssyncadd.s32 $0xFFFFFFFF  }
0xab: {  	s8 =	sld [smem:$0x0]  }
0xac: {  	s9 =	sand.u32 $0xFFFFFFFE, s1  }
0xad: {  	p0 =	sne.s32 s1, s9  }
0xae: {  	s9 =	sshll.u32 @p0 s9, $0xE  }
0xaf: {  	s9 =	sadd.s32 @p0 $0x11B8D, s9;
	s10 =	sshll.u32 @p0 s8, $0x11  }
0xb0: {  	s9 =	sor.u32 @p0 s10, s9  }
0xb1: {  	[sflag:s9] =	ssyncadd.remote.s32 @p0 $0x1;
	_ =	sdelay $0x1  }
0xb2: {  	s9 =	simm.s32 @p0 $0x1B8D  }
0xb3: {  	_ =	swait.eq @p0 [sflag:s9], $0x1  }
0xb4: {  	[sflag:s9] =	ssyncadd.s32 @p0 $0xFFFFFFFF  }
0xb5: {  	s10 =	sshll.u32 @!p0 s1, $0xE  }
0xb6: {  	s10 =	sor.u32 @!p0 $0x4000, s10;
	s9 =	simm.s32 @!p0 $0x1B8D  }
0xb7: {  	s8 =	sshll.u32 @!p0 s8, $0x11;
	s10 =	sadd.s32 @!p0 $0x11B8D, s10;
	_ =	swait.eq @!p0 [sflag:s9], $0x1  }
0xb8: {  	s8 =	sor.u32 @!p0 s8, s10;
	[sflag:s9] =	ssyncadd.s32 @!p0 $0xFFFFFFFF  }
0xb9: {  	s25 =	simm.s32 $0x1B8E;
	s24 =	sld [smem:$0x3FFE];
	[sflag:s8] =	ssyncadd.remote.s32 @!p0 $0x1  }
0xba: {  	s26 =	simm.s32 $execute0_lowered;
	[smem:$0x3FD2] =	sst s25  }
0xbb: {  	s9 =	sshll.u32 s26, $0x1;
	_ =	strace $0x80000049;
	[dreg:$0x1] =	wrdreg $0xFFFFFFFF  }
0xbc: {  	s28 =	simm.s32 $_size_execute0_lowered;
	s7 =	sadd.s32 s7, s9;
	[dreg:$0x0] =	wrdreg $0x0  }
0xbd: {  	s9 =	sshll.u32 s28, $0x1;
	[dreg:$0x2] =	wrdreg s7  }
0xbe: {  	[dreg:$0x3] =	wrdreg s9  }
0xbf: {  	[dreg:$0x4] =	wrdreg $0xC0  }
0xc0: {  	_ =	task [dreg:s22], $0x5FFFF  }
0xc1: {  	[dreg:$0x1] =	wrdreg $0xFFFFFFFF  }
0xc2: {  	[dreg:$0x0] =	wrdreg $0x60  }
0xc3: {  	[dreg:$0x2] =	wrdreg s2  }
0xc4: {  	[dreg:$0x3] =	wrdreg s24  }
0xc5: {  	[dreg:$0x4] =	wrdreg s5  }
0xc6: {  	[dreg:$0x5] =	wrdreg s18  }
0xc7: {  	[dreg:$0x6] =	wrdreg s17  }
0xc8: {  	[dreg:$0x7] =	wrdreg $0x9  }
0xc9: {  	_ =	task.clear_ibuf [dreg:s22], $0x8FFFF;
	_ =	strace $0x90000049  }
0xca: {  	s29 =	simm.s32 $0x9;
	_ =	strace $0x8000004B  }
0xcb: {  	_ =	swait.ge [sflag:s29], $0x1  }
0xcc: {  	[sflag:s29] =	ssyncadd.s32 $0xFFFFFFFF  }
0xcd: {  	_ =	strace $0x9000004B  }
0xce: {  	_ =	sfence  }
0xcf: {  	s30 =	sld [smem:$0x0];
	_ =	sdelay $0x2  }
0xd0: {  	s31 =	sshll.u32 s1, $0xD;
	s1 =	sshrl.u32 s1, $0x2  }
0xd1: {  	s4 =	sand.u32 $0x4000, s31;
	s1 =	sadd.s32 s1, s30  }
0xd2: {  	s0 =	sor.u32 s4, s0;
	s1 =	sshll.u32 s1, $0x11  }
0xd3: {  	s0 =	sor.u32 s1, s0  }
0xd4: {  	s0 =	sadd.s32 $0x8F2B, s0  }
0xd5: {  	[sflag:s0] =	ssyncadd.remote.s32 $0x1  }
0xd6: {  	_ =	sfence.sel $0xFFFF  }
0xd7: {  	[dreg:$0x0] =	wrdreg $0xFFFFFFFF;
	(pc) =	sbr.abs _section_cstart, $3  }
0xd8: {  	[dreg:$0x1] =	wrdreg $0xFFFFFFFF  }
0xd9: {  	_ =	task.clear_ibuf [dreg:s22], $0x2FFFF;
	_ =	strace $0x9FFFFFFF  }
0xda: {  	(tm) =	ssettm $0x7FFFFFFF  }
0xdb: {  	_ =	shalt  }
tec
execute0_lowered:
.L_overlay_start_1:
0x0: {  	(tag) =	ssettag $0x1  }
0x1: {  	s0 =	rddreg [dreg:$0x1]  }
0x2: {  	s2 =	rddreg [dreg:$0x2]  }
0x3: {  	s4 =	rddreg [dreg:$0x3];
	s1 =	srdreg.scid  }
0x4: {  	s5 =	stileid.u32;
	s3 =	rddreg [dreg:$0x4];
	s14 =	simm.s32 $0x2  }
0x5: {  	s15 =	simm.s32 $0x4000;
	s16 =	simm.s32 $0x8080;
	s17 =	simm.s32 $0x1  }
0x6: {  	s18 =	simm.s32 $0xC100;
	s1 =	sand.u32 $0x1, s1;
	s6 =	sshll.u32 s5, $0x1  }
0x7: {  	s19 =	simm.s32 $0x80;
	s20 =	simm.s32 $0x18450;
	s6 =	sor.u32 s1, s6  }
0x8: {  	s22 =	simm.s32 $0x19450;
	s23 =	simm.s32 $0x0;
	s11 =	smul.u32 $0x186A, s6  }
0x9: {  	s5 =	simm.s32 $0x0;
	s7 =	sadd.s32 $0x2C600, s0;
	s6 =	smul.u32 $0xC35, s6  }
.Ltmp0:
0xa: {  	[smem:$0x7FF] =	sst s5;
	s1 =	ssub.s32 $0x2, s1;
	(pc) =	sbr.rel .LBB2_1-.Ltmp0, $4  }
0xb: {  	s8 =	sadd.s32 $0x24600, s0;
	_ =	strace $0x8000004A;
	s9 =	sshrl.u32 s1, $0x1  }
0xc: {  	s1 =	ssub.s32 s1, s9;
	s0 =	sadd.s32 s11, s0;
	s21 =	sadd.s32 $0xC35, s6  }
0xd: {  	v1 =	vlaneseq.u32;
	v3 =	vimm.s32 $0x0;
	s9 =	sadd.s32 s2, s11;
	s10 =	sadd.s32 s3, s11;
	s11 =	sadd.s32 s4, s11  }
0xe: {  	v4 =	vmul.u32 $0x10, v1;
	s13 =	smax.u32 s1, $0x1;
	v0 =	vmov s6;
	s12 =	sadd.s32 $0x34600, s0;
	v2 =	vmov s21;
	s21 =	simm.s32 $0x18C50  }
.LBB2_21:
0xf: {  	s23 =	sadd.s32 $0x1, s23  }
0x10: {  	p0 =	sne.s32 s23, s13  }
.Ltmp1:
0x11: {  	_ = 	snop;
	(pc) =	sbr.rel @!p0 .LBB2_22-.Ltmp1, $4  }
0x12: {  	[hbm4b:s12+s5] =	stream.linear.scatter [tilespmem:s18], [sflag:$0x2], $0xC350, $0x38;
	[tilespmem:$0x19C50] =	vst v63  }
0x13: {  	_ =	swait.ge [sflag:s14], $0xC350  }
0x14: {  	[sflag:s14] =	ssyncset.done $0x0  }
0x15: {  	[sflag:s14] =	ssyncadd.s32 $0xFFFF3CB0  }
.LBB2_1:
0x16: {  	s0 =	rddreg [dreg:$0x0]  }
0x17: {  	[tilespmem:s5], [sflag:$0x2] =	stream.linear.gather [hbm4b:s0+s5], $0x4000, $0x38;
	[tilespmem:$0x19C50] =	vst v63  }
0x18: {  	_ =	swait.ge [sflag:s14], $0x4000  }
0x19: {  	[sflag:s14] =	ssyncset.done $0x0  }
0x1a: {  	s0 =	simm.s32 $0x0;
	[sflag:s14] =	ssyncadd.s32 $0xFFFFC000  }
.LBB2_2:
0x1b: {  	p0 =	sne.s32 s0, $0x101C0  }
.Ltmp2:
0x1c: {  	_ = 	snop;
	(pc) =	sbr.rel @p0 .LBB2_2-.Ltmp2, $4  }
0x1d: {  	_ = 	snop  }
0x1e: {  	s1 =	sshra.s32 s0, $0x2  }
0x1f: {  	[tilespmem:s1+$0x4000] =	vst v3  }
0x20: {  	s0 =	sadd.s32 $0x40, s0;
	[tilespmem:s1+$0x8080] =	vst v3  }
0x21: {  	s0 =	simm.s32 $0x0  }
0x22: {  	v5 =	vld [tilespmem:s0+$0x0];
	_ =	sdelay $0x4  }
0x23: {  	vm0 =	vge.s32 v5, v0;
	vm1 =	vlt.s32 v5, v2  }
0x24: {  	vm0 =	vmand vm0, vm1  }
0x25: {  	v6 =	vsel vm0, $0x1, v3  }
0x26: {  	(xrf0) =	vadd.scan.msk.s32 $0xffff, v6;
	_ =	sdelay $0x5  }
0x27: {  	s1 =	simm.s32 $0xFFFFFFFF;
	v6, _, _ =	vpop (xrf0)  }
0x28: {  	v7 =	vadd.s32 s1, v6;
	(v2sf) =	vpush v6, $0xF;
	_ =	sdelay $0x3  }
0x29: {  	v8 =	vor.u32 s0, v1  }
0x2a: {  	[tilespmem:v7+s15+$0x0] =	vst.idx.msk vm0, v8  }
0x2b: {  	s1 =	simm.s32 $0x10;
	[tilespmem:v7+s16+$0x0] =	vst.idx.msk vm0, v5  }
0x2c: {  	s3 =	simm.s32 $0x20;
	s24 =	simm.s32 $0x10;
	v5 =	vld [tilespmem:s1+$0x0]  }
.LBB2_4:
0x2d: {  	p0 =	sne.s32 s3, $0x3FF0;
	_ =	sdelay $0x3  }
0x2e: {  	vm0 =	vge.s32 v5, v0;
	vm1 =	vlt.s32 v5, v2  }
0x2f: {  	vm0 =	vmand vm0, vm1  }
0x30: {  	v6 =	vsel vm0, $0x1, v3  }
0x31: {  	(xrf0) =	vadd.scan.msk.s32 $0xffff, v6;
	s25 =	spop (v2sf)  }
0x32: {  	s0 =	sadd.s32 s0, s25  }
0x33: {  	s25 =	sadd.s32 $0xFFFFFFFF, s0;
	_ =	sdelay $0x3  }
0x34: {  	v6, _, _ =	vpop (xrf0)  }
0x35: {  	v7 =	vadd.s32 s25, v6;
	(v2sf) =	vpush v6, $0xF;
	_ =	sdelay $0x2  }
.Ltmp3:
0x36: {  	(pc) =	sbr.rel @p0 .LBB2_4-.Ltmp3, $4  }
0x37: {  	v6 =	vor.u32 s1, v1;
	s1 =	smov.u32 s3  }
0x38: {  	[tilespmem:v7+s15+$0x0] =	vst.idx.msk vm0, v6  }
0x39: {  	s24 =	sadd.s32 $0x10, s24;
	[tilespmem:v7+s16+$0x0] =	vst.idx.msk vm0, v5  }
0x3a: {  	s3 =	sadd.s32 $0x10, s3;
	v5 =	vld [tilespmem:s24+$0x0]  }
0x3b: {  	_ =	sdelay $0x3  }
0x3c: {  	vm0 =	vge.s32 v5, v0;
	vm1 =	vlt.s32 v5, v2  }
0x3d: {  	vm0 =	vmand vm0, vm1  }
0x3e: {  	v6 =	vsel vm0, $0x1, v3  }
0x3f: {  	(xrf0) =	vadd.scan.msk.s32 $0xffff, v6;
	_ =	sdelay $0x5  }
0x40: {  	v6, _, _ =	vpop (xrf0)  }
0x41: {  	(v2sf) =	vpush v6, $0xF;
	_ =	sdelay $0xd  }
0x42: {  	s3 =	spop (v2sf)  }
0x43: {  	s0 =	sadd.s32 s0, s3;
	s24 =	spop (v2sf)  }
0x44: {  	s24 =	sadd.s32 s0, s24  }
0x45: {  	s3 =	sadd.s32 $0xFFFFFFFF, s0;
	s0 =	sadd.s32 $0x7F, s24  }
0x46: {  	s26 =	sand.u32 $0x7F, s0  }
0x47: {  	v6 =	vadd.s32 s3, v6;
	s25 =	sshra.s32 s0, $0x1F;
	p0 =	slt.s32 s0, $0x1;
	p1 =	sne.s32 s26, $0x0  }
0x48: {  	s31 =	sshrl.u32 s25, $0x19;
	p0 =	por !p0, !p1  }
0x49: {  	v7 =	vor.u32 s1, v1;
	s1 =	simm.s32 $0x1;
	s0 =	sadd.s32 s31, s0;
	p0 =	por !p0, !p0  }
0x4a: {  	s0 =	sshra.s32 s0, $0x7;
	s1 =	simm.s32 @!p0 $0x0  }
0x4b: {  	s25 =	ssub.s32 s0, s1  }
0x4c: {  	[tilespmem:v6+s15+$0x0] =	vst.idx.msk vm0, v7;
	p0 =	slt.s32 s25, $0x1  }
.Ltmp4:
0x4d: {  	[tilespmem:v6+s16+$0x0] =	vst.idx.msk vm0, v5;
	s26 =	simm.s32 $0x0;
	(pc) =	sbr.rel @!p0 .LBB2_6-.Ltmp4, $4  }
0x4e: {  	[tilespmem:s18], [sflag:$0x2] =	stream.linear.gather [hbm4b:s9+s26], $0xC350, $0x38;
	[tilespmem:$0x19C50] =	vst v63  }
0x4f: {  	_ =	swait.ge [sflag:s14], $0xC350  }
0x50: {  	s28 =	simm.s32 $0x8080;
	[sflag:s14] =	ssyncset.done $0x0  }
0x51: {  	s30 =	simm.s32 $0x0;
	s29 =	smov.u32 s24;
	[sflag:s14] =	ssyncadd.s32 $0xFFFF3CB0  }
.LBB2_13:
0x52: {  	s26 =	simm.s32 $0x0  }
0x53: {  	[hbm4b:s10+s26] =	stream.linear.scatter [tilespmem:s18], [sflag:$0x2], $0xC350, $0x38;
	[tilespmem:$0x19C50] =	vst v63  }
0x54: {  	_ =	swait.ge [sflag:s14], $0xC350  }
0x55: {  	[sflag:s14] =	ssyncset.done $0x0  }
0x56: {  	[sflag:s14] =	ssyncadd.s32 $0xFFFF3CB0  }
0x57: {  	[tilespmem:s18], [sflag:$0x2] =	stream.linear.gather [hbm4b:s11+s26], $0xC350, $0x38;
	[tilespmem:$0x19C50] =	vst v63  }
.Ltmp5:
0x58: {  	_ = 	snop;
	(pc) =	sbr.rel @!p0 .LBB2_14-.Ltmp5, $4  }
.Ltmp6:
0x59: {  	_ = 	snop;
	(pc) =	sbr.rel @p0 .LBB2_21-.Ltmp6, $4  }
0x5a: {  	_ =	swait.ge [sflag:s14], $0xC350  }
0x5b: {  	s28 =	simm.s32 $0x8080;
	[sflag:s14] =	ssyncset.done $0x0  }
0x5c: {  	s29 =	smov.u32 s24;
	s30 =	simm.s32 $0x0;
	[sflag:s14] =	ssyncadd.s32 $0xFFFF3CB0  }
0x5d: {  	_ = 	snop  }
.LBB2_11:
0x5e: {  	_ =	sdelay $0x3  }
0x5f: {  	[tilespmem:v6+s18+$0x0] =	vst.idx.msk $0xffff, v5  }
.LBB2_12:
0x60: {  	s30 =	sadd.s32 $0x1, s30  }
0x61: {  	p1 =	sne.s32 s30, s25  }
.Ltmp7:
0x62: {  	_ = 	snop;
	(pc) =	sbr.rel @!p1 .LBB2_13-.Ltmp7, $2  }
0x63: {  	_ =	sdelay $0x2  }
0x64: {  	s29 =	sadd.s32 $0xFFFFFF80, s29;
	s28 =	sadd.s32 $0x80, s28  }
.LBB2_6:
0x65: {  	s31 =	sshll.u32 s30, $0x7  }
0x66: {  	s0 =	sadd.s32 $0x4000, s31  }
0x67: {  	[tilespmem:s20], [sflag:$0x1] =	stream.indirect.gather [hbm4b:s7+s19], $0x10, s0, s19, $0xb8;
	[tilespmem:$0x19C50] =	vst v63  }
0x68: {  	v5 =	vmov s26;
	_ =	swait.ge [sflag:s17], $0x800  }
0x69: {  	v5 =	vshll.u32 v5, $0x4;
	[sflag:s17] =	ssyncset.done $0x0  }
0x6a: {  	s3 =	sadd.s32 $0x8080, s31;
	v6 =	vor.u32 v4, v5;
	[sflag:s17] =	ssyncadd.s32 $0xFFFFF800  }
0x6b: {  	v7 =	vor.u32 $0x1, v6;
	[tilespmem:s21], [sflag:$0x1] =	stream.indirect.gather [hbm4b:s2+s19], $0x10, s3, s19, $0xb8;
	[tilespmem:$0x19C50] =	vst v63  }
0x6c: {  	v8 =	vor.u32 $0x2, v6;
	_ =	swait.ge [sflag:s17], $0x800  }
0x6d: {  	[sflag:s17] =	ssyncset.done $0x0  }
0x6e: {  	[sflag:s17] =	ssyncadd.s32 $0xFFFFF800  }
0x6f: {  	v10 =	vld.idx.msk [tilespmem:v6+s21+$0x0], $0xffff  }
0x70: {  	v9 =	vor.u32 $0x3, v6;
	v11 =	vld.idx.msk [tilespmem:v7+s20+$0x0], $0xffff  }
0x71: {  	v13 =	vor.u32 $0x4, v6;
	v12 =	vld.idx.msk [tilespmem:v8+s21+$0x0], $0xffff  }
0x72: {  	v14 =	vld.idx.msk [tilespmem:v6+s20+$0x0], $0xffff  }
0x73: {  	v24 =	vor.u32 $0x5, v6;
	v15 =	vld.idx.msk [tilespmem:v7+s21+$0x0], $0xffff  }
0x74: {  	v17 =	vld.idx.msk [tilespmem:v8+s20+$0x0], $0xffff  }
0x75: {  	v18 =	vld.idx.msk [tilespmem:v9+s21+$0x0], $0xffff  }
0x76: {  	v5 =	vor.u32 $0x6, v6;
	v20 =	vld.idx.msk [tilespmem:v13+s21+$0x0], $0xffff  }
0x77: {  	v16 =	vor.u32 $0x7, v6;
	v21 =	vld.idx.msk [tilespmem:v13+s20+$0x0], $0xffff  }
0x78: {  	v22 =	vld.idx.msk [tilespmem:v24+s21+$0x0], $0xffff;
	v10 =	vmul.f32 $5.000000000e-01, v10  }
0x79: {  	v19 =	vld.idx.msk [tilespmem:v9+s20+$0x0], $0xffff;
	v14 =	vmul.f32 $5.000000000e-01, v14;
	v11 =	vmul.f32 $5.000000000e-01, v11  }
0x7a: {  	v23 =	vor.u32 $0x8, v6;
	v25 =	vld.idx.msk [tilespmem:v24+s20+$0x0], $0xffff;
	v15 =	vmul.f32 $5.000000000e-01, v15;
	v12 =	vmul.f32 $5.000000000e-01, v12  }
0x7b: {  	v26 =	vld.idx.msk [tilespmem:v5+s21+$0x0], $0xffff;
	v18 =	vmul.f32 $5.000000000e-01, v18;
	v20 =	vmul.f32 $5.000000000e-01, v20;
	v10 =	vadd.f32 v10, v14  }
0x7c: {  	v29 =	vld.idx.msk [tilespmem:v16+s21+$0x0], $0xffff;
	v21 =	vmul.f32 $5.000000000e-01, v21;
	v14 =	vmul.f32 $5.000000000e-01, v17;
	v11 =	vadd.f32 v15, v11  }
0x7d: {  	v28 =	vld.idx.msk [tilespmem:v5+s20+$0x0], $0xffff;
	v22 =	vmul.f32 $5.000000000e-01, v22;
	v15 =	vor.u32 $0x9, v6;
	v27 =	vmul.f32 v10, v10  }
0x7e: {  	v31 =	vld.idx.msk [tilespmem:v16+s20+$0x0], $0xffff;
	v12 =	vadd.f32 v12, v14;
	v14 =	vmul.f32 $5.000000000e-01, v19;
	v19 =	vmul.f32 v11, v11  }
0x7f: {  	v17 =	vor.u32 $0xA, v6;
	v34 =	vadd.f32 v20, v21;
	v21 =	vmul.f32 $5.000000000e-01, v25;
	v25 =	vld.idx.msk [tilespmem:v23+s20+$0x0], $0xffff  }
0x80: {  	v30 =	vmul.f32 v12, v12;
	v14 =	vadd.f32 v18, v14;
	v19 =	vadd.f32 v19, v27;
	v27 =	vld.idx.msk [tilespmem:v23+s21+$0x0], $0xffff  }
0x81: {  	v26 =	vmul.f32 $5.000000000e-01, v26;
	v29 =	vmul.f32 $5.000000000e-01, v29  }
0x82: {  	v18 =	vor.u32 $0xB, v6;
	v20 =	vmul.f32 v14, v14;
	v30 =	vadd.f32 v30, v19  }
0x83: {  	v31 =	vmul.f32 $5.000000000e-01, v31;
	v35 =	vadd.f32 v22, v21;
	v21 =	vmul.f32 $5.000000000e-01, v28;
	v22 =	vld.idx.msk [tilespmem:v15+s20+$0x0], $0xffff  }
0x84: {  	v33 =	vmul.f32 v34, v34;
	v32 =	vld.idx.msk [tilespmem:v15+s21+$0x0], $0xffff;
	v19 =	vor.u32 $0xC, v6;
	v28 =	vadd.f32 v20, v30  }
0x85: {  	v26 =	vadd.f32 v26, v21;
	v37 =	vld.idx.msk [tilespmem:v17+s20+$0x0], $0xffff;
	v25 =	vmul.f32 $5.000000000e-01, v25;
	v27 =	vmul.f32 $5.000000000e-01, v27  }
0x86: {  	v36 =	vmul.f32 v35, v35;
	v30 =	vld.idx.msk [tilespmem:v17+s21+$0x0], $0xffff;
	v20 =	vor.u32 $0xD, v6;
	v21 =	vadd.f32 v33, v28  }
0x87: {  	v29 =	vadd.f32 v29, v31;
	v31 =	vmul.f32 v26, v26;
	v45 =	vld.idx.msk [tilespmem:v18+s20+$0x0], $0xffff;
	v25 =	vadd.f32 v27, v25  }
0x88: {  	v28 =	vld.idx.msk [tilespmem:v18+s21+$0x0], $0xffff;
	v27 =	vmul.f32 $5.000000000e-01, v22;
	v22 =	vor.u32 $0xF, v6;
	v36 =	vadd.f32 v36, v21  }
0x89: {  	v38 =	vld.idx.msk [tilespmem:v19+s21+$0x0], $0xffff;
	v21 =	vor.u32 $0xE, v6  }
0x8a: {  	v39 =	vmul.f32 v29, v29;
	v32 =	vmul.f32 $5.000000000e-01, v32;
	v40 =	vld.idx.msk [tilespmem:v19+s20+$0x0], $0xffff;
	v31 =	vadd.f32 v31, v36  }
0x8b: {  	v37 =	vmul.f32 $5.000000000e-01, v37;
	v30 =	vmul.f32 $5.000000000e-01, v30;
	v46 =	vld.idx.msk [tilespmem:v20+s21+$0x0], $0xffff  }
0x8c: {  	v41 =	vmul.f32 v25, v25;
	v27 =	vadd.f32 v32, v27;
	v47 =	vld.idx.msk [tilespmem:v20+s20+$0x0], $0xffff;
	v31 =	vadd.f32 v39, v31  }
0x8d: {  	v33 =	vmul.f32 $5.000000000e-01, v45;
	v28 =	vmul.f32 $5.000000000e-01, v28;
	v43 =	vld.idx.msk [tilespmem:v22+s21+$0x0], $0xffff  }
0x8e: {  	v30 =	vadd.f32 v30, v37;
	v49 =	vmul.f32 v27, v27;
	v48 =	vld.idx.msk [tilespmem:v21+s21+$0x0], $0xffff;
	v31 =	vadd.f32 v41, v31  }
0x8f: {  	v38 =	vmul.f32 $5.000000000e-01, v38;
	v51 =	vmul.f32 $5.000000000e-01, v40;
	v50 =	vld.idx.msk [tilespmem:v21+s20+$0x0], $0xffff  }
0x90: {  	v52 =	vld.idx.msk [tilespmem:v22+s20+$0x0], $0xffff;
	v42 =	vmul.f32 v30, v30;
	v28 =	vadd.f32 v28, v33;
	v31 =	vadd.f32 v49, v31  }
0x91: {  	v36 =	vmul.f32 $5.000000000e-01, v46;
	v38 =	vadd.f32 v38, v51  }
0x92: {  	v32 =	vmul.f32 $5.000000000e-01, v47;
	v53 =	vmul.f32 v28, v28;
	v54 =	vadd.f32 v42, v31  }
0x93: {  	v55 =	vmul.f32 v38, v38;
	v37 =	vmul.f32 $5.000000000e-01, v48  }
0x94: {  	v31 =	vadd.f32 v36, v32;
	v56 =	vmul.f32 $5.000000000e-01, v50;
	v33 =	vadd.f32 v53, v54  }
0x95: {  	v57 =	vmul.f32 $5.000000000e-01, v43;
	v59 =	vmul.f32 $5.000000000e-01, v52  }
0x96: {  	v58 =	vmul.f32 v31, v31;
	v32 =	vadd.f32 v37, v56;
	v36 =	vadd.f32 v55, v33;
	_ =	sdelay $0x1  }
0x97: {  	v60 =	vmul.f32 v32, v32;
	v33 =	vadd.f32 v57, v59;
	v36 =	vadd.f32 v58, v36;
	_ =	sdelay $0x1  }
0x98: {  	v37 =	vmul.f32 v33, v33;
	v36 =	vadd.f32 v60, v36;
	_ =	sdelay $0x1  }
0x99: {  	v36 =	vadd.f32 v37, v36;
	_ =	sdelay $0x1  }
0x9a: {  	v37 =	vshrl.u32 v36, $0x1;
	v36 =	vmul.f32 $5.000000000e-01, v36  }
0x9b: {  	v37 =	vsub.s32 $0x5F3759DF, v37  }
0x9c: {  	v61 =	vmul.f32 v37, v36;
	_ =	sdelay $0x1  }
0x9d: {  	v39 =	vmul.f32 v37, v61;
	_ =	sdelay $0x1  }
0x9e: {  	v39 =	vsub.f32 $1.500000000e+00, v39;
	_ =	sdelay $0x1  }
0x9f: {  	v37 =	vmul.f32 v37, v39;
	_ =	sdelay $0x1  }
0xa0: {  	v39 =	vmul.f32 v37, v36;
	_ =	sdelay $0x1  }
0xa1: {  	v39 =	vmul.f32 v39, v37;
	_ =	sdelay $0x1  }
0xa2: {  	v39 =	vsub.f32 $1.500000000e+00, v39;
	_ =	sdelay $0x1  }
0xa3: {  	v37 =	vmul.f32 v39, v37;
	_ =	sdelay $0x1  }
0xa4: {  	v36 =	vmul.f32 v37, v36;
	_ =	sdelay $0x1  }
0xa5: {  	v36 =	vmul.f32 v36, v37;
	_ =	sdelay $0x1  }
0xa6: {  	v36 =	vsub.f32 $1.500000000e+00, v36;
	_ =	sdelay $0x1  }
0xa7: {  	v44 =	vmul.f32 v36, v37;
	_ =	sdelay $0x1  }
0xa8: {  	v10 =	vmul.f32 v44, v10  }
0xa9: {  	v11 =	vmul.f32 v44, v11  }
0xaa: {  	s1 =	simm.s32 $0x10;
	v12 =	vmul.f32 v44, v12;
	v14 =	vmul.f32 v44, v14;
	[tilespmem:v6+s22+$0x0] =	vst.idx.msk $0xffff, v10  }
0xab: {  	v62 =	vmov s1;
	v34 =	vmul.f32 v44, v34;
	v35 =	vmul.f32 v44, v35;
	[tilespmem:v7+s22+$0x0] =	vst.idx.msk $0xffff, v11  }
0xac: {  	s3 =	simm.s32 $0x20;
	v36 =	vshll.u32 v62, $0x4;
	v26 =	vmul.f32 v44, v26;
	v29 =	vmul.f32 v44, v29;
	[tilespmem:v8+s22+$0x0] =	vst.idx.msk $0xffff, v12  }
0xad: {  	v63 =	vmul.f32 v44, v25;
	v25 =	vmov s3;
	v6 =	vor.u32 v4, v36;
	[tilespmem:v9+s22+$0x0] =	vst.idx.msk $0xffff, v14  }
0xae: {  	v10 =	vor.u32 $0x1, v6;
	v7 =	vor.u32 $0x2, v6;
	v11 =	vor.u32 $0x3, v6;
	[tilespmem:v13+s22+$0x0] =	vst.idx.msk $0xffff, v34  }
0xaf: {  	v8 =	vor.u32 $0x4, v6;
	v12 =	vor.u32 $0x5, v6;
	v9 =	vor.u32 $0x6, v6;
	[tilespmem:v24+s22+$0x0] =	vst.idx.msk $0xffff, v35  }
0xb0: {  	p1 =	sgt.s32 s29, $0x1;
	s1 =	smov.u32 s29;
	v14 =	vor.u32 $0x7, v6;
	v13 =	vor.u32 $0x8, v6;
	v34 =	vmul.f32 v44, v38;
	[tilespmem:v5+s22+$0x0] =	vst.idx.msk $0xffff, v26  }
0xb1: {  	s1 =	simm.s32 @!p1 $0x1;
	v24 =	vmul.f32 v44, v27;
	v5 =	vshll.u32 v25, $0x4;
	v25 =	vmul.f32 v44, v30;
	[tilespmem:v16+s22+$0x0] =	vst.idx.msk $0xffff, v29  }
0xb2: {  	s3 =	smin.u32 s1, $0x80;
	s1 =	simm.s32 $0x30;
	v26 =	vmul.f32 v44, v28;
	v16 =	vor.u32 $0x9, v6;
	v5 =	vor.u32 v4, v5;
	[tilespmem:v23+s22+$0x0] =	vst.idx.msk $0xffff, v63  }
.LBB2_7:
0xb3: {  	p1 =	sne.s32 s1, $0x70;
	v23 =	vor.u32 $0x1, v5;
	[tilespmem:v15+s22+$0x0] =	vst.idx.msk $0xffff, v24;
	v15 =	vmov v16;
	s0 =	smov.u32 s1;
	s1 =	sadd.s32 $0x10, s1  }
0xb4: {  	v16 =	vmul.f32 v44, v31;
	[tilespmem:v17+s22+$0x0] =	vst.idx.msk $0xffff, v25  }
0xb5: {  	v17 =	vmul.f32 v44, v32;
	[tilespmem:v18+s22+$0x0] =	vst.idx.msk $0xffff, v26  }
0xb6: {  	v24 =	vor.u32 $0x2, v5;
	v18 =	vmul.f32 v44, v33;
	[tilespmem:v19+s22+$0x0] =	vst.idx.msk $0xffff, v34  }
0xb7: {  	[tilespmem:v20+s22+$0x0] =	vst.idx.msk $0xffff, v16  }
0xb8: {  	[tilespmem:v21+s22+$0x0] =	vst.idx.msk $0xffff, v17  }
0xb9: {  	v25 =	vor.u32 $0x3, v5;
	[tilespmem:v22+s22+$0x0] =	vst.idx.msk $0xffff, v18  }
0xba: {  	v16 =	vld.idx.msk [tilespmem:v6+s21+$0x0], $0xffff  }
0xbb: {  	v26 =	vor.u32 $0x4, v5;
	v17 =	vld.idx.msk [tilespmem:v10+s20+$0x0], $0xffff  }
0xbc: {  	v18 =	vld.idx.msk [tilespmem:v7+s21+$0x0], $0xffff  }
0xbd: {  	v19 =	vld.idx.msk [tilespmem:v6+s20+$0x0], $0xffff  }
0xbe: {  	v27 =	vor.u32 $0x5, v5;
	v20 =	vld.idx.msk [tilespmem:v10+s21+$0x0], $0xffff  }
0xbf: {  	v21 =	vld.idx.msk [tilespmem:v7+s20+$0x0], $0xffff  }
0xc0: {  	v22 =	vld.idx.msk [tilespmem:v11+s21+$0x0], $0xffff  }
0xc1: {  	v28 =	vor.u32 $0x6, v5;
	v31 =	vld.idx.msk [tilespmem:v11+s20+$0x0], $0xffff  }
0xc2: {  	v16 =	vmul.f32 $5.000000000e-01, v16;
	v18 =	vmul.f32 $5.000000000e-01, v18;
	v32 =	vld.idx.msk [tilespmem:v8+s21+$0x0], $0xffff  }
0xc3: {  	v29 =	vor.u32 $0x7, v5;
	v17 =	vmul.f32 $5.000000000e-01, v17;
	v19 =	vmul.f32 $5.000000000e-01, v19;
	v33 =	vld.idx.msk [tilespmem:v8+s20+$0x0], $0xffff  }
0xc4: {  	v30 =	vor.u32 $0x8, v5;
	v20 =	vmul.f32 $5.000000000e-01, v20;
	v38 =	vld.idx.msk [tilespmem:v12+s21+$0x0], $0xffff  }
0xc5: {  	v34 =	vadd.f32 v16, v19;
	v16 =	vmul.f32 $5.000000000e-01, v21;
	v19 =	vld.idx.msk [tilespmem:v12+s20+$0x0], $0xffff  }
0xc6: {  	v35 =	vadd.f32 v20, v17;
	v20 =	vmul.f32 $5.000000000e-01, v22;
	v17 =	vor.u32 $0xA, v6;
	v21 =	vld.idx.msk [tilespmem:v9+s21+$0x0], $0xffff  }
0xc7: {  	v22 =	vmul.f32 v34, v34;
	v36 =	vadd.f32 v18, v16;
	v18 =	vmul.f32 $5.000000000e-01, v31;
	v31 =	vld.idx.msk [tilespmem:v9+s20+$0x0], $0xffff  }
0xc8: {  	v16 =	vor.u32 $0x9, v5;
	v39 =	vmul.f32 v35, v35;
	v32 =	vmul.f32 $5.000000000e-01, v32;
	v40 =	vld.idx.msk [tilespmem:v14+s21+$0x0], $0xffff  }
0xc9: {  	v41 =	vmul.f32 v36, v36;
	v37 =	vadd.f32 v20, v18;
	v20 =	vmul.f32 $5.000000000e-01, v33;
	v33 =	vld.idx.msk [tilespmem:v14+s20+$0x0], $0xffff  }
0xca: {  	v18 =	vor.u32 $0xB, v6;
	v22 =	vadd.f32 v39, v22;
	v39 =	vmul.f32 $5.000000000e-01, v38;
	v42 =	vld.idx.msk [tilespmem:v13+s21+$0x0], $0xffff  }
0xcb: {  	v43 =	vmul.f32 v37, v37;
	v38 =	vadd.f32 v32, v20;
	v20 =	vmul.f32 $5.000000000e-01, v19;
	v32 =	vld.idx.msk [tilespmem:v13+s20+$0x0], $0xffff  }
0xcc: {  	v19 =	vor.u32 $0xC, v6;
	v22 =	vadd.f32 v41, v22;
	v21 =	vmul.f32 $5.000000000e-01, v21;
	v44 =	vld.idx.msk [tilespmem:v15+s21+$0x0], $0xffff  }
0xcd: {  	v41 =	vmul.f32 v38, v38;
	v39 =	vadd.f32 v39, v20;
	v31 =	vmul.f32 $5.000000000e-01, v31;
	v45 =	vld.idx.msk [tilespmem:v15+s20+$0x0], $0xffff  }
0xce: {  	v20 =	vor.u32 $0xD, v6;
	v22 =	vadd.f32 v43, v22;
	v43 =	vmul.f32 $5.000000000e-01, v40;
	v46 =	vld.idx.msk [tilespmem:v17+s21+$0x0], $0xffff  }
0xcf: {  	v47 =	vmul.f32 v39, v39;
	v40 =	vadd.f32 v21, v31;
	v31 =	vmul.f32 $5.000000000e-01, v33;
	v33 =	vld.idx.msk [tilespmem:v17+s20+$0x0], $0xffff  }
0xd0: {  	v21 =	vor.u32 $0xE, v6;
	v22 =	vadd.f32 v41, v22;
	v42 =	vmul.f32 $5.000000000e-01, v42;
	v48 =	vld.idx.msk [tilespmem:v18+s21+$0x0], $0xffff  }
0xd1: {  	v49 =	vmul.f32 v40, v40;
	v41 =	vadd.f32 v43, v31;
	v31 =	vmul.f32 $5.000000000e-01, v32;
	v32 =	vld.idx.msk [tilespmem:v18+s20+$0x0], $0xffff  }
0xd2: {  	v43 =	vadd.f32 v47, v22;
	v44 =	vmul.f32 $5.000000000e-01, v44;
	v22 =	vor.u32 $0xF, v6;
	v47 =	vld.idx.msk [tilespmem:v19+s21+$0x0], $0xffff  }
0xd3: {  	v50 =	vmul.f32 v41, v41;
	v42 =	vadd.f32 v42, v31;
	v31 =	vmul.f32 $5.000000000e-01, v45;
	v45 =	vld.idx.msk [tilespmem:v19+s20+$0x0], $0xffff  }
0xd4: {  	v49 =	vadd.f32 v49, v43;
	v46 =	vmul.f32 $5.000000000e-01, v46;
	v51 =	vld.idx.msk [tilespmem:v20+s21+$0x0], $0xffff  }
0xd5: {  	v52 =	vmul.f32 v42, v42;
	v43 =	vadd.f32 v44, v31;
	v31 =	vmul.f32 $5.000000000e-01, v33;
	v33 =	vld.idx.msk [tilespmem:v20+s20+$0x0], $0xffff  }
0xd6: {  	v44 =	vadd.f32 v50, v49;
	v48 =	vmul.f32 $5.000000000e-01, v48;
	v49 =	vld.idx.msk [tilespmem:v21+s21+$0x0], $0xffff  }
0xd7: {  	v50 =	vmul.f32 v43, v43;
	v46 =	vadd.f32 v46, v31;
	v31 =	vmul.f32 $5.000000000e-01, v32;
	v32 =	vld.idx.msk [tilespmem:v21+s20+$0x0], $0xffff  }
0xd8: {  	v44 =	vadd.f32 v52, v44;
	v47 =	vmul.f32 $5.000000000e-01, v47;
	v52 =	vld.idx.msk [tilespmem:v22+s21+$0x0], $0xffff  }
0xd9: {  	v53 =	vmul.f32 v46, v46;
	v48 =	vadd.f32 v48, v31;
	v31 =	vmul.f32 $5.000000000e-01, v45;
	v45 =	vld.idx.msk [tilespmem:v22+s20+$0x0], $0xffff  }
0xda: {  	v44 =	vadd.f32 v50, v44;
	v50 =	vmul.f32 $5.000000000e-01, v51  }
0xdb: {  	v51 =	vmul.f32 v48, v48;
	v47 =	vadd.f32 v47, v31;
	v31 =	vmul.f32 $5.000000000e-01, v33  }
0xdc: {  	v33 =	vadd.f32 v53, v44;
	v44 =	vmul.f32 $5.000000000e-01, v49  }
0xdd: {  	v49 =	vmul.f32 v47, v47;
	v31 =	vadd.f32 v50, v31;
	v32 =	vmul.f32 $5.000000000e-01, v32  }
0xde: {  	v33 =	vadd.f32 v51, v33;
	v50 =	vmul.f32 $5.000000000e-01, v52  }
0xdf: {  	v51 =	vmul.f32 v31, v31;
	v32 =	vadd.f32 v44, v32;
	v44 =	vmul.f32 $5.000000000e-01, v45  }
0xe0: {  	v45 =	vadd.f32 v49, v33  }
0xe1: {  	v49 =	vmul.f32 v32, v32;
	v33 =	vadd.f32 v50, v44  }
0xe2: {  	v44 =	vadd.f32 v51, v45  }
0xe3: {  	v45 =	vmul.f32 v33, v33  }
0xe4: {  	v44 =	vadd.f32 v49, v44;
	_ =	sdelay $0x1  }
0xe5: {  	v44 =	vadd.f32 v45, v44;
	_ =	sdelay $0x1  }
0xe6: {  	v45 =	vshrl.u32 v44, $0x1;
	v44 =	vmul.f32 $5.000000000e-01, v44  }
0xe7: {  	v45 =	vsub.s32 $0x5F3759DF, v45  }
0xe8: {  	v49 =	vmul.f32 v45, v44;
	_ =	sdelay $0x1  }
0xe9: {  	v49 =	vmul.f32 v45, v49;
	_ =	sdelay $0x1  }
0xea: {  	v49 =	vsub.f32 $1.500000000e+00, v49;
	_ =	sdelay $0x1  }
0xeb: {  	v45 =	vmul.f32 v45, v49;
	_ =	sdelay $0x1  }
0xec: {  	v49 =	vmul.f32 v45, v44;
	_ =	sdelay $0x1  }
0xed: {  	v49 =	vmul.f32 v49, v45;
	_ =	sdelay $0x1  }
0xee: {  	v49 =	vsub.f32 $1.500000000e+00, v49;
	_ =	sdelay $0x1  }
0xef: {  	v45 =	vmul.f32 v49, v45;
	_ =	sdelay $0x1  }
0xf0: {  	v44 =	vmul.f32 v45, v44;
	_ =	sdelay $0x1  }
0xf1: {  	v44 =	vmul.f32 v44, v45;
	_ =	sdelay $0x1  }
0xf2: {  	v44 =	vsub.f32 $1.500000000e+00, v44;
	_ =	sdelay $0x1  }
0xf3: {  	v44 =	vmul.f32 v44, v45;
	_ =	sdelay $0x1  }
0xf4: {  	v45 =	vmul.f32 v44, v34;
	v35 =	vmul.f32 v44, v35  }
0xf5: {  	v36 =	vmul.f32 v44, v36;
	v34 =	vmul.f32 v44, v47  }
0xf6: {  	v37 =	vmul.f32 v44, v37;
	[tilespmem:v6+s22+$0x0] =	vst.idx.msk $0xffff, v45;
	v6 =	vmov v5  }
0xf7: {  	v5 =	vmul.f32 v44, v38;
	[tilespmem:v10+s22+$0x0] =	vst.idx.msk $0xffff, v35;
	v10 =	vmov v23  }
0xf8: {  	v23 =	vmul.f32 v44, v39;
	[tilespmem:v7+s22+$0x0] =	vst.idx.msk $0xffff, v36;
	v7 =	vmov v24  }
0xf9: {  	v24 =	vmul.f32 v44, v40;
	[tilespmem:v11+s22+$0x0] =	vst.idx.msk $0xffff, v37;
	v11 =	vmov v25  }
.Ltmp8:
0xfa: {  	[tilespmem:v8+s22+$0x0] =	vst.idx.msk $0xffff, v5;
	v5 =	vmul.f32 v44, v41;
	v8 =	vmov v26;
	(pc) =	sbr.rel @p1 .LBB2_7-.Ltmp8, $4  }
0xfb: {  	[tilespmem:v12+s22+$0x0] =	vst.idx.msk $0xffff, v23;
	v23 =	vmul.f32 v44, v42;
	v12 =	vmov v27  }
0xfc: {  	v25 =	vmov s0;
	[tilespmem:v9+s22+$0x0] =	vst.idx.msk $0xffff, v24;
	v24 =	vmul.f32 v44, v43;
	v9 =	vmov v28  }
0xfd: {  	v26 =	vshll.u32 v25, $0x4;
	v25 =	vmul.f32 v44, v46;
	[tilespmem:v14+s22+$0x0] =	vst.idx.msk $0xffff, v5;
	v14 =	vmov v29  }
0xfe: {  	v5 =	vor.u32 v4, v26;
	v26 =	vmul.f32 v44, v48;
	[tilespmem:v13+s22+$0x0] =	vst.idx.msk $0xffff, v23;
	v13 =	vmov v30  }
0xff: {  	_ =	sdelay $0x3  }
0x100: {  	[tilespmem:v15+s22+$0x0] =	vst.idx.msk $0xffff, v24  }
0x101: {  	[tilespmem:v17+s22+$0x0] =	vst.idx.msk $0xffff, v25  }
0x102: {  	v42 =	vmul.f32 v44, v31;
	[tilespmem:v18+s22+$0x0] =	vst.idx.msk $0xffff, v26  }
0x103: {  	v43 =	vmul.f32 v44, v32;
	[tilespmem:v19+s22+$0x0] =	vst.idx.msk $0xffff, v34  }
0x104: {  	v44 =	vmul.f32 v44, v33;
	[tilespmem:v20+s22+$0x0] =	vst.idx.msk $0xffff, v42  }
0x105: {  	[tilespmem:v21+s22+$0x0] =	vst.idx.msk $0xffff, v43  }
0x106: {  	[tilespmem:v22+s22+$0x0] =	vst.idx.msk $0xffff, v44  }
0x107: {  	v15 =	vld.idx.msk [tilespmem:v6+s21+$0x0], $0xffff  }
0x108: {  	v17 =	vld.idx.msk [tilespmem:v10+s20+$0x0], $0xffff  }
0x109: {  	v18 =	vld.idx.msk [tilespmem:v7+s21+$0x0], $0xffff  }
0x10a: {  	v19 =	vld.idx.msk [tilespmem:v6+s20+$0x0], $0xffff  }
0x10b: {  	v20 =	vld.idx.msk [tilespmem:v10+s21+$0x0], $0xffff  }
0x10c: {  	v21 =	vld.idx.msk [tilespmem:v7+s20+$0x0], $0xffff  }
0x10d: {  	v22 =	vld.idx.msk [tilespmem:v11+s21+$0x0], $0xffff  }
0x10e: {  	v23 =	vld.idx.msk [tilespmem:v11+s20+$0x0], $0xffff  }
0x10f: {  	v24 =	vld.idx.msk [tilespmem:v8+s21+$0x0], $0xffff;
	v15 =	vmul.f32 $5.000000000e-01, v15;
	v19 =	vmul.f32 $5.000000000e-01, v19  }
0x110: {  	v25 =	vld.idx.msk [tilespmem:v8+s20+$0x0], $0xffff;
	v17 =	vmul.f32 $5.000000000e-01, v17;
	v20 =	vmul.f32 $5.000000000e-01, v20  }
0x111: {  	v26 =	vld.idx.msk [tilespmem:v12+s21+$0x0], $0xffff;
	v18 =	vmul.f32 $5.000000000e-01, v18  }
0x112: {  	v46 =	vld.idx.msk [tilespmem:v12+s20+$0x0], $0xffff;
	v45 =	vmul.f32 $5.000000000e-01, v21;
	v15 =	vadd.f32 v15, v19;
	v17 =	vadd.f32 v20, v17  }
0x113: {  	v48 =	vld.idx.msk [tilespmem:v9+s21+$0x0], $0xffff;
	v47 =	vmul.f32 $5.000000000e-01, v22;
	v49 =	vmul.f32 $5.000000000e-01, v23  }
0x114: {  	v50 =	vld.idx.msk [tilespmem:v9+s20+$0x0], $0xffff;
	v18 =	vadd.f32 v18, v45;
	v27 =	vmul.f32 v15, v15;
	v28 =	vmul.f32 v17, v17  }
0x115: {  	v29 =	vor.u32 $0xA, v6;
	v30 =	vld.idx.msk [tilespmem:v14+s21+$0x0], $0xffff;
	v24 =	vmul.f32 $5.000000000e-01, v24;
	v25 =	vmul.f32 $5.000000000e-01, v25  }
0x116: {  	v52 =	vld.idx.msk [tilespmem:v14+s20+$0x0], $0xffff;
	v19 =	vadd.f32 v47, v49;
	v51 =	vmul.f32 v18, v18;
	v27 =	vadd.f32 v28, v27  }
0x117: {  	v32 =	vor.u32 $0xB, v6;
	v53 =	vld.idx.msk [tilespmem:v13+s21+$0x0], $0xffff;
	v26 =	vmul.f32 $5.000000000e-01, v26;
	v21 =	vmul.f32 $5.000000000e-01, v46  }
0x118: {  	v55 =	vld.idx.msk [tilespmem:v13+s20+$0x0], $0xffff;
	v24 =	vadd.f32 v24, v25;
	v54 =	vmul.f32 v19, v19;
	v27 =	vadd.f32 v51, v27  }
0x119: {  	v34 =	vor.u32 $0xC, v6;
	v56 =	vld.idx.msk [tilespmem:v16+s21+$0x0], $0xffff;
	v22 =	vmul.f32 $5.000000000e-01, v48;
	v23 =	vmul.f32 $5.000000000e-01, v50  }
0x11a: {  	v57 =	vld.idx.msk [tilespmem:v16+s20+$0x0], $0xffff;
	v21 =	vadd.f32 v26, v21;
	v35 =	vmul.f32 v24, v24;
	v25 =	vadd.f32 v54, v27  }
0x11b: {  	v36 =	vor.u32 $0xD, v6;
	v59 =	vld.idx.msk [tilespmem:v29+s21+$0x0], $0xffff;
	v58 =	vmul.f32 $5.000000000e-01, v30;
	v20 =	vmul.f32 $5.000000000e-01, v52  }
0x11c: {  	v60 =	vld.idx.msk [tilespmem:v29+s20+$0x0], $0xffff;
	v22 =	vadd.f32 v22, v23;
	v37 =	vmul.f32 v21, v21;
	v25 =	vadd.f32 v35, v25  }
0x11d: {  	v61 =	vld.idx.msk [tilespmem:v32+s21+$0x0], $0xffff;
	v33 =	vmul.f32 $5.000000000e-01, v55;
	v20 =	vadd.f32 v58, v20  }
0x11e: {  	v38 =	vld.idx.msk [tilespmem:v32+s20+$0x0], $0xffff;
	v62 =	vmul.f32 v22, v22;
	v28 =	vmul.f32 $5.000000000e-01, v53;
	v25 =	vadd.f32 v37, v25  }
0x11f: {  	v39 =	vld.idx.msk [tilespmem:v34+s21+$0x0], $0xffff;
	v31 =	vmul.f32 $5.000000000e-01, v56;
	v26 =	vmul.f32 $5.000000000e-01, v57;
	v37 =	vor.u32 $0xE, v6  }
0x120: {  	v63 =	vld.idx.msk [tilespmem:v34+s20+$0x0], $0xffff;
	v40 =	vmul.f32 v20, v20;
	v28 =	vadd.f32 v28, v33;
	v25 =	vadd.f32 v62, v25  }
0x121: {  	v41 =	vld.idx.msk [tilespmem:v36+s21+$0x0], $0xffff;
	v48 =	vor.u32 $0xF, v6;
	v30 =	vmul.f32 $5.000000000e-01, v59;
	v23 =	vmul.f32 $5.000000000e-01, v60  }
0x122: {  	v49 =	vld.idx.msk [tilespmem:v36+s20+$0x0], $0xffff;
	v26 =	vadd.f32 v31, v26;
	v42 =	vmul.f32 v28, v28;
	v25 =	vadd.f32 v40, v25  }
0x123: {  	v38 =	vmul.f32 $5.000000000e-01, v38;
	v23 =	vadd.f32 v30, v23  }
0x124: {  	v51 =	vmul.f32 v26, v26;
	v35 =	vmul.f32 $5.000000000e-01, v61;
	v50 =	vld.idx.msk [tilespmem:v37+s21+$0x0], $0xffff;
	v25 =	vadd.f32 v42, v25  }
0x125: {  	v39 =	vmul.f32 $5.000000000e-01, v39;
	v33 =	vmul.f32 $5.000000000e-01, v63;
	v52 =	vld.idx.msk [tilespmem:v37+s20+$0x0], $0xffff  }
0x126: {  	v43 =	vmul.f32 v23, v23;
	v53 =	vld.idx.msk [tilespmem:v48+s21+$0x0], $0xffff;
	v35 =	vadd.f32 v35, v38;
	v25 =	vadd.f32 v51, v25  }
0x127: {  	v55 =	vmul.f32 $5.000000000e-01, v41;
	v31 =	vmul.f32 $5.000000000e-01, v49;
	v54 =	vld.idx.msk [tilespmem:v48+s20+$0x0], $0xffff;
	v33 =	vadd.f32 v39, v33  }
0x128: {  	v56 =	vmul.f32 v35, v35;
	v25 =	vadd.f32 v43, v25  }
0x129: {  	v31 =	vadd.f32 v55, v31;
	v39 =	vmul.f32 v33, v33  }
0x12a: {  	v30 =	vmul.f32 $5.000000000e-01, v50;
	v57 =	vmul.f32 $5.000000000e-01, v52;
	v25 =	vadd.f32 v56, v25  }
0x12b: {  	v58 =	vmul.f32 $5.000000000e-01, v53;
	v59 =	vmul.f32 v31, v31  }
0x12c: {  	v38 =	vmul.f32 $5.000000000e-01, v54;
	v30 =	vadd.f32 v30, v57;
	v25 =	vadd.f32 v39, v25;
	_ =	sdelay $0x1  }
0x12d: {  	v38 =	vadd.f32 v58, v38;
	v60 =	vmul.f32 v30, v30;
	v25 =	vadd.f32 v59, v25;
	_ =	sdelay $0x1  }
0x12e: {  	v61 =	vmul.f32 v38, v38;
	v25 =	vadd.f32 v60, v25;
	_ =	sdelay $0x1  }
0x12f: {  	v25 =	vadd.f32 v61, v25;
	_ =	sdelay $0x1  }
0x130: {  	v62 =	vshrl.u32 v25, $0x1;
	v25 =	vmul.f32 $5.000000000e-01, v25  }
0x131: {  	v39 =	vsub.s32 $0x5F3759DF, v62  }
0x132: {  	v63 =	vmul.f32 v39, v25;
	_ =	sdelay $0x1  }
0x133: {  	v40 =	vmul.f32 v39, v63;
	_ =	sdelay $0x1  }
0x134: {  	v40 =	vsub.f32 $1.500000000e+00, v40;
	_ =	sdelay $0x1  }
0x135: {  	v39 =	vmul.f32 v39, v40;
	_ =	sdelay $0x1  }
0x136: {  	v40 =	vmul.f32 v39, v25;
	_ =	sdelay $0x1  }
0x137: {  	v40 =	vmul.f32 v40, v39;
	_ =	sdelay $0x1  }
0x138: {  	v40 =	vsub.f32 $1.500000000e+00, v40;
	_ =	sdelay $0x1  }
0x139: {  	v39 =	vmul.f32 v40, v39;
	_ =	sdelay $0x1  }
0x13a: {  	v25 =	vmul.f32 v39, v25;
	_ =	sdelay $0x1  }
0x13b: {  	v25 =	vmul.f32 v25, v39;
	_ =	sdelay $0x1  }
0x13c: {  	v25 =	vsub.f32 $1.500000000e+00, v25;
	_ =	sdelay $0x1  }
0x13d: {  	v25 =	vmul.f32 v25, v39;
	_ =	sdelay $0x1  }
0x13e: {  	v15 =	vmul.f32 v25, v15  }
0x13f: {  	v17 =	vmul.f32 v25, v17  }
0x140: {  	v18 =	vmul.f32 v25, v18;
	[tilespmem:v6+s22+$0x0] =	vst.idx.msk $0xffff, v15  }
0x141: {  	v6 =	vmul.f32 v25, v19;
	[tilespmem:v10+s22+$0x0] =	vst.idx.msk $0xffff, v17  }
0x142: {  	v19 =	vmul.f32 v25, v24;
	[tilespmem:v7+s22+$0x0] =	vst.idx.msk $0xffff, v18  }
0x143: {  	v7 =	vmul.f32 v25, v21;
	[tilespmem:v11+s22+$0x0] =	vst.idx.msk $0xffff, v6  }
0x144: {  	v6 =	vmul.f32 v25, v22;
	[tilespmem:v8+s22+$0x0] =	vst.idx.msk $0xffff, v19  }
0x145: {  	v24 =	vmul.f32 v25, v20;
	[tilespmem:v12+s22+$0x0] =	vst.idx.msk $0xffff, v7  }
0x146: {  	v7 =	vmul.f32 v25, v28;
	[tilespmem:v9+s22+$0x0] =	vst.idx.msk $0xffff, v6  }
0x147: {  	v6 =	vmul.f32 v25, v26;
	[tilespmem:v14+s22+$0x0] =	vst.idx.msk $0xffff, v24  }
0x148: {  	v26 =	vmul.f32 v25, v23;
	[tilespmem:v13+s22+$0x0] =	vst.idx.msk $0xffff, v7  }
0x149: {  	v7 =	vmul.f32 v25, v35;
	[tilespmem:v16+s22+$0x0] =	vst.idx.msk $0xffff, v6  }
0x14a: {  	v28 =	vmul.f32 v25, v33;
	[tilespmem:v29+s22+$0x0] =	vst.idx.msk $0xffff, v26  }
0x14b: {  	v31 =	vmul.f32 v25, v31;
	[tilespmem:v32+s22+$0x0] =	vst.idx.msk $0xffff, v7  }
0x14c: {  	v33 =	vmul.f32 v25, v30;
	v6 =	vor.u32 $0x1, v5;
	[tilespmem:v34+s22+$0x0] =	vst.idx.msk $0xffff, v28  }
0x14d: {  	v35 =	vmul.f32 v25, v38;
	v7 =	vor.u32 $0x2, v5;
	[tilespmem:v36+s22+$0x0] =	vst.idx.msk $0xffff, v31  }
0x14e: {  	[tilespmem:v37+s22+$0x0] =	vst.idx.msk $0xffff, v33  }
0x14f: {  	[tilespmem:v48+s22+$0x0] =	vst.idx.msk $0xffff, v35  }
0x150: {  	v12 =	vld.idx.msk [tilespmem:v5+s21+$0x0], $0xffff  }
0x151: {  	v8 =	vor.u32 $0x3, v5;
	v13 =	vld.idx.msk [tilespmem:v6+s20+$0x0], $0xffff  }
0x152: {  	v14 =	vld.idx.msk [tilespmem:v7+s21+$0x0], $0xffff  }
0x153: {  	v9 =	vor.u32 $0x4, v5;
	v15 =	vld.idx.msk [tilespmem:v5+s20+$0x0], $0xffff  }
0x154: {  	v16 =	vld.idx.msk [tilespmem:v6+s21+$0x0], $0xffff  }
0x155: {  	v10 =	vor.u32 $0x5, v5;
	v17 =	vld.idx.msk [tilespmem:v7+s20+$0x0], $0xffff  }
0x156: {  	v18 =	vld.idx.msk [tilespmem:v8+s21+$0x0], $0xffff  }
0x157: {  	v11 =	vor.u32 $0x6, v5;
	v36 =	vld.idx.msk [tilespmem:v8+s20+$0x0], $0xffff  }
0x158: {  	v38 =	vld.idx.msk [tilespmem:v9+s21+$0x0], $0xffff;
	v37 =	vmul.f32 $5.000000000e-01, v12;
	v15 =	vmul.f32 $5.000000000e-01, v15  }
0x159: {  	v40 =	vld.idx.msk [tilespmem:v9+s20+$0x0], $0xffff;
	v12 =	vor.u32 $0x7, v5;
	v39 =	vmul.f32 $5.000000000e-01, v13;
	v16 =	vmul.f32 $5.000000000e-01, v16  }
0x15a: {  	v41 =	vld.idx.msk [tilespmem:v10+s21+$0x0], $0xffff;
	v13 =	vor.u32 $0x8, v5;
	v42 =	vmul.f32 $5.000000000e-01, v14  }
0x15b: {  	v43 =	vld.idx.msk [tilespmem:v10+s20+$0x0], $0xffff;
	v17 =	vmul.f32 $5.000000000e-01, v17;
	v15 =	vadd.f32 v37, v15;
	v16 =	vadd.f32 v16, v39  }
0x15c: {  	v44 =	vld.idx.msk [tilespmem:v11+s21+$0x0], $0xffff;
	v14 =	vor.u32 $0x9, v5;
	v18 =	vmul.f32 $5.000000000e-01, v18;
	v19 =	vmul.f32 $5.000000000e-01, v36  }
0x15d: {  	v46 =	vld.idx.msk [tilespmem:v11+s20+$0x0], $0xffff;
	v17 =	vadd.f32 v42, v17;
	v45 =	vmul.f32 v15, v15;
	v47 =	vmul.f32 v16, v16  }
0x15e: {  	v28 =	vor.u32 $0xA, v5;
	v21 =	vmul.f32 $5.000000000e-01, v38;
	v23 =	vmul.f32 $5.000000000e-01, v40;
	v29 =	vld.idx.msk [tilespmem:v12+s21+$0x0], $0xffff  }
0x15f: {  	v18 =	vadd.f32 v18, v19;
	v48 =	vmul.f32 v17, v17;
	v49 =	vld.idx.msk [tilespmem:v12+s20+$0x0], $0xffff;
	v26 =	vadd.f32 v47, v45  }
0x160: {  	v31 =	vor.u32 $0xB, v5;
	v24 =	vmul.f32 $5.000000000e-01, v41;
	v25 =	vmul.f32 $5.000000000e-01, v43;
	v50 =	vld.idx.msk [tilespmem:v13+s21+$0x0], $0xffff  }
0x161: {  	v21 =	vadd.f32 v21, v23;
	v51 =	vmul.f32 v18, v18;
	v32 =	vld.idx.msk [tilespmem:v13+s20+$0x0], $0xffff;
	v26 =	vadd.f32 v48, v26  }
0x162: {  	v22 =	vmul.f32 $5.000000000e-01, v44;
	v20 =	vmul.f32 $5.000000000e-01, v46;
	v24 =	vadd.f32 v24, v25;
	v52 =	vld.idx.msk [tilespmem:v14+s21+$0x0], $0xffff  }
0x163: {  	v33 =	vor.u32 $0xC, v5;
	v53 =	vmul.f32 v21, v21;
	v54 =	vld.idx.msk [tilespmem:v14+s20+$0x0], $0xffff;
	v23 =	vadd.f32 v51, v26  }
0x164: {  	v35 =	vor.u32 $0xD, v5;
	v56 =	vld.idx.msk [tilespmem:v28+s21+$0x0], $0xffff;
	v20 =	vadd.f32 v22, v20;
	v57 =	vmul.f32 v24, v24  }
0x165: {  	v58 =	vld.idx.msk [tilespmem:v28+s20+$0x0], $0xffff;
	v55 =	vmul.f32 $5.000000000e-01, v29;
	v19 =	vmul.f32 $5.000000000e-01, v49;
	v23 =	vadd.f32 v53, v23  }
0x166: {  	v59 =	vld.idx.msk [tilespmem:v31+s21+$0x0], $0xffff;
	v36 =	vor.u32 $0xE, v5;
	v60 =	vmul.f32 v20, v20;
	v27 =	vmul.f32 $5.000000000e-01, v50  }
0x167: {  	v37 =	vld.idx.msk [tilespmem:v31+s20+$0x0], $0xffff;
	v32 =	vmul.f32 $5.000000000e-01, v32;
	v19 =	vadd.f32 v55, v19;
	v23 =	vadd.f32 v57, v23  }
0x168: {  	v61 =	vld.idx.msk [tilespmem:v33+s21+$0x0], $0xffff;
	v45 =	vor.u32 $0xF, v5;
	v30 =	vmul.f32 $5.000000000e-01, v52;
	v25 =	vmul.f32 $5.000000000e-01, v54  }
0x169: {  	v63 =	vld.idx.msk [tilespmem:v33+s20+$0x0], $0xffff;
	v27 =	vadd.f32 v27, v32;
	v62 =	vmul.f32 v19, v19;
	v23 =	vadd.f32 v60, v23  }
0x16a: {  	v46 =	vld.idx.msk [tilespmem:v35+s21+$0x0], $0xffff;
	v22 =	vmul.f32 $5.000000000e-01, v58;
	v29 =	vmul.f32 $5.000000000e-01, v56  }
0x16b: {  	v48 =	vld.idx.msk [tilespmem:v35+s20+$0x0], $0xffff;
	v25 =	vadd.f32 v30, v25;
	v47 =	vmul.f32 v27, v27;
	v23 =	vadd.f32 v62, v23  }
0x16c: {  	v34 =	vmul.f32 $5.000000000e-01, v59;
	v37 =	vmul.f32 $5.000000000e-01, v37;
	v49 =	vld.idx.msk [tilespmem:v36+s21+$0x0], $0xffff  }
0x16d: {  	v51 =	vld.idx.msk [tilespmem:v36+s20+$0x0], $0xffff;
	v22 =	vadd.f32 v29, v22;
	v50 =	vmul.f32 v25, v25;
	v23 =	vadd.f32 v47, v23  }
0x16e: {  	v38 =	vmul.f32 $5.000000000e-01, v61;
	v34 =	vadd.f32 v34, v37;
	v54 =	vld.idx.msk [tilespmem:v45+s20+$0x0], $0xffff  }
0x16f: {  	v53 =	vld.idx.msk [tilespmem:v45+s21+$0x0], $0xffff;
	v32 =	vmul.f32 $5.000000000e-01, v63;
	v52 =	vmul.f32 v22, v22;
	v23 =	vadd.f32 v50, v23  }
0x170: {  	v55 =	vmul.f32 $5.000000000e-01, v46;
	v30 =	vmul.f32 $5.000000000e-01, v48  }
0x171: {  	v56 =	vmul.f32 v34, v34;
	v32 =	vadd.f32 v38, v32;
	v23 =	vadd.f32 v52, v23  }
0x172: {  	v29 =	vmul.f32 $5.000000000e-01, v49;
	v30 =	vadd.f32 v55, v30  }
0x173: {  	v57 =	vmul.f32 $5.000000000e-01, v51;
	v38 =	vmul.f32 v32, v32;
	v23 =	vadd.f32 v56, v23  }
0x174: {  	v37 =	vmul.f32 $5.000000000e-01, v54;
	v58 =	vmul.f32 $5.000000000e-01, v53  }
0x175: {  	v59 =	vmul.f32 v30, v30;
	v29 =	vadd.f32 v29, v57;
	v23 =	vadd.f32 v38, v23;
	_ =	sdelay $0x1  }
0x176: {  	v60 =	vmul.f32 v29, v29;
	v37 =	vadd.f32 v58, v37;
	v23 =	vadd.f32 v59, v23;
	_ =	sdelay $0x1  }
0x177: {  	v61 =	vmul.f32 v37, v37;
	v23 =	vadd.f32 v60, v23;
	_ =	sdelay $0x1  }
0x178: {  	v23 =	vadd.f32 v61, v23;
	_ =	sdelay $0x1  }
0x179: {  	v62 =	vshrl.u32 v23, $0x1;
	v23 =	vmul.f32 $5.000000000e-01, v23  }
0x17a: {  	v38 =	vsub.s32 $0x5F3759DF, v62  }
0x17b: {  	v63 =	vmul.f32 v38, v23;
	_ =	sdelay $0x1  }
0x17c: {  	v39 =	vmul.f32 v38, v63;
	_ =	sdelay $0x1  }
0x17d: {  	v39 =	vsub.f32 $1.500000000e+00, v39;
	_ =	sdelay $0x1  }
0x17e: {  	v38 =	vmul.f32 v38, v39;
	_ =	sdelay $0x1  }
0x17f: {  	v39 =	vmul.f32 v38, v23;
	_ =	sdelay $0x1  }
0x180: {  	v39 =	vmul.f32 v39, v38;
	_ =	sdelay $0x1  }
0x181: {  	v39 =	vsub.f32 $1.500000000e+00, v39;
	_ =	sdelay $0x1  }
0x182: {  	v38 =	vmul.f32 v39, v38;
	_ =	sdelay $0x1  }
0x183: {  	v23 =	vmul.f32 v38, v23;
	_ =	sdelay $0x1  }
0x184: {  	v23 =	vmul.f32 v23, v38;
	_ =	sdelay $0x1  }
0x185: {  	v23 =	vsub.f32 $1.500000000e+00, v23;
	_ =	sdelay $0x1  }
0x186: {  	v23 =	vmul.f32 v23, v38;
	_ =	sdelay $0x1  }
0x187: {  	v15 =	vmul.f32 v23, v15  }
0x188: {  	v16 =	vmul.f32 v23, v16  }
0x189: {  	v17 =	vmul.f32 v23, v17;
	[tilespmem:v5+s22+$0x0] =	vst.idx.msk $0xffff, v15  }
0x18a: {  	v5 =	vmul.f32 v23, v18;
	[tilespmem:v6+s22+$0x0] =	vst.idx.msk $0xffff, v16  }
0x18b: {  	v6 =	vmul.f32 v23, v21;
	[tilespmem:v7+s22+$0x0] =	vst.idx.msk $0xffff, v17  }
0x18c: {  	v7 =	vmul.f32 v23, v24;
	[tilespmem:v8+s22+$0x0] =	vst.idx.msk $0xffff, v5  }
0x18d: {  	v5 =	vmul.f32 v23, v20;
	[tilespmem:v9+s22+$0x0] =	vst.idx.msk $0xffff, v6  }
0x18e: {  	v6 =	vmul.f32 v23, v19;
	[tilespmem:v10+s22+$0x0] =	vst.idx.msk $0xffff, v7  }
0x18f: {  	v7 =	vmul.f32 v23, v27;
	[tilespmem:v11+s22+$0x0] =	vst.idx.msk $0xffff, v5  }
0x190: {  	v5 =	vmul.f32 v23, v25;
	[tilespmem:v12+s22+$0x0] =	vst.idx.msk $0xffff, v6  }
0x191: {  	v6 =	vmul.f32 v23, v22;
	[tilespmem:v13+s22+$0x0] =	vst.idx.msk $0xffff, v7  }
0x192: {  	s0 =	ssub.s32 s24, s31;
	v7 =	vmul.f32 v23, v34;
	[tilespmem:v14+s22+$0x0] =	vst.idx.msk $0xffff, v5  }
0x193: {  	p1 =	slt.s32 s0, $0x1;
	v5 =	vmul.f32 v23, v32;
	[tilespmem:v28+s22+$0x0] =	vst.idx.msk $0xffff, v6  }
.Ltmp9:
0x194: {  	v6 =	vmul.f32 v23, v30;
	[tilespmem:v31+s22+$0x0] =	vst.idx.msk $0xffff, v7;
	(pc) =	sbr.rel @p1 .LBB2_12-.Ltmp9, $4  }
0x195: {  	v7 =	vmul.f32 v23, v29;
	[tilespmem:v33+s22+$0x0] =	vst.idx.msk $0xffff, v5  }
0x196: {  	v5 =	vmul.f32 v23, v37;
	[tilespmem:v35+s22+$0x0] =	vst.idx.msk $0xffff, v6  }
0x197: {  	[tilespmem:v36+s22+$0x0] =	vst.idx.msk $0xffff, v7  }
0x198: {  	[tilespmem:v45+s22+$0x0] =	vst.idx.msk $0xffff, v5  }
0x199: {  	v5 =	vld [tilespmem:s28+$0x0];
	_ =	sdelay $0x4  }
0x19a: {  	(v2sf) =	vpush v5, $0x0;
	_ =	sdelay $0xb  }
0x19b: {  	s0 =	simm.s32 $0x0  }
0x19c: {  	v5 =	vor.u32 s0, v1;
	_ =	sdelay $0x1  }
0x19d: {  	s31 =	spop (v2sf)  }
0x19e: {  	s0 =	ssub.s32 s31, s6  }
0x19f: {  	p1 =	sne.s32 s3, $0x1;
	s1 =	sshll.u32 s0, $0x4  }
.Ltmp10:
0x1a0: {  	v5 =	vld.idx.msk [tilespmem:v5+s22+$0x0], $0xffff;
	v6 =	vor.u32 s1, v1;
	(pc) =	sbr.rel @!p1 .LBB2_11-.Ltmp10, $2  }
0x1a1: {  	_ =	sdelay $0x2  }
0x1a2: {  	s0 =	simm.s32 $0x1;
	s1 =	smov.u32 s28  }
.LBB2_10:
0x1a3: {  	[tilespmem:v6+s18+$0x0] =	vst.idx.msk $0xffff, v5;
	s1 =	sadd.s32 $0x1, s1;
	s31 =	smov.u32 s0;
	s0 =	sadd.s32 $0x1, s0  }
0x1a4: {  	v5 =	vld [tilespmem:s1+$0x0];
	p1 =	sne.s32 s3, s0;
	_ =	sdelay $0x4  }
0x1a5: {  	(v2sf) =	vpush v5, $0x0;
	_ =	sdelay $0xa  }
0x1a6: {  	s31 =	sshll.u32 s31, $0x4  }
0x1a7: {  	v5 =	vor.u32 s31, v1;
	_ =	sdelay $0x1  }
.Ltmp11:
0x1a8: {  	(pc) =	sbr.rel @p1 .LBB2_10-.Ltmp11, $4  }
0x1a9: {  	s31 =	spop (v2sf)  }
0x1aa: {  	s31 =	ssub.s32 s31, s6  }
0x1ab: {  	v5 =	vld.idx.msk [tilespmem:v5+s22+$0x0], $0xffff;
	s31 =	sshll.u32 s31, $0x4  }
0x1ac: {  	v6 =	vor.u32 s31, v1  }
.Ltmp12:
0x1ad: {  	_ = 	snop;
	(pc) =	sbr.rel .LBB2_11-.Ltmp12, $1  }
0x1ae: {  	_ =	sdelay $0x3  }
.LBB2_19:
0x1af: {  	_ =	sdelay $0x3  }
0x1b0: {  	[tilespmem:v6+s18+$0x0] =	vst.idx.msk $0xffff, v5  }
.LBB2_20:
0x1b1: {  	s30 =	sadd.s32 $0x1, s30  }
0x1b2: {  	p0 =	sne.s32 s30, s25  }
.Ltmp13:
0x1b3: {  	_ = 	snop;
	(pc) =	sbr.rel @!p0 .LBB2_21-.Ltmp13, $2  }
0x1b4: {  	_ =	sdelay $0x2  }
0x1b5: {  	s29 =	sadd.s32 $0xFFFFFF80, s29;
	s28 =	sadd.s32 $0x80, s28  }
.LBB2_14:
0x1b6: {  	s31 =	sshll.u32 s30, $0x7  }
0x1b7: {  	s0 =	sadd.s32 $0x4000, s31  }
0x1b8: {  	[tilespmem:s20], [sflag:$0x1] =	stream.indirect.gather [hbm4b:s8+s19], $0x10, s0, s19, $0xb8;
	[tilespmem:$0x19C50] =	vst v63  }
0x1b9: {  	v5 =	vmov s26;
	_ =	swait.ge [sflag:s17], $0x800  }
0x1ba: {  	v5 =	vshll.u32 v5, $0x4;
	[sflag:s17] =	ssyncset.done $0x0  }
0x1bb: {  	s3 =	sadd.s32 $0x8080, s31;
	v6 =	vor.u32 v4, v5;
	[sflag:s17] =	ssyncadd.s32 $0xFFFFF800  }
0x1bc: {  	v7 =	vor.u32 $0x1, v6;
	[tilespmem:s21], [sflag:$0x1] =	stream.indirect.gather [hbm4b:s4+s19], $0x10, s3, s19, $0xb8;
	[tilespmem:$0x19C50] =	vst v63  }
0x1bd: {  	v8 =	vor.u32 $0x2, v6;
	_ =	swait.ge [sflag:s17], $0x800  }
0x1be: {  	[sflag:s17] =	ssyncset.done $0x0  }
0x1bf: {  	[sflag:s17] =	ssyncadd.s32 $0xFFFFF800  }
0x1c0: {  	v10 =	vld.idx.msk [tilespmem:v6+s21+$0x0], $0xffff  }
0x1c1: {  	v9 =	vor.u32 $0x3, v6;
	v11 =	vld.idx.msk [tilespmem:v7+s20+$0x0], $0xffff  }
0x1c2: {  	v13 =	vor.u32 $0x4, v6;
	v12 =	vld.idx.msk [tilespmem:v8+s21+$0x0], $0xffff  }
0x1c3: {  	v14 =	vld.idx.msk [tilespmem:v6+s20+$0x0], $0xffff  }
0x1c4: {  	v24 =	vor.u32 $0x5, v6;
	v15 =	vld.idx.msk [tilespmem:v7+s21+$0x0], $0xffff  }
0x1c5: {  	v17 =	vld.idx.msk [tilespmem:v8+s20+$0x0], $0xffff  }
0x1c6: {  	v18 =	vld.idx.msk [tilespmem:v9+s21+$0x0], $0xffff  }
0x1c7: {  	v5 =	vor.u32 $0x6, v6;
	v20 =	vld.idx.msk [tilespmem:v13+s21+$0x0], $0xffff  }
0x1c8: {  	v16 =	vor.u32 $0x7, v6;
	v21 =	vld.idx.msk [tilespmem:v13+s20+$0x0], $0xffff  }
0x1c9: {  	v22 =	vld.idx.msk [tilespmem:v24+s21+$0x0], $0xffff;
	v10 =	vmul.f32 $5.000000000e-01, v10  }
0x1ca: {  	v19 =	vld.idx.msk [tilespmem:v9+s20+$0x0], $0xffff;
	v14 =	vmul.f32 $5.000000000e-01, v14;
	v11 =	vmul.f32 $5.000000000e-01, v11  }
0x1cb: {  	v23 =	vor.u32 $0x8, v6;
	v25 =	vld.idx.msk [tilespmem:v24+s20+$0x0], $0xffff;
	v15 =	vmul.f32 $5.000000000e-01, v15;
	v12 =	vmul.f32 $5.000000000e-01, v12  }
0x1cc: {  	v26 =	vld.idx.msk [tilespmem:v5+s21+$0x0], $0xffff;
	v18 =	vmul.f32 $5.000000000e-01, v18;
	v20 =	vmul.f32 $5.000000000e-01, v20;
	v10 =	vadd.f32 v10, v14  }
0x1cd: {  	v29 =	vld.idx.msk [tilespmem:v16+s21+$0x0], $0xffff;
	v21 =	vmul.f32 $5.000000000e-01, v21;
	v14 =	vmul.f32 $5.000000000e-01, v17;
	v11 =	vadd.f32 v15, v11  }
0x1ce: {  	v28 =	vld.idx.msk [tilespmem:v5+s20+$0x0], $0xffff;
	v22 =	vmul.f32 $5.000000000e-01, v22;
	v15 =	vor.u32 $0x9, v6;
	v27 =	vmul.f32 v10, v10  }
0x1cf: {  	v31 =	vld.idx.msk [tilespmem:v16+s20+$0x0], $0xffff;
	v12 =	vadd.f32 v12, v14;
	v14 =	vmul.f32 $5.000000000e-01, v19;
	v19 =	vmul.f32 v11, v11  }
0x1d0: {  	v17 =	vor.u32 $0xA, v6;
	v34 =	vadd.f32 v20, v21;
	v21 =	vmul.f32 $5.000000000e-01, v25;
	v25 =	vld.idx.msk [tilespmem:v23+s20+$0x0], $0xffff  }
0x1d1: {  	v30 =	vmul.f32 v12, v12;
	v14 =	vadd.f32 v18, v14;
	v19 =	vadd.f32 v19, v27;
	v27 =	vld.idx.msk [tilespmem:v23+s21+$0x0], $0xffff  }
0x1d2: {  	v26 =	vmul.f32 $5.000000000e-01, v26;
	v29 =	vmul.f32 $5.000000000e-01, v29  }
0x1d3: {  	v18 =	vor.u32 $0xB, v6;
	v20 =	vmul.f32 v14, v14;
	v30 =	vadd.f32 v30, v19  }
0x1d4: {  	v31 =	vmul.f32 $5.000000000e-01, v31;
	v35 =	vadd.f32 v22, v21;
	v21 =	vmul.f32 $5.000000000e-01, v28;
	v22 =	vld.idx.msk [tilespmem:v15+s20+$0x0], $0xffff  }
0x1d5: {  	v33 =	vmul.f32 v34, v34;
	v32 =	vld.idx.msk [tilespmem:v15+s21+$0x0], $0xffff;
	v19 =	vor.u32 $0xC, v6;
	v28 =	vadd.f32 v20, v30  }
0x1d6: {  	v26 =	vadd.f32 v26, v21;
	v37 =	vld.idx.msk [tilespmem:v17+s20+$0x0], $0xffff;
	v25 =	vmul.f32 $5.000000000e-01, v25;
	v27 =	vmul.f32 $5.000000000e-01, v27  }
0x1d7: {  	v36 =	vmul.f32 v35, v35;
	v30 =	vld.idx.msk [tilespmem:v17+s21+$0x0], $0xffff;
	v20 =	vor.u32 $0xD, v6;
	v21 =	vadd.f32 v33, v28  }
0x1d8: {  	v29 =	vadd.f32 v29, v31;
	v31 =	vmul.f32 v26, v26;
	v45 =	vld.idx.msk [tilespmem:v18+s20+$0x0], $0xffff;
	v25 =	vadd.f32 v27, v25  }
0x1d9: {  	v28 =	vld.idx.msk [tilespmem:v18+s21+$0x0], $0xffff;
	v27 =	vmul.f32 $5.000000000e-01, v22;
	v22 =	vor.u32 $0xF, v6;
	v36 =	vadd.f32 v36, v21  }
0x1da: {  	v38 =	vld.idx.msk [tilespmem:v19+s21+$0x0], $0xffff;
	v21 =	vor.u32 $0xE, v6  }
0x1db: {  	v39 =	vmul.f32 v29, v29;
	v32 =	vmul.f32 $5.000000000e-01, v32;
	v40 =	vld.idx.msk [tilespmem:v19+s20+$0x0], $0xffff;
	v31 =	vadd.f32 v31, v36  }
0x1dc: {  	v37 =	vmul.f32 $5.000000000e-01, v37;
	v30 =	vmul.f32 $5.000000000e-01, v30;
	v46 =	vld.idx.msk [tilespmem:v20+s21+$0x0], $0xffff  }
0x1dd: {  	v41 =	vmul.f32 v25, v25;
	v27 =	vadd.f32 v32, v27;
	v47 =	vld.idx.msk [tilespmem:v20+s20+$0x0], $0xffff;
	v31 =	vadd.f32 v39, v31  }
0x1de: {  	v33 =	vmul.f32 $5.000000000e-01, v45;
	v28 =	vmul.f32 $5.000000000e-01, v28;
	v43 =	vld.idx.msk [tilespmem:v22+s21+$0x0], $0xffff  }
0x1df: {  	v30 =	vadd.f32 v30, v37;
	v49 =	vmul.f32 v27, v27;
	v48 =	vld.idx.msk [tilespmem:v21+s21+$0x0], $0xffff;
	v31 =	vadd.f32 v41, v31  }
0x1e0: {  	v38 =	vmul.f32 $5.000000000e-01, v38;
	v51 =	vmul.f32 $5.000000000e-01, v40;
	v50 =	vld.idx.msk [tilespmem:v21+s20+$0x0], $0xffff  }
0x1e1: {  	v52 =	vld.idx.msk [tilespmem:v22+s20+$0x0], $0xffff;
	v42 =	vmul.f32 v30, v30;
	v28 =	vadd.f32 v28, v33;
	v31 =	vadd.f32 v49, v31  }
0x1e2: {  	v36 =	vmul.f32 $5.000000000e-01, v46;
	v38 =	vadd.f32 v38, v51  }
0x1e3: {  	v32 =	vmul.f32 $5.000000000e-01, v47;
	v53 =	vmul.f32 v28, v28;
	v54 =	vadd.f32 v42, v31  }
0x1e4: {  	v55 =	vmul.f32 v38, v38;
	v37 =	vmul.f32 $5.000000000e-01, v48  }
0x1e5: {  	v31 =	vadd.f32 v36, v32;
	v56 =	vmul.f32 $5.000000000e-01, v50;
	v33 =	vadd.f32 v53, v54  }
0x1e6: {  	v57 =	vmul.f32 $5.000000000e-01, v43;
	v59 =	vmul.f32 $5.000000000e-01, v52  }
0x1e7: {  	v58 =	vmul.f32 v31, v31;
	v32 =	vadd.f32 v37, v56;
	v36 =	vadd.f32 v55, v33;
	_ =	sdelay $0x1  }
0x1e8: {  	v60 =	vmul.f32 v32, v32;
	v33 =	vadd.f32 v57, v59;
	v36 =	vadd.f32 v58, v36;
	_ =	sdelay $0x1  }
0x1e9: {  	v37 =	vmul.f32 v33, v33;
	v36 =	vadd.f32 v60, v36;
	_ =	sdelay $0x1  }
0x1ea: {  	v36 =	vadd.f32 v37, v36;
	_ =	sdelay $0x1  }
0x1eb: {  	v37 =	vshrl.u32 v36, $0x1;
	v36 =	vmul.f32 $5.000000000e-01, v36  }
0x1ec: {  	v37 =	vsub.s32 $0x5F3759DF, v37  }
0x1ed: {  	v61 =	vmul.f32 v37, v36;
	_ =	sdelay $0x1  }
0x1ee: {  	v39 =	vmul.f32 v37, v61;
	_ =	sdelay $0x1  }
0x1ef: {  	v39 =	vsub.f32 $1.500000000e+00, v39;
	_ =	sdelay $0x1  }
0x1f0: {  	v37 =	vmul.f32 v37, v39;
	_ =	sdelay $0x1  }
0x1f1: {  	v39 =	vmul.f32 v37, v36;
	_ =	sdelay $0x1  }
0x1f2: {  	v39 =	vmul.f32 v39, v37;
	_ =	sdelay $0x1  }
0x1f3: {  	v39 =	vsub.f32 $1.500000000e+00, v39;
	_ =	sdelay $0x1  }
0x1f4: {  	v37 =	vmul.f32 v39, v37;
	_ =	sdelay $0x1  }
0x1f5: {  	v36 =	vmul.f32 v37, v36;
	_ =	sdelay $0x1  }
0x1f6: {  	v36 =	vmul.f32 v36, v37;
	_ =	sdelay $0x1  }
0x1f7: {  	v36 =	vsub.f32 $1.500000000e+00, v36;
	_ =	sdelay $0x1  }
0x1f8: {  	v44 =	vmul.f32 v36, v37;
	_ =	sdelay $0x1  }
0x1f9: {  	v10 =	vmul.f32 v44, v10  }
0x1fa: {  	v11 =	vmul.f32 v44, v11  }
0x1fb: {  	s1 =	simm.s32 $0x10;
	v12 =	vmul.f32 v44, v12;
	v14 =	vmul.f32 v44, v14;
	[tilespmem:v6+s22+$0x0] =	vst.idx.msk $0xffff, v10  }
0x1fc: {  	v62 =	vmov s1;
	v34 =	vmul.f32 v44, v34;
	v35 =	vmul.f32 v44, v35;
	[tilespmem:v7+s22+$0x0] =	vst.idx.msk $0xffff, v11  }
0x1fd: {  	s3 =	simm.s32 $0x20;
	v36 =	vshll.u32 v62, $0x4;
	v26 =	vmul.f32 v44, v26;
	v29 =	vmul.f32 v44, v29;
	[tilespmem:v8+s22+$0x0] =	vst.idx.msk $0xffff, v12  }
0x1fe: {  	v63 =	vmul.f32 v44, v25;
	v25 =	vmov s3;
	v6 =	vor.u32 v4, v36;
	[tilespmem:v9+s22+$0x0] =	vst.idx.msk $0xffff, v14  }
0x1ff: {  	v10 =	vor.u32 $0x1, v6;
	v7 =	vor.u32 $0x2, v6;
	v11 =	vor.u32 $0x3, v6;
	[tilespmem:v13+s22+$0x0] =	vst.idx.msk $0xffff, v34  }
0x200: {  	v8 =	vor.u32 $0x4, v6;
	v12 =	vor.u32 $0x5, v6;
	v9 =	vor.u32 $0x6, v6;
	[tilespmem:v24+s22+$0x0] =	vst.idx.msk $0xffff, v35  }
0x201: {  	p0 =	sgt.s32 s29, $0x1;
	s1 =	smov.u32 s29;
	v14 =	vor.u32 $0x7, v6;
	v13 =	vor.u32 $0x8, v6;
	v34 =	vmul.f32 v44, v38;
	[tilespmem:v5+s22+$0x0] =	vst.idx.msk $0xffff, v26  }
0x202: {  	s1 =	simm.s32 @!p0 $0x1;
	v24 =	vmul.f32 v44, v27;
	v5 =	vshll.u32 v25, $0x4;
	v25 =	vmul.f32 v44, v30;
	[tilespmem:v16+s22+$0x0] =	vst.idx.msk $0xffff, v29  }
0x203: {  	s3 =	smin.u32 s1, $0x80;
	s1 =	simm.s32 $0x30;
	v26 =	vmul.f32 v44, v28;
	v16 =	vor.u32 $0x9, v6;
	v5 =	vor.u32 v4, v5;
	[tilespmem:v23+s22+$0x0] =	vst.idx.msk $0xffff, v63  }
.LBB2_15:
0x204: {  	p0 =	sne.s32 s1, $0x70;
	v23 =	vor.u32 $0x1, v5;
	[tilespmem:v15+s22+$0x0] =	vst.idx.msk $0xffff, v24;
	v15 =	vmov v16;
	s0 =	smov.u32 s1;
	s1 =	sadd.s32 $0x10, s1  }
0x205: {  	v16 =	vmul.f32 v44, v31;
	[tilespmem:v17+s22+$0x0] =	vst.idx.msk $0xffff, v25  }
0x206: {  	v17 =	vmul.f32 v44, v32;
	[tilespmem:v18+s22+$0x0] =	vst.idx.msk $0xffff, v26  }
0x207: {  	v24 =	vor.u32 $0x2, v5;
	v18 =	vmul.f32 v44, v33;
	[tilespmem:v19+s22+$0x0] =	vst.idx.msk $0xffff, v34  }
0x208: {  	[tilespmem:v20+s22+$0x0] =	vst.idx.msk $0xffff, v16  }
0x209: {  	[tilespmem:v21+s22+$0x0] =	vst.idx.msk $0xffff, v17  }
0x20a: {  	v25 =	vor.u32 $0x3, v5;
	[tilespmem:v22+s22+$0x0] =	vst.idx.msk $0xffff, v18  }
0x20b: {  	v16 =	vld.idx.msk [tilespmem:v6+s21+$0x0], $0xffff  }
0x20c: {  	v26 =	vor.u32 $0x4, v5;
	v17 =	vld.idx.msk [tilespmem:v10+s20+$0x0], $0xffff  }
0x20d: {  	v18 =	vld.idx.msk [tilespmem:v7+s21+$0x0], $0xffff  }
0x20e: {  	v19 =	vld.idx.msk [tilespmem:v6+s20+$0x0], $0xffff  }
0x20f: {  	v27 =	vor.u32 $0x5, v5;
	v20 =	vld.idx.msk [tilespmem:v10+s21+$0x0], $0xffff  }
0x210: {  	v21 =	vld.idx.msk [tilespmem:v7+s20+$0x0], $0xffff  }
0x211: {  	v22 =	vld.idx.msk [tilespmem:v11+s21+$0x0], $0xffff  }
0x212: {  	v28 =	vor.u32 $0x6, v5;
	v31 =	vld.idx.msk [tilespmem:v11+s20+$0x0], $0xffff  }
0x213: {  	v16 =	vmul.f32 $5.000000000e-01, v16;
	v18 =	vmul.f32 $5.000000000e-01, v18;
	v32 =	vld.idx.msk [tilespmem:v8+s21+$0x0], $0xffff  }
0x214: {  	v29 =	vor.u32 $0x7, v5;
	v17 =	vmul.f32 $5.000000000e-01, v17;
	v19 =	vmul.f32 $5.000000000e-01, v19;
	v33 =	vld.idx.msk [tilespmem:v8+s20+$0x0], $0xffff  }
0x215: {  	v30 =	vor.u32 $0x8, v5;
	v20 =	vmul.f32 $5.000000000e-01, v20;
	v38 =	vld.idx.msk [tilespmem:v12+s21+$0x0], $0xffff  }
0x216: {  	v34 =	vadd.f32 v16, v19;
	v16 =	vmul.f32 $5.000000000e-01, v21;
	v19 =	vld.idx.msk [tilespmem:v12+s20+$0x0], $0xffff  }
0x217: {  	v35 =	vadd.f32 v20, v17;
	v20 =	vmul.f32 $5.000000000e-01, v22;
	v17 =	vor.u32 $0xA, v6;
	v21 =	vld.idx.msk [tilespmem:v9+s21+$0x0], $0xffff  }
0x218: {  	v22 =	vmul.f32 v34, v34;
	v36 =	vadd.f32 v18, v16;
	v18 =	vmul.f32 $5.000000000e-01, v31;
	v31 =	vld.idx.msk [tilespmem:v9+s20+$0x0], $0xffff  }
0x219: {  	v16 =	vor.u32 $0x9, v5;
	v39 =	vmul.f32 v35, v35;
	v32 =	vmul.f32 $5.000000000e-01, v32;
	v40 =	vld.idx.msk [tilespmem:v14+s21+$0x0], $0xffff  }
0x21a: {  	v41 =	vmul.f32 v36, v36;
	v37 =	vadd.f32 v20, v18;
	v20 =	vmul.f32 $5.000000000e-01, v33;
	v33 =	vld.idx.msk [tilespmem:v14+s20+$0x0], $0xffff  }
0x21b: {  	v18 =	vor.u32 $0xB, v6;
	v22 =	vadd.f32 v39, v22;
	v39 =	vmul.f32 $5.000000000e-01, v38;
	v42 =	vld.idx.msk [tilespmem:v13+s21+$0x0], $0xffff  }
0x21c: {  	v43 =	vmul.f32 v37, v37;
	v38 =	vadd.f32 v32, v20;
	v20 =	vmul.f32 $5.000000000e-01, v19;
	v32 =	vld.idx.msk [tilespmem:v13+s20+$0x0], $0xffff  }
0x21d: {  	v19 =	vor.u32 $0xC, v6;
	v22 =	vadd.f32 v41, v22;
	v21 =	vmul.f32 $5.000000000e-01, v21;
	v44 =	vld.idx.msk [tilespmem:v15+s21+$0x0], $0xffff  }
0x21e: {  	v41 =	vmul.f32 v38, v38;
	v39 =	vadd.f32 v39, v20;
	v31 =	vmul.f32 $5.000000000e-01, v31;
	v45 =	vld.idx.msk [tilespmem:v15+s20+$0x0], $0xffff  }
0x21f: {  	v20 =	vor.u32 $0xD, v6;
	v22 =	vadd.f32 v43, v22;
	v43 =	vmul.f32 $5.000000000e-01, v40;
	v46 =	vld.idx.msk [tilespmem:v17+s21+$0x0], $0xffff  }
0x220: {  	v47 =	vmul.f32 v39, v39;
	v40 =	vadd.f32 v21, v31;
	v31 =	vmul.f32 $5.000000000e-01, v33;
	v33 =	vld.idx.msk [tilespmem:v17+s20+$0x0], $0xffff  }
0x221: {  	v21 =	vor.u32 $0xE, v6;
	v22 =	vadd.f32 v41, v22;
	v42 =	vmul.f32 $5.000000000e-01, v42;
	v48 =	vld.idx.msk [tilespmem:v18+s21+$0x0], $0xffff  }
0x222: {  	v49 =	vmul.f32 v40, v40;
	v41 =	vadd.f32 v43, v31;
	v31 =	vmul.f32 $5.000000000e-01, v32;
	v32 =	vld.idx.msk [tilespmem:v18+s20+$0x0], $0xffff  }
0x223: {  	v43 =	vadd.f32 v47, v22;
	v44 =	vmul.f32 $5.000000000e-01, v44;
	v22 =	vor.u32 $0xF, v6;
	v47 =	vld.idx.msk [tilespmem:v19+s21+$0x0], $0xffff  }
0x224: {  	v50 =	vmul.f32 v41, v41;
	v42 =	vadd.f32 v42, v31;
	v31 =	vmul.f32 $5.000000000e-01, v45;
	v45 =	vld.idx.msk [tilespmem:v19+s20+$0x0], $0xffff  }
0x225: {  	v49 =	vadd.f32 v49, v43;
	v46 =	vmul.f32 $5.000000000e-01, v46;
	v51 =	vld.idx.msk [tilespmem:v20+s21+$0x0], $0xffff  }
0x226: {  	v52 =	vmul.f32 v42, v42;
	v43 =	vadd.f32 v44, v31;
	v31 =	vmul.f32 $5.000000000e-01, v33;
	v33 =	vld.idx.msk [tilespmem:v20+s20+$0x0], $0xffff  }
0x227: {  	v44 =	vadd.f32 v50, v49;
	v48 =	vmul.f32 $5.000000000e-01, v48;
	v49 =	vld.idx.msk [tilespmem:v21+s21+$0x0], $0xffff  }
0x228: {  	v50 =	vmul.f32 v43, v43;
	v46 =	vadd.f32 v46, v31;
	v31 =	vmul.f32 $5.000000000e-01, v32;
	v32 =	vld.idx.msk [tilespmem:v21+s20+$0x0], $0xffff  }
0x229: {  	v44 =	vadd.f32 v52, v44;
	v47 =	vmul.f32 $5.000000000e-01, v47;
	v52 =	vld.idx.msk [tilespmem:v22+s21+$0x0], $0xffff  }
0x22a: {  	v53 =	vmul.f32 v46, v46;
	v48 =	vadd.f32 v48, v31;
	v31 =	vmul.f32 $5.000000000e-01, v45;
	v45 =	vld.idx.msk [tilespmem:v22+s20+$0x0], $0xffff  }
0x22b: {  	v44 =	vadd.f32 v50, v44;
	v50 =	vmul.f32 $5.000000000e-01, v51  }
0x22c: {  	v51 =	vmul.f32 v48, v48;
	v47 =	vadd.f32 v47, v31;
	v31 =	vmul.f32 $5.000000000e-01, v33  }
0x22d: {  	v33 =	vadd.f32 v53, v44;
	v44 =	vmul.f32 $5.000000000e-01, v49  }
0x22e: {  	v49 =	vmul.f32 v47, v47;
	v31 =	vadd.f32 v50, v31;
	v32 =	vmul.f32 $5.000000000e-01, v32  }
0x22f: {  	v33 =	vadd.f32 v51, v33;
	v50 =	vmul.f32 $5.000000000e-01, v52  }
0x230: {  	v51 =	vmul.f32 v31, v31;
	v32 =	vadd.f32 v44, v32;
	v44 =	vmul.f32 $5.000000000e-01, v45  }
0x231: {  	v45 =	vadd.f32 v49, v33  }
0x232: {  	v49 =	vmul.f32 v32, v32;
	v33 =	vadd.f32 v50, v44  }
0x233: {  	v44 =	vadd.f32 v51, v45  }
0x234: {  	v45 =	vmul.f32 v33, v33  }
0x235: {  	v44 =	vadd.f32 v49, v44;
	_ =	sdelay $0x1  }
0x236: {  	v44 =	vadd.f32 v45, v44;
	_ =	sdelay $0x1  }
0x237: {  	v45 =	vshrl.u32 v44, $0x1;
	v44 =	vmul.f32 $5.000000000e-01, v44  }
0x238: {  	v45 =	vsub.s32 $0x5F3759DF, v45  }
0x239: {  	v49 =	vmul.f32 v45, v44;
	_ =	sdelay $0x1  }
0x23a: {  	v49 =	vmul.f32 v45, v49;
	_ =	sdelay $0x1  }
0x23b: {  	v49 =	vsub.f32 $1.500000000e+00, v49;
	_ =	sdelay $0x1  }
0x23c: {  	v45 =	vmul.f32 v45, v49;
	_ =	sdelay $0x1  }
0x23d: {  	v49 =	vmul.f32 v45, v44;
	_ =	sdelay $0x1  }
0x23e: {  	v49 =	vmul.f32 v49, v45;
	_ =	sdelay $0x1  }
0x23f: {  	v49 =	vsub.f32 $1.500000000e+00, v49;
	_ =	sdelay $0x1  }
0x240: {  	v45 =	vmul.f32 v49, v45;
	_ =	sdelay $0x1  }
0x241: {  	v44 =	vmul.f32 v45, v44;
	_ =	sdelay $0x1  }
0x242: {  	v44 =	vmul.f32 v44, v45;
	_ =	sdelay $0x1  }
0x243: {  	v44 =	vsub.f32 $1.500000000e+00, v44;
	_ =	sdelay $0x1  }
0x244: {  	v44 =	vmul.f32 v44, v45;
	_ =	sdelay $0x1  }
0x245: {  	v45 =	vmul.f32 v44, v34;
	v35 =	vmul.f32 v44, v35  }
0x246: {  	v36 =	vmul.f32 v44, v36;
	v34 =	vmul.f32 v44, v47  }
0x247: {  	v37 =	vmul.f32 v44, v37;
	[tilespmem:v6+s22+$0x0] =	vst.idx.msk $0xffff, v45;
	v6 =	vmov v5  }
0x248: {  	v5 =	vmul.f32 v44, v38;
	[tilespmem:v10+s22+$0x0] =	vst.idx.msk $0xffff, v35;
	v10 =	vmov v23  }
0x249: {  	v23 =	vmul.f32 v44, v39;
	[tilespmem:v7+s22+$0x0] =	vst.idx.msk $0xffff, v36;
	v7 =	vmov v24  }
0x24a: {  	v24 =	vmul.f32 v44, v40;
	[tilespmem:v11+s22+$0x0] =	vst.idx.msk $0xffff, v37;
	v11 =	vmov v25  }
.Ltmp14:
0x24b: {  	[tilespmem:v8+s22+$0x0] =	vst.idx.msk $0xffff, v5;
	v5 =	vmul.f32 v44, v41;
	v8 =	vmov v26;
	(pc) =	sbr.rel @p0 .LBB2_15-.Ltmp14, $4  }
0x24c: {  	[tilespmem:v12+s22+$0x0] =	vst.idx.msk $0xffff, v23;
	v23 =	vmul.f32 v44, v42;
	v12 =	vmov v27  }
0x24d: {  	v25 =	vmov s0;
	[tilespmem:v9+s22+$0x0] =	vst.idx.msk $0xffff, v24;
	v24 =	vmul.f32 v44, v43;
	v9 =	vmov v28  }
0x24e: {  	v26 =	vshll.u32 v25, $0x4;
	v25 =	vmul.f32 v44, v46;
	[tilespmem:v14+s22+$0x0] =	vst.idx.msk $0xffff, v5;
	v14 =	vmov v29  }
0x24f: {  	v5 =	vor.u32 v4, v26;
	v26 =	vmul.f32 v44, v48;
	[tilespmem:v13+s22+$0x0] =	vst.idx.msk $0xffff, v23;
	v13 =	vmov v30  }
0x250: {  	_ =	sdelay $0x3  }
0x251: {  	[tilespmem:v15+s22+$0x0] =	vst.idx.msk $0xffff, v24  }
0x252: {  	[tilespmem:v17+s22+$0x0] =	vst.idx.msk $0xffff, v25  }
0x253: {  	v42 =	vmul.f32 v44, v31;
	[tilespmem:v18+s22+$0x0] =	vst.idx.msk $0xffff, v26  }
0x254: {  	v43 =	vmul.f32 v44, v32;
	[tilespmem:v19+s22+$0x0] =	vst.idx.msk $0xffff, v34  }
0x255: {  	v44 =	vmul.f32 v44, v33;
	[tilespmem:v20+s22+$0x0] =	vst.idx.msk $0xffff, v42  }
0x256: {  	[tilespmem:v21+s22+$0x0] =	vst.idx.msk $0xffff, v43  }
0x257: {  	[tilespmem:v22+s22+$0x0] =	vst.idx.msk $0xffff, v44  }
0x258: {  	v15 =	vld.idx.msk [tilespmem:v6+s21+$0x0], $0xffff  }
0x259: {  	v17 =	vld.idx.msk [tilespmem:v10+s20+$0x0], $0xffff  }
0x25a: {  	v18 =	vld.idx.msk [tilespmem:v7+s21+$0x0], $0xffff  }
0x25b: {  	v19 =	vld.idx.msk [tilespmem:v6+s20+$0x0], $0xffff  }
0x25c: {  	v20 =	vld.idx.msk [tilespmem:v10+s21+$0x0], $0xffff  }
0x25d: {  	v21 =	vld.idx.msk [tilespmem:v7+s20+$0x0], $0xffff  }
0x25e: {  	v22 =	vld.idx.msk [tilespmem:v11+s21+$0x0], $0xffff  }
0x25f: {  	v23 =	vld.idx.msk [tilespmem:v11+s20+$0x0], $0xffff  }
0x260: {  	v24 =	vld.idx.msk [tilespmem:v8+s21+$0x0], $0xffff;
	v15 =	vmul.f32 $5.000000000e-01, v15;
	v19 =	vmul.f32 $5.000000000e-01, v19  }
0x261: {  	v25 =	vld.idx.msk [tilespmem:v8+s20+$0x0], $0xffff;
	v17 =	vmul.f32 $5.000000000e-01, v17;
	v20 =	vmul.f32 $5.000000000e-01, v20  }
0x262: {  	v26 =	vld.idx.msk [tilespmem:v12+s21+$0x0], $0xffff;
	v18 =	vmul.f32 $5.000000000e-01, v18  }
0x263: {  	v46 =	vld.idx.msk [tilespmem:v12+s20+$0x0], $0xffff;
	v45 =	vmul.f32 $5.000000000e-01, v21;
	v15 =	vadd.f32 v15, v19;
	v17 =	vadd.f32 v20, v17  }
0x264: {  	v48 =	vld.idx.msk [tilespmem:v9+s21+$0x0], $0xffff;
	v47 =	vmul.f32 $5.000000000e-01, v22;
	v49 =	vmul.f32 $5.000000000e-01, v23  }
0x265: {  	v50 =	vld.idx.msk [tilespmem:v9+s20+$0x0], $0xffff;
	v18 =	vadd.f32 v18, v45;
	v27 =	vmul.f32 v15, v15;
	v28 =	vmul.f32 v17, v17  }
0x266: {  	v29 =	vor.u32 $0xA, v6;
	v30 =	vld.idx.msk [tilespmem:v14+s21+$0x0], $0xffff;
	v24 =	vmul.f32 $5.000000000e-01, v24;
	v25 =	vmul.f32 $5.000000000e-01, v25  }
0x267: {  	v52 =	vld.idx.msk [tilespmem:v14+s20+$0x0], $0xffff;
	v19 =	vadd.f32 v47, v49;
	v51 =	vmul.f32 v18, v18;
	v27 =	vadd.f32 v28, v27  }
0x268: {  	v32 =	vor.u32 $0xB, v6;
	v53 =	vld.idx.msk [tilespmem:v13+s21+$0x0], $0xffff;
	v26 =	vmul.f32 $5.000000000e-01, v26;
	v21 =	vmul.f32 $5.000000000e-01, v46  }
0x269: {  	v55 =	vld.idx.msk [tilespmem:v13+s20+$0x0], $0xffff;
	v24 =	vadd.f32 v24, v25;
	v54 =	vmul.f32 v19, v19;
	v27 =	vadd.f32 v51, v27  }
0x26a: {  	v34 =	vor.u32 $0xC, v6;
	v56 =	vld.idx.msk [tilespmem:v16+s21+$0x0], $0xffff;
	v22 =	vmul.f32 $5.000000000e-01, v48;
	v23 =	vmul.f32 $5.000000000e-01, v50  }
0x26b: {  	v57 =	vld.idx.msk [tilespmem:v16+s20+$0x0], $0xffff;
	v21 =	vadd.f32 v26, v21;
	v35 =	vmul.f32 v24, v24;
	v25 =	vadd.f32 v54, v27  }
0x26c: {  	v36 =	vor.u32 $0xD, v6;
	v59 =	vld.idx.msk [tilespmem:v29+s21+$0x0], $0xffff;
	v58 =	vmul.f32 $5.000000000e-01, v30;
	v20 =	vmul.f32 $5.000000000e-01, v52  }
0x26d: {  	v60 =	vld.idx.msk [tilespmem:v29+s20+$0x0], $0xffff;
	v22 =	vadd.f32 v22, v23;
	v37 =	vmul.f32 v21, v21;
	v25 =	vadd.f32 v35, v25  }
0x26e: {  	v61 =	vld.idx.msk [tilespmem:v32+s21+$0x0], $0xffff;
	v33 =	vmul.f32 $5.000000000e-01, v55;
	v20 =	vadd.f32 v58, v20  }
0x26f: {  	v38 =	vld.idx.msk [tilespmem:v32+s20+$0x0], $0xffff;
	v62 =	vmul.f32 v22, v22;
	v28 =	vmul.f32 $5.000000000e-01, v53;
	v25 =	vadd.f32 v37, v25  }
0x270: {  	v39 =	vld.idx.msk [tilespmem:v34+s21+$0x0], $0xffff;
	v31 =	vmul.f32 $5.000000000e-01, v56;
	v26 =	vmul.f32 $5.000000000e-01, v57;
	v37 =	vor.u32 $0xE, v6  }
0x271: {  	v63 =	vld.idx.msk [tilespmem:v34+s20+$0x0], $0xffff;
	v40 =	vmul.f32 v20, v20;
	v28 =	vadd.f32 v28, v33;
	v25 =	vadd.f32 v62, v25  }
0x272: {  	v41 =	vld.idx.msk [tilespmem:v36+s21+$0x0], $0xffff;
	v48 =	vor.u32 $0xF, v6;
	v30 =	vmul.f32 $5.000000000e-01, v59;
	v23 =	vmul.f32 $5.000000000e-01, v60  }
0x273: {  	v49 =	vld.idx.msk [tilespmem:v36+s20+$0x0], $0xffff;
	v26 =	vadd.f32 v31, v26;
	v42 =	vmul.f32 v28, v28;
	v25 =	vadd.f32 v40, v25  }
0x274: {  	v38 =	vmul.f32 $5.000000000e-01, v38;
	v23 =	vadd.f32 v30, v23  }
0x275: {  	v51 =	vmul.f32 v26, v26;
	v35 =	vmul.f32 $5.000000000e-01, v61;
	v50 =	vld.idx.msk [tilespmem:v37+s21+$0x0], $0xffff;
	v25 =	vadd.f32 v42, v25  }
0x276: {  	v39 =	vmul.f32 $5.000000000e-01, v39;
	v33 =	vmul.f32 $5.000000000e-01, v63;
	v52 =	vld.idx.msk [tilespmem:v37+s20+$0x0], $0xffff  }
0x277: {  	v43 =	vmul.f32 v23, v23;
	v53 =	vld.idx.msk [tilespmem:v48+s21+$0x0], $0xffff;
	v35 =	vadd.f32 v35, v38;
	v25 =	vadd.f32 v51, v25  }
0x278: {  	v55 =	vmul.f32 $5.000000000e-01, v41;
	v31 =	vmul.f32 $5.000000000e-01, v49;
	v54 =	vld.idx.msk [tilespmem:v48+s20+$0x0], $0xffff;
	v33 =	vadd.f32 v39, v33  }
0x279: {  	v56 =	vmul.f32 v35, v35;
	v25 =	vadd.f32 v43, v25  }
0x27a: {  	v31 =	vadd.f32 v55, v31;
	v39 =	vmul.f32 v33, v33  }
0x27b: {  	v30 =	vmul.f32 $5.000000000e-01, v50;
	v57 =	vmul.f32 $5.000000000e-01, v52;
	v25 =	vadd.f32 v56, v25  }
0x27c: {  	v58 =	vmul.f32 $5.000000000e-01, v53;
	v59 =	vmul.f32 v31, v31  }
0x27d: {  	v38 =	vmul.f32 $5.000000000e-01, v54;
	v30 =	vadd.f32 v30, v57;
	v25 =	vadd.f32 v39, v25;
	_ =	sdelay $0x1  }
0x27e: {  	v38 =	vadd.f32 v58, v38;
	v60 =	vmul.f32 v30, v30;
	v25 =	vadd.f32 v59, v25;
	_ =	sdelay $0x1  }
0x27f: {  	v61 =	vmul.f32 v38, v38;
	v25 =	vadd.f32 v60, v25;
	_ =	sdelay $0x1  }
0x280: {  	v25 =	vadd.f32 v61, v25;
	_ =	sdelay $0x1  }
0x281: {  	v62 =	vshrl.u32 v25, $0x1;
	v25 =	vmul.f32 $5.000000000e-01, v25  }
0x282: {  	v39 =	vsub.s32 $0x5F3759DF, v62  }
0x283: {  	v63 =	vmul.f32 v39, v25;
	_ =	sdelay $0x1  }
0x284: {  	v40 =	vmul.f32 v39, v63;
	_ =	sdelay $0x1  }
0x285: {  	v40 =	vsub.f32 $1.500000000e+00, v40;
	_ =	sdelay $0x1  }
0x286: {  	v39 =	vmul.f32 v39, v40;
	_ =	sdelay $0x1  }
0x287: {  	v40 =	vmul.f32 v39, v25;
	_ =	sdelay $0x1  }
0x288: {  	v40 =	vmul.f32 v40, v39;
	_ =	sdelay $0x1  }
0x289: {  	v40 =	vsub.f32 $1.500000000e+00, v40;
	_ =	sdelay $0x1  }
0x28a: {  	v39 =	vmul.f32 v40, v39;
	_ =	sdelay $0x1  }
0x28b: {  	v25 =	vmul.f32 v39, v25;
	_ =	sdelay $0x1  }
0x28c: {  	v25 =	vmul.f32 v25, v39;
	_ =	sdelay $0x1  }
0x28d: {  	v25 =	vsub.f32 $1.500000000e+00, v25;
	_ =	sdelay $0x1  }
0x28e: {  	v25 =	vmul.f32 v25, v39;
	_ =	sdelay $0x1  }
0x28f: {  	v15 =	vmul.f32 v25, v15  }
0x290: {  	v17 =	vmul.f32 v25, v17  }
0x291: {  	v18 =	vmul.f32 v25, v18;
	[tilespmem:v6+s22+$0x0] =	vst.idx.msk $0xffff, v15  }
0x292: {  	v6 =	vmul.f32 v25, v19;
	[tilespmem:v10+s22+$0x0] =	vst.idx.msk $0xffff, v17  }
0x293: {  	v19 =	vmul.f32 v25, v24;
	[tilespmem:v7+s22+$0x0] =	vst.idx.msk $0xffff, v18  }
0x294: {  	v7 =	vmul.f32 v25, v21;
	[tilespmem:v11+s22+$0x0] =	vst.idx.msk $0xffff, v6  }
0x295: {  	v6 =	vmul.f32 v25, v22;
	[tilespmem:v8+s22+$0x0] =	vst.idx.msk $0xffff, v19  }
0x296: {  	v24 =	vmul.f32 v25, v20;
	[tilespmem:v12+s22+$0x0] =	vst.idx.msk $0xffff, v7  }
0x297: {  	v7 =	vmul.f32 v25, v28;
	[tilespmem:v9+s22+$0x0] =	vst.idx.msk $0xffff, v6  }
0x298: {  	v6 =	vmul.f32 v25, v26;
	[tilespmem:v14+s22+$0x0] =	vst.idx.msk $0xffff, v24  }
0x299: {  	v26 =	vmul.f32 v25, v23;
	[tilespmem:v13+s22+$0x0] =	vst.idx.msk $0xffff, v7  }
0x29a: {  	v7 =	vmul.f32 v25, v35;
	[tilespmem:v16+s22+$0x0] =	vst.idx.msk $0xffff, v6  }
0x29b: {  	v28 =	vmul.f32 v25, v33;
	[tilespmem:v29+s22+$0x0] =	vst.idx.msk $0xffff, v26  }
0x29c: {  	v31 =	vmul.f32 v25, v31;
	[tilespmem:v32+s22+$0x0] =	vst.idx.msk $0xffff, v7  }
0x29d: {  	v33 =	vmul.f32 v25, v30;
	v6 =	vor.u32 $0x1, v5;
	[tilespmem:v34+s22+$0x0] =	vst.idx.msk $0xffff, v28  }
0x29e: {  	v35 =	vmul.f32 v25, v38;
	v7 =	vor.u32 $0x2, v5;
	[tilespmem:v36+s22+$0x0] =	vst.idx.msk $0xffff, v31  }
0x29f: {  	[tilespmem:v37+s22+$0x0] =	vst.idx.msk $0xffff, v33  }
0x2a0: {  	[tilespmem:v48+s22+$0x0] =	vst.idx.msk $0xffff, v35  }
0x2a1: {  	v12 =	vld.idx.msk [tilespmem:v5+s21+$0x0], $0xffff  }
0x2a2: {  	v8 =	vor.u32 $0x3, v5;
	v13 =	vld.idx.msk [tilespmem:v6+s20+$0x0], $0xffff  }
0x2a3: {  	v14 =	vld.idx.msk [tilespmem:v7+s21+$0x0], $0xffff  }
0x2a4: {  	v9 =	vor.u32 $0x4, v5;
	v15 =	vld.idx.msk [tilespmem:v5+s20+$0x0], $0xffff  }
0x2a5: {  	v16 =	vld.idx.msk [tilespmem:v6+s21+$0x0], $0xffff  }
0x2a6: {  	v10 =	vor.u32 $0x5, v5;
	v17 =	vld.idx.msk [tilespmem:v7+s20+$0x0], $0xffff  }
0x2a7: {  	v18 =	vld.idx.msk [tilespmem:v8+s21+$0x0], $0xffff  }
0x2a8: {  	v11 =	vor.u32 $0x6, v5;
	v36 =	vld.idx.msk [tilespmem:v8+s20+$0x0], $0xffff  }
0x2a9: {  	v38 =	vld.idx.msk [tilespmem:v9+s21+$0x0], $0xffff;
	v37 =	vmul.f32 $5.000000000e-01, v12;
	v15 =	vmul.f32 $5.000000000e-01, v15  }
0x2aa: {  	v40 =	vld.idx.msk [tilespmem:v9+s20+$0x0], $0xffff;
	v12 =	vor.u32 $0x7, v5;
	v39 =	vmul.f32 $5.000000000e-01, v13;
	v16 =	vmul.f32 $5.000000000e-01, v16  }
0x2ab: {  	v41 =	vld.idx.msk [tilespmem:v10+s21+$0x0], $0xffff;
	v13 =	vor.u32 $0x8, v5;
	v42 =	vmul.f32 $5.000000000e-01, v14  }
0x2ac: {  	v43 =	vld.idx.msk [tilespmem:v10+s20+$0x0], $0xffff;
	v17 =	vmul.f32 $5.000000000e-01, v17;
	v15 =	vadd.f32 v37, v15;
	v16 =	vadd.f32 v16, v39  }
0x2ad: {  	v44 =	vld.idx.msk [tilespmem:v11+s21+$0x0], $0xffff;
	v14 =	vor.u32 $0x9, v5;
	v18 =	vmul.f32 $5.000000000e-01, v18;
	v19 =	vmul.f32 $5.000000000e-01, v36  }
0x2ae: {  	v46 =	vld.idx.msk [tilespmem:v11+s20+$0x0], $0xffff;
	v17 =	vadd.f32 v42, v17;
	v45 =	vmul.f32 v15, v15;
	v47 =	vmul.f32 v16, v16  }
0x2af: {  	v28 =	vor.u32 $0xA, v5;
	v21 =	vmul.f32 $5.000000000e-01, v38;
	v23 =	vmul.f32 $5.000000000e-01, v40;
	v29 =	vld.idx.msk [tilespmem:v12+s21+$0x0], $0xffff  }
0x2b0: {  	v18 =	vadd.f32 v18, v19;
	v48 =	vmul.f32 v17, v17;
	v49 =	vld.idx.msk [tilespmem:v12+s20+$0x0], $0xffff;
	v26 =	vadd.f32 v47, v45  }
0x2b1: {  	v31 =	vor.u32 $0xB, v5;
	v24 =	vmul.f32 $5.000000000e-01, v41;
	v25 =	vmul.f32 $5.000000000e-01, v43;
	v50 =	vld.idx.msk [tilespmem:v13+s21+$0x0], $0xffff  }
0x2b2: {  	v21 =	vadd.f32 v21, v23;
	v51 =	vmul.f32 v18, v18;
	v32 =	vld.idx.msk [tilespmem:v13+s20+$0x0], $0xffff;
	v26 =	vadd.f32 v48, v26  }
0x2b3: {  	v22 =	vmul.f32 $5.000000000e-01, v44;
	v20 =	vmul.f32 $5.000000000e-01, v46;
	v24 =	vadd.f32 v24, v25;
	v52 =	vld.idx.msk [tilespmem:v14+s21+$0x0], $0xffff  }
0x2b4: {  	v33 =	vor.u32 $0xC, v5;
	v53 =	vmul.f32 v21, v21;
	v54 =	vld.idx.msk [tilespmem:v14+s20+$0x0], $0xffff;
	v23 =	vadd.f32 v51, v26  }
0x2b5: {  	v35 =	vor.u32 $0xD, v5;
	v56 =	vld.idx.msk [tilespmem:v28+s21+$0x0], $0xffff;
	v20 =	vadd.f32 v22, v20;
	v57 =	vmul.f32 v24, v24  }
0x2b6: {  	v58 =	vld.idx.msk [tilespmem:v28+s20+$0x0], $0xffff;
	v55 =	vmul.f32 $5.000000000e-01, v29;
	v19 =	vmul.f32 $5.000000000e-01, v49;
	v23 =	vadd.f32 v53, v23  }
0x2b7: {  	v59 =	vld.idx.msk [tilespmem:v31+s21+$0x0], $0xffff;
	v36 =	vor.u32 $0xE, v5;
	v60 =	vmul.f32 v20, v20;
	v27 =	vmul.f32 $5.000000000e-01, v50  }
0x2b8: {  	v37 =	vld.idx.msk [tilespmem:v31+s20+$0x0], $0xffff;
	v32 =	vmul.f32 $5.000000000e-01, v32;
	v19 =	vadd.f32 v55, v19;
	v23 =	vadd.f32 v57, v23  }
0x2b9: {  	v61 =	vld.idx.msk [tilespmem:v33+s21+$0x0], $0xffff;
	v45 =	vor.u32 $0xF, v5;
	v30 =	vmul.f32 $5.000000000e-01, v52;
	v25 =	vmul.f32 $5.000000000e-01, v54  }
0x2ba: {  	v63 =	vld.idx.msk [tilespmem:v33+s20+$0x0], $0xffff;
	v27 =	vadd.f32 v27, v32;
	v62 =	vmul.f32 v19, v19;
	v23 =	vadd.f32 v60, v23  }
0x2bb: {  	v46 =	vld.idx.msk [tilespmem:v35+s21+$0x0], $0xffff;
	v22 =	vmul.f32 $5.000000000e-01, v58;
	v29 =	vmul.f32 $5.000000000e-01, v56  }
0x2bc: {  	v48 =	vld.idx.msk [tilespmem:v35+s20+$0x0], $0xffff;
	v25 =	vadd.f32 v30, v25;
	v47 =	vmul.f32 v27, v27;
	v23 =	vadd.f32 v62, v23  }
0x2bd: {  	v34 =	vmul.f32 $5.000000000e-01, v59;
	v37 =	vmul.f32 $5.000000000e-01, v37;
	v49 =	vld.idx.msk [tilespmem:v36+s21+$0x0], $0xffff  }
0x2be: {  	v51 =	vld.idx.msk [tilespmem:v36+s20+$0x0], $0xffff;
	v22 =	vadd.f32 v29, v22;
	v50 =	vmul.f32 v25, v25;
	v23 =	vadd.f32 v47, v23  }
0x2bf: {  	v38 =	vmul.f32 $5.000000000e-01, v61;
	v34 =	vadd.f32 v34, v37;
	v54 =	vld.idx.msk [tilespmem:v45+s20+$0x0], $0xffff  }
0x2c0: {  	v53 =	vld.idx.msk [tilespmem:v45+s21+$0x0], $0xffff;
	v32 =	vmul.f32 $5.000000000e-01, v63;
	v52 =	vmul.f32 v22, v22;
	v23 =	vadd.f32 v50, v23  }
0x2c1: {  	v55 =	vmul.f32 $5.000000000e-01, v46;
	v30 =	vmul.f32 $5.000000000e-01, v48  }
0x2c2: {  	v56 =	vmul.f32 v34, v34;
	v32 =	vadd.f32 v38, v32;
	v23 =	vadd.f32 v52, v23  }
0x2c3: {  	v29 =	vmul.f32 $5.000000000e-01, v49;
	v30 =	vadd.f32 v55, v30  }
0x2c4: {  	v57 =	vmul.f32 $5.000000000e-01, v51;
	v38 =	vmul.f32 v32, v32;
	v23 =	vadd.f32 v56, v23  }
0x2c5: {  	v37 =	vmul.f32 $5.000000000e-01, v54;
	v58 =	vmul.f32 $5.000000000e-01, v53  }
0x2c6: {  	v59 =	vmul.f32 v30, v30;
	v29 =	vadd.f32 v29, v57;
	v23 =	vadd.f32 v38, v23;
	_ =	sdelay $0x1  }
0x2c7: {  	v60 =	vmul.f32 v29, v29;
	v37 =	vadd.f32 v58, v37;
	v23 =	vadd.f32 v59, v23;
	_ =	sdelay $0x1  }
0x2c8: {  	v61 =	vmul.f32 v37, v37;
	v23 =	vadd.f32 v60, v23;
	_ =	sdelay $0x1  }
0x2c9: {  	v23 =	vadd.f32 v61, v23;
	_ =	sdelay $0x1  }
0x2ca: {  	v62 =	vshrl.u32 v23, $0x1;
	v23 =	vmul.f32 $5.000000000e-01, v23  }
0x2cb: {  	v38 =	vsub.s32 $0x5F3759DF, v62  }
0x2cc: {  	v63 =	vmul.f32 v38, v23;
	_ =	sdelay $0x1  }
0x2cd: {  	v39 =	vmul.f32 v38, v63;
	_ =	sdelay $0x1  }
0x2ce: {  	v39 =	vsub.f32 $1.500000000e+00, v39;
	_ =	sdelay $0x1  }
0x2cf: {  	v38 =	vmul.f32 v38, v39;
	_ =	sdelay $0x1  }
0x2d0: {  	v39 =	vmul.f32 v38, v23;
	_ =	sdelay $0x1  }
0x2d1: {  	v39 =	vmul.f32 v39, v38;
	_ =	sdelay $0x1  }
0x2d2: {  	v39 =	vsub.f32 $1.500000000e+00, v39;
	_ =	sdelay $0x1  }
0x2d3: {  	v38 =	vmul.f32 v39, v38;
	_ =	sdelay $0x1  }
0x2d4: {  	v23 =	vmul.f32 v38, v23;
	_ =	sdelay $0x1  }
0x2d5: {  	v23 =	vmul.f32 v23, v38;
	_ =	sdelay $0x1  }
0x2d6: {  	v23 =	vsub.f32 $1.500000000e+00, v23;
	_ =	sdelay $0x1  }
0x2d7: {  	v23 =	vmul.f32 v23, v38;
	_ =	sdelay $0x1  }
0x2d8: {  	v15 =	vmul.f32 v23, v15  }
0x2d9: {  	v16 =	vmul.f32 v23, v16  }
0x2da: {  	v17 =	vmul.f32 v23, v17;
	[tilespmem:v5+s22+$0x0] =	vst.idx.msk $0xffff, v15  }
0x2db: {  	v5 =	vmul.f32 v23, v18;
	[tilespmem:v6+s22+$0x0] =	vst.idx.msk $0xffff, v16  }
0x2dc: {  	v6 =	vmul.f32 v23, v21;
	[tilespmem:v7+s22+$0x0] =	vst.idx.msk $0xffff, v17  }
0x2dd: {  	v7 =	vmul.f32 v23, v24;
	[tilespmem:v8+s22+$0x0] =	vst.idx.msk $0xffff, v5  }
0x2de: {  	v5 =	vmul.f32 v23, v20;
	[tilespmem:v9+s22+$0x0] =	vst.idx.msk $0xffff, v6  }
0x2df: {  	v6 =	vmul.f32 v23, v19;
	[tilespmem:v10+s22+$0x0] =	vst.idx.msk $0xffff, v7  }
0x2e0: {  	v7 =	vmul.f32 v23, v27;
	[tilespmem:v11+s22+$0x0] =	vst.idx.msk $0xffff, v5  }
0x2e1: {  	v5 =	vmul.f32 v23, v25;
	[tilespmem:v12+s22+$0x0] =	vst.idx.msk $0xffff, v6  }
0x2e2: {  	v6 =	vmul.f32 v23, v22;
	[tilespmem:v13+s22+$0x0] =	vst.idx.msk $0xffff, v7  }
0x2e3: {  	s0 =	ssub.s32 s24, s31;
	v7 =	vmul.f32 v23, v34;
	[tilespmem:v14+s22+$0x0] =	vst.idx.msk $0xffff, v5  }
0x2e4: {  	p0 =	slt.s32 s0, $0x1;
	v5 =	vmul.f32 v23, v32;
	[tilespmem:v28+s22+$0x0] =	vst.idx.msk $0xffff, v6  }
.Ltmp15:
0x2e5: {  	v6 =	vmul.f32 v23, v30;
	[tilespmem:v31+s22+$0x0] =	vst.idx.msk $0xffff, v7;
	(pc) =	sbr.rel @p0 .LBB2_20-.Ltmp15, $4  }
0x2e6: {  	v7 =	vmul.f32 v23, v29;
	[tilespmem:v33+s22+$0x0] =	vst.idx.msk $0xffff, v5  }
0x2e7: {  	v5 =	vmul.f32 v23, v37;
	[tilespmem:v35+s22+$0x0] =	vst.idx.msk $0xffff, v6  }
0x2e8: {  	[tilespmem:v36+s22+$0x0] =	vst.idx.msk $0xffff, v7  }
0x2e9: {  	[tilespmem:v45+s22+$0x0] =	vst.idx.msk $0xffff, v5  }
0x2ea: {  	v5 =	vld [tilespmem:s28+$0x0];
	_ =	sdelay $0x4  }
0x2eb: {  	(v2sf) =	vpush v5, $0x0;
	_ =	sdelay $0xb  }
0x2ec: {  	s0 =	simm.s32 $0x0  }
0x2ed: {  	v5 =	vor.u32 s0, v1;
	_ =	sdelay $0x1  }
0x2ee: {  	s31 =	spop (v2sf)  }
0x2ef: {  	s0 =	ssub.s32 s31, s6  }
0x2f0: {  	p0 =	sne.s32 s3, $0x1;
	s1 =	sshll.u32 s0, $0x4  }
.Ltmp16:
0x2f1: {  	v5 =	vld.idx.msk [tilespmem:v5+s22+$0x0], $0xffff;
	v6 =	vor.u32 s1, v1;
	(pc) =	sbr.rel @!p0 .LBB2_19-.Ltmp16, $2  }
0x2f2: {  	_ =	sdelay $0x2  }
0x2f3: {  	s0 =	simm.s32 $0x1;
	s1 =	smov.u32 s28  }
.LBB2_18:
0x2f4: {  	[tilespmem:v6+s18+$0x0] =	vst.idx.msk $0xffff, v5;
	s1 =	sadd.s32 $0x1, s1;
	s31 =	smov.u32 s0;
	s0 =	sadd.s32 $0x1, s0  }
0x2f5: {  	v5 =	vld [tilespmem:s1+$0x0];
	p0 =	sne.s32 s3, s0;
	_ =	sdelay $0x4  }
0x2f6: {  	(v2sf) =	vpush v5, $0x0;
	_ =	sdelay $0xa  }
0x2f7: {  	s31 =	sshll.u32 s31, $0x4  }
0x2f8: {  	v5 =	vor.u32 s31, v1;
	_ =	sdelay $0x1  }
.Ltmp17:
0x2f9: {  	(pc) =	sbr.rel @p0 .LBB2_18-.Ltmp17, $4  }
0x2fa: {  	s31 =	spop (v2sf)  }
0x2fb: {  	s31 =	ssub.s32 s31, s6  }
0x2fc: {  	v5 =	vld.idx.msk [tilespmem:v5+s22+$0x0], $0xffff;
	s31 =	sshll.u32 s31, $0x4  }
0x2fd: {  	v6 =	vor.u32 s31, v1  }
.Ltmp18:
0x2fe: {  	_ = 	snop;
	(pc) =	sbr.rel .LBB2_19-.Ltmp18, $1  }
0x2ff: {  	_ =	sdelay $0x3  }
.LBB2_22:
0x300: {  	_ =	sfence.sel $0x180000  }
0x301: {  	[bflag:$0x0] =	sbarrier.arrive $0xFFFF  }
0x302: {  	_ =	strace $0x9000004A  }
0x303: {  	s0 =	stileid.u32;
	[bflag:$0x2] =	sbarrier.arrive $0xFFFF  }
0x304: {  	p0 =	sne.s32 s0, $0x0;
	s0 =	rddreg [dreg:$0x5]  }
0x305: {  	s0 =	sadd.s32 @!p0 $0x100000, s0  }
0x306: {  	[sflag:s0] =	ssyncadd.tile.s32 @!p0 $0x1;
	_ =	shalt  }
.Lfunc_end2:
_tile_overlayer_lowered:
.L_overlay_start_2:
0x307: {  	(tag) =	ssettag $0x2  }
0x308: {  	s0 =	rddreg [dreg:$0x0];
	s2 =	stileid.u32  }
0x309: {  	s1 =	rddreg [dreg:$0x1];
	p0 =	sne.s32 s2, $0x0  }
0x30a: {  	s3 =	rddreg [dreg:$0x2];
	[bflag:$0x3] =	sbarrier.arrive $0xFFFF;
	s2 =	simm.s32 @!p0 $0x1C02  }
0x30b: {  	[timem:s3], [sflag:s2] =	dma.local @!p0 [hbm:s0], s1  }
0x30c: {  	s0 =	simm.s32 @!p0 $0x2  }
0x30d: {  	_ =	swait.ge @!p0 [sflag:s0], s1  }
0x30e: {  	s1 =	ssub.s32 @!p0 $0x0, s1;
	[sflag:s0] =	ssyncset.done @!p0 $0x0  }
0x30f: {  	[sflag:s0] =	ssyncadd.s32 @!p0 s1  }
0x310: {  	[bflag:$0x3] =	sbarrier.arrive $0xFFFF  }
0x311: {  	_ =	shalt  }

// kernel: sparse-core-data-format-call.cloned.1.call-start
scs
called_computation_lowered:
.L_overlay_start_0:
0x0: {  	s2 =	sld [smem:$0x3FD9]  }
0x1: {  	s3 =	sld [smem:$0x3FFE];
	_ =	sdelay $0x1  }
0x2: {  	s1 =	srdreg.scid  }
0x3: {  	s0 =	sand.u32 $0x1, s1  }
0x4: {  	s18 =	sshll.u32 s0, $0xA;
	s2 =	sadd.s32 s3, s2  }
0x5: {  	s2 =	sadd.s32 s2, s18  }
0x6: {  	[smem:$0x3FB6] =	sst s2  }
0x7: {  	_ = 	snop  }
0x8: {  	(tm) =	ssettm $0x1  }
0x9: {  	s19 =	sld [smem:$0x3FFB];
	_ =	sdelay $0x3  }
0xa: {  	_ =	strace s19  }
0xb: {  	s2 =	sld [smem:$0x3FFC];
	_ =	sdelay $0x3  }
0xc: {  	_ =	strace s2  }
0xd: {  	s2 =	sld [smem:$0x3FFD];
	_ =	sdelay $0x3  }
0xe: {  	_ =	strace s2  }
0xf: {  	_ =	strace $0x8FFFFFFF  }
0x10: {  	s20 =	sld [smem:$0x3FDB];
	_ =	sdelay $0x1  }
0x11: {  	s21 =	simm.s32 $_scs_section_size  }
0x12: {  	s4 =	simm.s32 $_size__tile_overlayer_lowered;
	s5 =	simm.s32 $_tile_overlayer_lowered  }
0x13: {  	s6 =	simm.s32 $0x1BFF;
	s22 =	sshll.u32 s5, $0x1;
	s3 =	sadd.s32 s21, s20  }
0x14: {  	s23 =	simm.s32 $0x0;
	s4 =	sshll.u32 s4, $0x1;
	s5 =	sadd.s32 s22, s3  }
0x15: {  	[timem:s23], [sflag:s6] =	dma.local [hbm:s5], s4  }
0x16: {  	_ =	swait.ge [sflag:s6], s4  }
0x17: {  	s4 =	ssub.s32 $0x0, s4;
	[sflag:s6] =	ssyncset.done $0x0  }
0x18: {  	[sflag:s6] =	ssyncadd.s32 s4;
	_ =	sdelay $0x1  }
0x19: {  	s24 =	simm.s32 $0x1B8B  }
0x1a: {  	_ =	swait.ge [sflag:s24], $0x1  }
0x1b: {  	[sflag:s24] =	ssyncset.done $0x0  }
0x1c: {  	[sflag:s24] =	ssyncadd.s32 $0xFFFFFFFF  }
0x1d: {  	s4 =	sld [smem:$0x0]  }
0x1e: {  	s5 =	sand.u32 $0xFFFFFFFE, s1  }
0x1f: {  	p0 =	sne.s32 s1, s5  }
0x20: {  	s5 =	sshll.u32 @p0 s5, $0xE  }
0x21: {  	s5 =	sadd.s32 @p0 $0x11B8D, s5;
	s6 =	sshll.u32 @p0 s4, $0x11  }
0x22: {  	s5 =	sor.u32 @p0 s6, s5  }
0x23: {  	[sflag:s5] =	ssyncadd.remote.s32 @p0 $0x1;
	_ =	sdelay $0x1  }
0x24: {  	s5 =	simm.s32 @p0 $0x1B8D  }
0x25: {  	_ =	swait.eq @p0 [sflag:s5], $0x1  }
0x26: {  	[sflag:s5] =	ssyncadd.s32 @p0 $0xFFFFFFFF  }
0x27: {  	s6 =	sshll.u32 @!p0 s1, $0xE  }
0x28: {  	s6 =	sor.u32 @!p0 $0x4000, s6;
	s5 =	simm.s32 @!p0 $0x1B8D  }
0x29: {  	s4 =	sshll.u32 @!p0 s4, $0x11;
	s6 =	sadd.s32 @!p0 $0x11B8D, s6;
	_ =	swait.eq @!p0 [sflag:s5], $0x1  }
0x2a: {  	s4 =	sor.u32 @!p0 s4, s6;
	[sflag:s5] =	ssyncadd.s32 @!p0 $0xFFFFFFFF  }
0x2b: {  	s26 =	simm.s32 $0x1B8E;
	s25 =	sld [smem:$0x3FFE];
	[sflag:s4] =	ssyncadd.remote.s32 @!p0 $0x1  }
0x2c: {  	s27 =	simm.s32 $execute0_lowered;
	[smem:$0x3FD2] =	sst s26  }
0x2d: {  	s5 =	sshll.u32 s27, $0x1;
	_ =	strace $0x8000004C;
	[dreg:$0x1] =	wrdreg $0xFFFFFFFF  }
0x2e: {  	s28 =	simm.s32 $_size_execute0_lowered;
	s3 =	sadd.s32 s3, s5;
	[dreg:$0x0] =	wrdreg $0x0  }
0x2f: {  	s5 =	sshll.u32 s28, $0x1;
	[dreg:$0x2] =	wrdreg s3  }
0x30: {  	[dreg:$0x3] =	wrdreg s5  }
0x31: {  	[dreg:$0x4] =	wrdreg $0xC0  }
0x32: {  	_ =	task [dreg:s23], $0x5FFFF  }
0x33: {  	[dreg:$0x1] =	wrdreg $0xFFFFFFFF  }
0x34: {  	[dreg:$0x0] =	wrdreg $0x60  }
0x35: {  	[dreg:$0x2] =	wrdreg s25  }
0x36: {  	[dreg:$0x3] =	wrdreg $0xA  }
0x37: {  	_ =	task.clear_ibuf [dreg:s23], $0x4FFFF;
	_ =	strace $0x9000004C  }
0x38: {  	s29 =	simm.s32 $0xA;
	_ =	strace $0x8000004E  }
0x39: {  	_ =	swait.ge [sflag:s29], $0x1  }
0x3a: {  	[sflag:s29] =	ssyncadd.s32 $0xFFFFFFFF  }
0x3b: {  	_ =	strace $0x9000004E  }
0x3c: {  	_ =	sfence  }
0x3d: {  	s30 =	sld [smem:$0x0];
	_ =	sdelay $0x2  }
0x3e: {  	s31 =	sshll.u32 s1, $0xD;
	s1 =	sshrl.u32 s1, $0x2  }
0x3f: {  	s4 =	sand.u32 $0x4000, s31;
	s1 =	sadd.s32 s1, s30  }
0x40: {  	s0 =	sor.u32 s4, s0;
	s1 =	sshll.u32 s1, $0x11  }
0x41: {  	s0 =	sor.u32 s1, s0  }
0x42: {  	s0 =	sadd.s32 $0x8F2B, s0  }
0x43: {  	[sflag:s0] =	ssyncadd.remote.s32 $0x1  }
0x44: {  	_ =	sfence.sel $0xFFFF  }
0x45: {  	[dreg:$0x0] =	wrdreg $0xFFFFFFFF;
	(pc) =	sbr.abs _section_cstart, $3  }
0x46: {  	[dreg:$0x1] =	wrdreg $0xFFFFFFFF  }
0x47: {  	_ =	task.clear_ibuf [dreg:s23], $0x2FFFF;
	_ =	strace $0x9FFFFFFF  }
0x48: {  	(tm) =	ssettm $0x7FFFFFFF  }
0x49: {  	_ =	shalt  }
tec
execute0_lowered:
.L_overlay_start_1:
0x0: {  	(tag) =	ssettag $0x1  }
0x1: {  	s0 =	srdreg.scid  }
0x2: {  	s1 =	sshll.u32 s0, $0x4  }
0x3: {  	s0 =	stileid.u32;
	s1 =	sand.u32 $0x10, s1  }
0x4: {  	s1 =	sor.u32 s0, s1  }
0x5: {  	s6 =	rddreg [dreg:$0x0];
	s7 =	simm.s32 $0x2;
	s2 =	sshll.u32 s1, $0x7  }
0x6: {  	s12 =	simm.s32 $0x0;
	s8 =	simm.s32 $0x20000;
	s1 =	ssub.s32 $0x4000, s2  }
0x7: {  	s13 =	simm.s32 $0x0;
	s10 =	simm.s32 $0x0;
	s3 =	sand.u32 $0xF80, s1  }
0x8: {  	s11 =	simm.s32 $0x0;
	p0 =	sne.s32 s3, $0x0;
	s3 =	simm.s32 $0x1  }
.Ltmp0:
0x9: {  	s4 =	sshrl.u32 s1, $0xC;
	s3 =	simm.s32 @!p0 $0x0;
	(pc) =	sbr.rel .LBB1_1-.Ltmp0, $4  }
0xa: {  	s5 =	sadd.s32 $0x65400, s6;
	s1 =	rddreg [dreg:$0x1];
	s4 =	sadd.s32 s3, s4  }
0xb: {  	_ =	strace $0x8000004D;
	s3 =	simm.s32 $0x1;
	s4 =	smul.u32 $0x41, s4  }
0xc: {  	s6 =	sadd.s32 $0x10A5400, s6;
	s9 =	smov.u32 s2;
	[sflag:s3] =	ssyncpa.u1 $0x0  }
0xd: {  	p0 =	por $0x0, $0x0;
	[sflag:s7] =	ssyncpa.u1 $0x0;
	s7 =	sadd.s32 $0x1, s4  }
.LBB1_4:
0xe: {  	s16 =	sshll.u32 s12, $0x3;
	[tilespmem:s14+$0xFFFFFFFC ss:$0x81] =	vst.msk $0xffff, v4;
	s17 =	sand.u32 $0x78, s12  }
0xf: {  	[tilespmem:s14+$0xFFFFFFFD ss:$0x81] =	vst.msk $0xffff, v3;
	s13 =	sshll.u32 s13, $0xF;
	s30 =	sand.u32 $0x7800, s12;
	s16 =	sand.u32 $0x3C00, s16  }
0x10: {  	[tilespmem:s14+$0xFFFFFFFE ss:$0x81] =	vst.msk $0xffff, v1;
	s31 =	sand.u32 $0x7, s12;
	s13 =	sadd.s32 s6, s13;
	s16 =	sor.u32 s17, s16  }
0x11: {  	[tilespmem:s14+$0xFFFFFFFF ss:$0x81] =	vst.msk $0xffff, v2;
	s12 =	sshll.u32 s31, $0x12;
	s13 =	sadd.s32 s30, s13;
	s16 =	sshrl.u32 s16, $0x3  }
0x12: {  	[tilespmem:s14+$0xFFFFFFF9 ss:$0x81] =	vst.msk $0xffff, v0;
	s12 =	sor.u32 $0x400, s12;
	s13 =	sadd.s32 s16, s13  }
0x13: {  	[hbm4b:s13+s12] =	stream.strided.scatter [tilespmem:s15], [sflag:$0x2], $0x800, s8, s12, $0x20;
	[tilespmem:$0x2020] =	vst v63  }
.LBB1_5:
0x14: {  	s14 =	sadd.s32 $0x1000, s9  }
0x15: {  	s12 =	simm.s32 $0x1;
	p2 =	sgt.s32 s14, $0x3FFF  }
0x16: {  	s12 =	simm.s32 @!p2 $0x0  }
0x17: {  	s16 =	sadd.s32 s12, s10  }
0x18: {  	s14 =	smov.u32 @p2 s2;
	p2 =	sgt.s32 s16, $0x40  }
0x19: {  	s16 =	simm.s32 @p2 $0x0;
	p2 =	sne.s32 s11, s7  }
.Ltmp1:
0x1a: {  	p1 =	slt.u32 s11, $0x2;
	(pc) =	sbr.rel @!p2 .LBB1_6-.Ltmp1, $4  }
0x1b: {  	s15 =	simm.s32 @!p1 $0x2  }
0x1c: {  	s13 =	smov.u32 s10;
	p0 =	por !p0, !p0;
	_ =	swait.ge @!p1 [sflag:s15], $0x800  }
0x1d: {  	[sflag:s15] =	ssyncset.done @!p1 $0x0;
	s12 =	smov.u32 s9;
	s9 =	smov.u32 s14  }
0x1e: {  	[sflag:s15] =	ssyncadd.s32 @!p1 $0xFFFFF800;
	s11 =	sadd.s32 $0x1, s11;
	s10 =	smov.u32 s16  }
.LBB1_1:
0x1f: {  	p1 =	sge.u32 s11, s4  }
0x20: {  	s31 =	sadd.s32 $0xFFFFFFFF, s11;
	s14 =	sxor.u32 @!p1 $0xFFFFFFFF, s11  }
0x21: {  	s15 =	sshll.u32 @!p1 s10, $0x12;
	s16 =	sshll.u32 @!p1 s9, $0x4;
	s17 =	simm.s32 @!p1 $0x80  }
0x22: {  	s14 =	sshll.u32 @!p1 s14, $0xB;
	s16 =	sand.u32 @!p1 $0x3FFF0, s16;
	s15 =	sadd.s32 @!p1 s5, s15  }
0x23: {  	s14 =	sand.u32 @!p1 $0x800, s14;
	s15 =	sadd.s32 @!p1 s16, s15;
	s16 =	simm.s32 @!p1 $0x10  }
0x24: {  	[tilespmem:s14], [sflag:$0x1] =	stream.strided.gather @!p1 [hbm4b:s15+s16], $0x800, s17, s16, $0x38;
	[tilespmem:$0x2020] =	vst v63  }
0x25: {  	p1 =	sge.u32 s31, s4  }
.Ltmp2:
0x26: {  	_ = 	snop;
	(pc) =	sbr.rel @p1 .LBB1_5-.Ltmp2, $1  }
0x27: {  	_ =	sdelay $0x3  }
0x28: {  	s14 =	simm.s32 $0x1  }
0x29: {  	_ =	swait.ge [sflag:s3], $0x800;
	s14 =	simm.s32 @!p0 $0x0  }
0x2a: {  	[sflag:s3] =	ssyncset.done $0x0;
	s15 =	sshll.u32 s14, $0xB  }
0x2b: {  	[sflag:s3] =	ssyncadd.s32 $0xFFFFF800;
	s17 =	sor.u32 $0x40, s15  }
0x2c: {  	v0 =	vld [tilespmem:s17+$0x30]  }
0x2d: {  	s14 =	smul.u32 $0x2040, s14;
	v2 =	vld [tilespmem:s17+$0xFFFFFFD0]  }
0x2e: {  	v5 =	vld [tilespmem:s17+$0xFFFFFFE0]  }
0x2f: {  	s31 =	sand.u32 $0x1, s11;
	s14 =	sshrl.u32 s14, $0x2;
	v4 =	vld [tilespmem:s17+$0xFFFFFFF0]  }
0x30: {  	s15 =	smul.u32 $0x2040, s31;
	v3 =	vld [tilespmem:s17+$0x0];
	s14 =	sor.u32 $0x1007, s14  }
0x31: {  	v1 =	vld [tilespmem:s17+$0x10];
	[tilespmem:s14+$0x0 ss:$0x81] =	vst.msk $0xffff, v0  }
0x32: {  	s15 =	sshrl.u32 s15, $0x2;
	[tilespmem:s14+$0xFFFFFFFA ss:$0x81] =	vst.msk $0xffff, v2;
	v2 =	vld [tilespmem:s17+$0x20]  }
0x33: {  	s16 =	simm.s32 $0x0;
	s15 =	sor.u32 $0x1000, s15;
	v0 =	vld [tilespmem:s17+$0xFFFFFFC0];
	[tilespmem:s14+$0xFFFFFFFB ss:$0x81] =	vst.msk $0xffff, v5;
	s17 =	sadd.s32 $0x80, s17  }
.LBB1_3:
0x34: {  	v5 =	vld [tilespmem:s17+$0x30];
	s16 =	sadd.s32 $0x8, s16;
	[tilespmem:s14+$0xFFFFFFFC ss:$0x81] =	vst.msk $0xffff, v4  }
0x35: {  	v6 =	vld [tilespmem:s17+$0xFFFFFFD0];
	p1 =	slt.u32 s16, $0x78;
	[tilespmem:s14+$0xFFFFFFFD ss:$0x81] =	vst.msk $0xffff, v3  }
0x36: {  	v7 =	vld [tilespmem:s17+$0xFFFFFFE0];
	[tilespmem:s14+$0xFFFFFFFE ss:$0x81] =	vst.msk $0xffff, v1  }
.Ltmp3:
0x37: {  	v4 =	vld [tilespmem:s17+$0xFFFFFFF0];
	[tilespmem:s14+$0xFFFFFFFF ss:$0x81] =	vst.msk $0xffff, v2;
	(pc) =	sbr.rel @p1 .LBB1_3-.Ltmp3, $4  }
0x38: {  	v3 =	vld [tilespmem:s17+$0x0];
	[tilespmem:s14+$0xFFFFFFF9 ss:$0x81] =	vst.msk $0xffff, v0;
	s14 =	sadd.s32 $0x8, s14  }
0x39: {  	v1 =	vld [tilespmem:s17+$0x10];
	[tilespmem:s14+$0x0 ss:$0x81] =	vst.msk $0xffff, v5  }
0x3a: {  	[tilespmem:s14+$0xFFFFFFFA ss:$0x81] =	vst.msk $0xffff, v6;
	v2 =	vld [tilespmem:s17+$0x20]  }
0x3b: {  	v0 =	vld [tilespmem:s17+$0xFFFFFFC0];
	[tilespmem:s14+$0xFFFFFFFB ss:$0x81] =	vst.msk $0xffff, v7;
	s17 =	sadd.s32 $0x80, s17  }
.Ltmp4:
0x3c: {  	_ = 	snop;
	(pc) =	sbr.rel .LBB1_4-.Ltmp4, $1  }
0x3d: {  	_ =	sdelay $0x3  }
.LBB1_6:
0x3e: {  	_ =	sfence.sel $0x180000  }
0x3f: {  	s2 =	simm.s32 $0x1;
	[bflag:$0x0] =	sbarrier.arrive $0xFFFF  }
0x40: {  	s31 =	simm.s32 $0x2;
	[sflag:s2] =	ssyncpa.u1 $0x1  }
0x41: {  	[sflag:s31] =	ssyncpa.u1 $0x1  }
0x42: {  	p0 =	sne.s32 s0, $0x0;
	_ =	strace $0x9000004D  }
0x43: {  	s0 =	sadd.s32 @!p0 $0x100000, s1;
	[bflag:$0x2] =	sbarrier.arrive $0xFFFF  }
0x44: {  	[sflag:s0] =	ssyncadd.tile.s32 @!p0 $0x1;
	_ =	shalt  }
.Lfunc_end1:
_tile_overlayer_lowered:
.L_overlay_start_2:
0x45: {  	(tag) =	ssettag $0x2  }
0x46: {  	s0 =	rddreg [dreg:$0x0];
	s2 =	stileid.u32  }
0x47: {  	s1 =	rddreg [dreg:$0x1];
	p0 =	sne.s32 s2, $0x0  }
0x48: {  	s3 =	rddreg [dreg:$0x2];
	[bflag:$0x3] =	sbarrier.arrive $0xFFFF;
	s2 =	simm.s32 @!p0 $0x1C01  }
0x49: {  	[timem:s3], [sflag:s2] =	dma.local @!p0 [hbm:s0], s1  }
0x4a: {  	s0 =	simm.s32 @!p0 $0x1  }
0x4b: {  	_ =	swait.ge @!p0 [sflag:s0], s1  }
0x4c: {  	s1 =	ssub.s32 @!p0 $0x0, s1;
	[sflag:s0] =	ssyncset.done @!p0 $0x0  }
0x4d: {  	[sflag:s0] =	ssyncadd.s32 @!p0 s1  }
0x4e: {  	[bflag:$0x3] =	sbarrier.arrive $0xFFFF  }
0x4f: {  	_ =	shalt  }

</sc_bundles>
